<compile_context>
chip_gen: v7x
topology: tpu7x:2x2x1
jax: 0.10.2.dev20260603
libtpu: 0.0.44.dev20260713+nightly
codegen_flags: <defaults>
</compile_context>

<pallas_src>
import functools

import jax
import jax.numpy as jnp
from jax import lax
from jax.experimental import pallas as pl
from jax.experimental.pallas import tpu as pltpu
from jax.experimental.pallas import tpu_sc as plsc

F = 59
C = F * F
HALF = 29
L = 16
OFFS = (0, 16, 32, 43)
RING = 6


def _build(n_batch: int):
    nb = n_batch * C
    mesh = plsc.VectorSubcoreMesh(core_axis_name="c", subcore_axis_name="s")
    nw = mesh.num_cores * mesh.num_subcores
    per_w = (nb + nw - 1) // nw
    n_iter = (per_w + RING - 1) // RING

    @functools.partial(
        pl.kernel,
        out_type=jax.ShapeDtypeStruct((n_batch, C, F, F), jnp.float32),
        mesh=mesh,
        scratch_types=(
            [pltpu.VMEM((F, F), jnp.float32)] * RING
            + [pltpu.VMEM((F, F), jnp.float32)] * (RING + 1)
            + [pltpu.SemaphoreType.DMA] * (2 * RING + 1)
        ),
        compiler_params=pltpu.CompilerParams(needs_layout_passes=False),
    )
    def psamask_sc(x_hbm, out_hbm, *scr):
        inb = scr[:RING]
        outb = scr[RING:2 * RING]
        zb = scr[2 * RING]
        isem = scr[2 * RING + 1:3 * RING + 1]
        osem = scr[3 * RING + 1:4 * RING + 1]
        zsem = scr[4 * RING + 1]

        wid = lax.axis_index("s") * mesh.num_cores + lax.axis_index("c")
        iota16 = lax.iota(jnp.int32, L)
        zeros16 = jnp.zeros((L,), jnp.float32)

        def zero_row(b, carry):
            for off in OFFS:
                zb[b, pl.ds(off, L)] = zeros16
            return carry

        lax.fori_loop(0, F, zero_row, 0)

        def shear(src, dst):
            def row(b, carry):
                for off in OFFS:
                    wv = iota16 + off
                    d = (b + HALF - off) - iota16
                    valid = (d >= 0) & (d < F)
                    rbv = jnp.where(valid, d, 0)
                    gv = plsc.load_gather(src, [rbv, wv])
                    gv = jnp.where(valid, gv, 0.0)
                    dst[b, pl.ds(off, L)] = gv
                return carry

            lax.fori_loop(0, F, row, 0)

        def decode(t):
            g = wid + nw * t
            n = g // C
            r = g % C
            a = r // F
            h = r % F
            d = a + HALF - h
            in_band = (g < nb) & (d >= 0) & (d < F)
            oob = (g < nb) & jnp.logical_not(in_band)
            return n, a, h, d, in_band, oob

        def issue_in(t, e):
            n, a, h, d, in_band, oob = decode(t)

            @pl.when(in_band)
            def _():
                pltpu.async_copy(
                    x_hbm.at[n, pl.ds(F * d, F), h], inb[e], isem[e])

        def slot(t, e, po, zcnt):
            n, a, h, d, in_band, oob = decode(t)
            out_slice = out_hbm.at[n, pl.ds(F * a, F), h]

            @pl.when(in_band)
            def _():
                pltpu.make_async_copy(
                    x_hbm.at[0, pl.ds(0, F), 0], inb[e], isem[e]).wait()

                @pl.when(po > 0)
                def _():
                    pltpu.make_async_copy(
                        outb[e], out_hbm.at[0, pl.ds(0, F), 0], osem[e]).wait()

                shear(inb[e], outb[e])
                pltpu.async_copy(outb[e], out_slice, osem[e])

            @pl.when(oob)
            def _():
                pltpu.async_copy(zb, out_slice, zsem)

            issue_in(t + RING, e)
            po = jnp.where(in_band, jnp.int32(1), po)
            zcnt = zcnt + oob.astype(jnp.int32)
            return po, zcnt

        for e in range(RING):
            issue_in(e, e)

        def vloop(v, carry):
            pos = list(carry[:RING])
            zcnt = carry[RING]
            for e in range(RING):
                pos[e], zcnt = slot(RING * v + e, e, pos[e], zcnt)
            return tuple(pos) + (zcnt,)

        carry = lax.fori_loop(
            0, n_iter, vloop, (jnp.int32(0),) * RING + (jnp.int32(0),))

        for e in range(RING):

            @pl.when(carry[e] > 0)
            def _(e=e):
                pltpu.make_async_copy(
                    outb[e], out_hbm.at[0, pl.ds(0, F), 0], osem[e]).wait()

        def zdrain(i, c):
            pltpu.make_async_copy(
                zb, out_hbm.at[0, pl.ds(0, F), 0], zsem).wait()
            return c

        lax.fori_loop(0, carry[RING], zdrain, 0)

    return psamask_sc


def kernel(input):
    n_batch = input.shape[0]
    return _build(n_batch)(input)

# --- scband reference (transcript-rebuilt; emitter-appended) ---
"""Pipeline reference for scband-psamask-23845658427871 (READ-ONLY COPY).

The authoritative reference and input builder live on the scoring server;
editing this copy changes nothing except your own understanding.
"""

import jax, jax.numpy as jnp
import numpy as np

# PSAMask (psa_type='collect') from PSANet, mmcv implementation.
# Typical PSANet setting: crop 465 -> feature map 465/8 = 59, mask_size = 59.
# input:  [N, h_mask*w_mask, H_feat, W_feat] = [2, 3481, 59, 59]
# output: [N, H_feat*W_feat, H_feat, W_feat]   = [2, 3481, 59, 59]

H_FEAT = 59
W_FEAT = 59
H_MASK = 59
W_MASK = 59
HALF_H = (H_MASK - 1) // 2
HALF_W = (W_MASK - 1) // 2


def setup_inputs(seed: int = 0) -> dict:
    key = jax.random.key(seed)
    x = jax.random.normal(key, (2, H_MASK * W_MASK, H_FEAT, W_FEAT), dtype=jnp.float32)
    return {"input": x}


def _psamask_collect(x):
    # CUDA kernel semantics (collect):
    # output[n, (hidx + h - half_h)*Wf + (widx + w - half_w), h, w]
    #   = input[n, hidx*w_mask + widx, h, w]
    # Re-index by output channel c_out = a*Wf + b:
    #   hidx = a - h + half_h, widx = b - w + half_w, valid if within mask bounds.
    N, C, Hf, Wf = x.shape
    a = jnp.arange(Hf)
    b = jnp.arange(Wf)
    h = jnp.arange(Hf)
    w = jnp.arange(Wf)
    hidx = a[:, None] - h[None, :] + HALF_H  # [Hf(a), Hf(h)]
    widx = b[:, None] - w[None, :] + HALF_W  # [Wf(b), Wf(w)]
    valid_h = (hidx >= 0) & (hidx < H_MASK)
    valid_w = (widx >= 0) & (widx < W_MASK)
    c_in = hidx[:, None, :, None] * W_MASK + widx[None, :, None, :]  # [A,B,H,W]
    mask = valid_h[:, None, :, None] & valid_w[None, :, None, :]      # [A,B,H,W]
    c_in = jnp.clip(c_in, 0, C - 1)
    h_b = jnp.arange(Hf)[None, None, :, None]
    w_b = jnp.arange(Wf)[None, None, None, :]
    # gather: [N, A, B, H, W]; each output channel reads one input channel per (h,w)
    gathered = x[:, c_in, h_b, w_b]
    out = jnp.where(mask[None, :, :, :, :], gathered, jnp.float32(0.0))
    return out.reshape(N, Hf * Wf, Hf, Wf)


def reference(input):
    return _psamask_collect(input)

if __name__ == "__main__":
    import jax
    _d = setup_inputs()
    print(jax.jit(kernel)(*tuple(_d.values())))

</pallas_src>

<mosaic_0001>
#map = affine_map<(d0, d1) -> (0, 0, 0, 0)>
module attributes {stable_mosaic.version = 14 : i64} {
  func.func @psamask_sc(%arg0: i32, %arg1: i32, %arg2: memref<2x3481x59x59xf32, #tpu.memory_space<hbm>>, %arg3: memref<2x3481x59x59xf32, #tpu.memory_space<hbm>>, %arg4: memref<59x59xf32, #tpu.memory_space<vmem>>, %arg5: memref<59x59xf32, #tpu.memory_space<vmem>>, %arg6: memref<59x59xf32, #tpu.memory_space<vmem>>, %arg7: memref<59x59xf32, #tpu.memory_space<vmem>>, %arg8: memref<59x59xf32, #tpu.memory_space<vmem>>, %arg9: memref<59x59xf32, #tpu.memory_space<vmem>>, %arg10: memref<59x59xf32, #tpu.memory_space<vmem>>, %arg11: memref<59x59xf32, #tpu.memory_space<vmem>>, %arg12: memref<59x59xf32, #tpu.memory_space<vmem>>, %arg13: memref<59x59xf32, #tpu.memory_space<vmem>>, %arg14: memref<59x59xf32, #tpu.memory_space<vmem>>, %arg15: memref<59x59xf32, #tpu.memory_space<vmem>>, %arg16: memref<59x59xf32, #tpu.memory_space<vmem>>, %arg17: memref<!tpu.dma_semaphore, #tpu.memory_space<semaphore_mem>>, %arg18: memref<!tpu.dma_semaphore, #tpu.memory_space<semaphore_mem>>, %arg19: memref<!tpu.dma_semaphore, #tpu.memory_space<semaphore_mem>>, %arg20: memref<!tpu.dma_semaphore, #tpu.memory_space<semaphore_mem>>, %arg21: memref<!tpu.dma_semaphore, #tpu.memory_space<semaphore_mem>>, %arg22: memref<!tpu.dma_semaphore, #tpu.memory_space<semaphore_mem>>, %arg23: memref<!tpu.dma_semaphore, #tpu.memory_space<semaphore_mem>>, %arg24: memref<!tpu.dma_semaphore, #tpu.memory_space<semaphore_mem>>, %arg25: memref<!tpu.dma_semaphore, #tpu.memory_space<semaphore_mem>>, %arg26: memref<!tpu.dma_semaphore, #tpu.memory_space<semaphore_mem>>, %arg27: memref<!tpu.dma_semaphore, #tpu.memory_space<semaphore_mem>>, %arg28: memref<!tpu.dma_semaphore, #tpu.memory_space<semaphore_mem>>, %arg29: memref<!tpu.dma_semaphore, #tpu.memory_space<semaphore_mem>>) attributes {dimension_semantics = [#tpu.dimension_semantics<core_parallel>, #tpu.dimension_semantics<subcore_parallel>], iteration_bounds = array<i64: 2, 16>, scalar_prefetch = 0 : i64, scratch_operands = 26 : i64, tpu.core_type = #tpu.core_type<sc_vector_subcore>, window_params = [{transform_indices = #map}, {transform_indices = #map}]} {
    %mul3A = arith.constant 2 : i32
    %mul3A_0 = arith.muli %arg1, %mul3A : i32
    %add3A = arith.addi %mul3A_0, %arg0 : i32
    %iota3A = tpu.iota {dimensions = array<i32: 0>} : vector<16xi32>
    %broadcast_in_dim3A = arith.constant 0.000000e+00 : f32
    %broadcast_in_dim3A_1 = vector.broadcast %broadcast_in_dim3A : f32 to vector<16xf32>
    %scan3A = arith.constant 0 : i32
    %scan3A_2 = arith.constant 0 : i32
    %scan3A_3 = arith.constant 59 : i32
    %scan3A_4 = arith.addi %scan3A_2, %scan3A_3 : i32
    %scan3A_5 = arith.constant 1 : i32
    scf.for %scan3A_650 = %scan3A_2 to %scan3A_4 step %scan3A_5  : i32 {
      %swap3A = arith.index_cast %scan3A_650 : i32 to index
      %swap3A_651 = arith.constant 0 : index
      %swap3A_652 = tpu.vector_load %arg16[%swap3A, %swap3A_651] {strides = array<i32>} : memref<59x59xf32, #tpu.memory_space<vmem>>, vector<16xf32>,
      tpu.vector_store %arg16[%swap3A, %swap3A_651], %broadcast_in_dim3A_1 {strides = array<i32>} : memref<59x59xf32, #tpu.memory_space<vmem>>, vector<16xf32>,
      %swap3A_653 = arith.index_cast %scan3A_650 : i32 to index
      %swap3A_654 = arith.constant 16 : index
      %swap3A_655 = tpu.vector_load %arg16[%swap3A_653, %swap3A_654] {strides = array<i32>} : memref<59x59xf32, #tpu.memory_space<vmem>>, vector<16xf32>,
      tpu.vector_store %arg16[%swap3A_653, %swap3A_654], %broadcast_in_dim3A_1 {strides = array<i32>} : memref<59x59xf32, #tpu.memory_space<vmem>>, vector<16xf32>,
      %swap3A_656 = arith.index_cast %scan3A_650 : i32 to index
      %swap3A_657 = arith.constant 32 : index
      %swap3A_658 = tpu.vector_load %arg16[%swap3A_656, %swap3A_657] {strides = array<i32>} : memref<59x59xf32, #tpu.memory_space<vmem>>, vector<16xf32>,
      tpu.vector_store %arg16[%swap3A_656, %swap3A_657], %broadcast_in_dim3A_1 {strides = array<i32>} : memref<59x59xf32, #tpu.memory_space<vmem>>, vector<16xf32>,
      %swap3A_659 = arith.index_cast %scan3A_650 : i32 to index
      %swap3A_660 = arith.constant 43 : index
      %swap3A_661 = tpu.vector_load %arg16[%swap3A_659, %swap3A_660] {strides = array<i32>} : memref<59x59xf32, #tpu.memory_space<vmem>>, vector<16xf32>,
      tpu.vector_store %arg16[%swap3A_659, %swap3A_660], %broadcast_in_dim3A_1 {strides = array<i32>} : memref<59x59xf32, #tpu.memory_space<vmem>>, vector<16xf32>,
    }
    %scan3A_6 = arith.constant 59 : i32
    %add3A_7 = arith.constant 0 : i32
    %add3A_8 = arith.addi %add3A, %add3A_7 : i32
    %jit3A = arith.constant 3481 : i32
    %div3A = arith.divsi %add3A_8, %jit3A : i32
    %sign3A = arith.constant 0 : i32
    %sign3A_9 = arith.cmpi sgt, %add3A_8, %sign3A : i32
    %sign3A_10 = arith.extui %sign3A_9 : i1 to i32
    %sign3A_11 = arith.constant 0 : i32
    %sign3A_12 = arith.cmpi slt, %add3A_8, %sign3A_11 : i32
    %sign3A_13 = arith.extui %sign3A_12 : i1 to i32
    %sign3A_14 = arith.subi %sign3A_10, %sign3A_13 : i32
    %sign3A_15 = arith.constant 0 : i32
    %sign3A_16 = arith.cmpi sgt, %jit3A, %sign3A_15 : i32
    %sign3A_17 = arith.extui %sign3A_16 : i1 to i32
    %sign3A_18 = arith.constant 0 : i32
    %sign3A_19 = arith.cmpi slt, %jit3A, %sign3A_18 : i32
    %sign3A_20 = arith.extui %sign3A_19 : i1 to i32
    %sign3A_21 = arith.subi %sign3A_17, %sign3A_20 : i32
    %ne3A = arith.cmpi ne, %sign3A_14, %sign3A_21 : i32
    %rem3A = arith.remsi %add3A_8, %jit3A : i32
    %ne3A_22 = arith.constant 0 : i32
    %ne3A_23 = arith.cmpi ne, %rem3A, %ne3A_22 : i32
    %and3A = arith.andi %ne3A, %ne3A_23 : i1
    %sub3A = arith.constant 1 : i32
    %sub3A_24 = arith.subi %div3A, %sub3A : i32
    %select_n3A = arith.select %and3A, %sub3A_24, %div3A : i32
    %jit3A_25 = arith.constant 3481 : i32
    %eq3A = arith.constant 0 : i32
    %eq3A_26 = arith.cmpi eq, %jit3A_25, %eq3A : i32
    %jit3A_27 = arith.constant 1 : i32
    %select_n3A_28 = arith.select %eq3A_26, %jit3A_27, %jit3A_25 : i32
    %rem3A_29 = arith.remsi %add3A_8, %select_n3A_28 : i32
    %ne3A_30 = arith.constant 0 : i32
    %ne3A_31 = arith.cmpi ne, %rem3A_29, %ne3A_30 : i32
    %lt3A = arith.constant 0 : i32
    %lt3A_32 = arith.cmpi slt, %rem3A_29, %lt3A : i32
    %lt3A_33 = arith.constant 0 : i32
    %lt3A_34 = arith.cmpi slt, %select_n3A_28, %lt3A_33 : i32
    %ne3A_35 = arith.xori %lt3A_32, %lt3A_34 : i1
    %and3A_36 = arith.andi %ne3A_35, %ne3A_31 : i1
    %add3A_37 = arith.addi %rem3A_29, %select_n3A_28 : i32
    %select_n3A_38 = arith.select %and3A_36, %add3A_37, %rem3A_29 : i32
    %jit3A_39 = arith.constant 59 : i32
    %div3A_40 = arith.divsi %select_n3A_38, %jit3A_39 : i32
    %sign3A_41 = arith.constant 0 : i32
    %sign3A_42 = arith.cmpi sgt, %select_n3A_38, %sign3A_41 : i32
    %sign3A_43 = arith.extui %sign3A_42 : i1 to i32
    %sign3A_44 = arith.constant 0 : i32
    %sign3A_45 = arith.cmpi slt, %select_n3A_38, %sign3A_44 : i32
    %sign3A_46 = arith.extui %sign3A_45 : i1 to i32
    %sign3A_47 = arith.subi %sign3A_43, %sign3A_46 : i32
    %sign3A_48 = arith.constant 0 : i32
    %sign3A_49 = arith.cmpi sgt, %jit3A_39, %sign3A_48 : i32
    %sign3A_50 = arith.extui %sign3A_49 : i1 to i32
    %sign3A_51 = arith.constant 0 : i32
    %sign3A_52 = arith.cmpi slt, %jit3A_39, %sign3A_51 : i32
    %sign3A_53 = arith.extui %sign3A_52 : i1 to i32
    %sign3A_54 = arith.subi %sign3A_50, %sign3A_53 : i32
    %ne3A_55 = arith.cmpi ne, %sign3A_47, %sign3A_54 : i32
    %rem3A_56 = arith.remsi %select_n3A_38, %jit3A_39 : i32
    %ne3A_57 = arith.constant 0 : i32
    %ne3A_58 = arith.cmpi ne, %rem3A_56, %ne3A_57 : i32
    %and3A_59 = arith.andi %ne3A_55, %ne3A_58 : i1
    %sub3A_60 = arith.constant 1 : i32
    %sub3A_61 = arith.subi %div3A_40, %sub3A_60 : i32
    %select_n3A_62 = arith.select %and3A_59, %sub3A_61, %div3A_40 : i32
    %jit3A_63 = arith.constant 59 : i32
    %eq3A_64 = arith.constant 0 : i32
    %eq3A_65 = arith.cmpi eq, %jit3A_63, %eq3A_64 : i32
    %jit3A_66 = arith.constant 1 : i32
    %select_n3A_67 = arith.select %eq3A_65, %jit3A_66, %jit3A_63 : i32
    %rem3A_68 = arith.remsi %select_n3A_38, %select_n3A_67 : i32
    %ne3A_69 = arith.constant 0 : i32
    %ne3A_70 = arith.cmpi ne, %rem3A_68, %ne3A_69 : i32
    %lt3A_71 = arith.constant 0 : i32
    %lt3A_72 = arith.cmpi slt, %rem3A_68, %lt3A_71 : i32
    %lt3A_73 = arith.constant 0 : i32
    %lt3A_74 = arith.cmpi slt, %select_n3A_67, %lt3A_73 : i32
    %ne3A_75 = arith.xori %lt3A_72, %lt3A_74 : i1
    %and3A_76 = arith.andi %ne3A_75, %ne3A_70 : i1
    %add3A_77 = arith.addi %rem3A_68, %select_n3A_67 : i32
    %select_n3A_78 = arith.select %and3A_76, %add3A_77, %rem3A_68 : i32
    %add3A_79 = arith.constant 29 : i32
    %add3A_80 = arith.addi %select_n3A_62, %add3A_79 : i32
    %sub3A_81 = arith.subi %add3A_80, %select_n3A_78 : i32
    %lt3A_82 = arith.constant 6962 : i32
    %lt3A_83 = arith.cmpi slt, %add3A_8, %lt3A_82 : i32
    %ge3A = arith.constant 0 : i32
    %ge3A_84 = arith.cmpi sge, %sub3A_81, %ge3A : i32
    %and3A_85 = arith.andi %lt3A_83, %ge3A_84 : i1
    %lt3A_86 = arith.constant 59 : i32
    %lt3A_87 = arith.cmpi slt, %sub3A_81, %lt3A_86 : i32
    %and3A_88 = arith.andi %and3A_85, %lt3A_87 : i1
    %lt3A_89 = arith.constant 6962 : i32
    %lt3A_90 = arith.cmpi slt, %add3A_8, %lt3A_89 : i32
    %not3A = arith.constant true
    %not3A_91 = arith.xori %and3A_88, %not3A : i1
    %and3A_92 = arith.andi %lt3A_90, %not3A_91 : i1
    %convert_element_type3A = arith.extui %and3A_88 : i1 to i32
    %cond3A = arith.constant 0 : i32
    %cond3A_93 = arith.cmpi ne, %convert_element_type3A, %cond3A : i32
    scf.if %cond3A_93 {
      %mul3A_650 = arith.constant 59 : i32
      %mul3A_651 = arith.muli %mul3A_650, %sub3A_81 : i32
      %dma_start3A = arith.constant 0 : i32
      %dma_start3A_652 = tpu.memref_slice %arg2[%select_n3A, %mul3A_651, %select_n3A_78, %dma_start3A] : memref<2x3481x59x59xf32, #tpu.memory_space<hbm>> -> memref<1x59x1x59xf32, #tpu.memory_space<hbm>>
      %dma_start3A_653 = tpu.memref_squeeze %dma_start3A_652 : memref<1x59x1x59xf32, #tpu.memory_space<hbm>> -> memref<59x59xf32, #tpu.memory_space<hbm>>
      %dma_start3A_654 = arith.constant 0 : i32
      %dma_start3A_655 = tpu.memref_slice %arg2[%select_n3A, %mul3A_651, %select_n3A_78, %dma_start3A_654] : memref<2x3481x59x59xf32, #tpu.memory_space<hbm>> -> memref<1x59x1x59xf32, #tpu.memory_space<hbm>>
      %dma_start3A_656 = tpu.memref_squeeze %dma_start3A_655 : memref<1x59x1x59xf32, #tpu.memory_space<hbm>> -> memref<59x59xf32, #tpu.memory_space<hbm>>
      tpu.enqueue_dma source(%dma_start3A_656 : memref<59x59xf32, #tpu.memory_space<hbm>>) target(%arg4 : memref<59x59xf32, #tpu.memory_space<vmem>>) target_semaphore(%arg17 : memref<!tpu.dma_semaphore, #tpu.memory_space<semaphore_mem>>)
    } else {
    }
    %add3A_94 = arith.constant 32 : i32
    %add3A_95 = arith.addi %add3A, %add3A_94 : i32
    %jit3A_96 = arith.constant 3481 : i32
    %div3A_97 = arith.divsi %add3A_95, %jit3A_96 : i32
    %sign3A_98 = arith.constant 0 : i32
    %sign3A_99 = arith.cmpi sgt, %add3A_95, %sign3A_98 : i32
    %sign3A_100 = arith.extui %sign3A_99 : i1 to i32
    %sign3A_101 = arith.constant 0 : i32
    %sign3A_102 = arith.cmpi slt, %add3A_95, %sign3A_101 : i32
    %sign3A_103 = arith.extui %sign3A_102 : i1 to i32
    %sign3A_104 = arith.subi %sign3A_100, %sign3A_103 : i32
    %sign3A_105 = arith.constant 0 : i32
    %sign3A_106 = arith.cmpi sgt, %jit3A_96, %sign3A_105 : i32
    %sign3A_107 = arith.extui %sign3A_106 : i1 to i32
    %sign3A_108 = arith.constant 0 : i32
    %sign3A_109 = arith.cmpi slt, %jit3A_96, %sign3A_108 : i32
    %sign3A_110 = arith.extui %sign3A_109 : i1 to i32
    %sign3A_111 = arith.subi %sign3A_107, %sign3A_110 : i32
    %ne3A_112 = arith.cmpi ne, %sign3A_104, %sign3A_111 : i32
    %rem3A_113 = arith.remsi %add3A_95, %jit3A_96 : i32
    %ne3A_114 = arith.constant 0 : i32
    %ne3A_115 = arith.cmpi ne, %rem3A_113, %ne3A_114 : i32
    %and3A_116 = arith.andi %ne3A_112, %ne3A_115 : i1
    %sub3A_117 = arith.constant 1 : i32
    %sub3A_118 = arith.subi %div3A_97, %sub3A_117 : i32
    %select_n3A_119 = arith.select %and3A_116, %sub3A_118, %div3A_97 : i32
    %jit3A_120 = arith.constant 3481 : i32
    %eq3A_121 = arith.constant 0 : i32
    %eq3A_122 = arith.cmpi eq, %jit3A_120, %eq3A_121 : i32
    %jit3A_123 = arith.constant 1 : i32
    %select_n3A_124 = arith.select %eq3A_122, %jit3A_123, %jit3A_120 : i32
    %rem3A_125 = arith.remsi %add3A_95, %select_n3A_124 : i32
    %ne3A_126 = arith.constant 0 : i32
    %ne3A_127 = arith.cmpi ne, %rem3A_125, %ne3A_126 : i32
    %lt3A_128 = arith.constant 0 : i32
    %lt3A_129 = arith.cmpi slt, %rem3A_125, %lt3A_128 : i32
    %lt3A_130 = arith.constant 0 : i32
    %lt3A_131 = arith.cmpi slt, %select_n3A_124, %lt3A_130 : i32
    %ne3A_132 = arith.xori %lt3A_129, %lt3A_131 : i1
    %and3A_133 = arith.andi %ne3A_132, %ne3A_127 : i1
    %add3A_134 = arith.addi %rem3A_125, %select_n3A_124 : i32
    %select_n3A_135 = arith.select %and3A_133, %add3A_134, %rem3A_125 : i32
    %jit3A_136 = arith.constant 59 : i32
    %div3A_137 = arith.divsi %select_n3A_135, %jit3A_136 : i32
    %sign3A_138 = arith.constant 0 : i32
    %sign3A_139 = arith.cmpi sgt, %select_n3A_135, %sign3A_138 : i32
    %sign3A_140 = arith.extui %sign3A_139 : i1 to i32
    %sign3A_141 = arith.constant 0 : i32
    %sign3A_142 = arith.cmpi slt, %select_n3A_135, %sign3A_141 : i32
    %sign3A_143 = arith.extui %sign3A_142 : i1 to i32
    %sign3A_144 = arith.subi %sign3A_140, %sign3A_143 : i32
    %sign3A_145 = arith.constant 0 : i32
    %sign3A_146 = arith.cmpi sgt, %jit3A_136, %sign3A_145 : i32
    %sign3A_147 = arith.extui %sign3A_146 : i1 to i32
    %sign3A_148 = arith.constant 0 : i32
    %sign3A_149 = arith.cmpi slt, %jit3A_136, %sign3A_148 : i32
    %sign3A_150 = arith.extui %sign3A_149 : i1 to i32
    %sign3A_151 = arith.subi %sign3A_147, %sign3A_150 : i32
    %ne3A_152 = arith.cmpi ne, %sign3A_144, %sign3A_151 : i32
    %rem3A_153 = arith.remsi %select_n3A_135, %jit3A_136 : i32
    %ne3A_154 = arith.constant 0 : i32
    %ne3A_155 = arith.cmpi ne, %rem3A_153, %ne3A_154 : i32
    %and3A_156 = arith.andi %ne3A_152, %ne3A_155 : i1
    %sub3A_157 = arith.constant 1 : i32
    %sub3A_158 = arith.subi %div3A_137, %sub3A_157 : i32
    %select_n3A_159 = arith.select %and3A_156, %sub3A_158, %div3A_137 : i32
    %jit3A_160 = arith.constant 59 : i32
    %eq3A_161 = arith.constant 0 : i32
    %eq3A_162 = arith.cmpi eq, %jit3A_160, %eq3A_161 : i32
    %jit3A_163 = arith.constant 1 : i32
    %select_n3A_164 = arith.select %eq3A_162, %jit3A_163, %jit3A_160 : i32
    %rem3A_165 = arith.remsi %select_n3A_135, %select_n3A_164 : i32
    %ne3A_166 = arith.constant 0 : i32
    %ne3A_167 = arith.cmpi ne, %rem3A_165, %ne3A_166 : i32
    %lt3A_168 = arith.constant 0 : i32
    %lt3A_169 = arith.cmpi slt, %rem3A_165, %lt3A_168 : i32
    %lt3A_170 = arith.constant 0 : i32
    %lt3A_171 = arith.cmpi slt, %select_n3A_164, %lt3A_170 : i32
    %ne3A_172 = arith.xori %lt3A_169, %lt3A_171 : i1
    %and3A_173 = arith.andi %ne3A_172, %ne3A_167 : i1
    %add3A_174 = arith.addi %rem3A_165, %select_n3A_164 : i32
    %select_n3A_175 = arith.select %and3A_173, %add3A_174, %rem3A_165 : i32
    %add3A_176 = arith.constant 29 : i32
    %add3A_177 = arith.addi %select_n3A_159, %add3A_176 : i32
    %sub3A_178 = arith.subi %add3A_177, %select_n3A_175 : i32
    %lt3A_179 = arith.constant 6962 : i32
    %lt3A_180 = arith.cmpi slt, %add3A_95, %lt3A_179 : i32
    %ge3A_181 = arith.constant 0 : i32
    %ge3A_182 = arith.cmpi sge, %sub3A_178, %ge3A_181 : i32
    %and3A_183 = arith.andi %lt3A_180, %ge3A_182 : i1
    %lt3A_184 = arith.constant 59 : i32
    %lt3A_185 = arith.cmpi slt, %sub3A_178, %lt3A_184 : i32
    %and3A_186 = arith.andi %and3A_183, %lt3A_185 : i1
    %lt3A_187 = arith.constant 6962 : i32
    %lt3A_188 = arith.cmpi slt, %add3A_95, %lt3A_187 : i32
    %not3A_189 = arith.constant true
    %not3A_190 = arith.xori %and3A_186, %not3A_189 : i1
    %and3A_191 = arith.andi %lt3A_188, %not3A_190 : i1
    %convert_element_type3A_192 = arith.extui %and3A_186 : i1 to i32
    %cond3A_193 = arith.constant 0 : i32
    %cond3A_194 = arith.cmpi ne, %convert_element_type3A_192, %cond3A_193 : i32
    scf.if %cond3A_194 {
      %mul3A_650 = arith.constant 59 : i32
      %mul3A_651 = arith.muli %mul3A_650, %sub3A_178 : i32
      %dma_start3A = arith.constant 0 : i32
      %dma_start3A_652 = tpu.memref_slice %arg2[%select_n3A_119, %mul3A_651, %select_n3A_175, %dma_start3A] : memref<2x3481x59x59xf32, #tpu.memory_space<hbm>> -> memref<1x59x1x59xf32, #tpu.memory_space<hbm>>
      %dma_start3A_653 = tpu.memref_squeeze %dma_start3A_652 : memref<1x59x1x59xf32, #tpu.memory_space<hbm>> -> memref<59x59xf32, #tpu.memory_space<hbm>>
      %dma_start3A_654 = arith.constant 0 : i32
      %dma_start3A_655 = tpu.memref_slice %arg2[%select_n3A_119, %mul3A_651, %select_n3A_175, %dma_start3A_654] : memref<2x3481x59x59xf32, #tpu.memory_space<hbm>> -> memref<1x59x1x59xf32, #tpu.memory_space<hbm>>
      %dma_start3A_656 = tpu.memref_squeeze %dma_start3A_655 : memref<1x59x1x59xf32, #tpu.memory_space<hbm>> -> memref<59x59xf32, #tpu.memory_space<hbm>>
      tpu.enqueue_dma source(%dma_start3A_656 : memref<59x59xf32, #tpu.memory_space<hbm>>) target(%arg5 : memref<59x59xf32, #tpu.memory_space<vmem>>) target_semaphore(%arg18 : memref<!tpu.dma_semaphore, #tpu.memory_space<semaphore_mem>>)
    } else {
    }
    %add3A_195 = arith.constant 64 : i32
    %add3A_196 = arith.addi %add3A, %add3A_195 : i32
    %jit3A_197 = arith.constant 3481 : i32
    %div3A_198 = arith.divsi %add3A_196, %jit3A_197 : i32
    %sign3A_199 = arith.constant 0 : i32
    %sign3A_200 = arith.cmpi sgt, %add3A_196, %sign3A_199 : i32
    %sign3A_201 = arith.extui %sign3A_200 : i1 to i32
    %sign3A_202 = arith.constant 0 : i32
    %sign3A_203 = arith.cmpi slt, %add3A_196, %sign3A_202 : i32
    %sign3A_204 = arith.extui %sign3A_203 : i1 to i32
    %sign3A_205 = arith.subi %sign3A_201, %sign3A_204 : i32
    %sign3A_206 = arith.constant 0 : i32
    %sign3A_207 = arith.cmpi sgt, %jit3A_197, %sign3A_206 : i32
    %sign3A_208 = arith.extui %sign3A_207 : i1 to i32
    %sign3A_209 = arith.constant 0 : i32
    %sign3A_210 = arith.cmpi slt, %jit3A_197, %sign3A_209 : i32
    %sign3A_211 = arith.extui %sign3A_210 : i1 to i32
    %sign3A_212 = arith.subi %sign3A_208, %sign3A_211 : i32
    %ne3A_213 = arith.cmpi ne, %sign3A_205, %sign3A_212 : i32
    %rem3A_214 = arith.remsi %add3A_196, %jit3A_197 : i32
    %ne3A_215 = arith.constant 0 : i32
    %ne3A_216 = arith.cmpi ne, %rem3A_214, %ne3A_215 : i32
    %and3A_217 = arith.andi %ne3A_213, %ne3A_216 : i1
    %sub3A_218 = arith.constant 1 : i32
    %sub3A_219 = arith.subi %div3A_198, %sub3A_218 : i32
    %select_n3A_220 = arith.select %and3A_217, %sub3A_219, %div3A_198 : i32
    %jit3A_221 = arith.constant 3481 : i32
    %eq3A_222 = arith.constant 0 : i32
    %eq3A_223 = arith.cmpi eq, %jit3A_221, %eq3A_222 : i32
    %jit3A_224 = arith.constant 1 : i32
    %select_n3A_225 = arith.select %eq3A_223, %jit3A_224, %jit3A_221 : i32
    %rem3A_226 = arith.remsi %add3A_196, %select_n3A_225 : i32
    %ne3A_227 = arith.constant 0 : i32
    %ne3A_228 = arith.cmpi ne, %rem3A_226, %ne3A_227 : i32
    %lt3A_229 = arith.constant 0 : i32
    %lt3A_230 = arith.cmpi slt, %rem3A_226, %lt3A_229 : i32
    %lt3A_231 = arith.constant 0 : i32
    %lt3A_232 = arith.cmpi slt, %select_n3A_225, %lt3A_231 : i32
    %ne3A_233 = arith.xori %lt3A_230, %lt3A_232 : i1
    %and3A_234 = arith.andi %ne3A_233, %ne3A_228 : i1
    %add3A_235 = arith.addi %rem3A_226, %select_n3A_225 : i32
    %select_n3A_236 = arith.select %and3A_234, %add3A_235, %rem3A_226 : i32
    %jit3A_237 = arith.constant 59 : i32
    %div3A_238 = arith.divsi %select_n3A_236, %jit3A_237 : i32
    %sign3A_239 = arith.constant 0 : i32
    %sign3A_240 = arith.cmpi sgt, %select_n3A_236, %sign3A_239 : i32
    %sign3A_241 = arith.extui %sign3A_240 : i1 to i32
    %sign3A_242 = arith.constant 0 : i32
    %sign3A_243 = arith.cmpi slt, %select_n3A_236, %sign3A_242 : i32
    %sign3A_244 = arith.extui %sign3A_243 : i1 to i32
    %sign3A_245 = arith.subi %sign3A_241, %sign3A_244 : i32
    %sign3A_246 = arith.constant 0 : i32
    %sign3A_247 = arith.cmpi sgt, %jit3A_237, %sign3A_246 : i32
    %sign3A_248 = arith.extui %sign3A_247 : i1 to i32
    %sign3A_249 = arith.constant 0 : i32
    %sign3A_250 = arith.cmpi slt, %jit3A_237, %sign3A_249 : i32
    %sign3A_251 = arith.extui %sign3A_250 : i1 to i32
    %sign3A_252 = arith.subi %sign3A_248, %sign3A_251 : i32
    %ne3A_253 = arith.cmpi ne, %sign3A_245, %sign3A_252 : i32
    %rem3A_254 = arith.remsi %select_n3A_236, %jit3A_237 : i32
    %ne3A_255 = arith.constant 0 : i32
    %ne3A_256 = arith.cmpi ne, %rem3A_254, %ne3A_255 : i32
    %and3A_257 = arith.andi %ne3A_253, %ne3A_256 : i1
    %sub3A_258 = arith.constant 1 : i32
    %sub3A_259 = arith.subi %div3A_238, %sub3A_258 : i32
    %select_n3A_260 = arith.select %and3A_257, %sub3A_259, %div3A_238 : i32
    %jit3A_261 = arith.constant 59 : i32
    %eq3A_262 = arith.constant 0 : i32
    %eq3A_263 = arith.cmpi eq, %jit3A_261, %eq3A_262 : i32
    %jit3A_264 = arith.constant 1 : i32
    %select_n3A_265 = arith.select %eq3A_263, %jit3A_264, %jit3A_261 : i32
    %rem3A_266 = arith.remsi %select_n3A_236, %select_n3A_265 : i32
    %ne3A_267 = arith.constant 0 : i32
    %ne3A_268 = arith.cmpi ne, %rem3A_266, %ne3A_267 : i32
    %lt3A_269 = arith.constant 0 : i32
    %lt3A_270 = arith.cmpi slt, %rem3A_266, %lt3A_269 : i32
    %lt3A_271 = arith.constant 0 : i32
    %lt3A_272 = arith.cmpi slt, %select_n3A_265, %lt3A_271 : i32
    %ne3A_273 = arith.xori %lt3A_270, %lt3A_272 : i1
    %and3A_274 = arith.andi %ne3A_273, %ne3A_268 : i1
    %add3A_275 = arith.addi %rem3A_266, %select_n3A_265 : i32
    %select_n3A_276 = arith.select %and3A_274, %add3A_275, %rem3A_266 : i32
    %add3A_277 = arith.constant 29 : i32
    %add3A_278 = arith.addi %select_n3A_260, %add3A_277 : i32
    %sub3A_279 = arith.subi %add3A_278, %select_n3A_276 : i32
    %lt3A_280 = arith.constant 6962 : i32
    %lt3A_281 = arith.cmpi slt, %add3A_196, %lt3A_280 : i32
    %ge3A_282 = arith.constant 0 : i32
    %ge3A_283 = arith.cmpi sge, %sub3A_279, %ge3A_282 : i32
    %and3A_284 = arith.andi %lt3A_281, %ge3A_283 : i1
    %lt3A_285 = arith.constant 59 : i32
    %lt3A_286 = arith.cmpi slt, %sub3A_279, %lt3A_285 : i32
    %and3A_287 = arith.andi %and3A_284, %lt3A_286 : i1
    %lt3A_288 = arith.constant 6962 : i32
    %lt3A_289 = arith.cmpi slt, %add3A_196, %lt3A_288 : i32
    %not3A_290 = arith.constant true
    %not3A_291 = arith.xori %and3A_287, %not3A_290 : i1
    %and3A_292 = arith.andi %lt3A_289, %not3A_291 : i1
    %convert_element_type3A_293 = arith.extui %and3A_287 : i1 to i32
    %cond3A_294 = arith.constant 0 : i32
    %cond3A_295 = arith.cmpi ne, %convert_element_type3A_293, %cond3A_294 : i32
    scf.if %cond3A_295 {
      %mul3A_650 = arith.constant 59 : i32
      %mul3A_651 = arith.muli %mul3A_650, %sub3A_279 : i32
      %dma_start3A = arith.constant 0 : i32
      %dma_start3A_652 = tpu.memref_slice %arg2[%select_n3A_220, %mul3A_651, %select_n3A_276, %dma_start3A] : memref<2x3481x59x59xf32, #tpu.memory_space<hbm>> -> memref<1x59x1x59xf32, #tpu.memory_space<hbm>>
      %dma_start3A_653 = tpu.memref_squeeze %dma_start3A_652 : memref<1x59x1x59xf32, #tpu.memory_space<hbm>> -> memref<59x59xf32, #tpu.memory_space<hbm>>
      %dma_start3A_654 = arith.constant 0 : i32
      %dma_start3A_655 = tpu.memref_slice %arg2[%select_n3A_220, %mul3A_651, %select_n3A_276, %dma_start3A_654] : memref<2x3481x59x59xf32, #tpu.memory_space<hbm>> -> memref<1x59x1x59xf32, #tpu.memory_space<hbm>>
      %dma_start3A_656 = tpu.memref_squeeze %dma_start3A_655 : memref<1x59x1x59xf32, #tpu.memory_space<hbm>> -> memref<59x59xf32, #tpu.memory_space<hbm>>
      tpu.enqueue_dma source(%dma_start3A_656 : memref<59x59xf32, #tpu.memory_space<hbm>>) target(%arg6 : memref<59x59xf32, #tpu.memory_space<vmem>>) target_semaphore(%arg19 : memref<!tpu.dma_semaphore, #tpu.memory_space<semaphore_mem>>)
    } else {
    }
    %add3A_296 = arith.constant 96 : i32
    %add3A_297 = arith.addi %add3A, %add3A_296 : i32
    %jit3A_298 = arith.constant 3481 : i32
    %div3A_299 = arith.divsi %add3A_297, %jit3A_298 : i32
    %sign3A_300 = arith.constant 0 : i32
    %sign3A_301 = arith.cmpi sgt, %add3A_297, %sign3A_300 : i32
    %sign3A_302 = arith.extui %sign3A_301 : i1 to i32
    %sign3A_303 = arith.constant 0 : i32
    %sign3A_304 = arith.cmpi slt, %add3A_297, %sign3A_303 : i32
    %sign3A_305 = arith.extui %sign3A_304 : i1 to i32
    %sign3A_306 = arith.subi %sign3A_302, %sign3A_305 : i32
    %sign3A_307 = arith.constant 0 : i32
    %sign3A_308 = arith.cmpi sgt, %jit3A_298, %sign3A_307 : i32
    %sign3A_309 = arith.extui %sign3A_308 : i1 to i32
    %sign3A_310 = arith.constant 0 : i32
    %sign3A_311 = arith.cmpi slt, %jit3A_298, %sign3A_310 : i32
    %sign3A_312 = arith.extui %sign3A_311 : i1 to i32
    %sign3A_313 = arith.subi %sign3A_309, %sign3A_312 : i32
    %ne3A_314 = arith.cmpi ne, %sign3A_306, %sign3A_313 : i32
    %rem3A_315 = arith.remsi %add3A_297, %jit3A_298 : i32
    %ne3A_316 = arith.constant 0 : i32
    %ne3A_317 = arith.cmpi ne, %rem3A_315, %ne3A_316 : i32
    %and3A_318 = arith.andi %ne3A_314, %ne3A_317 : i1
    %sub3A_319 = arith.constant 1 : i32
    %sub3A_320 = arith.subi %div3A_299, %sub3A_319 : i32
    %select_n3A_321 = arith.select %and3A_318, %sub3A_320, %div3A_299 : i32
    %jit3A_322 = arith.constant 3481 : i32
    %eq3A_323 = arith.constant 0 : i32
    %eq3A_324 = arith.cmpi eq, %jit3A_322, %eq3A_323 : i32
    %jit3A_325 = arith.constant 1 : i32
    %select_n3A_326 = arith.select %eq3A_324, %jit3A_325, %jit3A_322 : i32
    %rem3A_327 = arith.remsi %add3A_297, %select_n3A_326 : i32
    %ne3A_328 = arith.constant 0 : i32
    %ne3A_329 = arith.cmpi ne, %rem3A_327, %ne3A_328 : i32
    %lt3A_330 = arith.constant 0 : i32
    %lt3A_331 = arith.cmpi slt, %rem3A_327, %lt3A_330 : i32
    %lt3A_332 = arith.constant 0 : i32
    %lt3A_333 = arith.cmpi slt, %select_n3A_326, %lt3A_332 : i32
    %ne3A_334 = arith.xori %lt3A_331, %lt3A_333 : i1
    %and3A_335 = arith.andi %ne3A_334, %ne3A_329 : i1
    %add3A_336 = arith.addi %rem3A_327, %select_n3A_326 : i32
    %select_n3A_337 = arith.select %and3A_335, %add3A_336, %rem3A_327 : i32
    %jit3A_338 = arith.constant 59 : i32
    %div3A_339 = arith.divsi %select_n3A_337, %jit3A_338 : i32
    %sign3A_340 = arith.constant 0 : i32
    %sign3A_341 = arith.cmpi sgt, %select_n3A_337, %sign3A_340 : i32
    %sign3A_342 = arith.extui %sign3A_341 : i1 to i32
    %sign3A_343 = arith.constant 0 : i32
    %sign3A_344 = arith.cmpi slt, %select_n3A_337, %sign3A_343 : i32
    %sign3A_345 = arith.extui %sign3A_344 : i1 to i32
    %sign3A_346 = arith.subi %sign3A_342, %sign3A_345 : i32
    %sign3A_347 = arith.constant 0 : i32
    %sign3A_348 = arith.cmpi sgt, %jit3A_338, %sign3A_347 : i32
    %sign3A_349 = arith.extui %sign3A_348 : i1 to i32
    %sign3A_350 = arith.constant 0 : i32
    %sign3A_351 = arith.cmpi slt, %jit3A_338, %sign3A_350 : i32
    %sign3A_352 = arith.extui %sign3A_351 : i1 to i32
    %sign3A_353 = arith.subi %sign3A_349, %sign3A_352 : i32
    %ne3A_354 = arith.cmpi ne, %sign3A_346, %sign3A_353 : i32
    %rem3A_355 = arith.remsi %select_n3A_337, %jit3A_338 : i32
    %ne3A_356 = arith.constant 0 : i32
    %ne3A_357 = arith.cmpi ne, %rem3A_355, %ne3A_356 : i32
    %and3A_358 = arith.andi %ne3A_354, %ne3A_357 : i1
    %sub3A_359 = arith.constant 1 : i32
    %sub3A_360 = arith.subi %div3A_339, %sub3A_359 : i32
    %select_n3A_361 = arith.select %and3A_358, %sub3A_360, %div3A_339 : i32
    %jit3A_362 = arith.constant 59 : i32
    %eq3A_363 = arith.constant 0 : i32
    %eq3A_364 = arith.cmpi eq, %jit3A_362, %eq3A_363 : i32
    %jit3A_365 = arith.constant 1 : i32
    %select_n3A_366 = arith.select %eq3A_364, %jit3A_365, %jit3A_362 : i32
    %rem3A_367 = arith.remsi %select_n3A_337, %select_n3A_366 : i32
    %ne3A_368 = arith.constant 0 : i32
    %ne3A_369 = arith.cmpi ne, %rem3A_367, %ne3A_368 : i32
    %lt3A_370 = arith.constant 0 : i32
    %lt3A_371 = arith.cmpi slt, %rem3A_367, %lt3A_370 : i32
    %lt3A_372 = arith.constant 0 : i32
    %lt3A_373 = arith.cmpi slt, %select_n3A_366, %lt3A_372 : i32
    %ne3A_374 = arith.xori %lt3A_371, %lt3A_373 : i1
    %and3A_375 = arith.andi %ne3A_374, %ne3A_369 : i1
    %add3A_376 = arith.addi %rem3A_367, %select_n3A_366 : i32
    %select_n3A_377 = arith.select %and3A_375, %add3A_376, %rem3A_367 : i32
    %add3A_378 = arith.constant 29 : i32
    %add3A_379 = arith.addi %select_n3A_361, %add3A_378 : i32
    %sub3A_380 = arith.subi %add3A_379, %select_n3A_377 : i32
    %lt3A_381 = arith.constant 6962 : i32
    %lt3A_382 = arith.cmpi slt, %add3A_297, %lt3A_381 : i32
    %ge3A_383 = arith.constant 0 : i32
    %ge3A_384 = arith.cmpi sge, %sub3A_380, %ge3A_383 : i32
    %and3A_385 = arith.andi %lt3A_382, %ge3A_384 : i1
    %lt3A_386 = arith.constant 59 : i32
    %lt3A_387 = arith.cmpi slt, %sub3A_380, %lt3A_386 : i32
    %and3A_388 = arith.andi %and3A_385, %lt3A_387 : i1
    %lt3A_389 = arith.constant 6962 : i32
    %lt3A_390 = arith.cmpi slt, %add3A_297, %lt3A_389 : i32
    %not3A_391 = arith.constant true
    %not3A_392 = arith.xori %and3A_388, %not3A_391 : i1
    %and3A_393 = arith.andi %lt3A_390, %not3A_392 : i1
    %convert_element_type3A_394 = arith.extui %and3A_388 : i1 to i32
    %cond3A_395 = arith.constant 0 : i32
    %cond3A_396 = arith.cmpi ne, %convert_element_type3A_394, %cond3A_395 : i32
    scf.if %cond3A_396 {
      %mul3A_650 = arith.constant 59 : i32
      %mul3A_651 = arith.muli %mul3A_650, %sub3A_380 : i32
      %dma_start3A = arith.constant 0 : i32
      %dma_start3A_652 = tpu.memref_slice %arg2[%select_n3A_321, %mul3A_651, %select_n3A_377, %dma_start3A] : memref<2x3481x59x59xf32, #tpu.memory_space<hbm>> -> memref<1x59x1x59xf32, #tpu.memory_space<hbm>>
      %dma_start3A_653 = tpu.memref_squeeze %dma_start3A_652 : memref<1x59x1x59xf32, #tpu.memory_space<hbm>> -> memref<59x59xf32, #tpu.memory_space<hbm>>
      %dma_start3A_654 = arith.constant 0 : i32
      %dma_start3A_655 = tpu.memref_slice %arg2[%select_n3A_321, %mul3A_651, %select_n3A_377, %dma_start3A_654] : memref<2x3481x59x59xf32, #tpu.memory_space<hbm>> -> memref<1x59x1x59xf32, #tpu.memory_space<hbm>>
      %dma_start3A_656 = tpu.memref_squeeze %dma_start3A_655 : memref<1x59x1x59xf32, #tpu.memory_space<hbm>> -> memref<59x59xf32, #tpu.memory_space<hbm>>
      tpu.enqueue_dma source(%dma_start3A_656 : memref<59x59xf32, #tpu.memory_space<hbm>>) target(%arg7 : memref<59x59xf32, #tpu.memory_space<vmem>>) target_semaphore(%arg20 : memref<!tpu.dma_semaphore, #tpu.memory_space<semaphore_mem>>)
    } else {
    }
    %add3A_397 = arith.constant 128 : i32
    %add3A_398 = arith.addi %add3A, %add3A_397 : i32
    %jit3A_399 = arith.constant 3481 : i32
    %div3A_400 = arith.divsi %add3A_398, %jit3A_399 : i32
    %sign3A_401 = arith.constant 0 : i32
    %sign3A_402 = arith.cmpi sgt, %add3A_398, %sign3A_401 : i32
    %sign3A_403 = arith.extui %sign3A_402 : i1 to i32
    %sign3A_404 = arith.constant 0 : i32
    %sign3A_405 = arith.cmpi slt, %add3A_398, %sign3A_404 : i32
    %sign3A_406 = arith.extui %sign3A_405 : i1 to i32
    %sign3A_407 = arith.subi %sign3A_403, %sign3A_406 : i32
    %sign3A_408 = arith.constant 0 : i32
    %sign3A_409 = arith.cmpi sgt, %jit3A_399, %sign3A_408 : i32
    %sign3A_410 = arith.extui %sign3A_409 : i1 to i32
    %sign3A_411 = arith.constant 0 : i32
    %sign3A_412 = arith.cmpi slt, %jit3A_399, %sign3A_411 : i32
    %sign3A_413 = arith.extui %sign3A_412 : i1 to i32
    %sign3A_414 = arith.subi %sign3A_410, %sign3A_413 : i32
    %ne3A_415 = arith.cmpi ne, %sign3A_407, %sign3A_414 : i32
    %rem3A_416 = arith.remsi %add3A_398, %jit3A_399 : i32
    %ne3A_417 = arith.constant 0 : i32
    %ne3A_418 = arith.cmpi ne, %rem3A_416, %ne3A_417 : i32
    %and3A_419 = arith.andi %ne3A_415, %ne3A_418 : i1
    %sub3A_420 = arith.constant 1 : i32
    %sub3A_421 = arith.subi %div3A_400, %sub3A_420 : i32
    %select_n3A_422 = arith.select %and3A_419, %sub3A_421, %div3A_400 : i32
    %jit3A_423 = arith.constant 3481 : i32
    %eq3A_424 = arith.constant 0 : i32
    %eq3A_425 = arith.cmpi eq, %jit3A_423, %eq3A_424 : i32
    %jit3A_426 = arith.constant 1 : i32
    %select_n3A_427 = arith.select %eq3A_425, %jit3A_426, %jit3A_423 : i32
    %rem3A_428 = arith.remsi %add3A_398, %select_n3A_427 : i32
    %ne3A_429 = arith.constant 0 : i32
    %ne3A_430 = arith.cmpi ne, %rem3A_428, %ne3A_429 : i32
    %lt3A_431 = arith.constant 0 : i32
    %lt3A_432 = arith.cmpi slt, %rem3A_428, %lt3A_431 : i32
    %lt3A_433 = arith.constant 0 : i32
    %lt3A_434 = arith.cmpi slt, %select_n3A_427, %lt3A_433 : i32
    %ne3A_435 = arith.xori %lt3A_432, %lt3A_434 : i1
    %and3A_436 = arith.andi %ne3A_435, %ne3A_430 : i1
    %add3A_437 = arith.addi %rem3A_428, %select_n3A_427 : i32
    %select_n3A_438 = arith.select %and3A_436, %add3A_437, %rem3A_428 : i32
    %jit3A_439 = arith.constant 59 : i32
    %div3A_440 = arith.divsi %select_n3A_438, %jit3A_439 : i32
    %sign3A_441 = arith.constant 0 : i32
    %sign3A_442 = arith.cmpi sgt, %select_n3A_438, %sign3A_441 : i32
    %sign3A_443 = arith.extui %sign3A_442 : i1 to i32
    %sign3A_444 = arith.constant 0 : i32
    %sign3A_445 = arith.cmpi slt, %select_n3A_438, %sign3A_444 : i32
    %sign3A_446 = arith.extui %sign3A_445 : i1 to i32
    %sign3A_447 = arith.subi %sign3A_443, %sign3A_446 : i32
    %sign3A_448 = arith.constant 0 : i32
    %sign3A_449 = arith.cmpi sgt, %jit3A_439, %sign3A_448 : i32
    %sign3A_450 = arith.extui %sign3A_449 : i1 to i32
    %sign3A_451 = arith.constant 0 : i32
    %sign3A_452 = arith.cmpi slt, %jit3A_439, %sign3A_451 : i32
    %sign3A_453 = arith.extui %sign3A_452 : i1 to i32
    %sign3A_454 = arith.subi %sign3A_450, %sign3A_453 : i32
    %ne3A_455 = arith.cmpi ne, %sign3A_447, %sign3A_454 : i32
    %rem3A_456 = arith.remsi %select_n3A_438, %jit3A_439 : i32
    %ne3A_457 = arith.constant 0 : i32
    %ne3A_458 = arith.cmpi ne, %rem3A_456, %ne3A_457 : i32
    %and3A_459 = arith.andi %ne3A_455, %ne3A_458 : i1
    %sub3A_460 = arith.constant 1 : i32
    %sub3A_461 = arith.subi %div3A_440, %sub3A_460 : i32
    %select_n3A_462 = arith.select %and3A_459, %sub3A_461, %div3A_440 : i32
    %jit3A_463 = arith.constant 59 : i32
    %eq3A_464 = arith.constant 0 : i32
    %eq3A_465 = arith.cmpi eq, %jit3A_463, %eq3A_464 : i32
    %jit3A_466 = arith.constant 1 : i32
    %select_n3A_467 = arith.select %eq3A_465, %jit3A_466, %jit3A_463 : i32
    %rem3A_468 = arith.remsi %select_n3A_438, %select_n3A_467 : i32
    %ne3A_469 = arith.constant 0 : i32
    %ne3A_470 = arith.cmpi ne, %rem3A_468, %ne3A_469 : i32
    %lt3A_471 = arith.constant 0 : i32
    %lt3A_472 = arith.cmpi slt, %rem3A_468, %lt3A_471 : i32
    %lt3A_473 = arith.constant 0 : i32
    %lt3A_474 = arith.cmpi slt, %select_n3A_467, %lt3A_473 : i32
    %ne3A_475 = arith.xori %lt3A_472, %lt3A_474 : i1
    %and3A_476 = arith.andi %ne3A_475, %ne3A_470 : i1
    %add3A_477 = arith.addi %rem3A_468, %select_n3A_467 : i32
    %select_n3A_478 = arith.select %and3A_476, %add3A_477, %rem3A_468 : i32
    %add3A_479 = arith.constant 29 : i32
    %add3A_480 = arith.addi %select_n3A_462, %add3A_479 : i32
    %sub3A_481 = arith.subi %add3A_480, %select_n3A_478 : i32
    %lt3A_482 = arith.constant 6962 : i32
    %lt3A_483 = arith.cmpi slt, %add3A_398, %lt3A_482 : i32
    %ge3A_484 = arith.constant 0 : i32
    %ge3A_485 = arith.cmpi sge, %sub3A_481, %ge3A_484 : i32
    %and3A_486 = arith.andi %lt3A_483, %ge3A_485 : i1
    %lt3A_487 = arith.constant 59 : i32
    %lt3A_488 = arith.cmpi slt, %sub3A_481, %lt3A_487 : i32
    %and3A_489 = arith.andi %and3A_486, %lt3A_488 : i1
    %lt3A_490 = arith.constant 6962 : i32
    %lt3A_491 = arith.cmpi slt, %add3A_398, %lt3A_490 : i32
    %not3A_492 = arith.constant true
    %not3A_493 = arith.xori %and3A_489, %not3A_492 : i1
    %and3A_494 = arith.andi %lt3A_491, %not3A_493 : i1
    %convert_element_type3A_495 = arith.extui %and3A_489 : i1 to i32
    %cond3A_496 = arith.constant 0 : i32
    %cond3A_497 = arith.cmpi ne, %convert_element_type3A_495, %cond3A_496 : i32
    scf.if %cond3A_497 {
      %mul3A_650 = arith.constant 59 : i32
      %mul3A_651 = arith.muli %mul3A_650, %sub3A_481 : i32
      %dma_start3A = arith.constant 0 : i32
      %dma_start3A_652 = tpu.memref_slice %arg2[%select_n3A_422, %mul3A_651, %select_n3A_478, %dma_start3A] : memref<2x3481x59x59xf32, #tpu.memory_space<hbm>> -> memref<1x59x1x59xf32, #tpu.memory_space<hbm>>
      %dma_start3A_653 = tpu.memref_squeeze %dma_start3A_652 : memref<1x59x1x59xf32, #tpu.memory_space<hbm>> -> memref<59x59xf32, #tpu.memory_space<hbm>>
      %dma_start3A_654 = arith.constant 0 : i32
      %dma_start3A_655 = tpu.memref_slice %arg2[%select_n3A_422, %mul3A_651, %select_n3A_478, %dma_start3A_654] : memref<2x3481x59x59xf32, #tpu.memory_space<hbm>> -> memref<1x59x1x59xf32, #tpu.memory_space<hbm>>
      %dma_start3A_656 = tpu.memref_squeeze %dma_start3A_655 : memref<1x59x1x59xf32, #tpu.memory_space<hbm>> -> memref<59x59xf32, #tpu.memory_space<hbm>>
      tpu.enqueue_dma source(%dma_start3A_656 : memref<59x59xf32, #tpu.memory_space<hbm>>) target(%arg8 : memref<59x59xf32, #tpu.memory_space<vmem>>) target_semaphore(%arg21 : memref<!tpu.dma_semaphore, #tpu.memory_space<semaphore_mem>>)
    } else {
    }
    %add3A_498 = arith.constant 160 : i32
    %add3A_499 = arith.addi %add3A, %add3A_498 : i32
    %jit3A_500 = arith.constant 3481 : i32
    %div3A_501 = arith.divsi %add3A_499, %jit3A_500 : i32
    %sign3A_502 = arith.constant 0 : i32
    %sign3A_503 = arith.cmpi sgt, %add3A_499, %sign3A_502 : i32
    %sign3A_504 = arith.extui %sign3A_503 : i1 to i32
    %sign3A_505 = arith.constant 0 : i32
    %sign3A_506 = arith.cmpi slt, %add3A_499, %sign3A_505 : i32
    %sign3A_507 = arith.extui %sign3A_506 : i1 to i32
    %sign3A_508 = arith.subi %sign3A_504, %sign3A_507 : i32
    %sign3A_509 = arith.constant 0 : i32
    %sign3A_510 = arith.cmpi sgt, %jit3A_500, %sign3A_509 : i32
    %sign3A_511 = arith.extui %sign3A_510 : i1 to i32
    %sign3A_512 = arith.constant 0 : i32
    %sign3A_513 = arith.cmpi slt, %jit3A_500, %sign3A_512 : i32
    %sign3A_514 = arith.extui %sign3A_513 : i1 to i32
    %sign3A_515 = arith.subi %sign3A_511, %sign3A_514 : i32
    %ne3A_516 = arith.cmpi ne, %sign3A_508, %sign3A_515 : i32
    %rem3A_517 = arith.remsi %add3A_499, %jit3A_500 : i32
    %ne3A_518 = arith.constant 0 : i32
    %ne3A_519 = arith.cmpi ne, %rem3A_517, %ne3A_518 : i32
    %and3A_520 = arith.andi %ne3A_516, %ne3A_519 : i1
    %sub3A_521 = arith.constant 1 : i32
    %sub3A_522 = arith.subi %div3A_501, %sub3A_521 : i32
    %select_n3A_523 = arith.select %and3A_520, %sub3A_522, %div3A_501 : i32
    %jit3A_524 = arith.constant 3481 : i32
    %eq3A_525 = arith.constant 0 : i32
    %eq3A_526 = arith.cmpi eq, %jit3A_524, %eq3A_525 : i32
    %jit3A_527 = arith.constant 1 : i32
    %select_n3A_528 = arith.select %eq3A_526, %jit3A_527, %jit3A_524 : i32
    %rem3A_529 = arith.remsi %add3A_499, %select_n3A_528 : i32
    %ne3A_530 = arith.constant 0 : i32
    %ne3A_531 = arith.cmpi ne, %rem3A_529, %ne3A_530 : i32
    %lt3A_532 = arith.constant 0 : i32
    %lt3A_533 = arith.cmpi slt, %rem3A_529, %lt3A_532 : i32
    %lt3A_534 = arith.constant 0 : i32
    %lt3A_535 = arith.cmpi slt, %select_n3A_528, %lt3A_534 : i32
    %ne3A_536 = arith.xori %lt3A_533, %lt3A_535 : i1
    %and3A_537 = arith.andi %ne3A_536, %ne3A_531 : i1
    %add3A_538 = arith.addi %rem3A_529, %select_n3A_528 : i32
    %select_n3A_539 = arith.select %and3A_537, %add3A_538, %rem3A_529 : i32
    %jit3A_540 = arith.constant 59 : i32
    %div3A_541 = arith.divsi %select_n3A_539, %jit3A_540 : i32
    %sign3A_542 = arith.constant 0 : i32
    %sign3A_543 = arith.cmpi sgt, %select_n3A_539, %sign3A_542 : i32
    %sign3A_544 = arith.extui %sign3A_543 : i1 to i32
    %sign3A_545 = arith.constant 0 : i32
    %sign3A_546 = arith.cmpi slt, %select_n3A_539, %sign3A_545 : i32
    %sign3A_547 = arith.extui %sign3A_546 : i1 to i32
    %sign3A_548 = arith.subi %sign3A_544, %sign3A_547 : i32
    %sign3A_549 = arith.constant 0 : i32
    %sign3A_550 = arith.cmpi sgt, %jit3A_540, %sign3A_549 : i32
    %sign3A_551 = arith.extui %sign3A_550 : i1 to i32
    %sign3A_552 = arith.constant 0 : i32
    %sign3A_553 = arith.cmpi slt, %jit3A_540, %sign3A_552 : i32
    %sign3A_554 = arith.extui %sign3A_553 : i1 to i32
    %sign3A_555 = arith.subi %sign3A_551, %sign3A_554 : i32
    %ne3A_556 = arith.cmpi ne, %sign3A_548, %sign3A_555 : i32
    %rem3A_557 = arith.remsi %select_n3A_539, %jit3A_540 : i32
    %ne3A_558 = arith.constant 0 : i32
    %ne3A_559 = arith.cmpi ne, %rem3A_557, %ne3A_558 : i32
    %and3A_560 = arith.andi %ne3A_556, %ne3A_559 : i1
    %sub3A_561 = arith.constant 1 : i32
    %sub3A_562 = arith.subi %div3A_541, %sub3A_561 : i32
    %select_n3A_563 = arith.select %and3A_560, %sub3A_562, %div3A_541 : i32
    %jit3A_564 = arith.constant 59 : i32
    %eq3A_565 = arith.constant 0 : i32
    %eq3A_566 = arith.cmpi eq, %jit3A_564, %eq3A_565 : i32
    %jit3A_567 = arith.constant 1 : i32
    %select_n3A_568 = arith.select %eq3A_566, %jit3A_567, %jit3A_564 : i32
    %rem3A_569 = arith.remsi %select_n3A_539, %select_n3A_568 : i32
    %ne3A_570 = arith.constant 0 : i32
    %ne3A_571 = arith.cmpi ne, %rem3A_569, %ne3A_570 : i32
    %lt3A_572 = arith.constant 0 : i32
    %lt3A_573 = arith.cmpi slt, %rem3A_569, %lt3A_572 : i32
    %lt3A_574 = arith.constant 0 : i32
    %lt3A_575 = arith.cmpi slt, %select_n3A_568, %lt3A_574 : i32
    %ne3A_576 = arith.xori %lt3A_573, %lt3A_575 : i1
    %and3A_577 = arith.andi %ne3A_576, %ne3A_571 : i1
    %add3A_578 = arith.addi %rem3A_569, %select_n3A_568 : i32
    %select_n3A_579 = arith.select %and3A_577, %add3A_578, %rem3A_569 : i32
    %add3A_580 = arith.constant 29 : i32
    %add3A_581 = arith.addi %select_n3A_563, %add3A_580 : i32
    %sub3A_582 = arith.subi %add3A_581, %select_n3A_579 : i32
    %lt3A_583 = arith.constant 6962 : i32
    %lt3A_584 = arith.cmpi slt, %add3A_499, %lt3A_583 : i32
    %ge3A_585 = arith.constant 0 : i32
    %ge3A_586 = arith.cmpi sge, %sub3A_582, %ge3A_585 : i32
    %and3A_587 = arith.andi %lt3A_584, %ge3A_586 : i1
    %lt3A_588 = arith.constant 59 : i32
    %lt3A_589 = arith.cmpi slt, %sub3A_582, %lt3A_588 : i32
    %and3A_590 = arith.andi %and3A_587, %lt3A_589 : i1
    %lt3A_591 = arith.constant 6962 : i32
    %lt3A_592 = arith.cmpi slt, %add3A_499, %lt3A_591 : i32
    %not3A_593 = arith.constant true
    %not3A_594 = arith.xori %and3A_590, %not3A_593 : i1
    %and3A_595 = arith.andi %lt3A_592, %not3A_594 : i1
    %convert_element_type3A_596 = arith.extui %and3A_590 : i1 to i32
    %cond3A_597 = arith.constant 0 : i32
    %cond3A_598 = arith.cmpi ne, %convert_element_type3A_596, %cond3A_597 : i32
    scf.if %cond3A_598 {
      %mul3A_650 = arith.constant 59 : i32
      %mul3A_651 = arith.muli %mul3A_650, %sub3A_582 : i32
      %dma_start3A = arith.constant 0 : i32
      %dma_start3A_652 = tpu.memref_slice %arg2[%select_n3A_523, %mul3A_651, %select_n3A_579, %dma_start3A] : memref<2x3481x59x59xf32, #tpu.memory_space<hbm>> -> memref<1x59x1x59xf32, #tpu.memory_space<hbm>>
      %dma_start3A_653 = tpu.memref_squeeze %dma_start3A_652 : memref<1x59x1x59xf32, #tpu.memory_space<hbm>> -> memref<59x59xf32, #tpu.memory_space<hbm>>
      %dma_start3A_654 = arith.constant 0 : i32
      %dma_start3A_655 = tpu.memref_slice %arg2[%select_n3A_523, %mul3A_651, %select_n3A_579, %dma_start3A_654] : memref<2x3481x59x59xf32, #tpu.memory_space<hbm>> -> memref<1x59x1x59xf32, #tpu.memory_space<hbm>>
      %dma_start3A_656 = tpu.memref_squeeze %dma_start3A_655 : memref<1x59x1x59xf32, #tpu.memory_space<hbm>> -> memref<59x59xf32, #tpu.memory_space<hbm>>
      tpu.enqueue_dma source(%dma_start3A_656 : memref<59x59xf32, #tpu.memory_space<hbm>>) target(%arg9 : memref<59x59xf32, #tpu.memory_space<vmem>>) target_semaphore(%arg22 : memref<!tpu.dma_semaphore, #tpu.memory_space<semaphore_mem>>)
    } else {
    }
    %scan3A_599 = arith.constant 0 : i32
    %scan3A_600 = arith.constant 0 : i32
    %scan3A_601 = arith.constant 0 : i32
    %scan3A_602 = arith.constant 0 : i32
    %scan3A_603 = arith.constant 0 : i32
    %scan3A_604 = arith.constant 0 : i32
    %scan3A_605 = arith.constant 0 : i32
    %scan3A_606 = arith.constant 0 : i32
    %scan3A_607 = arith.constant 37 : i32
    %scan3A_608 = arith.addi %scan3A_606, %scan3A_607 : i32
    %scan3A_609 = arith.constant 1 : i32
    %scan3A_610:7 = scf.for %scan3A_650 = %scan3A_606 to %scan3A_608 step %scan3A_609 iter_args(%scan3A_651 = %scan3A_599, %scan3A_652 = %scan3A_600, %scan3A_653 = %scan3A_601, %scan3A_654 = %scan3A_602, %scan3A_655 = %scan3A_603, %scan3A_656 = %scan3A_604, %scan3A_657 = %scan3A_605) -> (i32, i32, i32, i32, i32, i32, i32)  : i32 {
      %mul3A_658 = arith.constant 6 : i32
      %mul3A_659 = arith.muli %mul3A_658, %scan3A_650 : i32
      %add3A_660 = arith.constant 0 : i32
      %add3A_661 = arith.addi %mul3A_659, %add3A_660 : i32
      %mul3A_662 = arith.constant 32 : i32
      %mul3A_663 = arith.muli %mul3A_662, %add3A_661 : i32
      %add3A_664 = arith.addi %add3A, %mul3A_663 : i32
      %jit3A_665 = arith.constant 3481 : i32
      %div3A_666 = arith.divsi %add3A_664, %jit3A_665 : i32
      %sign3A_667 = arith.constant 0 : i32
      %sign3A_668 = arith.cmpi sgt, %add3A_664, %sign3A_667 : i32
      %sign3A_669 = arith.extui %sign3A_668 : i1 to i32
      %sign3A_670 = arith.constant 0 : i32
      %sign3A_671 = arith.cmpi slt, %add3A_664, %sign3A_670 : i32
      %sign3A_672 = arith.extui %sign3A_671 : i1 to i32
      %sign3A_673 = arith.subi %sign3A_669, %sign3A_672 : i32
      %sign3A_674 = arith.constant 0 : i32
      %sign3A_675 = arith.cmpi sgt, %jit3A_665, %sign3A_674 : i32
      %sign3A_676 = arith.extui %sign3A_675 : i1 to i32
      %sign3A_677 = arith.constant 0 : i32
      %sign3A_678 = arith.cmpi slt, %jit3A_665, %sign3A_677 : i32
      %sign3A_679 = arith.extui %sign3A_678 : i1 to i32
      %sign3A_680 = arith.subi %sign3A_676, %sign3A_679 : i32
      %ne3A_681 = arith.cmpi ne, %sign3A_673, %sign3A_680 : i32
      %rem3A_682 = arith.remsi %add3A_664, %jit3A_665 : i32
      %ne3A_683 = arith.constant 0 : i32
      %ne3A_684 = arith.cmpi ne, %rem3A_682, %ne3A_683 : i32
      %and3A_685 = arith.andi %ne3A_681, %ne3A_684 : i1
      %sub3A_686 = arith.constant 1 : i32
      %sub3A_687 = arith.subi %div3A_666, %sub3A_686 : i32
      %select_n3A_688 = arith.select %and3A_685, %sub3A_687, %div3A_666 : i32
      %jit3A_689 = arith.constant 3481 : i32
      %eq3A_690 = arith.constant 0 : i32
      %eq3A_691 = arith.cmpi eq, %jit3A_689, %eq3A_690 : i32
      %jit3A_692 = arith.constant 1 : i32
      %select_n3A_693 = arith.select %eq3A_691, %jit3A_692, %jit3A_689 : i32
      %rem3A_694 = arith.remsi %add3A_664, %select_n3A_693 : i32
      %ne3A_695 = arith.constant 0 : i32
      %ne3A_696 = arith.cmpi ne, %rem3A_694, %ne3A_695 : i32
      %lt3A_697 = arith.constant 0 : i32
      %lt3A_698 = arith.cmpi slt, %rem3A_694, %lt3A_697 : i32
      %lt3A_699 = arith.constant 0 : i32
      %lt3A_700 = arith.cmpi slt, %select_n3A_693, %lt3A_699 : i32
      %ne3A_701 = arith.xori %lt3A_698, %lt3A_700 : i1
      %and3A_702 = arith.andi %ne3A_701, %ne3A_696 : i1
      %add3A_703 = arith.addi %rem3A_694, %select_n3A_693 : i32
      %select_n3A_704 = arith.select %and3A_702, %add3A_703, %rem3A_694 : i32
      %jit3A_705 = arith.constant 59 : i32
      %div3A_706 = arith.divsi %select_n3A_704, %jit3A_705 : i32
      %sign3A_707 = arith.constant 0 : i32
      %sign3A_708 = arith.cmpi sgt, %select_n3A_704, %sign3A_707 : i32
      %sign3A_709 = arith.extui %sign3A_708 : i1 to i32
      %sign3A_710 = arith.constant 0 : i32
      %sign3A_711 = arith.cmpi slt, %select_n3A_704, %sign3A_710 : i32
      %sign3A_712 = arith.extui %sign3A_711 : i1 to i32
      %sign3A_713 = arith.subi %sign3A_709, %sign3A_712 : i32
      %sign3A_714 = arith.constant 0 : i32
      %sign3A_715 = arith.cmpi sgt, %jit3A_705, %sign3A_714 : i32
      %sign3A_716 = arith.extui %sign3A_715 : i1 to i32
      %sign3A_717 = arith.constant 0 : i32
      %sign3A_718 = arith.cmpi slt, %jit3A_705, %sign3A_717 : i32
      %sign3A_719 = arith.extui %sign3A_718 : i1 to i32
      %sign3A_720 = arith.subi %sign3A_716, %sign3A_719 : i32
      %ne3A_721 = arith.cmpi ne, %sign3A_713, %sign3A_720 : i32
      %rem3A_722 = arith.remsi %select_n3A_704, %jit3A_705 : i32
      %ne3A_723 = arith.constant 0 : i32
      %ne3A_724 = arith.cmpi ne, %rem3A_722, %ne3A_723 : i32
      %and3A_725 = arith.andi %ne3A_721, %ne3A_724 : i1
      %sub3A_726 = arith.constant 1 : i32
      %sub3A_727 = arith.subi %div3A_706, %sub3A_726 : i32
      %select_n3A_728 = arith.select %and3A_725, %sub3A_727, %div3A_706 : i32
      %jit3A_729 = arith.constant 59 : i32
      %eq3A_730 = arith.constant 0 : i32
      %eq3A_731 = arith.cmpi eq, %jit3A_729, %eq3A_730 : i32
      %jit3A_732 = arith.constant 1 : i32
      %select_n3A_733 = arith.select %eq3A_731, %jit3A_732, %jit3A_729 : i32
      %rem3A_734 = arith.remsi %select_n3A_704, %select_n3A_733 : i32
      %ne3A_735 = arith.constant 0 : i32
      %ne3A_736 = arith.cmpi ne, %rem3A_734, %ne3A_735 : i32
      %lt3A_737 = arith.constant 0 : i32
      %lt3A_738 = arith.cmpi slt, %rem3A_734, %lt3A_737 : i32
      %lt3A_739 = arith.constant 0 : i32
      %lt3A_740 = arith.cmpi slt, %select_n3A_733, %lt3A_739 : i32
      %ne3A_741 = arith.xori %lt3A_738, %lt3A_740 : i1
      %and3A_742 = arith.andi %ne3A_741, %ne3A_736 : i1
      %add3A_743 = arith.addi %rem3A_734, %select_n3A_733 : i32
      %select_n3A_744 = arith.select %and3A_742, %add3A_743, %rem3A_734 : i32
      %add3A_745 = arith.constant 29 : i32
      %add3A_746 = arith.addi %select_n3A_728, %add3A_745 : i32
      %sub3A_747 = arith.subi %add3A_746, %select_n3A_744 : i32
      %lt3A_748 = arith.constant 6962 : i32
      %lt3A_749 = arith.cmpi slt, %add3A_664, %lt3A_748 : i32
      %ge3A_750 = arith.constant 0 : i32
      %ge3A_751 = arith.cmpi sge, %sub3A_747, %ge3A_750 : i32
      %and3A_752 = arith.andi %lt3A_749, %ge3A_751 : i1
      %lt3A_753 = arith.constant 59 : i32
      %lt3A_754 = arith.cmpi slt, %sub3A_747, %lt3A_753 : i32
      %and3A_755 = arith.andi %and3A_752, %lt3A_754 : i1
      %lt3A_756 = arith.constant 6962 : i32
      %lt3A_757 = arith.cmpi slt, %add3A_664, %lt3A_756 : i32
      %not3A_758 = arith.constant true
      %not3A_759 = arith.xori %and3A_755, %not3A_758 : i1
      %and3A_760 = arith.andi %lt3A_757, %not3A_759 : i1
      %mul3A_761 = arith.constant 59 : i32
      %mul3A_762 = arith.muli %mul3A_761, %select_n3A_728 : i32
      %convert_element_type3A_763 = arith.extui %and3A_755 : i1 to i32
      %cond3A_764 = arith.constant 0 : i32
      %cond3A_765 = arith.cmpi ne, %convert_element_type3A_763, %cond3A_764 : i32
      scf.if %cond3A_765 {
        %dma_wait3A = arith.constant 0 : i32
        %dma_wait3A_1972 = arith.constant 0 : i32
        %dma_wait3A_1973 = arith.constant 0 : i32
        %dma_wait3A_1974 = arith.constant 0 : i32
        %dma_wait3A_1975 = tpu.memref_slice %arg2[%dma_wait3A, %dma_wait3A_1973, %dma_wait3A_1972, %dma_wait3A_1974] : memref<2x3481x59x59xf32, #tpu.memory_space<hbm>> -> memref<1x59x1x59xf32, #tpu.memory_space<hbm>>
        %dma_wait3A_1976 = tpu.memref_squeeze %dma_wait3A_1975 : memref<1x59x1x59xf32, #tpu.memory_space<hbm>> -> memref<59x59xf32, #tpu.memory_space<hbm>>
        %dma_wait3A_1977 = arith.constant 0 : i32
        %dma_wait3A_1978 = arith.constant 0 : i32
        %dma_wait3A_1979 = tpu.memref_slice %arg2[%dma_wait3A, %dma_wait3A_1977, %dma_wait3A_1972, %dma_wait3A_1978] : memref<2x3481x59x59xf32, #tpu.memory_space<hbm>> -> memref<1x59x1x59xf32, #tpu.memory_space<hbm>>
        %dma_wait3A_1980 = tpu.memref_squeeze %dma_wait3A_1979 : memref<1x59x1x59xf32, #tpu.memory_space<hbm>> -> memref<59x59xf32, #tpu.memory_space<hbm>>
        tpu.wait_dma2 semaphore(%arg17 : memref<!tpu.dma_semaphore, #tpu.memory_space<semaphore_mem>>) src(%dma_wait3A_1980 : memref<59x59xf32, #tpu.memory_space<hbm>>) dst(%arg4 : memref<59x59xf32, #tpu.memory_space<vmem>>)
        %gt3A_1981 = arith.constant 0 : i32
        %gt3A_1982 = arith.cmpi sgt, %scan3A_651, %gt3A_1981 : i32
        %convert_element_type3A_1983 = arith.extui %gt3A_1982 : i1 to i32
        %cond3A_1984 = arith.constant 0 : i32
        %cond3A_1985 = arith.cmpi ne, %convert_element_type3A_1983, %cond3A_1984 : i32
        scf.if %cond3A_1985 {
          %dma_wait3A_1997 = arith.constant 0 : i32
          %dma_wait3A_1998 = arith.constant 0 : i32
          %dma_wait3A_1999 = arith.constant 0 : i32
          %dma_wait3A_2000 = arith.constant 0 : i32
          %dma_wait3A_2001 = tpu.memref_slice %arg3[%dma_wait3A_1997, %dma_wait3A_1999, %dma_wait3A_1998, %dma_wait3A_2000] : memref<2x3481x59x59xf32, #tpu.memory_space<hbm>> -> memref<1x59x1x59xf32, #tpu.memory_space<hbm>>
          %dma_wait3A_2002 = tpu.memref_squeeze %dma_wait3A_2001 : memref<1x59x1x59xf32, #tpu.memory_space<hbm>> -> memref<59x59xf32, #tpu.memory_space<hbm>>
          %dma_wait3A_2003 = arith.constant 0 : i32
          %dma_wait3A_2004 = arith.constant 0 : i32
          %dma_wait3A_2005 = tpu.memref_slice %arg3[%dma_wait3A_1997, %dma_wait3A_2003, %dma_wait3A_1998, %dma_wait3A_2004] : memref<2x3481x59x59xf32, #tpu.memory_space<hbm>> -> memref<1x59x1x59xf32, #tpu.memory_space<hbm>>
          %dma_wait3A_2006 = tpu.memref_squeeze %dma_wait3A_2005 : memref<1x59x1x59xf32, #tpu.memory_space<hbm>> -> memref<59x59xf32, #tpu.memory_space<hbm>>
          tpu.wait_dma2 semaphore(%arg23 : memref<!tpu.dma_semaphore, #tpu.memory_space<semaphore_mem>>) src(%arg10 : memref<59x59xf32, #tpu.memory_space<vmem>>) dst(%dma_wait3A_2006 : memref<59x59xf32, #tpu.memory_space<hbm>>)
        } else {
        }
        %scan3A_1986 = arith.constant 0 : i32
        %scan3A_1987 = arith.constant 0 : i32
        %scan3A_1988 = arith.constant 59 : i32
        %scan3A_1989 = arith.addi %scan3A_1987, %scan3A_1988 : i32
        %scan3A_1990 = arith.constant 1 : i32
        scf.for %scan3A_1997 = %scan3A_1987 to %scan3A_1989 step %scan3A_1990  : i32 {
          %add3A_1998 = arith.constant 0 : i32
          %add3A_1999 = vector.broadcast %add3A_1998 : i32 to vector<16xi32>
          %add3A_2000 = arith.addi %iota3A, %add3A_1999 : vector<16xi32>
          %add3A_2001 = arith.constant 29 : i32
          %add3A_2002 = arith.addi %scan3A_1997, %add3A_2001 : i32
          %sub3A_2003 = arith.constant 0 : i32
          %sub3A_2004 = arith.subi %add3A_2002, %sub3A_2003 : i32
          %sub3A_2005 = vector.broadcast %sub3A_2004 : i32 to vector<16xi32>
          %sub3A_2006 = arith.subi %sub3A_2005, %iota3A : vector<16xi32>
          %ge3A_2007 = arith.constant 0 : i32
          %ge3A_2008 = vector.broadcast %ge3A_2007 : i32 to vector<16xi32>
          %ge3A_2009 = arith.cmpi sge, %sub3A_2006, %ge3A_2008 : vector<16xi32>
          %lt3A_2010 = arith.constant 59 : i32
          %lt3A_2011 = vector.broadcast %lt3A_2010 : i32 to vector<16xi32>
          %lt3A_2012 = arith.cmpi slt, %sub3A_2006, %lt3A_2011 : vector<16xi32>
          %and3A_2013 = arith.andi %ge3A_2009, %lt3A_2012 : vector<16xi1>
          %jit3A_2014 = arith.constant 0 : i32
          %broadcast_in_dim3A_2015 = vector.broadcast %jit3A_2014 : i32 to vector<16xi32>
          %select_n3A_2016 = arith.select %and3A_2013, %sub3A_2006, %broadcast_in_dim3A_2015 : vector<16xi1>, vector<16xi32>
          %gather3A = tpu.vector_load_idx %arg4[%select_n3A_2016, %add3A_2000] : memref<59x59xf32, #tpu.memory_space<vmem>>[vector<16xi32>, vector<16xi32>], vector<16xf32>,
          %jit3A_2017 = arith.constant 0.000000e+00 : f32
          %broadcast_in_dim3A_2018 = vector.broadcast %jit3A_2017 : f32 to vector<16xf32>
          %select_n3A_2019 = arith.select %and3A_2013, %gather3A, %broadcast_in_dim3A_2018 : vector<16xi1>, vector<16xf32>
          %swap3A = arith.index_cast %scan3A_1997 : i32 to index
          %swap3A_2020 = arith.constant 0 : index
          %swap3A_2021 = tpu.vector_load %arg10[%swap3A, %swap3A_2020] {strides = array<i32>} : memref<59x59xf32, #tpu.memory_space<vmem>>, vector<16xf32>,
          tpu.vector_store %arg10[%swap3A, %swap3A_2020], %select_n3A_2019 {strides = array<i32>} : memref<59x59xf32, #tpu.memory_space<vmem>>, vector<16xf32>,
          %add3A_2022 = arith.constant 16 : i32
          %add3A_2023 = vector.broadcast %add3A_2022 : i32 to vector<16xi32>
          %add3A_2024 = arith.addi %iota3A, %add3A_2023 : vector<16xi32>
          %add3A_2025 = arith.constant 29 : i32
          %add3A_2026 = arith.addi %scan3A_1997, %add3A_2025 : i32
          %sub3A_2027 = arith.constant 16 : i32
          %sub3A_2028 = arith.subi %add3A_2026, %sub3A_2027 : i32
          %sub3A_2029 = vector.broadcast %sub3A_2028 : i32 to vector<16xi32>
          %sub3A_2030 = arith.subi %sub3A_2029, %iota3A : vector<16xi32>
          %ge3A_2031 = arith.constant 0 : i32
          %ge3A_2032 = vector.broadcast %ge3A_2031 : i32 to vector<16xi32>
          %ge3A_2033 = arith.cmpi sge, %sub3A_2030, %ge3A_2032 : vector<16xi32>
          %lt3A_2034 = arith.constant 59 : i32
          %lt3A_2035 = vector.broadcast %lt3A_2034 : i32 to vector<16xi32>
          %lt3A_2036 = arith.cmpi slt, %sub3A_2030, %lt3A_2035 : vector<16xi32>
          %and3A_2037 = arith.andi %ge3A_2033, %lt3A_2036 : vector<16xi1>
          %jit3A_2038 = arith.constant 0 : i32
          %broadcast_in_dim3A_2039 = vector.broadcast %jit3A_2038 : i32 to vector<16xi32>
          %select_n3A_2040 = arith.select %and3A_2037, %sub3A_2030, %broadcast_in_dim3A_2039 : vector<16xi1>, vector<16xi32>
          %gather3A_2041 = tpu.vector_load_idx %arg4[%select_n3A_2040, %add3A_2024] : memref<59x59xf32, #tpu.memory_space<vmem>>[vector<16xi32>, vector<16xi32>], vector<16xf32>,
          %jit3A_2042 = arith.constant 0.000000e+00 : f32
          %broadcast_in_dim3A_2043 = vector.broadcast %jit3A_2042 : f32 to vector<16xf32>
          %select_n3A_2044 = arith.select %and3A_2037, %gather3A_2041, %broadcast_in_dim3A_2043 : vector<16xi1>, vector<16xf32>
          %swap3A_2045 = arith.index_cast %scan3A_1997 : i32 to index
          %swap3A_2046 = arith.constant 16 : index
          %swap3A_2047 = tpu.vector_load %arg10[%swap3A_2045, %swap3A_2046] {strides = array<i32>} : memref<59x59xf32, #tpu.memory_space<vmem>>, vector<16xf32>,
          tpu.vector_store %arg10[%swap3A_2045, %swap3A_2046], %select_n3A_2044 {strides = array<i32>} : memref<59x59xf32, #tpu.memory_space<vmem>>, vector<16xf32>,
          %add3A_2048 = arith.constant 32 : i32
          %add3A_2049 = vector.broadcast %add3A_2048 : i32 to vector<16xi32>
          %add3A_2050 = arith.addi %iota3A, %add3A_2049 : vector<16xi32>
          %add3A_2051 = arith.constant 29 : i32
          %add3A_2052 = arith.addi %scan3A_1997, %add3A_2051 : i32
          %sub3A_2053 = arith.constant 32 : i32
          %sub3A_2054 = arith.subi %add3A_2052, %sub3A_2053 : i32
          %sub3A_2055 = vector.broadcast %sub3A_2054 : i32 to vector<16xi32>
          %sub3A_2056 = arith.subi %sub3A_2055, %iota3A : vector<16xi32>
          %ge3A_2057 = arith.constant 0 : i32
          %ge3A_2058 = vector.broadcast %ge3A_2057 : i32 to vector<16xi32>
          %ge3A_2059 = arith.cmpi sge, %sub3A_2056, %ge3A_2058 : vector<16xi32>
          %lt3A_2060 = arith.constant 59 : i32
          %lt3A_2061 = vector.broadcast %lt3A_2060 : i32 to vector<16xi32>
          %lt3A_2062 = arith.cmpi slt, %sub3A_2056, %lt3A_2061 : vector<16xi32>
          %and3A_2063 = arith.andi %ge3A_2059, %lt3A_2062 : vector<16xi1>
          %jit3A_2064 = arith.constant 0 : i32
          %broadcast_in_dim3A_2065 = vector.broadcast %jit3A_2064 : i32 to vector<16xi32>
          %select_n3A_2066 = arith.select %and3A_2063, %sub3A_2056, %broadcast_in_dim3A_2065 : vector<16xi1>, vector<16xi32>
          %gather3A_2067 = tpu.vector_load_idx %arg4[%select_n3A_2066, %add3A_2050] : memref<59x59xf32, #tpu.memory_space<vmem>>[vector<16xi32>, vector<16xi32>], vector<16xf32>,
          %jit3A_2068 = arith.constant 0.000000e+00 : f32
          %broadcast_in_dim3A_2069 = vector.broadcast %jit3A_2068 : f32 to vector<16xf32>
          %select_n3A_2070 = arith.select %and3A_2063, %gather3A_2067, %broadcast_in_dim3A_2069 : vector<16xi1>, vector<16xf32>
          %swap3A_2071 = arith.index_cast %scan3A_1997 : i32 to index
          %swap3A_2072 = arith.constant 32 : index
          %swap3A_2073 = tpu.vector_load %arg10[%swap3A_2071, %swap3A_2072] {strides = array<i32>} : memref<59x59xf32, #tpu.memory_space<vmem>>, vector<16xf32>,
          tpu.vector_store %arg10[%swap3A_2071, %swap3A_2072], %select_n3A_2070 {strides = array<i32>} : memref<59x59xf32, #tpu.memory_space<vmem>>, vector<16xf32>,
          %add3A_2074 = arith.constant 43 : i32
          %add3A_2075 = vector.broadcast %add3A_2074 : i32 to vector<16xi32>
          %add3A_2076 = arith.addi %iota3A, %add3A_2075 : vector<16xi32>
          %add3A_2077 = arith.constant 29 : i32
          %add3A_2078 = arith.addi %scan3A_1997, %add3A_2077 : i32
          %sub3A_2079 = arith.constant 43 : i32
          %sub3A_2080 = arith.subi %add3A_2078, %sub3A_2079 : i32
          %sub3A_2081 = vector.broadcast %sub3A_2080 : i32 to vector<16xi32>
          %sub3A_2082 = arith.subi %sub3A_2081, %iota3A : vector<16xi32>
          %ge3A_2083 = arith.constant 0 : i32
          %ge3A_2084 = vector.broadcast %ge3A_2083 : i32 to vector<16xi32>
          %ge3A_2085 = arith.cmpi sge, %sub3A_2082, %ge3A_2084 : vector<16xi32>
          %lt3A_2086 = arith.constant 59 : i32
          %lt3A_2087 = vector.broadcast %lt3A_2086 : i32 to vector<16xi32>
          %lt3A_2088 = arith.cmpi slt, %sub3A_2082, %lt3A_2087 : vector<16xi32>
          %and3A_2089 = arith.andi %ge3A_2085, %lt3A_2088 : vector<16xi1>
          %jit3A_2090 = arith.constant 0 : i32
          %broadcast_in_dim3A_2091 = vector.broadcast %jit3A_2090 : i32 to vector<16xi32>
          %select_n3A_2092 = arith.select %and3A_2089, %sub3A_2082, %broadcast_in_dim3A_2091 : vector<16xi1>, vector<16xi32>
          %gather3A_2093 = tpu.vector_load_idx %arg4[%select_n3A_2092, %add3A_2076] : memref<59x59xf32, #tpu.memory_space<vmem>>[vector<16xi32>, vector<16xi32>], vector<16xf32>,
          %jit3A_2094 = arith.constant 0.000000e+00 : f32
          %broadcast_in_dim3A_2095 = vector.broadcast %jit3A_2094 : f32 to vector<16xf32>
          %select_n3A_2096 = arith.select %and3A_2089, %gather3A_2093, %broadcast_in_dim3A_2095 : vector<16xi1>, vector<16xf32>
          %swap3A_2097 = arith.index_cast %scan3A_1997 : i32 to index
          %swap3A_2098 = arith.constant 43 : index
          %swap3A_2099 = tpu.vector_load %arg10[%swap3A_2097, %swap3A_2098] {strides = array<i32>} : memref<59x59xf32, #tpu.memory_space<vmem>>, vector<16xf32>,
          tpu.vector_store %arg10[%swap3A_2097, %swap3A_2098], %select_n3A_2096 {strides = array<i32>} : memref<59x59xf32, #tpu.memory_space<vmem>>, vector<16xf32>,
        }
        %scan3A_1991 = arith.constant 59 : i32
        %dma_start3A = arith.constant 0 : i32
        %dma_start3A_1992 = tpu.memref_slice %arg3[%select_n3A_688, %mul3A_762, %select_n3A_744, %dma_start3A] : memref<2x3481x59x59xf32, #tpu.memory_space<hbm>> -> memref<1x59x1x59xf32, #tpu.memory_space<hbm>>
        %dma_start3A_1993 = tpu.memref_squeeze %dma_start3A_1992 : memref<1x59x1x59xf32, #tpu.memory_space<hbm>> -> memref<59x59xf32, #tpu.memory_space<hbm>>
        %dma_start3A_1994 = arith.constant 0 : i32
        %dma_start3A_1995 = tpu.memref_slice %arg3[%select_n3A_688, %mul3A_762, %select_n3A_744, %dma_start3A_1994] : memref<2x3481x59x59xf32, #tpu.memory_space<hbm>> -> memref<1x59x1x59xf32, #tpu.memory_space<hbm>>
        %dma_start3A_1996 = tpu.memref_squeeze %dma_start3A_1995 : memref<1x59x1x59xf32, #tpu.memory_space<hbm>> -> memref<59x59xf32, #tpu.memory_space<hbm>>
        tpu.enqueue_dma source(%arg10 : memref<59x59xf32, #tpu.memory_space<vmem>>) target(%dma_start3A_1996 : memref<59x59xf32, #tpu.memory_space<hbm>>) target_semaphore(%arg23 : memref<!tpu.dma_semaphore, #tpu.memory_space<semaphore_mem>>)
      } else {
      }
      %convert_element_type3A_766 = arith.extui %and3A_760 : i1 to i32
      %cond3A_767 = arith.constant 0 : i32
      %cond3A_768 = arith.cmpi ne, %convert_element_type3A_766, %cond3A_767 : i32
      scf.if %cond3A_768 {
        %dma_start3A = arith.constant 0 : i32
        %dma_start3A_1972 = tpu.memref_slice %arg3[%select_n3A_688, %mul3A_762, %select_n3A_744, %dma_start3A] : memref<2x3481x59x59xf32, #tpu.memory_space<hbm>> -> memref<1x59x1x59xf32, #tpu.memory_space<hbm>>
        %dma_start3A_1973 = tpu.memref_squeeze %dma_start3A_1972 : memref<1x59x1x59xf32, #tpu.memory_space<hbm>> -> memref<59x59xf32, #tpu.memory_space<hbm>>
        %dma_start3A_1974 = arith.constant 0 : i32
        %dma_start3A_1975 = tpu.memref_slice %arg3[%select_n3A_688, %mul3A_762, %select_n3A_744, %dma_start3A_1974] : memref<2x3481x59x59xf32, #tpu.memory_space<hbm>> -> memref<1x59x1x59xf32, #tpu.memory_space<hbm>>
        %dma_start3A_1976 = tpu.memref_squeeze %dma_start3A_1975 : memref<1x59x1x59xf32, #tpu.memory_space<hbm>> -> memref<59x59xf32, #tpu.memory_space<hbm>>
        tpu.enqueue_dma source(%arg16 : memref<59x59xf32, #tpu.memory_space<vmem>>) target(%dma_start3A_1976 : memref<59x59xf32, #tpu.memory_space<hbm>>) target_semaphore(%arg29 : memref<!tpu.dma_semaphore, #tpu.memory_space<semaphore_mem>>)
      } else {
      }
      %add3A_769 = arith.constant 6 : i32
      %add3A_770 = arith.addi %add3A_661, %add3A_769 : i32
      %mul3A_771 = arith.constant 32 : i32
      %mul3A_772 = arith.muli %mul3A_771, %add3A_770 : i32
      %add3A_773 = arith.addi %add3A, %mul3A_772 : i32
      %jit3A_774 = arith.constant 3481 : i32
      %div3A_775 = arith.divsi %add3A_773, %jit3A_774 : i32
      %sign3A_776 = arith.constant 0 : i32
      %sign3A_777 = arith.cmpi sgt, %add3A_773, %sign3A_776 : i32
      %sign3A_778 = arith.extui %sign3A_777 : i1 to i32
      %sign3A_779 = arith.constant 0 : i32
      %sign3A_780 = arith.cmpi slt, %add3A_773, %sign3A_779 : i32
      %sign3A_781 = arith.extui %sign3A_780 : i1 to i32
      %sign3A_782 = arith.subi %sign3A_778, %sign3A_781 : i32
      %sign3A_783 = arith.constant 0 : i32
      %sign3A_784 = arith.cmpi sgt, %jit3A_774, %sign3A_783 : i32
      %sign3A_785 = arith.extui %sign3A_784 : i1 to i32
      %sign3A_786 = arith.constant 0 : i32
      %sign3A_787 = arith.cmpi slt, %jit3A_774, %sign3A_786 : i32
      %sign3A_788 = arith.extui %sign3A_787 : i1 to i32
      %sign3A_789 = arith.subi %sign3A_785, %sign3A_788 : i32
      %ne3A_790 = arith.cmpi ne, %sign3A_782, %sign3A_789 : i32
      %rem3A_791 = arith.remsi %add3A_773, %jit3A_774 : i32
      %ne3A_792 = arith.constant 0 : i32
      %ne3A_793 = arith.cmpi ne, %rem3A_791, %ne3A_792 : i32
      %and3A_794 = arith.andi %ne3A_790, %ne3A_793 : i1
      %sub3A_795 = arith.constant 1 : i32
      %sub3A_796 = arith.subi %div3A_775, %sub3A_795 : i32
      %select_n3A_797 = arith.select %and3A_794, %sub3A_796, %div3A_775 : i32
      %jit3A_798 = arith.constant 3481 : i32
      %eq3A_799 = arith.constant 0 : i32
      %eq3A_800 = arith.cmpi eq, %jit3A_798, %eq3A_799 : i32
      %jit3A_801 = arith.constant 1 : i32
      %select_n3A_802 = arith.select %eq3A_800, %jit3A_801, %jit3A_798 : i32
      %rem3A_803 = arith.remsi %add3A_773, %select_n3A_802 : i32
      %ne3A_804 = arith.constant 0 : i32
      %ne3A_805 = arith.cmpi ne, %rem3A_803, %ne3A_804 : i32
      %lt3A_806 = arith.constant 0 : i32
      %lt3A_807 = arith.cmpi slt, %rem3A_803, %lt3A_806 : i32
      %lt3A_808 = arith.constant 0 : i32
      %lt3A_809 = arith.cmpi slt, %select_n3A_802, %lt3A_808 : i32
      %ne3A_810 = arith.xori %lt3A_807, %lt3A_809 : i1
      %and3A_811 = arith.andi %ne3A_810, %ne3A_805 : i1
      %add3A_812 = arith.addi %rem3A_803, %select_n3A_802 : i32
      %select_n3A_813 = arith.select %and3A_811, %add3A_812, %rem3A_803 : i32
      %jit3A_814 = arith.constant 59 : i32
      %div3A_815 = arith.divsi %select_n3A_813, %jit3A_814 : i32
      %sign3A_816 = arith.constant 0 : i32
      %sign3A_817 = arith.cmpi sgt, %select_n3A_813, %sign3A_816 : i32
      %sign3A_818 = arith.extui %sign3A_817 : i1 to i32
      %sign3A_819 = arith.constant 0 : i32
      %sign3A_820 = arith.cmpi slt, %select_n3A_813, %sign3A_819 : i32
      %sign3A_821 = arith.extui %sign3A_820 : i1 to i32
      %sign3A_822 = arith.subi %sign3A_818, %sign3A_821 : i32
      %sign3A_823 = arith.constant 0 : i32
      %sign3A_824 = arith.cmpi sgt, %jit3A_814, %sign3A_823 : i32
      %sign3A_825 = arith.extui %sign3A_824 : i1 to i32
      %sign3A_826 = arith.constant 0 : i32
      %sign3A_827 = arith.cmpi slt, %jit3A_814, %sign3A_826 : i32
      %sign3A_828 = arith.extui %sign3A_827 : i1 to i32
      %sign3A_829 = arith.subi %sign3A_825, %sign3A_828 : i32
      %ne3A_830 = arith.cmpi ne, %sign3A_822, %sign3A_829 : i32
      %rem3A_831 = arith.remsi %select_n3A_813, %jit3A_814 : i32
      %ne3A_832 = arith.constant 0 : i32
      %ne3A_833 = arith.cmpi ne, %rem3A_831, %ne3A_832 : i32
      %and3A_834 = arith.andi %ne3A_830, %ne3A_833 : i1
      %sub3A_835 = arith.constant 1 : i32
      %sub3A_836 = arith.subi %div3A_815, %sub3A_835 : i32
      %select_n3A_837 = arith.select %and3A_834, %sub3A_836, %div3A_815 : i32
      %jit3A_838 = arith.constant 59 : i32
      %eq3A_839 = arith.constant 0 : i32
      %eq3A_840 = arith.cmpi eq, %jit3A_838, %eq3A_839 : i32
      %jit3A_841 = arith.constant 1 : i32
      %select_n3A_842 = arith.select %eq3A_840, %jit3A_841, %jit3A_838 : i32
      %rem3A_843 = arith.remsi %select_n3A_813, %select_n3A_842 : i32
      %ne3A_844 = arith.constant 0 : i32
      %ne3A_845 = arith.cmpi ne, %rem3A_843, %ne3A_844 : i32
      %lt3A_846 = arith.constant 0 : i32
      %lt3A_847 = arith.cmpi slt, %rem3A_843, %lt3A_846 : i32
      %lt3A_848 = arith.constant 0 : i32
      %lt3A_849 = arith.cmpi slt, %select_n3A_842, %lt3A_848 : i32
      %ne3A_850 = arith.xori %lt3A_847, %lt3A_849 : i1
      %and3A_851 = arith.andi %ne3A_850, %ne3A_845 : i1
      %add3A_852 = arith.addi %rem3A_843, %select_n3A_842 : i32
      %select_n3A_853 = arith.select %and3A_851, %add3A_852, %rem3A_843 : i32
      %add3A_854 = arith.constant 29 : i32
      %add3A_855 = arith.addi %select_n3A_837, %add3A_854 : i32
      %sub3A_856 = arith.subi %add3A_855, %select_n3A_853 : i32
      %lt3A_857 = arith.constant 6962 : i32
      %lt3A_858 = arith.cmpi slt, %add3A_773, %lt3A_857 : i32
      %ge3A_859 = arith.constant 0 : i32
      %ge3A_860 = arith.cmpi sge, %sub3A_856, %ge3A_859 : i32
      %and3A_861 = arith.andi %lt3A_858, %ge3A_860 : i1
      %lt3A_862 = arith.constant 59 : i32
      %lt3A_863 = arith.cmpi slt, %sub3A_856, %lt3A_862 : i32
      %and3A_864 = arith.andi %and3A_861, %lt3A_863 : i1
      %lt3A_865 = arith.constant 6962 : i32
      %lt3A_866 = arith.cmpi slt, %add3A_773, %lt3A_865 : i32
      %not3A_867 = arith.constant true
      %not3A_868 = arith.xori %and3A_864, %not3A_867 : i1
      %and3A_869 = arith.andi %lt3A_866, %not3A_868 : i1
      %convert_element_type3A_870 = arith.extui %and3A_864 : i1 to i32
      %cond3A_871 = arith.constant 0 : i32
      %cond3A_872 = arith.cmpi ne, %convert_element_type3A_870, %cond3A_871 : i32
      scf.if %cond3A_872 {
        %mul3A_1972 = arith.constant 59 : i32
        %mul3A_1973 = arith.muli %mul3A_1972, %sub3A_856 : i32
        %dma_start3A = arith.constant 0 : i32
        %dma_start3A_1974 = tpu.memref_slice %arg2[%select_n3A_797, %mul3A_1973, %select_n3A_853, %dma_start3A] : memref<2x3481x59x59xf32, #tpu.memory_space<hbm>> -> memref<1x59x1x59xf32, #tpu.memory_space<hbm>>
        %dma_start3A_1975 = tpu.memref_squeeze %dma_start3A_1974 : memref<1x59x1x59xf32, #tpu.memory_space<hbm>> -> memref<59x59xf32, #tpu.memory_space<hbm>>
        %dma_start3A_1976 = arith.constant 0 : i32
        %dma_start3A_1977 = tpu.memref_slice %arg2[%select_n3A_797, %mul3A_1973, %select_n3A_853, %dma_start3A_1976] : memref<2x3481x59x59xf32, #tpu.memory_space<hbm>> -> memref<1x59x1x59xf32, #tpu.memory_space<hbm>>
        %dma_start3A_1978 = tpu.memref_squeeze %dma_start3A_1977 : memref<1x59x1x59xf32, #tpu.memory_space<hbm>> -> memref<59x59xf32, #tpu.memory_space<hbm>>
        tpu.enqueue_dma source(%dma_start3A_1978 : memref<59x59xf32, #tpu.memory_space<hbm>>) target(%arg4 : memref<59x59xf32, #tpu.memory_space<vmem>>) target_semaphore(%arg17 : memref<!tpu.dma_semaphore, #tpu.memory_space<semaphore_mem>>)
      } else {
      }
      %jit3A_873 = arith.constant 1 : i32
      %select_n3A_874 = arith.select %and3A_755, %jit3A_873, %scan3A_651 : i32
      %convert_element_type3A_875 = arith.extui %and3A_760 : i1 to i32
      %add3A_876 = arith.addi %scan3A_657, %convert_element_type3A_875 : i32
      %mul3A_877 = arith.constant 6 : i32
      %mul3A_878 = arith.muli %mul3A_877, %scan3A_650 : i32
      %add3A_879 = arith.constant 1 : i32
      %add3A_880 = arith.addi %mul3A_878, %add3A_879 : i32
      %mul3A_881 = arith.constant 32 : i32
      %mul3A_882 = arith.muli %mul3A_881, %add3A_880 : i32
      %add3A_883 = arith.addi %add3A, %mul3A_882 : i32
      %jit3A_884 = arith.constant 3481 : i32
      %div3A_885 = arith.divsi %add3A_883, %jit3A_884 : i32
      %sign3A_886 = arith.constant 0 : i32
      %sign3A_887 = arith.cmpi sgt, %add3A_883, %sign3A_886 : i32
      %sign3A_888 = arith.extui %sign3A_887 : i1 to i32
      %sign3A_889 = arith.constant 0 : i32
      %sign3A_890 = arith.cmpi slt, %add3A_883, %sign3A_889 : i32
      %sign3A_891 = arith.extui %sign3A_890 : i1 to i32
      %sign3A_892 = arith.subi %sign3A_888, %sign3A_891 : i32
      %sign3A_893 = arith.constant 0 : i32
      %sign3A_894 = arith.cmpi sgt, %jit3A_884, %sign3A_893 : i32
      %sign3A_895 = arith.extui %sign3A_894 : i1 to i32
      %sign3A_896 = arith.constant 0 : i32
      %sign3A_897 = arith.cmpi slt, %jit3A_884, %sign3A_896 : i32
      %sign3A_898 = arith.extui %sign3A_897 : i1 to i32
      %sign3A_899 = arith.subi %sign3A_895, %sign3A_898 : i32
      %ne3A_900 = arith.cmpi ne, %sign3A_892, %sign3A_899 : i32
      %rem3A_901 = arith.remsi %add3A_883, %jit3A_884 : i32
      %ne3A_902 = arith.constant 0 : i32
      %ne3A_903 = arith.cmpi ne, %rem3A_901, %ne3A_902 : i32
      %and3A_904 = arith.andi %ne3A_900, %ne3A_903 : i1
      %sub3A_905 = arith.constant 1 : i32
      %sub3A_906 = arith.subi %div3A_885, %sub3A_905 : i32
      %select_n3A_907 = arith.select %and3A_904, %sub3A_906, %div3A_885 : i32
      %jit3A_908 = arith.constant 3481 : i32
      %eq3A_909 = arith.constant 0 : i32
      %eq3A_910 = arith.cmpi eq, %jit3A_908, %eq3A_909 : i32
      %jit3A_911 = arith.constant 1 : i32
      %select_n3A_912 = arith.select %eq3A_910, %jit3A_911, %jit3A_908 : i32
      %rem3A_913 = arith.remsi %add3A_883, %select_n3A_912 : i32
      %ne3A_914 = arith.constant 0 : i32
      %ne3A_915 = arith.cmpi ne, %rem3A_913, %ne3A_914 : i32
      %lt3A_916 = arith.constant 0 : i32
      %lt3A_917 = arith.cmpi slt, %rem3A_913, %lt3A_916 : i32
      %lt3A_918 = arith.constant 0 : i32
      %lt3A_919 = arith.cmpi slt, %select_n3A_912, %lt3A_918 : i32
      %ne3A_920 = arith.xori %lt3A_917, %lt3A_919 : i1
      %and3A_921 = arith.andi %ne3A_920, %ne3A_915 : i1
      %add3A_922 = arith.addi %rem3A_913, %select_n3A_912 : i32
      %select_n3A_923 = arith.select %and3A_921, %add3A_922, %rem3A_913 : i32
      %jit3A_924 = arith.constant 59 : i32
      %div3A_925 = arith.divsi %select_n3A_923, %jit3A_924 : i32
      %sign3A_926 = arith.constant 0 : i32
      %sign3A_927 = arith.cmpi sgt, %select_n3A_923, %sign3A_926 : i32
      %sign3A_928 = arith.extui %sign3A_927 : i1 to i32
      %sign3A_929 = arith.constant 0 : i32
      %sign3A_930 = arith.cmpi slt, %select_n3A_923, %sign3A_929 : i32
      %sign3A_931 = arith.extui %sign3A_930 : i1 to i32
      %sign3A_932 = arith.subi %sign3A_928, %sign3A_931 : i32
      %sign3A_933 = arith.constant 0 : i32
      %sign3A_934 = arith.cmpi sgt, %jit3A_924, %sign3A_933 : i32
      %sign3A_935 = arith.extui %sign3A_934 : i1 to i32
      %sign3A_936 = arith.constant 0 : i32
      %sign3A_937 = arith.cmpi slt, %jit3A_924, %sign3A_936 : i32
      %sign3A_938 = arith.extui %sign3A_937 : i1 to i32
      %sign3A_939 = arith.subi %sign3A_935, %sign3A_938 : i32
      %ne3A_940 = arith.cmpi ne, %sign3A_932, %sign3A_939 : i32
      %rem3A_941 = arith.remsi %select_n3A_923, %jit3A_924 : i32
      %ne3A_942 = arith.constant 0 : i32
      %ne3A_943 = arith.cmpi ne, %rem3A_941, %ne3A_942 : i32
      %and3A_944 = arith.andi %ne3A_940, %ne3A_943 : i1
      %sub3A_945 = arith.constant 1 : i32
      %sub3A_946 = arith.subi %div3A_925, %sub3A_945 : i32
      %select_n3A_947 = arith.select %and3A_944, %sub3A_946, %div3A_925 : i32
      %jit3A_948 = arith.constant 59 : i32
      %eq3A_949 = arith.constant 0 : i32
      %eq3A_950 = arith.cmpi eq, %jit3A_948, %eq3A_949 : i32
      %jit3A_951 = arith.constant 1 : i32
      %select_n3A_952 = arith.select %eq3A_950, %jit3A_951, %jit3A_948 : i32
      %rem3A_953 = arith.remsi %select_n3A_923, %select_n3A_952 : i32
      %ne3A_954 = arith.constant 0 : i32
      %ne3A_955 = arith.cmpi ne, %rem3A_953, %ne3A_954 : i32
      %lt3A_956 = arith.constant 0 : i32
      %lt3A_957 = arith.cmpi slt, %rem3A_953, %lt3A_956 : i32
      %lt3A_958 = arith.constant 0 : i32
      %lt3A_959 = arith.cmpi slt, %select_n3A_952, %lt3A_958 : i32
      %ne3A_960 = arith.xori %lt3A_957, %lt3A_959 : i1
      %and3A_961 = arith.andi %ne3A_960, %ne3A_955 : i1
      %add3A_962 = arith.addi %rem3A_953, %select_n3A_952 : i32
      %select_n3A_963 = arith.select %and3A_961, %add3A_962, %rem3A_953 : i32
      %add3A_964 = arith.constant 29 : i32
      %add3A_965 = arith.addi %select_n3A_947, %add3A_964 : i32
      %sub3A_966 = arith.subi %add3A_965, %select_n3A_963 : i32
      %lt3A_967 = arith.constant 6962 : i32
      %lt3A_968 = arith.cmpi slt, %add3A_883, %lt3A_967 : i32
      %ge3A_969 = arith.constant 0 : i32
      %ge3A_970 = arith.cmpi sge, %sub3A_966, %ge3A_969 : i32
      %and3A_971 = arith.andi %lt3A_968, %ge3A_970 : i1
      %lt3A_972 = arith.constant 59 : i32
      %lt3A_973 = arith.cmpi slt, %sub3A_966, %lt3A_972 : i32
      %and3A_974 = arith.andi %and3A_971, %lt3A_973 : i1
      %lt3A_975 = arith.constant 6962 : i32
      %lt3A_976 = arith.cmpi slt, %add3A_883, %lt3A_975 : i32
      %not3A_977 = arith.constant true
      %not3A_978 = arith.xori %and3A_974, %not3A_977 : i1
      %and3A_979 = arith.andi %lt3A_976, %not3A_978 : i1
      %mul3A_980 = arith.constant 59 : i32
      %mul3A_981 = arith.muli %mul3A_980, %select_n3A_947 : i32
      %convert_element_type3A_982 = arith.extui %and3A_974 : i1 to i32
      %cond3A_983 = arith.constant 0 : i32
      %cond3A_984 = arith.cmpi ne, %convert_element_type3A_982, %cond3A_983 : i32
      scf.if %cond3A_984 {
        %dma_wait3A = arith.constant 0 : i32
        %dma_wait3A_1972 = arith.constant 0 : i32
        %dma_wait3A_1973 = arith.constant 0 : i32
        %dma_wait3A_1974 = arith.constant 0 : i32
        %dma_wait3A_1975 = tpu.memref_slice %arg2[%dma_wait3A, %dma_wait3A_1973, %dma_wait3A_1972, %dma_wait3A_1974] : memref<2x3481x59x59xf32, #tpu.memory_space<hbm>> -> memref<1x59x1x59xf32, #tpu.memory_space<hbm>>
        %dma_wait3A_1976 = tpu.memref_squeeze %dma_wait3A_1975 : memref<1x59x1x59xf32, #tpu.memory_space<hbm>> -> memref<59x59xf32, #tpu.memory_space<hbm>>
        %dma_wait3A_1977 = arith.constant 0 : i32
        %dma_wait3A_1978 = arith.constant 0 : i32
        %dma_wait3A_1979 = tpu.memref_slice %arg2[%dma_wait3A, %dma_wait3A_1977, %dma_wait3A_1972, %dma_wait3A_1978] : memref<2x3481x59x59xf32, #tpu.memory_space<hbm>> -> memref<1x59x1x59xf32, #tpu.memory_space<hbm>>
        %dma_wait3A_1980 = tpu.memref_squeeze %dma_wait3A_1979 : memref<1x59x1x59xf32, #tpu.memory_space<hbm>> -> memref<59x59xf32, #tpu.memory_space<hbm>>
        tpu.wait_dma2 semaphore(%arg18 : memref<!tpu.dma_semaphore, #tpu.memory_space<semaphore_mem>>) src(%dma_wait3A_1980 : memref<59x59xf32, #tpu.memory_space<hbm>>) dst(%arg5 : memref<59x59xf32, #tpu.memory_space<vmem>>)
        %gt3A_1981 = arith.constant 0 : i32
        %gt3A_1982 = arith.cmpi sgt, %scan3A_652, %gt3A_1981 : i32
        %convert_element_type3A_1983 = arith.extui %gt3A_1982 : i1 to i32
        %cond3A_1984 = arith.constant 0 : i32
        %cond3A_1985 = arith.cmpi ne, %convert_element_type3A_1983, %cond3A_1984 : i32
        scf.if %cond3A_1985 {
          %dma_wait3A_1997 = arith.constant 0 : i32
          %dma_wait3A_1998 = arith.constant 0 : i32
          %dma_wait3A_1999 = arith.constant 0 : i32
          %dma_wait3A_2000 = arith.constant 0 : i32
          %dma_wait3A_2001 = tpu.memref_slice %arg3[%dma_wait3A_1997, %dma_wait3A_1999, %dma_wait3A_1998, %dma_wait3A_2000] : memref<2x3481x59x59xf32, #tpu.memory_space<hbm>> -> memref<1x59x1x59xf32, #tpu.memory_space<hbm>>
          %dma_wait3A_2002 = tpu.memref_squeeze %dma_wait3A_2001 : memref<1x59x1x59xf32, #tpu.memory_space<hbm>> -> memref<59x59xf32, #tpu.memory_space<hbm>>
          %dma_wait3A_2003 = arith.constant 0 : i32
          %dma_wait3A_2004 = arith.constant 0 : i32
          %dma_wait3A_2005 = tpu.memref_slice %arg3[%dma_wait3A_1997, %dma_wait3A_2003, %dma_wait3A_1998, %dma_wait3A_2004] : memref<2x3481x59x59xf32, #tpu.memory_space<hbm>> -> memref<1x59x1x59xf32, #tpu.memory_space<hbm>>
          %dma_wait3A_2006 = tpu.memref_squeeze %dma_wait3A_2005 : memref<1x59x1x59xf32, #tpu.memory_space<hbm>> -> memref<59x59xf32, #tpu.memory_space<hbm>>
          tpu.wait_dma2 semaphore(%arg24 : memref<!tpu.dma_semaphore, #tpu.memory_space<semaphore_mem>>) src(%arg11 : memref<59x59xf32, #tpu.memory_space<vmem>>) dst(%dma_wait3A_2006 : memref<59x59xf32, #tpu.memory_space<hbm>>)
        } else {
        }
        %scan3A_1986 = arith.constant 0 : i32
        %scan3A_1987 = arith.constant 0 : i32
        %scan3A_1988 = arith.constant 59 : i32
        %scan3A_1989 = arith.addi %scan3A_1987, %scan3A_1988 : i32
        %scan3A_1990 = arith.constant 1 : i32
        scf.for %scan3A_1997 = %scan3A_1987 to %scan3A_1989 step %scan3A_1990  : i32 {
          %add3A_1998 = arith.constant 0 : i32
          %add3A_1999 = vector.broadcast %add3A_1998 : i32 to vector<16xi32>
          %add3A_2000 = arith.addi %iota3A, %add3A_1999 : vector<16xi32>
          %add3A_2001 = arith.constant 29 : i32
          %add3A_2002 = arith.addi %scan3A_1997, %add3A_2001 : i32
          %sub3A_2003 = arith.constant 0 : i32
          %sub3A_2004 = arith.subi %add3A_2002, %sub3A_2003 : i32
          %sub3A_2005 = vector.broadcast %sub3A_2004 : i32 to vector<16xi32>
          %sub3A_2006 = arith.subi %sub3A_2005, %iota3A : vector<16xi32>
          %ge3A_2007 = arith.constant 0 : i32
          %ge3A_2008 = vector.broadcast %ge3A_2007 : i32 to vector<16xi32>
          %ge3A_2009 = arith.cmpi sge, %sub3A_2006, %ge3A_2008 : vector<16xi32>
          %lt3A_2010 = arith.constant 59 : i32
          %lt3A_2011 = vector.broadcast %lt3A_2010 : i32 to vector<16xi32>
          %lt3A_2012 = arith.cmpi slt, %sub3A_2006, %lt3A_2011 : vector<16xi32>
          %and3A_2013 = arith.andi %ge3A_2009, %lt3A_2012 : vector<16xi1>
          %jit3A_2014 = arith.constant 0 : i32
          %broadcast_in_dim3A_2015 = vector.broadcast %jit3A_2014 : i32 to vector<16xi32>
          %select_n3A_2016 = arith.select %and3A_2013, %sub3A_2006, %broadcast_in_dim3A_2015 : vector<16xi1>, vector<16xi32>
          %gather3A = tpu.vector_load_idx %arg5[%select_n3A_2016, %add3A_2000] : memref<59x59xf32, #tpu.memory_space<vmem>>[vector<16xi32>, vector<16xi32>], vector<16xf32>,
          %jit3A_2017 = arith.constant 0.000000e+00 : f32
          %broadcast_in_dim3A_2018 = vector.broadcast %jit3A_2017 : f32 to vector<16xf32>
          %select_n3A_2019 = arith.select %and3A_2013, %gather3A, %broadcast_in_dim3A_2018 : vector<16xi1>, vector<16xf32>
          %swap3A = arith.index_cast %scan3A_1997 : i32 to index
          %swap3A_2020 = arith.constant 0 : index
          %swap3A_2021 = tpu.vector_load %arg11[%swap3A, %swap3A_2020] {strides = array<i32>} : memref<59x59xf32, #tpu.memory_space<vmem>>, vector<16xf32>,
          tpu.vector_store %arg11[%swap3A, %swap3A_2020], %select_n3A_2019 {strides = array<i32>} : memref<59x59xf32, #tpu.memory_space<vmem>>, vector<16xf32>,
          %add3A_2022 = arith.constant 16 : i32
          %add3A_2023 = vector.broadcast %add3A_2022 : i32 to vector<16xi32>
          %add3A_2024 = arith.addi %iota3A, %add3A_2023 : vector<16xi32>
          %add3A_2025 = arith.constant 29 : i32
          %add3A_2026 = arith.addi %scan3A_1997, %add3A_2025 : i32
          %sub3A_2027 = arith.constant 16 : i32
          %sub3A_2028 = arith.subi %add3A_2026, %sub3A_2027 : i32
          %sub3A_2029 = vector.broadcast %sub3A_2028 : i32 to vector<16xi32>
          %sub3A_2030 = arith.subi %sub3A_2029, %iota3A : vector<16xi32>
          %ge3A_2031 = arith.constant 0 : i32
          %ge3A_2032 = vector.broadcast %ge3A_2031 : i32 to vector<16xi32>
          %ge3A_2033 = arith.cmpi sge, %sub3A_2030, %ge3A_2032 : vector<16xi32>
          %lt3A_2034 = arith.constant 59 : i32
          %lt3A_2035 = vector.broadcast %lt3A_2034 : i32 to vector<16xi32>
          %lt3A_2036 = arith.cmpi slt, %sub3A_2030, %lt3A_2035 : vector<16xi32>
          %and3A_2037 = arith.andi %ge3A_2033, %lt3A_2036 : vector<16xi1>
          %jit3A_2038 = arith.constant 0 : i32
          %broadcast_in_dim3A_2039 = vector.broadcast %jit3A_2038 : i32 to vector<16xi32>
          %select_n3A_2040 = arith.select %and3A_2037, %sub3A_2030, %broadcast_in_dim3A_2039 : vector<16xi1>, vector<16xi32>
          %gather3A_2041 = tpu.vector_load_idx %arg5[%select_n3A_2040, %add3A_2024] : memref<59x59xf32, #tpu.memory_space<vmem>>[vector<16xi32>, vector<16xi32>], vector<16xf32>,
          %jit3A_2042 = arith.constant 0.000000e+00 : f32
          %broadcast_in_dim3A_2043 = vector.broadcast %jit3A_2042 : f32 to vector<16xf32>
          %select_n3A_2044 = arith.select %and3A_2037, %gather3A_2041, %broadcast_in_dim3A_2043 : vector<16xi1>, vector<16xf32>
          %swap3A_2045 = arith.index_cast %scan3A_1997 : i32 to index
          %swap3A_2046 = arith.constant 16 : index
          %swap3A_2047 = tpu.vector_load %arg11[%swap3A_2045, %swap3A_2046] {strides = array<i32>} : memref<59x59xf32, #tpu.memory_space<vmem>>, vector<16xf32>,
          tpu.vector_store %arg11[%swap3A_2045, %swap3A_2046], %select_n3A_2044 {strides = array<i32>} : memref<59x59xf32, #tpu.memory_space<vmem>>, vector<16xf32>,
          %add3A_2048 = arith.constant 32 : i32
          %add3A_2049 = vector.broadcast %add3A_2048 : i32 to vector<16xi32>
          %add3A_2050 = arith.addi %iota3A, %add3A_2049 : vector<16xi32>
          %add3A_2051 = arith.constant 29 : i32
          %add3A_2052 = arith.addi %scan3A_1997, %add3A_2051 : i32
          %sub3A_2053 = arith.constant 32 : i32
          %sub3A_2054 = arith.subi %add3A_2052, %sub3A_2053 : i32
          %sub3A_2055 = vector.broadcast %sub3A_2054 : i32 to vector<16xi32>
          %sub3A_2056 = arith.subi %sub3A_2055, %iota3A : vector<16xi32>
          %ge3A_2057 = arith.constant 0 : i32
          %ge3A_2058 = vector.broadcast %ge3A_2057 : i32 to vector<16xi32>
          %ge3A_2059 = arith.cmpi sge, %sub3A_2056, %ge3A_2058 : vector<16xi32>
          %lt3A_2060 = arith.constant 59 : i32
          %lt3A_2061 = vector.broadcast %lt3A_2060 : i32 to vector<16xi32>
          %lt3A_2062 = arith.cmpi slt, %sub3A_2056, %lt3A_2061 : vector<16xi32>
          %and3A_2063 = arith.andi %ge3A_2059, %lt3A_2062 : vector<16xi1>
          %jit3A_2064 = arith.constant 0 : i32
          %broadcast_in_dim3A_2065 = vector.broadcast %jit3A_2064 : i32 to vector<16xi32>
          %select_n3A_2066 = arith.select %and3A_2063, %sub3A_2056, %broadcast_in_dim3A_2065 : vector<16xi1>, vector<16xi32>
          %gather3A_2067 = tpu.vector_load_idx %arg5[%select_n3A_2066, %add3A_2050] : memref<59x59xf32, #tpu.memory_space<vmem>>[vector<16xi32>, vector<16xi32>], vector<16xf32>,
          %jit3A_2068 = arith.constant 0.000000e+00 : f32
          %broadcast_in_dim3A_2069 = vector.broadcast %jit3A_2068 : f32 to vector<16xf32>
          %select_n3A_2070 = arith.select %and3A_2063, %gather3A_2067, %broadcast_in_dim3A_2069 : vector<16xi1>, vector<16xf32>
          %swap3A_2071 = arith.index_cast %scan3A_1997 : i32 to index
          %swap3A_2072 = arith.constant 32 : index
          %swap3A_2073 = tpu.vector_load %arg11[%swap3A_2071, %swap3A_2072] {strides = array<i32>} : memref<59x59xf32, #tpu.memory_space<vmem>>, vector<16xf32>,
          tpu.vector_store %arg11[%swap3A_2071, %swap3A_2072], %select_n3A_2070 {strides = array<i32>} : memref<59x59xf32, #tpu.memory_space<vmem>>, vector<16xf32>,
          %add3A_2074 = arith.constant 43 : i32
          %add3A_2075 = vector.broadcast %add3A_2074 : i32 to vector<16xi32>
          %add3A_2076 = arith.addi %iota3A, %add3A_2075 : vector<16xi32>
          %add3A_2077 = arith.constant 29 : i32
          %add3A_2078 = arith.addi %scan3A_1997, %add3A_2077 : i32
          %sub3A_2079 = arith.constant 43 : i32
          %sub3A_2080 = arith.subi %add3A_2078, %sub3A_2079 : i32
          %sub3A_2081 = vector.broadcast %sub3A_2080 : i32 to vector<16xi32>
          %sub3A_2082 = arith.subi %sub3A_2081, %iota3A : vector<16xi32>
          %ge3A_2083 = arith.constant 0 : i32
          %ge3A_2084 = vector.broadcast %ge3A_2083 : i32 to vector<16xi32>
          %ge3A_2085 = arith.cmpi sge, %sub3A_2082, %ge3A_2084 : vector<16xi32>
          %lt3A_2086 = arith.constant 59 : i32
          %lt3A_2087 = vector.broadcast %lt3A_2086 : i32 to vector<16xi32>
          %lt3A_2088 = arith.cmpi slt, %sub3A_2082, %lt3A_2087 : vector<16xi32>
          %and3A_2089 = arith.andi %ge3A_2085, %lt3A_2088 : vector<16xi1>
          %jit3A_2090 = arith.constant 0 : i32
          %broadcast_in_dim3A_2091 = vector.broadcast %jit3A_2090 : i32 to vector<16xi32>
          %select_n3A_2092 = arith.select %and3A_2089, %sub3A_2082, %broadcast_in_dim3A_2091 : vector<16xi1>, vector<16xi32>
          %gather3A_2093 = tpu.vector_load_idx %arg5[%select_n3A_2092, %add3A_2076] : memref<59x59xf32, #tpu.memory_space<vmem>>[vector<16xi32>, vector<16xi32>], vector<16xf32>,
          %jit3A_2094 = arith.constant 0.000000e+00 : f32
          %broadcast_in_dim3A_2095 = vector.broadcast %jit3A_2094 : f32 to vector<16xf32>
          %select_n3A_2096 = arith.select %and3A_2089, %gather3A_2093, %broadcast_in_dim3A_2095 : vector<16xi1>, vector<16xf32>
          %swap3A_2097 = arith.index_cast %scan3A_1997 : i32 to index
          %swap3A_2098 = arith.constant 43 : index
          %swap3A_2099 = tpu.vector_load %arg11[%swap3A_2097, %swap3A_2098] {strides = array<i32>} : memref<59x59xf32, #tpu.memory_space<vmem>>, vector<16xf32>,
          tpu.vector_store %arg11[%swap3A_2097, %swap3A_2098], %select_n3A_2096 {strides = array<i32>} : memref<59x59xf32, #tpu.memory_space<vmem>>, vector<16xf32>,
        }
        %scan3A_1991 = arith.constant 59 : i32
        %dma_start3A = arith.constant 0 : i32
        %dma_start3A_1992 = tpu.memref_slice %arg3[%select_n3A_907, %mul3A_981, %select_n3A_963, %dma_start3A] : memref<2x3481x59x59xf32, #tpu.memory_space<hbm>> -> memref<1x59x1x59xf32, #tpu.memory_space<hbm>>
        %dma_start3A_1993 = tpu.memref_squeeze %dma_start3A_1992 : memref<1x59x1x59xf32, #tpu.memory_space<hbm>> -> memref<59x59xf32, #tpu.memory_space<hbm>>
        %dma_start3A_1994 = arith.constant 0 : i32
        %dma_start3A_1995 = tpu.memref_slice %arg3[%select_n3A_907, %mul3A_981, %select_n3A_963, %dma_start3A_1994] : memref<2x3481x59x59xf32, #tpu.memory_space<hbm>> -> memref<1x59x1x59xf32, #tpu.memory_space<hbm>>
        %dma_start3A_1996 = tpu.memref_squeeze %dma_start3A_1995 : memref<1x59x1x59xf32, #tpu.memory_space<hbm>> -> memref<59x59xf32, #tpu.memory_space<hbm>>
        tpu.enqueue_dma source(%arg11 : memref<59x59xf32, #tpu.memory_space<vmem>>) target(%dma_start3A_1996 : memref<59x59xf32, #tpu.memory_space<hbm>>) target_semaphore(%arg24 : memref<!tpu.dma_semaphore, #tpu.memory_space<semaphore_mem>>)
      } else {
      }
      %convert_element_type3A_985 = arith.extui %and3A_979 : i1 to i32
      %cond3A_986 = arith.constant 0 : i32
      %cond3A_987 = arith.cmpi ne, %convert_element_type3A_985, %cond3A_986 : i32
      scf.if %cond3A_987 {
        %dma_start3A = arith.constant 0 : i32
        %dma_start3A_1972 = tpu.memref_slice %arg3[%select_n3A_907, %mul3A_981, %select_n3A_963, %dma_start3A] : memref<2x3481x59x59xf32, #tpu.memory_space<hbm>> -> memref<1x59x1x59xf32, #tpu.memory_space<hbm>>
        %dma_start3A_1973 = tpu.memref_squeeze %dma_start3A_1972 : memref<1x59x1x59xf32, #tpu.memory_space<hbm>> -> memref<59x59xf32, #tpu.memory_space<hbm>>
        %dma_start3A_1974 = arith.constant 0 : i32
        %dma_start3A_1975 = tpu.memref_slice %arg3[%select_n3A_907, %mul3A_981, %select_n3A_963, %dma_start3A_1974] : memref<2x3481x59x59xf32, #tpu.memory_space<hbm>> -> memref<1x59x1x59xf32, #tpu.memory_space<hbm>>
        %dma_start3A_1976 = tpu.memref_squeeze %dma_start3A_1975 : memref<1x59x1x59xf32, #tpu.memory_space<hbm>> -> memref<59x59xf32, #tpu.memory_space<hbm>>
        tpu.enqueue_dma source(%arg16 : memref<59x59xf32, #tpu.memory_space<vmem>>) target(%dma_start3A_1976 : memref<59x59xf32, #tpu.memory_space<hbm>>) target_semaphore(%arg29 : memref<!tpu.dma_semaphore, #tpu.memory_space<semaphore_mem>>)
      } else {
      }
      %add3A_988 = arith.constant 6 : i32
      %add3A_989 = arith.addi %add3A_880, %add3A_988 : i32
      %mul3A_990 = arith.constant 32 : i32
      %mul3A_991 = arith.muli %mul3A_990, %add3A_989 : i32
      %add3A_992 = arith.addi %add3A, %mul3A_991 : i32
      %jit3A_993 = arith.constant 3481 : i32
      %div3A_994 = arith.divsi %add3A_992, %jit3A_993 : i32
      %sign3A_995 = arith.constant 0 : i32
      %sign3A_996 = arith.cmpi sgt, %add3A_992, %sign3A_995 : i32
      %sign3A_997 = arith.extui %sign3A_996 : i1 to i32
      %sign3A_998 = arith.constant 0 : i32
      %sign3A_999 = arith.cmpi slt, %add3A_992, %sign3A_998 : i32
      %sign3A_1000 = arith.extui %sign3A_999 : i1 to i32
      %sign3A_1001 = arith.subi %sign3A_997, %sign3A_1000 : i32
      %sign3A_1002 = arith.constant 0 : i32
      %sign3A_1003 = arith.cmpi sgt, %jit3A_993, %sign3A_1002 : i32
      %sign3A_1004 = arith.extui %sign3A_1003 : i1 to i32
      %sign3A_1005 = arith.constant 0 : i32
      %sign3A_1006 = arith.cmpi slt, %jit3A_993, %sign3A_1005 : i32
      %sign3A_1007 = arith.extui %sign3A_1006 : i1 to i32
      %sign3A_1008 = arith.subi %sign3A_1004, %sign3A_1007 : i32
      %ne3A_1009 = arith.cmpi ne, %sign3A_1001, %sign3A_1008 : i32
      %rem3A_1010 = arith.remsi %add3A_992, %jit3A_993 : i32
      %ne3A_1011 = arith.constant 0 : i32
      %ne3A_1012 = arith.cmpi ne, %rem3A_1010, %ne3A_1011 : i32
      %and3A_1013 = arith.andi %ne3A_1009, %ne3A_1012 : i1
      %sub3A_1014 = arith.constant 1 : i32
      %sub3A_1015 = arith.subi %div3A_994, %sub3A_1014 : i32
      %select_n3A_1016 = arith.select %and3A_1013, %sub3A_1015, %div3A_994 : i32
      %jit3A_1017 = arith.constant 3481 : i32
      %eq3A_1018 = arith.constant 0 : i32
      %eq3A_1019 = arith.cmpi eq, %jit3A_1017, %eq3A_1018 : i32
      %jit3A_1020 = arith.constant 1 : i32
      %select_n3A_1021 = arith.select %eq3A_1019, %jit3A_1020, %jit3A_1017 : i32
      %rem3A_1022 = arith.remsi %add3A_992, %select_n3A_1021 : i32
      %ne3A_1023 = arith.constant 0 : i32
      %ne3A_1024 = arith.cmpi ne, %rem3A_1022, %ne3A_1023 : i32
      %lt3A_1025 = arith.constant 0 : i32
      %lt3A_1026 = arith.cmpi slt, %rem3A_1022, %lt3A_1025 : i32
      %lt3A_1027 = arith.constant 0 : i32
      %lt3A_1028 = arith.cmpi slt, %select_n3A_1021, %lt3A_1027 : i32
      %ne3A_1029 = arith.xori %lt3A_1026, %lt3A_1028 : i1
      %and3A_1030 = arith.andi %ne3A_1029, %ne3A_1024 : i1
      %add3A_1031 = arith.addi %rem3A_1022, %select_n3A_1021 : i32
      %select_n3A_1032 = arith.select %and3A_1030, %add3A_1031, %rem3A_1022 : i32
      %jit3A_1033 = arith.constant 59 : i32
      %div3A_1034 = arith.divsi %select_n3A_1032, %jit3A_1033 : i32
      %sign3A_1035 = arith.constant 0 : i32
      %sign3A_1036 = arith.cmpi sgt, %select_n3A_1032, %sign3A_1035 : i32
      %sign3A_1037 = arith.extui %sign3A_1036 : i1 to i32
      %sign3A_1038 = arith.constant 0 : i32
      %sign3A_1039 = arith.cmpi slt, %select_n3A_1032, %sign3A_1038 : i32
      %sign3A_1040 = arith.extui %sign3A_1039 : i1 to i32
      %sign3A_1041 = arith.subi %sign3A_1037, %sign3A_1040 : i32
      %sign3A_1042 = arith.constant 0 : i32
      %sign3A_1043 = arith.cmpi sgt, %jit3A_1033, %sign3A_1042 : i32
      %sign3A_1044 = arith.extui %sign3A_1043 : i1 to i32
      %sign3A_1045 = arith.constant 0 : i32
      %sign3A_1046 = arith.cmpi slt, %jit3A_1033, %sign3A_1045 : i32
      %sign3A_1047 = arith.extui %sign3A_1046 : i1 to i32
      %sign3A_1048 = arith.subi %sign3A_1044, %sign3A_1047 : i32
      %ne3A_1049 = arith.cmpi ne, %sign3A_1041, %sign3A_1048 : i32
      %rem3A_1050 = arith.remsi %select_n3A_1032, %jit3A_1033 : i32
      %ne3A_1051 = arith.constant 0 : i32
      %ne3A_1052 = arith.cmpi ne, %rem3A_1050, %ne3A_1051 : i32
      %and3A_1053 = arith.andi %ne3A_1049, %ne3A_1052 : i1
      %sub3A_1054 = arith.constant 1 : i32
      %sub3A_1055 = arith.subi %div3A_1034, %sub3A_1054 : i32
      %select_n3A_1056 = arith.select %and3A_1053, %sub3A_1055, %div3A_1034 : i32
      %jit3A_1057 = arith.constant 59 : i32
      %eq3A_1058 = arith.constant 0 : i32
      %eq3A_1059 = arith.cmpi eq, %jit3A_1057, %eq3A_1058 : i32
      %jit3A_1060 = arith.constant 1 : i32
      %select_n3A_1061 = arith.select %eq3A_1059, %jit3A_1060, %jit3A_1057 : i32
      %rem3A_1062 = arith.remsi %select_n3A_1032, %select_n3A_1061 : i32
      %ne3A_1063 = arith.constant 0 : i32
      %ne3A_1064 = arith.cmpi ne, %rem3A_1062, %ne3A_1063 : i32
      %lt3A_1065 = arith.constant 0 : i32
      %lt3A_1066 = arith.cmpi slt, %rem3A_1062, %lt3A_1065 : i32
      %lt3A_1067 = arith.constant 0 : i32
      %lt3A_1068 = arith.cmpi slt, %select_n3A_1061, %lt3A_1067 : i32
      %ne3A_1069 = arith.xori %lt3A_1066, %lt3A_1068 : i1
      %and3A_1070 = arith.andi %ne3A_1069, %ne3A_1064 : i1
      %add3A_1071 = arith.addi %rem3A_1062, %select_n3A_1061 : i32
      %select_n3A_1072 = arith.select %and3A_1070, %add3A_1071, %rem3A_1062 : i32
      %add3A_1073 = arith.constant 29 : i32
      %add3A_1074 = arith.addi %select_n3A_1056, %add3A_1073 : i32
      %sub3A_1075 = arith.subi %add3A_1074, %select_n3A_1072 : i32
      %lt3A_1076 = arith.constant 6962 : i32
      %lt3A_1077 = arith.cmpi slt, %add3A_992, %lt3A_1076 : i32
      %ge3A_1078 = arith.constant 0 : i32
      %ge3A_1079 = arith.cmpi sge, %sub3A_1075, %ge3A_1078 : i32
      %and3A_1080 = arith.andi %lt3A_1077, %ge3A_1079 : i1
      %lt3A_1081 = arith.constant 59 : i32
      %lt3A_1082 = arith.cmpi slt, %sub3A_1075, %lt3A_1081 : i32
      %and3A_1083 = arith.andi %and3A_1080, %lt3A_1082 : i1
      %lt3A_1084 = arith.constant 6962 : i32
      %lt3A_1085 = arith.cmpi slt, %add3A_992, %lt3A_1084 : i32
      %not3A_1086 = arith.constant true
      %not3A_1087 = arith.xori %and3A_1083, %not3A_1086 : i1
      %and3A_1088 = arith.andi %lt3A_1085, %not3A_1087 : i1
      %convert_element_type3A_1089 = arith.extui %and3A_1083 : i1 to i32
      %cond3A_1090 = arith.constant 0 : i32
      %cond3A_1091 = arith.cmpi ne, %convert_element_type3A_1089, %cond3A_1090 : i32
      scf.if %cond3A_1091 {
        %mul3A_1972 = arith.constant 59 : i32
        %mul3A_1973 = arith.muli %mul3A_1972, %sub3A_1075 : i32
        %dma_start3A = arith.constant 0 : i32
        %dma_start3A_1974 = tpu.memref_slice %arg2[%select_n3A_1016, %mul3A_1973, %select_n3A_1072, %dma_start3A] : memref<2x3481x59x59xf32, #tpu.memory_space<hbm>> -> memref<1x59x1x59xf32, #tpu.memory_space<hbm>>
        %dma_start3A_1975 = tpu.memref_squeeze %dma_start3A_1974 : memref<1x59x1x59xf32, #tpu.memory_space<hbm>> -> memref<59x59xf32, #tpu.memory_space<hbm>>
        %dma_start3A_1976 = arith.constant 0 : i32
        %dma_start3A_1977 = tpu.memref_slice %arg2[%select_n3A_1016, %mul3A_1973, %select_n3A_1072, %dma_start3A_1976] : memref<2x3481x59x59xf32, #tpu.memory_space<hbm>> -> memref<1x59x1x59xf32, #tpu.memory_space<hbm>>
        %dma_start3A_1978 = tpu.memref_squeeze %dma_start3A_1977 : memref<1x59x1x59xf32, #tpu.memory_space<hbm>> -> memref<59x59xf32, #tpu.memory_space<hbm>>
        tpu.enqueue_dma source(%dma_start3A_1978 : memref<59x59xf32, #tpu.memory_space<hbm>>) target(%arg5 : memref<59x59xf32, #tpu.memory_space<vmem>>) target_semaphore(%arg18 : memref<!tpu.dma_semaphore, #tpu.memory_space<semaphore_mem>>)
      } else {
      }
      %jit3A_1092 = arith.constant 1 : i32
      %select_n3A_1093 = arith.select %and3A_974, %jit3A_1092, %scan3A_652 : i32
      %convert_element_type3A_1094 = arith.extui %and3A_979 : i1 to i32
      %add3A_1095 = arith.addi %add3A_876, %convert_element_type3A_1094 : i32
      %mul3A_1096 = arith.constant 6 : i32
      %mul3A_1097 = arith.muli %mul3A_1096, %scan3A_650 : i32
      %add3A_1098 = arith.constant 2 : i32
      %add3A_1099 = arith.addi %mul3A_1097, %add3A_1098 : i32
      %mul3A_1100 = arith.constant 32 : i32
      %mul3A_1101 = arith.muli %mul3A_1100, %add3A_1099 : i32
      %add3A_1102 = arith.addi %add3A, %mul3A_1101 : i32
      %jit3A_1103 = arith.constant 3481 : i32
      %div3A_1104 = arith.divsi %add3A_1102, %jit3A_1103 : i32
      %sign3A_1105 = arith.constant 0 : i32
      %sign3A_1106 = arith.cmpi sgt, %add3A_1102, %sign3A_1105 : i32
      %sign3A_1107 = arith.extui %sign3A_1106 : i1 to i32
      %sign3A_1108 = arith.constant 0 : i32
      %sign3A_1109 = arith.cmpi slt, %add3A_1102, %sign3A_1108 : i32
      %sign3A_1110 = arith.extui %sign3A_1109 : i1 to i32
      %sign3A_1111 = arith.subi %sign3A_1107, %sign3A_1110 : i32
      %sign3A_1112 = arith.constant 0 : i32
      %sign3A_1113 = arith.cmpi sgt, %jit3A_1103, %sign3A_1112 : i32
      %sign3A_1114 = arith.extui %sign3A_1113 : i1 to i32
      %sign3A_1115 = arith.constant 0 : i32
      %sign3A_1116 = arith.cmpi slt, %jit3A_1103, %sign3A_1115 : i32
      %sign3A_1117 = arith.extui %sign3A_1116 : i1 to i32
      %sign3A_1118 = arith.subi %sign3A_1114, %sign3A_1117 : i32
      %ne3A_1119 = arith.cmpi ne, %sign3A_1111, %sign3A_1118 : i32
      %rem3A_1120 = arith.remsi %add3A_1102, %jit3A_1103 : i32
      %ne3A_1121 = arith.constant 0 : i32
      %ne3A_1122 = arith.cmpi ne, %rem3A_1120, %ne3A_1121 : i32
      %and3A_1123 = arith.andi %ne3A_1119, %ne3A_1122 : i1
      %sub3A_1124 = arith.constant 1 : i32
      %sub3A_1125 = arith.subi %div3A_1104, %sub3A_1124 : i32
      %select_n3A_1126 = arith.select %and3A_1123, %sub3A_1125, %div3A_1104 : i32
      %jit3A_1127 = arith.constant 3481 : i32
      %eq3A_1128 = arith.constant 0 : i32
      %eq3A_1129 = arith.cmpi eq, %jit3A_1127, %eq3A_1128 : i32
      %jit3A_1130 = arith.constant 1 : i32
      %select_n3A_1131 = arith.select %eq3A_1129, %jit3A_1130, %jit3A_1127 : i32
      %rem3A_1132 = arith.remsi %add3A_1102, %select_n3A_1131 : i32
      %ne3A_1133 = arith.constant 0 : i32
      %ne3A_1134 = arith.cmpi ne, %rem3A_1132, %ne3A_1133 : i32
      %lt3A_1135 = arith.constant 0 : i32
      %lt3A_1136 = arith.cmpi slt, %rem3A_1132, %lt3A_1135 : i32
      %lt3A_1137 = arith.constant 0 : i32
      %lt3A_1138 = arith.cmpi slt, %select_n3A_1131, %lt3A_1137 : i32
      %ne3A_1139 = arith.xori %lt3A_1136, %lt3A_1138 : i1
      %and3A_1140 = arith.andi %ne3A_1139, %ne3A_1134 : i1
      %add3A_1141 = arith.addi %rem3A_1132, %select_n3A_1131 : i32
      %select_n3A_1142 = arith.select %and3A_1140, %add3A_1141, %rem3A_1132 : i32
      %jit3A_1143 = arith.constant 59 : i32
      %div3A_1144 = arith.divsi %select_n3A_1142, %jit3A_1143 : i32
      %sign3A_1145 = arith.constant 0 : i32
      %sign3A_1146 = arith.cmpi sgt, %select_n3A_1142, %sign3A_1145 : i32
      %sign3A_1147 = arith.extui %sign3A_1146 : i1 to i32
      %sign3A_1148 = arith.constant 0 : i32
      %sign3A_1149 = arith.cmpi slt, %select_n3A_1142, %sign3A_1148 : i32
      %sign3A_1150 = arith.extui %sign3A_1149 : i1 to i32
      %sign3A_1151 = arith.subi %sign3A_1147, %sign3A_1150 : i32
      %sign3A_1152 = arith.constant 0 : i32
      %sign3A_1153 = arith.cmpi sgt, %jit3A_1143, %sign3A_1152 : i32
      %sign3A_1154 = arith.extui %sign3A_1153 : i1 to i32
      %sign3A_1155 = arith.constant 0 : i32
      %sign3A_1156 = arith.cmpi slt, %jit3A_1143, %sign3A_1155 : i32
      %sign3A_1157 = arith.extui %sign3A_1156 : i1 to i32
      %sign3A_1158 = arith.subi %sign3A_1154, %sign3A_1157 : i32
      %ne3A_1159 = arith.cmpi ne, %sign3A_1151, %sign3A_1158 : i32
      %rem3A_1160 = arith.remsi %select_n3A_1142, %jit3A_1143 : i32
      %ne3A_1161 = arith.constant 0 : i32
      %ne3A_1162 = arith.cmpi ne, %rem3A_1160, %ne3A_1161 : i32
      %and3A_1163 = arith.andi %ne3A_1159, %ne3A_1162 : i1
      %sub3A_1164 = arith.constant 1 : i32
      %sub3A_1165 = arith.subi %div3A_1144, %sub3A_1164 : i32
      %select_n3A_1166 = arith.select %and3A_1163, %sub3A_1165, %div3A_1144 : i32
      %jit3A_1167 = arith.constant 59 : i32
      %eq3A_1168 = arith.constant 0 : i32
      %eq3A_1169 = arith.cmpi eq, %jit3A_1167, %eq3A_1168 : i32
      %jit3A_1170 = arith.constant 1 : i32
      %select_n3A_1171 = arith.select %eq3A_1169, %jit3A_1170, %jit3A_1167 : i32
      %rem3A_1172 = arith.remsi %select_n3A_1142, %select_n3A_1171 : i32
      %ne3A_1173 = arith.constant 0 : i32
      %ne3A_1174 = arith.cmpi ne, %rem3A_1172, %ne3A_1173 : i32
      %lt3A_1175 = arith.constant 0 : i32
      %lt3A_1176 = arith.cmpi slt, %rem3A_1172, %lt3A_1175 : i32
      %lt3A_1177 = arith.constant 0 : i32
      %lt3A_1178 = arith.cmpi slt, %select_n3A_1171, %lt3A_1177 : i32
      %ne3A_1179 = arith.xori %lt3A_1176, %lt3A_1178 : i1
      %and3A_1180 = arith.andi %ne3A_1179, %ne3A_1174 : i1
      %add3A_1181 = arith.addi %rem3A_1172, %select_n3A_1171 : i32
      %select_n3A_1182 = arith.select %and3A_1180, %add3A_1181, %rem3A_1172 : i32
      %add3A_1183 = arith.constant 29 : i32
      %add3A_1184 = arith.addi %select_n3A_1166, %add3A_1183 : i32
      %sub3A_1185 = arith.subi %add3A_1184, %select_n3A_1182 : i32
      %lt3A_1186 = arith.constant 6962 : i32
      %lt3A_1187 = arith.cmpi slt, %add3A_1102, %lt3A_1186 : i32
      %ge3A_1188 = arith.constant 0 : i32
      %ge3A_1189 = arith.cmpi sge, %sub3A_1185, %ge3A_1188 : i32
      %and3A_1190 = arith.andi %lt3A_1187, %ge3A_1189 : i1
      %lt3A_1191 = arith.constant 59 : i32
      %lt3A_1192 = arith.cmpi slt, %sub3A_1185, %lt3A_1191 : i32
      %and3A_1193 = arith.andi %and3A_1190, %lt3A_1192 : i1
      %lt3A_1194 = arith.constant 6962 : i32
      %lt3A_1195 = arith.cmpi slt, %add3A_1102, %lt3A_1194 : i32
      %not3A_1196 = arith.constant true
      %not3A_1197 = arith.xori %and3A_1193, %not3A_1196 : i1
      %and3A_1198 = arith.andi %lt3A_1195, %not3A_1197 : i1
      %mul3A_1199 = arith.constant 59 : i32
      %mul3A_1200 = arith.muli %mul3A_1199, %select_n3A_1166 : i32
      %convert_element_type3A_1201 = arith.extui %and3A_1193 : i1 to i32
      %cond3A_1202 = arith.constant 0 : i32
      %cond3A_1203 = arith.cmpi ne, %convert_element_type3A_1201, %cond3A_1202 : i32
      scf.if %cond3A_1203 {
        %dma_wait3A = arith.constant 0 : i32
        %dma_wait3A_1972 = arith.constant 0 : i32
        %dma_wait3A_1973 = arith.constant 0 : i32
        %dma_wait3A_1974 = arith.constant 0 : i32
        %dma_wait3A_1975 = tpu.memref_slice %arg2[%dma_wait3A, %dma_wait3A_1973, %dma_wait3A_1972, %dma_wait3A_1974] : memref<2x3481x59x59xf32, #tpu.memory_space<hbm>> -> memref<1x59x1x59xf32, #tpu.memory_space<hbm>>
        %dma_wait3A_1976 = tpu.memref_squeeze %dma_wait3A_1975 : memref<1x59x1x59xf32, #tpu.memory_space<hbm>> -> memref<59x59xf32, #tpu.memory_space<hbm>>
        %dma_wait3A_1977 = arith.constant 0 : i32
        %dma_wait3A_1978 = arith.constant 0 : i32
        %dma_wait3A_1979 = tpu.memref_slice %arg2[%dma_wait3A, %dma_wait3A_1977, %dma_wait3A_1972, %dma_wait3A_1978] : memref<2x3481x59x59xf32, #tpu.memory_space<hbm>> -> memref<1x59x1x59xf32, #tpu.memory_space<hbm>>
        %dma_wait3A_1980 = tpu.memref_squeeze %dma_wait3A_1979 : memref<1x59x1x59xf32, #tpu.memory_space<hbm>> -> memref<59x59xf32, #tpu.memory_space<hbm>>
        tpu.wait_dma2 semaphore(%arg19 : memref<!tpu.dma_semaphore, #tpu.memory_space<semaphore_mem>>) src(%dma_wait3A_1980 : memref<59x59xf32, #tpu.memory_space<hbm>>) dst(%arg6 : memref<59x59xf32, #tpu.memory_space<vmem>>)
        %gt3A_1981 = arith.constant 0 : i32
        %gt3A_1982 = arith.cmpi sgt, %scan3A_653, %gt3A_1981 : i32
        %convert_element_type3A_1983 = arith.extui %gt3A_1982 : i1 to i32
        %cond3A_1984 = arith.constant 0 : i32
        %cond3A_1985 = arith.cmpi ne, %convert_element_type3A_1983, %cond3A_1984 : i32
        scf.if %cond3A_1985 {
          %dma_wait3A_1997 = arith.constant 0 : i32
          %dma_wait3A_1998 = arith.constant 0 : i32
          %dma_wait3A_1999 = arith.constant 0 : i32
          %dma_wait3A_2000 = arith.constant 0 : i32
          %dma_wait3A_2001 = tpu.memref_slice %arg3[%dma_wait3A_1997, %dma_wait3A_1999, %dma_wait3A_1998, %dma_wait3A_2000] : memref<2x3481x59x59xf32, #tpu.memory_space<hbm>> -> memref<1x59x1x59xf32, #tpu.memory_space<hbm>>
          %dma_wait3A_2002 = tpu.memref_squeeze %dma_wait3A_2001 : memref<1x59x1x59xf32, #tpu.memory_space<hbm>> -> memref<59x59xf32, #tpu.memory_space<hbm>>
          %dma_wait3A_2003 = arith.constant 0 : i32
          %dma_wait3A_2004 = arith.constant 0 : i32
          %dma_wait3A_2005 = tpu.memref_slice %arg3[%dma_wait3A_1997, %dma_wait3A_2003, %dma_wait3A_1998, %dma_wait3A_2004] : memref<2x3481x59x59xf32, #tpu.memory_space<hbm>> -> memref<1x59x1x59xf32, #tpu.memory_space<hbm>>
          %dma_wait3A_2006 = tpu.memref_squeeze %dma_wait3A_2005 : memref<1x59x1x59xf32, #tpu.memory_space<hbm>> -> memref<59x59xf32, #tpu.memory_space<hbm>>
          tpu.wait_dma2 semaphore(%arg25 : memref<!tpu.dma_semaphore, #tpu.memory_space<semaphore_mem>>) src(%arg12 : memref<59x59xf32, #tpu.memory_space<vmem>>) dst(%dma_wait3A_2006 : memref<59x59xf32, #tpu.memory_space<hbm>>)
        } else {
        }
        %scan3A_1986 = arith.constant 0 : i32
        %scan3A_1987 = arith.constant 0 : i32
        %scan3A_1988 = arith.constant 59 : i32
        %scan3A_1989 = arith.addi %scan3A_1987, %scan3A_1988 : i32
        %scan3A_1990 = arith.constant 1 : i32
        scf.for %scan3A_1997 = %scan3A_1987 to %scan3A_1989 step %scan3A_1990  : i32 {
          %add3A_1998 = arith.constant 0 : i32
          %add3A_1999 = vector.broadcast %add3A_1998 : i32 to vector<16xi32>
          %add3A_2000 = arith.addi %iota3A, %add3A_1999 : vector<16xi32>
          %add3A_2001 = arith.constant 29 : i32
          %add3A_2002 = arith.addi %scan3A_1997, %add3A_2001 : i32
          %sub3A_2003 = arith.constant 0 : i32
          %sub3A_2004 = arith.subi %add3A_2002, %sub3A_2003 : i32
          %sub3A_2005 = vector.broadcast %sub3A_2004 : i32 to vector<16xi32>
          %sub3A_2006 = arith.subi %sub3A_2005, %iota3A : vector<16xi32>
          %ge3A_2007 = arith.constant 0 : i32
          %ge3A_2008 = vector.broadcast %ge3A_2007 : i32 to vector<16xi32>
          %ge3A_2009 = arith.cmpi sge, %sub3A_2006, %ge3A_2008 : vector<16xi32>
          %lt3A_2010 = arith.constant 59 : i32
          %lt3A_2011 = vector.broadcast %lt3A_2010 : i32 to vector<16xi32>
          %lt3A_2012 = arith.cmpi slt, %sub3A_2006, %lt3A_2011 : vector<16xi32>
          %and3A_2013 = arith.andi %ge3A_2009, %lt3A_2012 : vector<16xi1>
          %jit3A_2014 = arith.constant 0 : i32
          %broadcast_in_dim3A_2015 = vector.broadcast %jit3A_2014 : i32 to vector<16xi32>
          %select_n3A_2016 = arith.select %and3A_2013, %sub3A_2006, %broadcast_in_dim3A_2015 : vector<16xi1>, vector<16xi32>
          %gather3A = tpu.vector_load_idx %arg6[%select_n3A_2016, %add3A_2000] : memref<59x59xf32, #tpu.memory_space<vmem>>[vector<16xi32>, vector<16xi32>], vector<16xf32>,
          %jit3A_2017 = arith.constant 0.000000e+00 : f32
          %broadcast_in_dim3A_2018 = vector.broadcast %jit3A_2017 : f32 to vector<16xf32>
          %select_n3A_2019 = arith.select %and3A_2013, %gather3A, %broadcast_in_dim3A_2018 : vector<16xi1>, vector<16xf32>
          %swap3A = arith.index_cast %scan3A_1997 : i32 to index
          %swap3A_2020 = arith.constant 0 : index
          %swap3A_2021 = tpu.vector_load %arg12[%swap3A, %swap3A_2020] {strides = array<i32>} : memref<59x59xf32, #tpu.memory_space<vmem>>, vector<16xf32>,
          tpu.vector_store %arg12[%swap3A, %swap3A_2020], %select_n3A_2019 {strides = array<i32>} : memref<59x59xf32, #tpu.memory_space<vmem>>, vector<16xf32>,
          %add3A_2022 = arith.constant 16 : i32
          %add3A_2023 = vector.broadcast %add3A_2022 : i32 to vector<16xi32>
          %add3A_2024 = arith.addi %iota3A, %add3A_2023 : vector<16xi32>
          %add3A_2025 = arith.constant 29 : i32
          %add3A_2026 = arith.addi %scan3A_1997, %add3A_2025 : i32
          %sub3A_2027 = arith.constant 16 : i32
          %sub3A_2028 = arith.subi %add3A_2026, %sub3A_2027 : i32
          %sub3A_2029 = vector.broadcast %sub3A_2028 : i32 to vector<16xi32>
          %sub3A_2030 = arith.subi %sub3A_2029, %iota3A : vector<16xi32>
          %ge3A_2031 = arith.constant 0 : i32
          %ge3A_2032 = vector.broadcast %ge3A_2031 : i32 to vector<16xi32>
          %ge3A_2033 = arith.cmpi sge, %sub3A_2030, %ge3A_2032 : vector<16xi32>
          %lt3A_2034 = arith.constant 59 : i32
          %lt3A_2035 = vector.broadcast %lt3A_2034 : i32 to vector<16xi32>
          %lt3A_2036 = arith.cmpi slt, %sub3A_2030, %lt3A_2035 : vector<16xi32>
          %and3A_2037 = arith.andi %ge3A_2033, %lt3A_2036 : vector<16xi1>
          %jit3A_2038 = arith.constant 0 : i32
          %broadcast_in_dim3A_2039 = vector.broadcast %jit3A_2038 : i32 to vector<16xi32>
          %select_n3A_2040 = arith.select %and3A_2037, %sub3A_2030, %broadcast_in_dim3A_2039 : vector<16xi1>, vector<16xi32>
          %gather3A_2041 = tpu.vector_load_idx %arg6[%select_n3A_2040, %add3A_2024] : memref<59x59xf32, #tpu.memory_space<vmem>>[vector<16xi32>, vector<16xi32>], vector<16xf32>,
          %jit3A_2042 = arith.constant 0.000000e+00 : f32
          %broadcast_in_dim3A_2043 = vector.broadcast %jit3A_2042 : f32 to vector<16xf32>
          %select_n3A_2044 = arith.select %and3A_2037, %gather3A_2041, %broadcast_in_dim3A_2043 : vector<16xi1>, vector<16xf32>
          %swap3A_2045 = arith.index_cast %scan3A_1997 : i32 to index
          %swap3A_2046 = arith.constant 16 : index
          %swap3A_2047 = tpu.vector_load %arg12[%swap3A_2045, %swap3A_2046] {strides = array<i32>} : memref<59x59xf32, #tpu.memory_space<vmem>>, vector<16xf32>,
          tpu.vector_store %arg12[%swap3A_2045, %swap3A_2046], %select_n3A_2044 {strides = array<i32>} : memref<59x59xf32, #tpu.memory_space<vmem>>, vector<16xf32>,
          %add3A_2048 = arith.constant 32 : i32
          %add3A_2049 = vector.broadcast %add3A_2048 : i32 to vector<16xi32>
          %add3A_2050 = arith.addi %iota3A, %add3A_2049 : vector<16xi32>
          %add3A_2051 = arith.constant 29 : i32
          %add3A_2052 = arith.addi %scan3A_1997, %add3A_2051 : i32
          %sub3A_2053 = arith.constant 32 : i32
          %sub3A_2054 = arith.subi %add3A_2052, %sub3A_2053 : i32
          %sub3A_2055 = vector.broadcast %sub3A_2054 : i32 to vector<16xi32>
          %sub3A_2056 = arith.subi %sub3A_2055, %iota3A : vector<16xi32>
          %ge3A_2057 = arith.constant 0 : i32
          %ge3A_2058 = vector.broadcast %ge3A_2057 : i32 to vector<16xi32>
          %ge3A_2059 = arith.cmpi sge, %sub3A_2056, %ge3A_2058 : vector<16xi32>
          %lt3A_2060 = arith.constant 59 : i32
          %lt3A_2061 = vector.broadcast %lt3A_2060 : i32 to vector<16xi32>
          %lt3A_2062 = arith.cmpi slt, %sub3A_2056, %lt3A_2061 : vector<16xi32>
          %and3A_2063 = arith.andi %ge3A_2059, %lt3A_2062 : vector<16xi1>
          %jit3A_2064 = arith.constant 0 : i32
          %broadcast_in_dim3A_2065 = vector.broadcast %jit3A_2064 : i32 to vector<16xi32>
          %select_n3A_2066 = arith.select %and3A_2063, %sub3A_2056, %broadcast_in_dim3A_2065 : vector<16xi1>, vector<16xi32>
          %gather3A_2067 = tpu.vector_load_idx %arg6[%select_n3A_2066, %add3A_2050] : memref<59x59xf32, #tpu.memory_space<vmem>>[vector<16xi32>, vector<16xi32>], vector<16xf32>,
          %jit3A_2068 = arith.constant 0.000000e+00 : f32
          %broadcast_in_dim3A_2069 = vector.broadcast %jit3A_2068 : f32 to vector<16xf32>
          %select_n3A_2070 = arith.select %and3A_2063, %gather3A_2067, %broadcast_in_dim3A_2069 : vector<16xi1>, vector<16xf32>
          %swap3A_2071 = arith.index_cast %scan3A_1997 : i32 to index
          %swap3A_2072 = arith.constant 32 : index
          %swap3A_2073 = tpu.vector_load %arg12[%swap3A_2071, %swap3A_2072] {strides = array<i32>} : memref<59x59xf32, #tpu.memory_space<vmem>>, vector<16xf32>,
          tpu.vector_store %arg12[%swap3A_2071, %swap3A_2072], %select_n3A_2070 {strides = array<i32>} : memref<59x59xf32, #tpu.memory_space<vmem>>, vector<16xf32>,
          %add3A_2074 = arith.constant 43 : i32
          %add3A_2075 = vector.broadcast %add3A_2074 : i32 to vector<16xi32>
          %add3A_2076 = arith.addi %iota3A, %add3A_2075 : vector<16xi32>
          %add3A_2077 = arith.constant 29 : i32
          %add3A_2078 = arith.addi %scan3A_1997, %add3A_2077 : i32
          %sub3A_2079 = arith.constant 43 : i32
          %sub3A_2080 = arith.subi %add3A_2078, %sub3A_2079 : i32
          %sub3A_2081 = vector.broadcast %sub3A_2080 : i32 to vector<16xi32>
          %sub3A_2082 = arith.subi %sub3A_2081, %iota3A : vector<16xi32>
          %ge3A_2083 = arith.constant 0 : i32
          %ge3A_2084 = vector.broadcast %ge3A_2083 : i32 to vector<16xi32>
          %ge3A_2085 = arith.cmpi sge, %sub3A_2082, %ge3A_2084 : vector<16xi32>
          %lt3A_2086 = arith.constant 59 : i32
          %lt3A_2087 = vector.broadcast %lt3A_2086 : i32 to vector<16xi32>
          %lt3A_2088 = arith.cmpi slt, %sub3A_2082, %lt3A_2087 : vector<16xi32>
          %and3A_2089 = arith.andi %ge3A_2085, %lt3A_2088 : vector<16xi1>
          %jit3A_2090 = arith.constant 0 : i32
          %broadcast_in_dim3A_2091 = vector.broadcast %jit3A_2090 : i32 to vector<16xi32>
          %select_n3A_2092 = arith.select %and3A_2089, %sub3A_2082, %broadcast_in_dim3A_2091 : vector<16xi1>, vector<16xi32>
          %gather3A_2093 = tpu.vector_load_idx %arg6[%select_n3A_2092, %add3A_2076] : memref<59x59xf32, #tpu.memory_space<vmem>>[vector<16xi32>, vector<16xi32>], vector<16xf32>,
          %jit3A_2094 = arith.constant 0.000000e+00 : f32
          %broadcast_in_dim3A_2095 = vector.broadcast %jit3A_2094 : f32 to vector<16xf32>
          %select_n3A_2096 = arith.select %and3A_2089, %gather3A_2093, %broadcast_in_dim3A_2095 : vector<16xi1>, vector<16xf32>
          %swap3A_2097 = arith.index_cast %scan3A_1997 : i32 to index
          %swap3A_2098 = arith.constant 43 : index
          %swap3A_2099 = tpu.vector_load %arg12[%swap3A_2097, %swap3A_2098] {strides = array<i32>} : memref<59x59xf32, #tpu.memory_space<vmem>>, vector<16xf32>,
          tpu.vector_store %arg12[%swap3A_2097, %swap3A_2098], %select_n3A_2096 {strides = array<i32>} : memref<59x59xf32, #tpu.memory_space<vmem>>, vector<16xf32>,
        }
        %scan3A_1991 = arith.constant 59 : i32
        %dma_start3A = arith.constant 0 : i32
        %dma_start3A_1992 = tpu.memref_slice %arg3[%select_n3A_1126, %mul3A_1200, %select_n3A_1182, %dma_start3A] : memref<2x3481x59x59xf32, #tpu.memory_space<hbm>> -> memref<1x59x1x59xf32, #tpu.memory_space<hbm>>
        %dma_start3A_1993 = tpu.memref_squeeze %dma_start3A_1992 : memref<1x59x1x59xf32, #tpu.memory_space<hbm>> -> memref<59x59xf32, #tpu.memory_space<hbm>>
        %dma_start3A_1994 = arith.constant 0 : i32
        %dma_start3A_1995 = tpu.memref_slice %arg3[%select_n3A_1126, %mul3A_1200, %select_n3A_1182, %dma_start3A_1994] : memref<2x3481x59x59xf32, #tpu.memory_space<hbm>> -> memref<1x59x1x59xf32, #tpu.memory_space<hbm>>
        %dma_start3A_1996 = tpu.memref_squeeze %dma_start3A_1995 : memref<1x59x1x59xf32, #tpu.memory_space<hbm>> -> memref<59x59xf32, #tpu.memory_space<hbm>>
        tpu.enqueue_dma source(%arg12 : memref<59x59xf32, #tpu.memory_space<vmem>>) target(%dma_start3A_1996 : memref<59x59xf32, #tpu.memory_space<hbm>>) target_semaphore(%arg25 : memref<!tpu.dma_semaphore, #tpu.memory_space<semaphore_mem>>)
      } else {
      }
      %convert_element_type3A_1204 = arith.extui %and3A_1198 : i1 to i32
      %cond3A_1205 = arith.constant 0 : i32
      %cond3A_1206 = arith.cmpi ne, %convert_element_type3A_1204, %cond3A_1205 : i32
      scf.if %cond3A_1206 {
        %dma_start3A = arith.constant 0 : i32
        %dma_start3A_1972 = tpu.memref_slice %arg3[%select_n3A_1126, %mul3A_1200, %select_n3A_1182, %dma_start3A] : memref<2x3481x59x59xf32, #tpu.memory_space<hbm>> -> memref<1x59x1x59xf32, #tpu.memory_space<hbm>>
        %dma_start3A_1973 = tpu.memref_squeeze %dma_start3A_1972 : memref<1x59x1x59xf32, #tpu.memory_space<hbm>> -> memref<59x59xf32, #tpu.memory_space<hbm>>
        %dma_start3A_1974 = arith.constant 0 : i32
        %dma_start3A_1975 = tpu.memref_slice %arg3[%select_n3A_1126, %mul3A_1200, %select_n3A_1182, %dma_start3A_1974] : memref<2x3481x59x59xf32, #tpu.memory_space<hbm>> -> memref<1x59x1x59xf32, #tpu.memory_space<hbm>>
        %dma_start3A_1976 = tpu.memref_squeeze %dma_start3A_1975 : memref<1x59x1x59xf32, #tpu.memory_space<hbm>> -> memref<59x59xf32, #tpu.memory_space<hbm>>
        tpu.enqueue_dma source(%arg16 : memref<59x59xf32, #tpu.memory_space<vmem>>) target(%dma_start3A_1976 : memref<59x59xf32, #tpu.memory_space<hbm>>) target_semaphore(%arg29 : memref<!tpu.dma_semaphore, #tpu.memory_space<semaphore_mem>>)
      } else {
      }
      %add3A_1207 = arith.constant 6 : i32
      %add3A_1208 = arith.addi %add3A_1099, %add3A_1207 : i32
      %mul3A_1209 = arith.constant 32 : i32
      %mul3A_1210 = arith.muli %mul3A_1209, %add3A_1208 : i32
      %add3A_1211 = arith.addi %add3A, %mul3A_1210 : i32
      %jit3A_1212 = arith.constant 3481 : i32
      %div3A_1213 = arith.divsi %add3A_1211, %jit3A_1212 : i32
      %sign3A_1214 = arith.constant 0 : i32
      %sign3A_1215 = arith.cmpi sgt, %add3A_1211, %sign3A_1214 : i32
      %sign3A_1216 = arith.extui %sign3A_1215 : i1 to i32
      %sign3A_1217 = arith.constant 0 : i32
      %sign3A_1218 = arith.cmpi slt, %add3A_1211, %sign3A_1217 : i32
      %sign3A_1219 = arith.extui %sign3A_1218 : i1 to i32
      %sign3A_1220 = arith.subi %sign3A_1216, %sign3A_1219 : i32
      %sign3A_1221 = arith.constant 0 : i32
      %sign3A_1222 = arith.cmpi sgt, %jit3A_1212, %sign3A_1221 : i32
      %sign3A_1223 = arith.extui %sign3A_1222 : i1 to i32
      %sign3A_1224 = arith.constant 0 : i32
      %sign3A_1225 = arith.cmpi slt, %jit3A_1212, %sign3A_1224 : i32
      %sign3A_1226 = arith.extui %sign3A_1225 : i1 to i32
      %sign3A_1227 = arith.subi %sign3A_1223, %sign3A_1226 : i32
      %ne3A_1228 = arith.cmpi ne, %sign3A_1220, %sign3A_1227 : i32
      %rem3A_1229 = arith.remsi %add3A_1211, %jit3A_1212 : i32
      %ne3A_1230 = arith.constant 0 : i32
      %ne3A_1231 = arith.cmpi ne, %rem3A_1229, %ne3A_1230 : i32
      %and3A_1232 = arith.andi %ne3A_1228, %ne3A_1231 : i1
      %sub3A_1233 = arith.constant 1 : i32
      %sub3A_1234 = arith.subi %div3A_1213, %sub3A_1233 : i32
      %select_n3A_1235 = arith.select %and3A_1232, %sub3A_1234, %div3A_1213 : i32
      %jit3A_1236 = arith.constant 3481 : i32
      %eq3A_1237 = arith.constant 0 : i32
      %eq3A_1238 = arith.cmpi eq, %jit3A_1236, %eq3A_1237 : i32
      %jit3A_1239 = arith.constant 1 : i32
      %select_n3A_1240 = arith.select %eq3A_1238, %jit3A_1239, %jit3A_1236 : i32
      %rem3A_1241 = arith.remsi %add3A_1211, %select_n3A_1240 : i32
      %ne3A_1242 = arith.constant 0 : i32
      %ne3A_1243 = arith.cmpi ne, %rem3A_1241, %ne3A_1242 : i32
      %lt3A_1244 = arith.constant 0 : i32
      %lt3A_1245 = arith.cmpi slt, %rem3A_1241, %lt3A_1244 : i32
      %lt3A_1246 = arith.constant 0 : i32
      %lt3A_1247 = arith.cmpi slt, %select_n3A_1240, %lt3A_1246 : i32
      %ne3A_1248 = arith.xori %lt3A_1245, %lt3A_1247 : i1
      %and3A_1249 = arith.andi %ne3A_1248, %ne3A_1243 : i1
      %add3A_1250 = arith.addi %rem3A_1241, %select_n3A_1240 : i32
      %select_n3A_1251 = arith.select %and3A_1249, %add3A_1250, %rem3A_1241 : i32
      %jit3A_1252 = arith.constant 59 : i32
      %div3A_1253 = arith.divsi %select_n3A_1251, %jit3A_1252 : i32
      %sign3A_1254 = arith.constant 0 : i32
      %sign3A_1255 = arith.cmpi sgt, %select_n3A_1251, %sign3A_1254 : i32
      %sign3A_1256 = arith.extui %sign3A_1255 : i1 to i32
      %sign3A_1257 = arith.constant 0 : i32
      %sign3A_1258 = arith.cmpi slt, %select_n3A_1251, %sign3A_1257 : i32
      %sign3A_1259 = arith.extui %sign3A_1258 : i1 to i32
      %sign3A_1260 = arith.subi %sign3A_1256, %sign3A_1259 : i32
      %sign3A_1261 = arith.constant 0 : i32
      %sign3A_1262 = arith.cmpi sgt, %jit3A_1252, %sign3A_1261 : i32
      %sign3A_1263 = arith.extui %sign3A_1262 : i1 to i32
      %sign3A_1264 = arith.constant 0 : i32
      %sign3A_1265 = arith.cmpi slt, %jit3A_1252, %sign3A_1264 : i32
      %sign3A_1266 = arith.extui %sign3A_1265 : i1 to i32
      %sign3A_1267 = arith.subi %sign3A_1263, %sign3A_1266 : i32
      %ne3A_1268 = arith.cmpi ne, %sign3A_1260, %sign3A_1267 : i32
      %rem3A_1269 = arith.remsi %select_n3A_1251, %jit3A_1252 : i32
      %ne3A_1270 = arith.constant 0 : i32
      %ne3A_1271 = arith.cmpi ne, %rem3A_1269, %ne3A_1270 : i32
      %and3A_1272 = arith.andi %ne3A_1268, %ne3A_1271 : i1
      %sub3A_1273 = arith.constant 1 : i32
      %sub3A_1274 = arith.subi %div3A_1253, %sub3A_1273 : i32
      %select_n3A_1275 = arith.select %and3A_1272, %sub3A_1274, %div3A_1253 : i32
      %jit3A_1276 = arith.constant 59 : i32
      %eq3A_1277 = arith.constant 0 : i32
      %eq3A_1278 = arith.cmpi eq, %jit3A_1276, %eq3A_1277 : i32
      %jit3A_1279 = arith.constant 1 : i32
      %select_n3A_1280 = arith.select %eq3A_1278, %jit3A_1279, %jit3A_1276 : i32
      %rem3A_1281 = arith.remsi %select_n3A_1251, %select_n3A_1280 : i32
      %ne3A_1282 = arith.constant 0 : i32
      %ne3A_1283 = arith.cmpi ne, %rem3A_1281, %ne3A_1282 : i32
      %lt3A_1284 = arith.constant 0 : i32
      %lt3A_1285 = arith.cmpi slt, %rem3A_1281, %lt3A_1284 : i32
      %lt3A_1286 = arith.constant 0 : i32
      %lt3A_1287 = arith.cmpi slt, %select_n3A_1280, %lt3A_1286 : i32
      %ne3A_1288 = arith.xori %lt3A_1285, %lt3A_1287 : i1
      %and3A_1289 = arith.andi %ne3A_1288, %ne3A_1283 : i1
      %add3A_1290 = arith.addi %rem3A_1281, %select_n3A_1280 : i32
      %select_n3A_1291 = arith.select %and3A_1289, %add3A_1290, %rem3A_1281 : i32
      %add3A_1292 = arith.constant 29 : i32
      %add3A_1293 = arith.addi %select_n3A_1275, %add3A_1292 : i32
      %sub3A_1294 = arith.subi %add3A_1293, %select_n3A_1291 : i32
      %lt3A_1295 = arith.constant 6962 : i32
      %lt3A_1296 = arith.cmpi slt, %add3A_1211, %lt3A_1295 : i32
      %ge3A_1297 = arith.constant 0 : i32
      %ge3A_1298 = arith.cmpi sge, %sub3A_1294, %ge3A_1297 : i32
      %and3A_1299 = arith.andi %lt3A_1296, %ge3A_1298 : i1
      %lt3A_1300 = arith.constant 59 : i32
      %lt3A_1301 = arith.cmpi slt, %sub3A_1294, %lt3A_1300 : i32
      %and3A_1302 = arith.andi %and3A_1299, %lt3A_1301 : i1
      %lt3A_1303 = arith.constant 6962 : i32
      %lt3A_1304 = arith.cmpi slt, %add3A_1211, %lt3A_1303 : i32
      %not3A_1305 = arith.constant true
      %not3A_1306 = arith.xori %and3A_1302, %not3A_1305 : i1
      %and3A_1307 = arith.andi %lt3A_1304, %not3A_1306 : i1
      %convert_element_type3A_1308 = arith.extui %and3A_1302 : i1 to i32
      %cond3A_1309 = arith.constant 0 : i32
      %cond3A_1310 = arith.cmpi ne, %convert_element_type3A_1308, %cond3A_1309 : i32
      scf.if %cond3A_1310 {
        %mul3A_1972 = arith.constant 59 : i32
        %mul3A_1973 = arith.muli %mul3A_1972, %sub3A_1294 : i32
        %dma_start3A = arith.constant 0 : i32
        %dma_start3A_1974 = tpu.memref_slice %arg2[%select_n3A_1235, %mul3A_1973, %select_n3A_1291, %dma_start3A] : memref<2x3481x59x59xf32, #tpu.memory_space<hbm>> -> memref<1x59x1x59xf32, #tpu.memory_space<hbm>>
        %dma_start3A_1975 = tpu.memref_squeeze %dma_start3A_1974 : memref<1x59x1x59xf32, #tpu.memory_space<hbm>> -> memref<59x59xf32, #tpu.memory_space<hbm>>
        %dma_start3A_1976 = arith.constant 0 : i32
        %dma_start3A_1977 = tpu.memref_slice %arg2[%select_n3A_1235, %mul3A_1973, %select_n3A_1291, %dma_start3A_1976] : memref<2x3481x59x59xf32, #tpu.memory_space<hbm>> -> memref<1x59x1x59xf32, #tpu.memory_space<hbm>>
        %dma_start3A_1978 = tpu.memref_squeeze %dma_start3A_1977 : memref<1x59x1x59xf32, #tpu.memory_space<hbm>> -> memref<59x59xf32, #tpu.memory_space<hbm>>
        tpu.enqueue_dma source(%dma_start3A_1978 : memref<59x59xf32, #tpu.memory_space<hbm>>) target(%arg6 : memref<59x59xf32, #tpu.memory_space<vmem>>) target_semaphore(%arg19 : memref<!tpu.dma_semaphore, #tpu.memory_space<semaphore_mem>>)
      } else {
      }
      %jit3A_1311 = arith.constant 1 : i32
      %select_n3A_1312 = arith.select %and3A_1193, %jit3A_1311, %scan3A_653 : i32
      %convert_element_type3A_1313 = arith.extui %and3A_1198 : i1 to i32
      %add3A_1314 = arith.addi %add3A_1095, %convert_element_type3A_1313 : i32
      %mul3A_1315 = arith.constant 6 : i32
      %mul3A_1316 = arith.muli %mul3A_1315, %scan3A_650 : i32
      %add3A_1317 = arith.constant 3 : i32
      %add3A_1318 = arith.addi %mul3A_1316, %add3A_1317 : i32
      %mul3A_1319 = arith.constant 32 : i32
      %mul3A_1320 = arith.muli %mul3A_1319, %add3A_1318 : i32
      %add3A_1321 = arith.addi %add3A, %mul3A_1320 : i32
      %jit3A_1322 = arith.constant 3481 : i32
      %div3A_1323 = arith.divsi %add3A_1321, %jit3A_1322 : i32
      %sign3A_1324 = arith.constant 0 : i32
      %sign3A_1325 = arith.cmpi sgt, %add3A_1321, %sign3A_1324 : i32
      %sign3A_1326 = arith.extui %sign3A_1325 : i1 to i32
      %sign3A_1327 = arith.constant 0 : i32
      %sign3A_1328 = arith.cmpi slt, %add3A_1321, %sign3A_1327 : i32
      %sign3A_1329 = arith.extui %sign3A_1328 : i1 to i32
      %sign3A_1330 = arith.subi %sign3A_1326, %sign3A_1329 : i32
      %sign3A_1331 = arith.constant 0 : i32
      %sign3A_1332 = arith.cmpi sgt, %jit3A_1322, %sign3A_1331 : i32
      %sign3A_1333 = arith.extui %sign3A_1332 : i1 to i32
      %sign3A_1334 = arith.constant 0 : i32
      %sign3A_1335 = arith.cmpi slt, %jit3A_1322, %sign3A_1334 : i32
      %sign3A_1336 = arith.extui %sign3A_1335 : i1 to i32
      %sign3A_1337 = arith.subi %sign3A_1333, %sign3A_1336 : i32
      %ne3A_1338 = arith.cmpi ne, %sign3A_1330, %sign3A_1337 : i32
      %rem3A_1339 = arith.remsi %add3A_1321, %jit3A_1322 : i32
      %ne3A_1340 = arith.constant 0 : i32
      %ne3A_1341 = arith.cmpi ne, %rem3A_1339, %ne3A_1340 : i32
      %and3A_1342 = arith.andi %ne3A_1338, %ne3A_1341 : i1
      %sub3A_1343 = arith.constant 1 : i32
      %sub3A_1344 = arith.subi %div3A_1323, %sub3A_1343 : i32
      %select_n3A_1345 = arith.select %and3A_1342, %sub3A_1344, %div3A_1323 : i32
      %jit3A_1346 = arith.constant 3481 : i32
      %eq3A_1347 = arith.constant 0 : i32
      %eq3A_1348 = arith.cmpi eq, %jit3A_1346, %eq3A_1347 : i32
      %jit3A_1349 = arith.constant 1 : i32
      %select_n3A_1350 = arith.select %eq3A_1348, %jit3A_1349, %jit3A_1346 : i32
      %rem3A_1351 = arith.remsi %add3A_1321, %select_n3A_1350 : i32
      %ne3A_1352 = arith.constant 0 : i32
      %ne3A_1353 = arith.cmpi ne, %rem3A_1351, %ne3A_1352 : i32
      %lt3A_1354 = arith.constant 0 : i32
      %lt3A_1355 = arith.cmpi slt, %rem3A_1351, %lt3A_1354 : i32
      %lt3A_1356 = arith.constant 0 : i32
      %lt3A_1357 = arith.cmpi slt, %select_n3A_1350, %lt3A_1356 : i32
      %ne3A_1358 = arith.xori %lt3A_1355, %lt3A_1357 : i1
      %and3A_1359 = arith.andi %ne3A_1358, %ne3A_1353 : i1
      %add3A_1360 = arith.addi %rem3A_1351, %select_n3A_1350 : i32
      %select_n3A_1361 = arith.select %and3A_1359, %add3A_1360, %rem3A_1351 : i32
      %jit3A_1362 = arith.constant 59 : i32
      %div3A_1363 = arith.divsi %select_n3A_1361, %jit3A_1362 : i32
      %sign3A_1364 = arith.constant 0 : i32
      %sign3A_1365 = arith.cmpi sgt, %select_n3A_1361, %sign3A_1364 : i32
      %sign3A_1366 = arith.extui %sign3A_1365 : i1 to i32
      %sign3A_1367 = arith.constant 0 : i32
      %sign3A_1368 = arith.cmpi slt, %select_n3A_1361, %sign3A_1367 : i32
      %sign3A_1369 = arith.extui %sign3A_1368 : i1 to i32
      %sign3A_1370 = arith.subi %sign3A_1366, %sign3A_1369 : i32
      %sign3A_1371 = arith.constant 0 : i32
      %sign3A_1372 = arith.cmpi sgt, %jit3A_1362, %sign3A_1371 : i32
      %sign3A_1373 = arith.extui %sign3A_1372 : i1 to i32
      %sign3A_1374 = arith.constant 0 : i32
      %sign3A_1375 = arith.cmpi slt, %jit3A_1362, %sign3A_1374 : i32
      %sign3A_1376 = arith.extui %sign3A_1375 : i1 to i32
      %sign3A_1377 = arith.subi %sign3A_1373, %sign3A_1376 : i32
      %ne3A_1378 = arith.cmpi ne, %sign3A_1370, %sign3A_1377 : i32
      %rem3A_1379 = arith.remsi %select_n3A_1361, %jit3A_1362 : i32
      %ne3A_1380 = arith.constant 0 : i32
      %ne3A_1381 = arith.cmpi ne, %rem3A_1379, %ne3A_1380 : i32
      %and3A_1382 = arith.andi %ne3A_1378, %ne3A_1381 : i1
      %sub3A_1383 = arith.constant 1 : i32
      %sub3A_1384 = arith.subi %div3A_1363, %sub3A_1383 : i32
      %select_n3A_1385 = arith.select %and3A_1382, %sub3A_1384, %div3A_1363 : i32
      %jit3A_1386 = arith.constant 59 : i32
      %eq3A_1387 = arith.constant 0 : i32
      %eq3A_1388 = arith.cmpi eq, %jit3A_1386, %eq3A_1387 : i32
      %jit3A_1389 = arith.constant 1 : i32
      %select_n3A_1390 = arith.select %eq3A_1388, %jit3A_1389, %jit3A_1386 : i32
      %rem3A_1391 = arith.remsi %select_n3A_1361, %select_n3A_1390 : i32
      %ne3A_1392 = arith.constant 0 : i32
      %ne3A_1393 = arith.cmpi ne, %rem3A_1391, %ne3A_1392 : i32
      %lt3A_1394 = arith.constant 0 : i32
      %lt3A_1395 = arith.cmpi slt, %rem3A_1391, %lt3A_1394 : i32
      %lt3A_1396 = arith.constant 0 : i32
      %lt3A_1397 = arith.cmpi slt, %select_n3A_1390, %lt3A_1396 : i32
      %ne3A_1398 = arith.xori %lt3A_1395, %lt3A_1397 : i1
      %and3A_1399 = arith.andi %ne3A_1398, %ne3A_1393 : i1
      %add3A_1400 = arith.addi %rem3A_1391, %select_n3A_1390 : i32
      %select_n3A_1401 = arith.select %and3A_1399, %add3A_1400, %rem3A_1391 : i32
      %add3A_1402 = arith.constant 29 : i32
      %add3A_1403 = arith.addi %select_n3A_1385, %add3A_1402 : i32
      %sub3A_1404 = arith.subi %add3A_1403, %select_n3A_1401 : i32
      %lt3A_1405 = arith.constant 6962 : i32
      %lt3A_1406 = arith.cmpi slt, %add3A_1321, %lt3A_1405 : i32
      %ge3A_1407 = arith.constant 0 : i32
      %ge3A_1408 = arith.cmpi sge, %sub3A_1404, %ge3A_1407 : i32
      %and3A_1409 = arith.andi %lt3A_1406, %ge3A_1408 : i1
      %lt3A_1410 = arith.constant 59 : i32
      %lt3A_1411 = arith.cmpi slt, %sub3A_1404, %lt3A_1410 : i32
      %and3A_1412 = arith.andi %and3A_1409, %lt3A_1411 : i1
      %lt3A_1413 = arith.constant 6962 : i32
      %lt3A_1414 = arith.cmpi slt, %add3A_1321, %lt3A_1413 : i32
      %not3A_1415 = arith.constant true
      %not3A_1416 = arith.xori %and3A_1412, %not3A_1415 : i1
      %and3A_1417 = arith.andi %lt3A_1414, %not3A_1416 : i1
      %mul3A_1418 = arith.constant 59 : i32
      %mul3A_1419 = arith.muli %mul3A_1418, %select_n3A_1385 : i32
      %convert_element_type3A_1420 = arith.extui %and3A_1412 : i1 to i32
      %cond3A_1421 = arith.constant 0 : i32
      %cond3A_1422 = arith.cmpi ne, %convert_element_type3A_1420, %cond3A_1421 : i32
      scf.if %cond3A_1422 {
        %dma_wait3A = arith.constant 0 : i32
        %dma_wait3A_1972 = arith.constant 0 : i32
        %dma_wait3A_1973 = arith.constant 0 : i32
        %dma_wait3A_1974 = arith.constant 0 : i32
        %dma_wait3A_1975 = tpu.memref_slice %arg2[%dma_wait3A, %dma_wait3A_1973, %dma_wait3A_1972, %dma_wait3A_1974] : memref<2x3481x59x59xf32, #tpu.memory_space<hbm>> -> memref<1x59x1x59xf32, #tpu.memory_space<hbm>>
        %dma_wait3A_1976 = tpu.memref_squeeze %dma_wait3A_1975 : memref<1x59x1x59xf32, #tpu.memory_space<hbm>> -> memref<59x59xf32, #tpu.memory_space<hbm>>
        %dma_wait3A_1977 = arith.constant 0 : i32
        %dma_wait3A_1978 = arith.constant 0 : i32
        %dma_wait3A_1979 = tpu.memref_slice %arg2[%dma_wait3A, %dma_wait3A_1977, %dma_wait3A_1972, %dma_wait3A_1978] : memref<2x3481x59x59xf32, #tpu.memory_space<hbm>> -> memref<1x59x1x59xf32, #tpu.memory_space<hbm>>
        %dma_wait3A_1980 = tpu.memref_squeeze %dma_wait3A_1979 : memref<1x59x1x59xf32, #tpu.memory_space<hbm>> -> memref<59x59xf32, #tpu.memory_space<hbm>>
        tpu.wait_dma2 semaphore(%arg20 : memref<!tpu.dma_semaphore, #tpu.memory_space<semaphore_mem>>) src(%dma_wait3A_1980 : memref<59x59xf32, #tpu.memory_space<hbm>>) dst(%arg7 : memref<59x59xf32, #tpu.memory_space<vmem>>)
        %gt3A_1981 = arith.constant 0 : i32
        %gt3A_1982 = arith.cmpi sgt, %scan3A_654, %gt3A_1981 : i32
        %convert_element_type3A_1983 = arith.extui %gt3A_1982 : i1 to i32
        %cond3A_1984 = arith.constant 0 : i32
        %cond3A_1985 = arith.cmpi ne, %convert_element_type3A_1983, %cond3A_1984 : i32
        scf.if %cond3A_1985 {
          %dma_wait3A_1997 = arith.constant 0 : i32
          %dma_wait3A_1998 = arith.constant 0 : i32
          %dma_wait3A_1999 = arith.constant 0 : i32
          %dma_wait3A_2000 = arith.constant 0 : i32
          %dma_wait3A_2001 = tpu.memref_slice %arg3[%dma_wait3A_1997, %dma_wait3A_1999, %dma_wait3A_1998, %dma_wait3A_2000] : memref<2x3481x59x59xf32, #tpu.memory_space<hbm>> -> memref<1x59x1x59xf32, #tpu.memory_space<hbm>>
          %dma_wait3A_2002 = tpu.memref_squeeze %dma_wait3A_2001 : memref<1x59x1x59xf32, #tpu.memory_space<hbm>> -> memref<59x59xf32, #tpu.memory_space<hbm>>
          %dma_wait3A_2003 = arith.constant 0 : i32
          %dma_wait3A_2004 = arith.constant 0 : i32
          %dma_wait3A_2005 = tpu.memref_slice %arg3[%dma_wait3A_1997, %dma_wait3A_2003, %dma_wait3A_1998, %dma_wait3A_2004] : memref<2x3481x59x59xf32, #tpu.memory_space<hbm>> -> memref<1x59x1x59xf32, #tpu.memory_space<hbm>>
          %dma_wait3A_2006 = tpu.memref_squeeze %dma_wait3A_2005 : memref<1x59x1x59xf32, #tpu.memory_space<hbm>> -> memref<59x59xf32, #tpu.memory_space<hbm>>
          tpu.wait_dma2 semaphore(%arg26 : memref<!tpu.dma_semaphore, #tpu.memory_space<semaphore_mem>>) src(%arg13 : memref<59x59xf32, #tpu.memory_space<vmem>>) dst(%dma_wait3A_2006 : memref<59x59xf32, #tpu.memory_space<hbm>>)
        } else {
        }
        %scan3A_1986 = arith.constant 0 : i32
        %scan3A_1987 = arith.constant 0 : i32
        %scan3A_1988 = arith.constant 59 : i32
        %scan3A_1989 = arith.addi %scan3A_1987, %scan3A_1988 : i32
        %scan3A_1990 = arith.constant 1 : i32
        scf.for %scan3A_1997 = %scan3A_1987 to %scan3A_1989 step %scan3A_1990  : i32 {
          %add3A_1998 = arith.constant 0 : i32
          %add3A_1999 = vector.broadcast %add3A_1998 : i32 to vector<16xi32>
          %add3A_2000 = arith.addi %iota3A, %add3A_1999 : vector<16xi32>
          %add3A_2001 = arith.constant 29 : i32
          %add3A_2002 = arith.addi %scan3A_1997, %add3A_2001 : i32
          %sub3A_2003 = arith.constant 0 : i32
          %sub3A_2004 = arith.subi %add3A_2002, %sub3A_2003 : i32
          %sub3A_2005 = vector.broadcast %sub3A_2004 : i32 to vector<16xi32>
          %sub3A_2006 = arith.subi %sub3A_2005, %iota3A : vector<16xi32>
          %ge3A_2007 = arith.constant 0 : i32
          %ge3A_2008 = vector.broadcast %ge3A_2007 : i32 to vector<16xi32>
          %ge3A_2009 = arith.cmpi sge, %sub3A_2006, %ge3A_2008 : vector<16xi32>
          %lt3A_2010 = arith.constant 59 : i32
          %lt3A_2011 = vector.broadcast %lt3A_2010 : i32 to vector<16xi32>
          %lt3A_2012 = arith.cmpi slt, %sub3A_2006, %lt3A_2011 : vector<16xi32>
          %and3A_2013 = arith.andi %ge3A_2009, %lt3A_2012 : vector<16xi1>
          %jit3A_2014 = arith.constant 0 : i32
          %broadcast_in_dim3A_2015 = vector.broadcast %jit3A_2014 : i32 to vector<16xi32>
          %select_n3A_2016 = arith.select %and3A_2013, %sub3A_2006, %broadcast_in_dim3A_2015 : vector<16xi1>, vector<16xi32>
          %gather3A = tpu.vector_load_idx %arg7[%select_n3A_2016, %add3A_2000] : memref<59x59xf32, #tpu.memory_space<vmem>>[vector<16xi32>, vector<16xi32>], vector<16xf32>,
          %jit3A_2017 = arith.constant 0.000000e+00 : f32
          %broadcast_in_dim3A_2018 = vector.broadcast %jit3A_2017 : f32 to vector<16xf32>
          %select_n3A_2019 = arith.select %and3A_2013, %gather3A, %broadcast_in_dim3A_2018 : vector<16xi1>, vector<16xf32>
          %swap3A = arith.index_cast %scan3A_1997 : i32 to index
          %swap3A_2020 = arith.constant 0 : index
          %swap3A_2021 = tpu.vector_load %arg13[%swap3A, %swap3A_2020] {strides = array<i32>} : memref<59x59xf32, #tpu.memory_space<vmem>>, vector<16xf32>,
          tpu.vector_store %arg13[%swap3A, %swap3A_2020], %select_n3A_2019 {strides = array<i32>} : memref<59x59xf32, #tpu.memory_space<vmem>>, vector<16xf32>,
          %add3A_2022 = arith.constant 16 : i32
          %add3A_2023 = vector.broadcast %add3A_2022 : i32 to vector<16xi32>
          %add3A_2024 = arith.addi %iota3A, %add3A_2023 : vector<16xi32>
          %add3A_2025 = arith.constant 29 : i32
          %add3A_2026 = arith.addi %scan3A_1997, %add3A_2025 : i32
          %sub3A_2027 = arith.constant 16 : i32
          %sub3A_2028 = arith.subi %add3A_2026, %sub3A_2027 : i32
          %sub3A_2029 = vector.broadcast %sub3A_2028 : i32 to vector<16xi32>
          %sub3A_2030 = arith.subi %sub3A_2029, %iota3A : vector<16xi32>
          %ge3A_2031 = arith.constant 0 : i32
          %ge3A_2032 = vector.broadcast %ge3A_2031 : i32 to vector<16xi32>
          %ge3A_2033 = arith.cmpi sge, %sub3A_2030, %ge3A_2032 : vector<16xi32>
          %lt3A_2034 = arith.constant 59 : i32
          %lt3A_2035 = vector.broadcast %lt3A_2034 : i32 to vector<16xi32>
          %lt3A_2036 = arith.cmpi slt, %sub3A_2030, %lt3A_2035 : vector<16xi32>
          %and3A_2037 = arith.andi %ge3A_2033, %lt3A_2036 : vector<16xi1>
          %jit3A_2038 = arith.constant 0 : i32
          %broadcast_in_dim3A_2039 = vector.broadcast %jit3A_2038 : i32 to vector<16xi32>
          %select_n3A_2040 = arith.select %and3A_2037, %sub3A_2030, %broadcast_in_dim3A_2039 : vector<16xi1>, vector<16xi32>
          %gather3A_2041 = tpu.vector_load_idx %arg7[%select_n3A_2040, %add3A_2024] : memref<59x59xf32, #tpu.memory_space<vmem>>[vector<16xi32>, vector<16xi32>], vector<16xf32>,
          %jit3A_2042 = arith.constant 0.000000e+00 : f32
          %broadcast_in_dim3A_2043 = vector.broadcast %jit3A_2042 : f32 to vector<16xf32>
          %select_n3A_2044 = arith.select %and3A_2037, %gather3A_2041, %broadcast_in_dim3A_2043 : vector<16xi1>, vector<16xf32>
          %swap3A_2045 = arith.index_cast %scan3A_1997 : i32 to index
          %swap3A_2046 = arith.constant 16 : index
          %swap3A_2047 = tpu.vector_load %arg13[%swap3A_2045, %swap3A_2046] {strides = array<i32>} : memref<59x59xf32, #tpu.memory_space<vmem>>, vector<16xf32>,
          tpu.vector_store %arg13[%swap3A_2045, %swap3A_2046], %select_n3A_2044 {strides = array<i32>} : memref<59x59xf32, #tpu.memory_space<vmem>>, vector<16xf32>,
          %add3A_2048 = arith.constant 32 : i32
          %add3A_2049 = vector.broadcast %add3A_2048 : i32 to vector<16xi32>
          %add3A_2050 = arith.addi %iota3A, %add3A_2049 : vector<16xi32>
          %add3A_2051 = arith.constant 29 : i32
          %add3A_2052 = arith.addi %scan3A_1997, %add3A_2051 : i32
          %sub3A_2053 = arith.constant 32 : i32
          %sub3A_2054 = arith.subi %add3A_2052, %sub3A_2053 : i32
          %sub3A_2055 = vector.broadcast %sub3A_2054 : i32 to vector<16xi32>
          %sub3A_2056 = arith.subi %sub3A_2055, %iota3A : vector<16xi32>
          %ge3A_2057 = arith.constant 0 : i32
          %ge3A_2058 = vector.broadcast %ge3A_2057 : i32 to vector<16xi32>
          %ge3A_2059 = arith.cmpi sge, %sub3A_2056, %ge3A_2058 : vector<16xi32>
          %lt3A_2060 = arith.constant 59 : i32
          %lt3A_2061 = vector.broadcast %lt3A_2060 : i32 to vector<16xi32>
          %lt3A_2062 = arith.cmpi slt, %sub3A_2056, %lt3A_2061 : vector<16xi32>
          %and3A_2063 = arith.andi %ge3A_2059, %lt3A_2062 : vector<16xi1>
          %jit3A_2064 = arith.constant 0 : i32
          %broadcast_in_dim3A_2065 = vector.broadcast %jit3A_2064 : i32 to vector<16xi32>
          %select_n3A_2066 = arith.select %and3A_2063, %sub3A_2056, %broadcast_in_dim3A_2065 : vector<16xi1>, vector<16xi32>
          %gather3A_2067 = tpu.vector_load_idx %arg7[%select_n3A_2066, %add3A_2050] : memref<59x59xf32, #tpu.memory_space<vmem>>[vector<16xi32>, vector<16xi32>], vector<16xf32>,
          %jit3A_2068 = arith.constant 0.000000e+00 : f32
          %broadcast_in_dim3A_2069 = vector.broadcast %jit3A_2068 : f32 to vector<16xf32>
          %select_n3A_2070 = arith.select %and3A_2063, %gather3A_2067, %broadcast_in_dim3A_2069 : vector<16xi1>, vector<16xf32>
          %swap3A_2071 = arith.index_cast %scan3A_1997 : i32 to index
          %swap3A_2072 = arith.constant 32 : index
          %swap3A_2073 = tpu.vector_load %arg13[%swap3A_2071, %swap3A_2072] {strides = array<i32>} : memref<59x59xf32, #tpu.memory_space<vmem>>, vector<16xf32>,
          tpu.vector_store %arg13[%swap3A_2071, %swap3A_2072], %select_n3A_2070 {strides = array<i32>} : memref<59x59xf32, #tpu.memory_space<vmem>>, vector<16xf32>,
          %add3A_2074 = arith.constant 43 : i32
          %add3A_2075 = vector.broadcast %add3A_2074 : i32 to vector<16xi32>
          %add3A_2076 = arith.addi %iota3A, %add3A_2075 : vector<16xi32>
          %add3A_2077 = arith.constant 29 : i32
          %add3A_2078 = arith.addi %scan3A_1997, %add3A_2077 : i32
          %sub3A_2079 = arith.constant 43 : i32
          %sub3A_2080 = arith.subi %add3A_2078, %sub3A_2079 : i32
          %sub3A_2081 = vector.broadcast %sub3A_2080 : i32 to vector<16xi32>
          %sub3A_2082 = arith.subi %sub3A_2081, %iota3A : vector<16xi32>
          %ge3A_2083 = arith.constant 0 : i32
          %ge3A_2084 = vector.broadcast %ge3A_2083 : i32 to vector<16xi32>
          %ge3A_2085 = arith.cmpi sge, %sub3A_2082, %ge3A_2084 : vector<16xi32>
          %lt3A_2086 = arith.constant 59 : i32
          %lt3A_2087 = vector.broadcast %lt3A_2086 : i32 to vector<16xi32>
          %lt3A_2088 = arith.cmpi slt, %sub3A_2082, %lt3A_2087 : vector<16xi32>
          %and3A_2089 = arith.andi %ge3A_2085, %lt3A_2088 : vector<16xi1>
          %jit3A_2090 = arith.constant 0 : i32
          %broadcast_in_dim3A_2091 = vector.broadcast %jit3A_2090 : i32 to vector<16xi32>
          %select_n3A_2092 = arith.select %and3A_2089, %sub3A_2082, %broadcast_in_dim3A_2091 : vector<16xi1>, vector<16xi32>
          %gather3A_2093 = tpu.vector_load_idx %arg7[%select_n3A_2092, %add3A_2076] : memref<59x59xf32, #tpu.memory_space<vmem>>[vector<16xi32>, vector<16xi32>], vector<16xf32>,
          %jit3A_2094 = arith.constant 0.000000e+00 : f32
          %broadcast_in_dim3A_2095 = vector.broadcast %jit3A_2094 : f32 to vector<16xf32>
          %select_n3A_2096 = arith.select %and3A_2089, %gather3A_2093, %broadcast_in_dim3A_2095 : vector<16xi1>, vector<16xf32>
          %swap3A_2097 = arith.index_cast %scan3A_1997 : i32 to index
          %swap3A_2098 = arith.constant 43 : index
          %swap3A_2099 = tpu.vector_load %arg13[%swap3A_2097, %swap3A_2098] {strides = array<i32>} : memref<59x59xf32, #tpu.memory_space<vmem>>, vector<16xf32>,
          tpu.vector_store %arg13[%swap3A_2097, %swap3A_2098], %select_n3A_2096 {strides = array<i32>} : memref<59x59xf32, #tpu.memory_space<vmem>>, vector<16xf32>,
        }
        %scan3A_1991 = arith.constant 59 : i32
        %dma_start3A = arith.constant 0 : i32
        %dma_start3A_1992 = tpu.memref_slice %arg3[%select_n3A_1345, %mul3A_1419, %select_n3A_1401, %dma_start3A] : memref<2x3481x59x59xf32, #tpu.memory_space<hbm>> -> memref<1x59x1x59xf32, #tpu.memory_space<hbm>>
        %dma_start3A_1993 = tpu.memref_squeeze %dma_start3A_1992 : memref<1x59x1x59xf32, #tpu.memory_space<hbm>> -> memref<59x59xf32, #tpu.memory_space<hbm>>
        %dma_start3A_1994 = arith.constant 0 : i32
        %dma_start3A_1995 = tpu.memref_slice %arg3[%select_n3A_1345, %mul3A_1419, %select_n3A_1401, %dma_start3A_1994] : memref<2x3481x59x59xf32, #tpu.memory_space<hbm>> -> memref<1x59x1x59xf32, #tpu.memory_space<hbm>>
        %dma_start3A_1996 = tpu.memref_squeeze %dma_start3A_1995 : memref<1x59x1x59xf32, #tpu.memory_space<hbm>> -> memref<59x59xf32, #tpu.memory_space<hbm>>
        tpu.enqueue_dma source(%arg13 : memref<59x59xf32, #tpu.memory_space<vmem>>) target(%dma_start3A_1996 : memref<59x59xf32, #tpu.memory_space<hbm>>) target_semaphore(%arg26 : memref<!tpu.dma_semaphore, #tpu.memory_space<semaphore_mem>>)
      } else {
      }
      %convert_element_type3A_1423 = arith.extui %and3A_1417 : i1 to i32
      %cond3A_1424 = arith.constant 0 : i32
      %cond3A_1425 = arith.cmpi ne, %convert_element_type3A_1423, %cond3A_1424 : i32
      scf.if %cond3A_1425 {
        %dma_start3A = arith.constant 0 : i32
        %dma_start3A_1972 = tpu.memref_slice %arg3[%select_n3A_1345, %mul3A_1419, %select_n3A_1401, %dma_start3A] : memref<2x3481x59x59xf32, #tpu.memory_space<hbm>> -> memref<1x59x1x59xf32, #tpu.memory_space<hbm>>
        %dma_start3A_1973 = tpu.memref_squeeze %dma_start3A_1972 : memref<1x59x1x59xf32, #tpu.memory_space<hbm>> -> memref<59x59xf32, #tpu.memory_space<hbm>>
        %dma_start3A_1974 = arith.constant 0 : i32
        %dma_start3A_1975 = tpu.memref_slice %arg3[%select_n3A_1345, %mul3A_1419, %select_n3A_1401, %dma_start3A_1974] : memref<2x3481x59x59xf32, #tpu.memory_space<hbm>> -> memref<1x59x1x59xf32, #tpu.memory_space<hbm>>
        %dma_start3A_1976 = tpu.memref_squeeze %dma_start3A_1975 : memref<1x59x1x59xf32, #tpu.memory_space<hbm>> -> memref<59x59xf32, #tpu.memory_space<hbm>>
        tpu.enqueue_dma source(%arg16 : memref<59x59xf32, #tpu.memory_space<vmem>>) target(%dma_start3A_1976 : memref<59x59xf32, #tpu.memory_space<hbm>>) target_semaphore(%arg29 : memref<!tpu.dma_semaphore, #tpu.memory_space<semaphore_mem>>)
      } else {
      }
      %add3A_1426 = arith.constant 6 : i32
      %add3A_1427 = arith.addi %add3A_1318, %add3A_1426 : i32
      %mul3A_1428 = arith.constant 32 : i32
      %mul3A_1429 = arith.muli %mul3A_1428, %add3A_1427 : i32
      %add3A_1430 = arith.addi %add3A, %mul3A_1429 : i32
      %jit3A_1431 = arith.constant 3481 : i32
      %div3A_1432 = arith.divsi %add3A_1430, %jit3A_1431 : i32
      %sign3A_1433 = arith.constant 0 : i32
      %sign3A_1434 = arith.cmpi sgt, %add3A_1430, %sign3A_1433 : i32
      %sign3A_1435 = arith.extui %sign3A_1434 : i1 to i32
      %sign3A_1436 = arith.constant 0 : i32
      %sign3A_1437 = arith.cmpi slt, %add3A_1430, %sign3A_1436 : i32
      %sign3A_1438 = arith.extui %sign3A_1437 : i1 to i32
      %sign3A_1439 = arith.subi %sign3A_1435, %sign3A_1438 : i32
      %sign3A_1440 = arith.constant 0 : i32
      %sign3A_1441 = arith.cmpi sgt, %jit3A_1431, %sign3A_1440 : i32
      %sign3A_1442 = arith.extui %sign3A_1441 : i1 to i32
      %sign3A_1443 = arith.constant 0 : i32
      %sign3A_1444 = arith.cmpi slt, %jit3A_1431, %sign3A_1443 : i32
      %sign3A_1445 = arith.extui %sign3A_1444 : i1 to i32
      %sign3A_1446 = arith.subi %sign3A_1442, %sign3A_1445 : i32
      %ne3A_1447 = arith.cmpi ne, %sign3A_1439, %sign3A_1446 : i32
      %rem3A_1448 = arith.remsi %add3A_1430, %jit3A_1431 : i32
      %ne3A_1449 = arith.constant 0 : i32
      %ne3A_1450 = arith.cmpi ne, %rem3A_1448, %ne3A_1449 : i32
      %and3A_1451 = arith.andi %ne3A_1447, %ne3A_1450 : i1
      %sub3A_1452 = arith.constant 1 : i32
      %sub3A_1453 = arith.subi %div3A_1432, %sub3A_1452 : i32
      %select_n3A_1454 = arith.select %and3A_1451, %sub3A_1453, %div3A_1432 : i32
      %jit3A_1455 = arith.constant 3481 : i32
      %eq3A_1456 = arith.constant 0 : i32
      %eq3A_1457 = arith.cmpi eq, %jit3A_1455, %eq3A_1456 : i32
      %jit3A_1458 = arith.constant 1 : i32
      %select_n3A_1459 = arith.select %eq3A_1457, %jit3A_1458, %jit3A_1455 : i32
      %rem3A_1460 = arith.remsi %add3A_1430, %select_n3A_1459 : i32
      %ne3A_1461 = arith.constant 0 : i32
      %ne3A_1462 = arith.cmpi ne, %rem3A_1460, %ne3A_1461 : i32
      %lt3A_1463 = arith.constant 0 : i32
      %lt3A_1464 = arith.cmpi slt, %rem3A_1460, %lt3A_1463 : i32
      %lt3A_1465 = arith.constant 0 : i32
      %lt3A_1466 = arith.cmpi slt, %select_n3A_1459, %lt3A_1465 : i32
      %ne3A_1467 = arith.xori %lt3A_1464, %lt3A_1466 : i1
      %and3A_1468 = arith.andi %ne3A_1467, %ne3A_1462 : i1
      %add3A_1469 = arith.addi %rem3A_1460, %select_n3A_1459 : i32
      %select_n3A_1470 = arith.select %and3A_1468, %add3A_1469, %rem3A_1460 : i32
      %jit3A_1471 = arith.constant 59 : i32
      %div3A_1472 = arith.divsi %select_n3A_1470, %jit3A_1471 : i32
      %sign3A_1473 = arith.constant 0 : i32
      %sign3A_1474 = arith.cmpi sgt, %select_n3A_1470, %sign3A_1473 : i32
      %sign3A_1475 = arith.extui %sign3A_1474 : i1 to i32
      %sign3A_1476 = arith.constant 0 : i32
      %sign3A_1477 = arith.cmpi slt, %select_n3A_1470, %sign3A_1476 : i32
      %sign3A_1478 = arith.extui %sign3A_1477 : i1 to i32
      %sign3A_1479 = arith.subi %sign3A_1475, %sign3A_1478 : i32
      %sign3A_1480 = arith.constant 0 : i32
      %sign3A_1481 = arith.cmpi sgt, %jit3A_1471, %sign3A_1480 : i32
      %sign3A_1482 = arith.extui %sign3A_1481 : i1 to i32
      %sign3A_1483 = arith.constant 0 : i32
      %sign3A_1484 = arith.cmpi slt, %jit3A_1471, %sign3A_1483 : i32
      %sign3A_1485 = arith.extui %sign3A_1484 : i1 to i32
      %sign3A_1486 = arith.subi %sign3A_1482, %sign3A_1485 : i32
      %ne3A_1487 = arith.cmpi ne, %sign3A_1479, %sign3A_1486 : i32
      %rem3A_1488 = arith.remsi %select_n3A_1470, %jit3A_1471 : i32
      %ne3A_1489 = arith.constant 0 : i32
      %ne3A_1490 = arith.cmpi ne, %rem3A_1488, %ne3A_1489 : i32
      %and3A_1491 = arith.andi %ne3A_1487, %ne3A_1490 : i1
      %sub3A_1492 = arith.constant 1 : i32
      %sub3A_1493 = arith.subi %div3A_1472, %sub3A_1492 : i32
      %select_n3A_1494 = arith.select %and3A_1491, %sub3A_1493, %div3A_1472 : i32
      %jit3A_1495 = arith.constant 59 : i32
      %eq3A_1496 = arith.constant 0 : i32
      %eq3A_1497 = arith.cmpi eq, %jit3A_1495, %eq3A_1496 : i32
      %jit3A_1498 = arith.constant 1 : i32
      %select_n3A_1499 = arith.select %eq3A_1497, %jit3A_1498, %jit3A_1495 : i32
      %rem3A_1500 = arith.remsi %select_n3A_1470, %select_n3A_1499 : i32
      %ne3A_1501 = arith.constant 0 : i32
      %ne3A_1502 = arith.cmpi ne, %rem3A_1500, %ne3A_1501 : i32
      %lt3A_1503 = arith.constant 0 : i32
      %lt3A_1504 = arith.cmpi slt, %rem3A_1500, %lt3A_1503 : i32
      %lt3A_1505 = arith.constant 0 : i32
      %lt3A_1506 = arith.cmpi slt, %select_n3A_1499, %lt3A_1505 : i32
      %ne3A_1507 = arith.xori %lt3A_1504, %lt3A_1506 : i1
      %and3A_1508 = arith.andi %ne3A_1507, %ne3A_1502 : i1
      %add3A_1509 = arith.addi %rem3A_1500, %select_n3A_1499 : i32
      %select_n3A_1510 = arith.select %and3A_1508, %add3A_1509, %rem3A_1500 : i32
      %add3A_1511 = arith.constant 29 : i32
      %add3A_1512 = arith.addi %select_n3A_1494, %add3A_1511 : i32
      %sub3A_1513 = arith.subi %add3A_1512, %select_n3A_1510 : i32
      %lt3A_1514 = arith.constant 6962 : i32
      %lt3A_1515 = arith.cmpi slt, %add3A_1430, %lt3A_1514 : i32
      %ge3A_1516 = arith.constant 0 : i32
      %ge3A_1517 = arith.cmpi sge, %sub3A_1513, %ge3A_1516 : i32
      %and3A_1518 = arith.andi %lt3A_1515, %ge3A_1517 : i1
      %lt3A_1519 = arith.constant 59 : i32
      %lt3A_1520 = arith.cmpi slt, %sub3A_1513, %lt3A_1519 : i32
      %and3A_1521 = arith.andi %and3A_1518, %lt3A_1520 : i1
      %lt3A_1522 = arith.constant 6962 : i32
      %lt3A_1523 = arith.cmpi slt, %add3A_1430, %lt3A_1522 : i32
      %not3A_1524 = arith.constant true
      %not3A_1525 = arith.xori %and3A_1521, %not3A_1524 : i1
      %and3A_1526 = arith.andi %lt3A_1523, %not3A_1525 : i1
      %convert_element_type3A_1527 = arith.extui %and3A_1521 : i1 to i32
      %cond3A_1528 = arith.constant 0 : i32
      %cond3A_1529 = arith.cmpi ne, %convert_element_type3A_1527, %cond3A_1528 : i32
      scf.if %cond3A_1529 {
        %mul3A_1972 = arith.constant 59 : i32
        %mul3A_1973 = arith.muli %mul3A_1972, %sub3A_1513 : i32
        %dma_start3A = arith.constant 0 : i32
        %dma_start3A_1974 = tpu.memref_slice %arg2[%select_n3A_1454, %mul3A_1973, %select_n3A_1510, %dma_start3A] : memref<2x3481x59x59xf32, #tpu.memory_space<hbm>> -> memref<1x59x1x59xf32, #tpu.memory_space<hbm>>
        %dma_start3A_1975 = tpu.memref_squeeze %dma_start3A_1974 : memref<1x59x1x59xf32, #tpu.memory_space<hbm>> -> memref<59x59xf32, #tpu.memory_space<hbm>>
        %dma_start3A_1976 = arith.constant 0 : i32
        %dma_start3A_1977 = tpu.memref_slice %arg2[%select_n3A_1454, %mul3A_1973, %select_n3A_1510, %dma_start3A_1976] : memref<2x3481x59x59xf32, #tpu.memory_space<hbm>> -> memref<1x59x1x59xf32, #tpu.memory_space<hbm>>
        %dma_start3A_1978 = tpu.memref_squeeze %dma_start3A_1977 : memref<1x59x1x59xf32, #tpu.memory_space<hbm>> -> memref<59x59xf32, #tpu.memory_space<hbm>>
        tpu.enqueue_dma source(%dma_start3A_1978 : memref<59x59xf32, #tpu.memory_space<hbm>>) target(%arg7 : memref<59x59xf32, #tpu.memory_space<vmem>>) target_semaphore(%arg20 : memref<!tpu.dma_semaphore, #tpu.memory_space<semaphore_mem>>)
      } else {
      }
      %jit3A_1530 = arith.constant 1 : i32
      %select_n3A_1531 = arith.select %and3A_1412, %jit3A_1530, %scan3A_654 : i32
      %convert_element_type3A_1532 = arith.extui %and3A_1417 : i1 to i32
      %add3A_1533 = arith.addi %add3A_1314, %convert_element_type3A_1532 : i32
      %mul3A_1534 = arith.constant 6 : i32
      %mul3A_1535 = arith.muli %mul3A_1534, %scan3A_650 : i32
      %add3A_1536 = arith.constant 4 : i32
      %add3A_1537 = arith.addi %mul3A_1535, %add3A_1536 : i32
      %mul3A_1538 = arith.constant 32 : i32
      %mul3A_1539 = arith.muli %mul3A_1538, %add3A_1537 : i32
      %add3A_1540 = arith.addi %add3A, %mul3A_1539 : i32
      %jit3A_1541 = arith.constant 3481 : i32
      %div3A_1542 = arith.divsi %add3A_1540, %jit3A_1541 : i32
      %sign3A_1543 = arith.constant 0 : i32
      %sign3A_1544 = arith.cmpi sgt, %add3A_1540, %sign3A_1543 : i32
      %sign3A_1545 = arith.extui %sign3A_1544 : i1 to i32
      %sign3A_1546 = arith.constant 0 : i32
      %sign3A_1547 = arith.cmpi slt, %add3A_1540, %sign3A_1546 : i32
      %sign3A_1548 = arith.extui %sign3A_1547 : i1 to i32
      %sign3A_1549 = arith.subi %sign3A_1545, %sign3A_1548 : i32
      %sign3A_1550 = arith.constant 0 : i32
      %sign3A_1551 = arith.cmpi sgt, %jit3A_1541, %sign3A_1550 : i32
      %sign3A_1552 = arith.extui %sign3A_1551 : i1 to i32
      %sign3A_1553 = arith.constant 0 : i32
      %sign3A_1554 = arith.cmpi slt, %jit3A_1541, %sign3A_1553 : i32
      %sign3A_1555 = arith.extui %sign3A_1554 : i1 to i32
      %sign3A_1556 = arith.subi %sign3A_1552, %sign3A_1555 : i32
      %ne3A_1557 = arith.cmpi ne, %sign3A_1549, %sign3A_1556 : i32
      %rem3A_1558 = arith.remsi %add3A_1540, %jit3A_1541 : i32
      %ne3A_1559 = arith.constant 0 : i32
      %ne3A_1560 = arith.cmpi ne, %rem3A_1558, %ne3A_1559 : i32
      %and3A_1561 = arith.andi %ne3A_1557, %ne3A_1560 : i1
      %sub3A_1562 = arith.constant 1 : i32
      %sub3A_1563 = arith.subi %div3A_1542, %sub3A_1562 : i32
      %select_n3A_1564 = arith.select %and3A_1561, %sub3A_1563, %div3A_1542 : i32
      %jit3A_1565 = arith.constant 3481 : i32
      %eq3A_1566 = arith.constant 0 : i32
      %eq3A_1567 = arith.cmpi eq, %jit3A_1565, %eq3A_1566 : i32
      %jit3A_1568 = arith.constant 1 : i32
      %select_n3A_1569 = arith.select %eq3A_1567, %jit3A_1568, %jit3A_1565 : i32
      %rem3A_1570 = arith.remsi %add3A_1540, %select_n3A_1569 : i32
      %ne3A_1571 = arith.constant 0 : i32
      %ne3A_1572 = arith.cmpi ne, %rem3A_1570, %ne3A_1571 : i32
      %lt3A_1573 = arith.constant 0 : i32
      %lt3A_1574 = arith.cmpi slt, %rem3A_1570, %lt3A_1573 : i32
      %lt3A_1575 = arith.constant 0 : i32
      %lt3A_1576 = arith.cmpi slt, %select_n3A_1569, %lt3A_1575 : i32
      %ne3A_1577 = arith.xori %lt3A_1574, %lt3A_1576 : i1
      %and3A_1578 = arith.andi %ne3A_1577, %ne3A_1572 : i1
      %add3A_1579 = arith.addi %rem3A_1570, %select_n3A_1569 : i32
      %select_n3A_1580 = arith.select %and3A_1578, %add3A_1579, %rem3A_1570 : i32
      %jit3A_1581 = arith.constant 59 : i32
      %div3A_1582 = arith.divsi %select_n3A_1580, %jit3A_1581 : i32
      %sign3A_1583 = arith.constant 0 : i32
      %sign3A_1584 = arith.cmpi sgt, %select_n3A_1580, %sign3A_1583 : i32
      %sign3A_1585 = arith.extui %sign3A_1584 : i1 to i32
      %sign3A_1586 = arith.constant 0 : i32
      %sign3A_1587 = arith.cmpi slt, %select_n3A_1580, %sign3A_1586 : i32
      %sign3A_1588 = arith.extui %sign3A_1587 : i1 to i32
      %sign3A_1589 = arith.subi %sign3A_1585, %sign3A_1588 : i32
      %sign3A_1590 = arith.constant 0 : i32
      %sign3A_1591 = arith.cmpi sgt, %jit3A_1581, %sign3A_1590 : i32
      %sign3A_1592 = arith.extui %sign3A_1591 : i1 to i32
      %sign3A_1593 = arith.constant 0 : i32
      %sign3A_1594 = arith.cmpi slt, %jit3A_1581, %sign3A_1593 : i32
      %sign3A_1595 = arith.extui %sign3A_1594 : i1 to i32
      %sign3A_1596 = arith.subi %sign3A_1592, %sign3A_1595 : i32
      %ne3A_1597 = arith.cmpi ne, %sign3A_1589, %sign3A_1596 : i32
      %rem3A_1598 = arith.remsi %select_n3A_1580, %jit3A_1581 : i32
      %ne3A_1599 = arith.constant 0 : i32
      %ne3A_1600 = arith.cmpi ne, %rem3A_1598, %ne3A_1599 : i32
      %and3A_1601 = arith.andi %ne3A_1597, %ne3A_1600 : i1
      %sub3A_1602 = arith.constant 1 : i32
      %sub3A_1603 = arith.subi %div3A_1582, %sub3A_1602 : i32
      %select_n3A_1604 = arith.select %and3A_1601, %sub3A_1603, %div3A_1582 : i32
      %jit3A_1605 = arith.constant 59 : i32
      %eq3A_1606 = arith.constant 0 : i32
      %eq3A_1607 = arith.cmpi eq, %jit3A_1605, %eq3A_1606 : i32
      %jit3A_1608 = arith.constant 1 : i32
      %select_n3A_1609 = arith.select %eq3A_1607, %jit3A_1608, %jit3A_1605 : i32
      %rem3A_1610 = arith.remsi %select_n3A_1580, %select_n3A_1609 : i32
      %ne3A_1611 = arith.constant 0 : i32
      %ne3A_1612 = arith.cmpi ne, %rem3A_1610, %ne3A_1611 : i32
      %lt3A_1613 = arith.constant 0 : i32
      %lt3A_1614 = arith.cmpi slt, %rem3A_1610, %lt3A_1613 : i32
      %lt3A_1615 = arith.constant 0 : i32
      %lt3A_1616 = arith.cmpi slt, %select_n3A_1609, %lt3A_1615 : i32
      %ne3A_1617 = arith.xori %lt3A_1614, %lt3A_1616 : i1
      %and3A_1618 = arith.andi %ne3A_1617, %ne3A_1612 : i1
      %add3A_1619 = arith.addi %rem3A_1610, %select_n3A_1609 : i32
      %select_n3A_1620 = arith.select %and3A_1618, %add3A_1619, %rem3A_1610 : i32
      %add3A_1621 = arith.constant 29 : i32
      %add3A_1622 = arith.addi %select_n3A_1604, %add3A_1621 : i32
      %sub3A_1623 = arith.subi %add3A_1622, %select_n3A_1620 : i32
      %lt3A_1624 = arith.constant 6962 : i32
      %lt3A_1625 = arith.cmpi slt, %add3A_1540, %lt3A_1624 : i32
      %ge3A_1626 = arith.constant 0 : i32
      %ge3A_1627 = arith.cmpi sge, %sub3A_1623, %ge3A_1626 : i32
      %and3A_1628 = arith.andi %lt3A_1625, %ge3A_1627 : i1
      %lt3A_1629 = arith.constant 59 : i32
      %lt3A_1630 = arith.cmpi slt, %sub3A_1623, %lt3A_1629 : i32
      %and3A_1631 = arith.andi %and3A_1628, %lt3A_1630 : i1
      %lt3A_1632 = arith.constant 6962 : i32
      %lt3A_1633 = arith.cmpi slt, %add3A_1540, %lt3A_1632 : i32
      %not3A_1634 = arith.constant true
      %not3A_1635 = arith.xori %and3A_1631, %not3A_1634 : i1
      %and3A_1636 = arith.andi %lt3A_1633, %not3A_1635 : i1
      %mul3A_1637 = arith.constant 59 : i32
      %mul3A_1638 = arith.muli %mul3A_1637, %select_n3A_1604 : i32
      %convert_element_type3A_1639 = arith.extui %and3A_1631 : i1 to i32
      %cond3A_1640 = arith.constant 0 : i32
      %cond3A_1641 = arith.cmpi ne, %convert_element_type3A_1639, %cond3A_1640 : i32
      scf.if %cond3A_1641 {
        %dma_wait3A = arith.constant 0 : i32
        %dma_wait3A_1972 = arith.constant 0 : i32
        %dma_wait3A_1973 = arith.constant 0 : i32
        %dma_wait3A_1974 = arith.constant 0 : i32
        %dma_wait3A_1975 = tpu.memref_slice %arg2[%dma_wait3A, %dma_wait3A_1973, %dma_wait3A_1972, %dma_wait3A_1974] : memref<2x3481x59x59xf32, #tpu.memory_space<hbm>> -> memref<1x59x1x59xf32, #tpu.memory_space<hbm>>
        %dma_wait3A_1976 = tpu.memref_squeeze %dma_wait3A_1975 : memref<1x59x1x59xf32, #tpu.memory_space<hbm>> -> memref<59x59xf32, #tpu.memory_space<hbm>>
        %dma_wait3A_1977 = arith.constant 0 : i32
        %dma_wait3A_1978 = arith.constant 0 : i32
        %dma_wait3A_1979 = tpu.memref_slice %arg2[%dma_wait3A, %dma_wait3A_1977, %dma_wait3A_1972, %dma_wait3A_1978] : memref<2x3481x59x59xf32, #tpu.memory_space<hbm>> -> memref<1x59x1x59xf32, #tpu.memory_space<hbm>>
        %dma_wait3A_1980 = tpu.memref_squeeze %dma_wait3A_1979 : memref<1x59x1x59xf32, #tpu.memory_space<hbm>> -> memref<59x59xf32, #tpu.memory_space<hbm>>
        tpu.wait_dma2 semaphore(%arg21 : memref<!tpu.dma_semaphore, #tpu.memory_space<semaphore_mem>>) src(%dma_wait3A_1980 : memref<59x59xf32, #tpu.memory_space<hbm>>) dst(%arg8 : memref<59x59xf32, #tpu.memory_space<vmem>>)
        %gt3A_1981 = arith.constant 0 : i32
        %gt3A_1982 = arith.cmpi sgt, %scan3A_655, %gt3A_1981 : i32
        %convert_element_type3A_1983 = arith.extui %gt3A_1982 : i1 to i32
        %cond3A_1984 = arith.constant 0 : i32
        %cond3A_1985 = arith.cmpi ne, %convert_element_type3A_1983, %cond3A_1984 : i32
        scf.if %cond3A_1985 {
          %dma_wait3A_1997 = arith.constant 0 : i32
          %dma_wait3A_1998 = arith.constant 0 : i32
          %dma_wait3A_1999 = arith.constant 0 : i32
          %dma_wait3A_2000 = arith.constant 0 : i32
          %dma_wait3A_2001 = tpu.memref_slice %arg3[%dma_wait3A_1997, %dma_wait3A_1999, %dma_wait3A_1998, %dma_wait3A_2000] : memref<2x3481x59x59xf32, #tpu.memory_space<hbm>> -> memref<1x59x1x59xf32, #tpu.memory_space<hbm>>
          %dma_wait3A_2002 = tpu.memref_squeeze %dma_wait3A_2001 : memref<1x59x1x59xf32, #tpu.memory_space<hbm>> -> memref<59x59xf32, #tpu.memory_space<hbm>>
          %dma_wait3A_2003 = arith.constant 0 : i32
          %dma_wait3A_2004 = arith.constant 0 : i32
          %dma_wait3A_2005 = tpu.memref_slice %arg3[%dma_wait3A_1997, %dma_wait3A_2003, %dma_wait3A_1998, %dma_wait3A_2004] : memref<2x3481x59x59xf32, #tpu.memory_space<hbm>> -> memref<1x59x1x59xf32, #tpu.memory_space<hbm>>
          %dma_wait3A_2006 = tpu.memref_squeeze %dma_wait3A_2005 : memref<1x59x1x59xf32, #tpu.memory_space<hbm>> -> memref<59x59xf32, #tpu.memory_space<hbm>>
          tpu.wait_dma2 semaphore(%arg27 : memref<!tpu.dma_semaphore, #tpu.memory_space<semaphore_mem>>) src(%arg14 : memref<59x59xf32, #tpu.memory_space<vmem>>) dst(%dma_wait3A_2006 : memref<59x59xf32, #tpu.memory_space<hbm>>)
        } else {
        }
        %scan3A_1986 = arith.constant 0 : i32
        %scan3A_1987 = arith.constant 0 : i32
        %scan3A_1988 = arith.constant 59 : i32
        %scan3A_1989 = arith.addi %scan3A_1987, %scan3A_1988 : i32
        %scan3A_1990 = arith.constant 1 : i32
        scf.for %scan3A_1997 = %scan3A_1987 to %scan3A_1989 step %scan3A_1990  : i32 {
          %add3A_1998 = arith.constant 0 : i32
          %add3A_1999 = vector.broadcast %add3A_1998 : i32 to vector<16xi32>
          %add3A_2000 = arith.addi %iota3A, %add3A_1999 : vector<16xi32>
          %add3A_2001 = arith.constant 29 : i32
          %add3A_2002 = arith.addi %scan3A_1997, %add3A_2001 : i32
          %sub3A_2003 = arith.constant 0 : i32
          %sub3A_2004 = arith.subi %add3A_2002, %sub3A_2003 : i32
          %sub3A_2005 = vector.broadcast %sub3A_2004 : i32 to vector<16xi32>
          %sub3A_2006 = arith.subi %sub3A_2005, %iota3A : vector<16xi32>
          %ge3A_2007 = arith.constant 0 : i32
          %ge3A_2008 = vector.broadcast %ge3A_2007 : i32 to vector<16xi32>
          %ge3A_2009 = arith.cmpi sge, %sub3A_2006, %ge3A_2008 : vector<16xi32>
          %lt3A_2010 = arith.constant 59 : i32
          %lt3A_2011 = vector.broadcast %lt3A_2010 : i32 to vector<16xi32>
          %lt3A_2012 = arith.cmpi slt, %sub3A_2006, %lt3A_2011 : vector<16xi32>
          %and3A_2013 = arith.andi %ge3A_2009, %lt3A_2012 : vector<16xi1>
          %jit3A_2014 = arith.constant 0 : i32
          %broadcast_in_dim3A_2015 = vector.broadcast %jit3A_2014 : i32 to vector<16xi32>
          %select_n3A_2016 = arith.select %and3A_2013, %sub3A_2006, %broadcast_in_dim3A_2015 : vector<16xi1>, vector<16xi32>
          %gather3A = tpu.vector_load_idx %arg8[%select_n3A_2016, %add3A_2000] : memref<59x59xf32, #tpu.memory_space<vmem>>[vector<16xi32>, vector<16xi32>], vector<16xf32>,
          %jit3A_2017 = arith.constant 0.000000e+00 : f32
          %broadcast_in_dim3A_2018 = vector.broadcast %jit3A_2017 : f32 to vector<16xf32>
          %select_n3A_2019 = arith.select %and3A_2013, %gather3A, %broadcast_in_dim3A_2018 : vector<16xi1>, vector<16xf32>
          %swap3A = arith.index_cast %scan3A_1997 : i32 to index
          %swap3A_2020 = arith.constant 0 : index
          %swap3A_2021 = tpu.vector_load %arg14[%swap3A, %swap3A_2020] {strides = array<i32>} : memref<59x59xf32, #tpu.memory_space<vmem>>, vector<16xf32>,
          tpu.vector_store %arg14[%swap3A, %swap3A_2020], %select_n3A_2019 {strides = array<i32>} : memref<59x59xf32, #tpu.memory_space<vmem>>, vector<16xf32>,
          %add3A_2022 = arith.constant 16 : i32
          %add3A_2023 = vector.broadcast %add3A_2022 : i32 to vector<16xi32>
          %add3A_2024 = arith.addi %iota3A, %add3A_2023 : vector<16xi32>
          %add3A_2025 = arith.constant 29 : i32
          %add3A_2026 = arith.addi %scan3A_1997, %add3A_2025 : i32
          %sub3A_2027 = arith.constant 16 : i32
          %sub3A_2028 = arith.subi %add3A_2026, %sub3A_2027 : i32
          %sub3A_2029 = vector.broadcast %sub3A_2028 : i32 to vector<16xi32>
          %sub3A_2030 = arith.subi %sub3A_2029, %iota3A : vector<16xi32>
          %ge3A_2031 = arith.constant 0 : i32
          %ge3A_2032 = vector.broadcast %ge3A_2031 : i32 to vector<16xi32>
          %ge3A_2033 = arith.cmpi sge, %sub3A_2030, %ge3A_2032 : vector<16xi32>
          %lt3A_2034 = arith.constant 59 : i32
          %lt3A_2035 = vector.broadcast %lt3A_2034 : i32 to vector<16xi32>
          %lt3A_2036 = arith.cmpi slt, %sub3A_2030, %lt3A_2035 : vector<16xi32>
          %and3A_2037 = arith.andi %ge3A_2033, %lt3A_2036 : vector<16xi1>
          %jit3A_2038 = arith.constant 0 : i32
          %broadcast_in_dim3A_2039 = vector.broadcast %jit3A_2038 : i32 to vector<16xi32>
          %select_n3A_2040 = arith.select %and3A_2037, %sub3A_2030, %broadcast_in_dim3A_2039 : vector<16xi1>, vector<16xi32>
          %gather3A_2041 = tpu.vector_load_idx %arg8[%select_n3A_2040, %add3A_2024] : memref<59x59xf32, #tpu.memory_space<vmem>>[vector<16xi32>, vector<16xi32>], vector<16xf32>,
          %jit3A_2042 = arith.constant 0.000000e+00 : f32
          %broadcast_in_dim3A_2043 = vector.broadcast %jit3A_2042 : f32 to vector<16xf32>
          %select_n3A_2044 = arith.select %and3A_2037, %gather3A_2041, %broadcast_in_dim3A_2043 : vector<16xi1>, vector<16xf32>
          %swap3A_2045 = arith.index_cast %scan3A_1997 : i32 to index
          %swap3A_2046 = arith.constant 16 : index
          %swap3A_2047 = tpu.vector_load %arg14[%swap3A_2045, %swap3A_2046] {strides = array<i32>} : memref<59x59xf32, #tpu.memory_space<vmem>>, vector<16xf32>,
          tpu.vector_store %arg14[%swap3A_2045, %swap3A_2046], %select_n3A_2044 {strides = array<i32>} : memref<59x59xf32, #tpu.memory_space<vmem>>, vector<16xf32>,
          %add3A_2048 = arith.constant 32 : i32
          %add3A_2049 = vector.broadcast %add3A_2048 : i32 to vector<16xi32>
          %add3A_2050 = arith.addi %iota3A, %add3A_2049 : vector<16xi32>
          %add3A_2051 = arith.constant 29 : i32
          %add3A_2052 = arith.addi %scan3A_1997, %add3A_2051 : i32
          %sub3A_2053 = arith.constant 32 : i32
          %sub3A_2054 = arith.subi %add3A_2052, %sub3A_2053 : i32
          %sub3A_2055 = vector.broadcast %sub3A_2054 : i32 to vector<16xi32>
          %sub3A_2056 = arith.subi %sub3A_2055, %iota3A : vector<16xi32>
          %ge3A_2057 = arith.constant 0 : i32
          %ge3A_2058 = vector.broadcast %ge3A_2057 : i32 to vector<16xi32>
          %ge3A_2059 = arith.cmpi sge, %sub3A_2056, %ge3A_2058 : vector<16xi32>
          %lt3A_2060 = arith.constant 59 : i32
          %lt3A_2061 = vector.broadcast %lt3A_2060 : i32 to vector<16xi32>
          %lt3A_2062 = arith.cmpi slt, %sub3A_2056, %lt3A_2061 : vector<16xi32>
          %and3A_2063 = arith.andi %ge3A_2059, %lt3A_2062 : vector<16xi1>
          %jit3A_2064 = arith.constant 0 : i32
          %broadcast_in_dim3A_2065 = vector.broadcast %jit3A_2064 : i32 to vector<16xi32>
          %select_n3A_2066 = arith.select %and3A_2063, %sub3A_2056, %broadcast_in_dim3A_2065 : vector<16xi1>, vector<16xi32>
          %gather3A_2067 = tpu.vector_load_idx %arg8[%select_n3A_2066, %add3A_2050] : memref<59x59xf32, #tpu.memory_space<vmem>>[vector<16xi32>, vector<16xi32>], vector<16xf32>,
          %jit3A_2068 = arith.constant 0.000000e+00 : f32
          %broadcast_in_dim3A_2069 = vector.broadcast %jit3A_2068 : f32 to vector<16xf32>
          %select_n3A_2070 = arith.select %and3A_2063, %gather3A_2067, %broadcast_in_dim3A_2069 : vector<16xi1>, vector<16xf32>
          %swap3A_2071 = arith.index_cast %scan3A_1997 : i32 to index
          %swap3A_2072 = arith.constant 32 : index
          %swap3A_2073 = tpu.vector_load %arg14[%swap3A_2071, %swap3A_2072] {strides = array<i32>} : memref<59x59xf32, #tpu.memory_space<vmem>>, vector<16xf32>,
          tpu.vector_store %arg14[%swap3A_2071, %swap3A_2072], %select_n3A_2070 {strides = array<i32>} : memref<59x59xf32, #tpu.memory_space<vmem>>, vector<16xf32>,
          %add3A_2074 = arith.constant 43 : i32
          %add3A_2075 = vector.broadcast %add3A_2074 : i32 to vector<16xi32>
          %add3A_2076 = arith.addi %iota3A, %add3A_2075 : vector<16xi32>
          %add3A_2077 = arith.constant 29 : i32
          %add3A_2078 = arith.addi %scan3A_1997, %add3A_2077 : i32
          %sub3A_2079 = arith.constant 43 : i32
          %sub3A_2080 = arith.subi %add3A_2078, %sub3A_2079 : i32
          %sub3A_2081 = vector.broadcast %sub3A_2080 : i32 to vector<16xi32>
          %sub3A_2082 = arith.subi %sub3A_2081, %iota3A : vector<16xi32>
          %ge3A_2083 = arith.constant 0 : i32
          %ge3A_2084 = vector.broadcast %ge3A_2083 : i32 to vector<16xi32>
          %ge3A_2085 = arith.cmpi sge, %sub3A_2082, %ge3A_2084 : vector<16xi32>
          %lt3A_2086 = arith.constant 59 : i32
          %lt3A_2087 = vector.broadcast %lt3A_2086 : i32 to vector<16xi32>
          %lt3A_2088 = arith.cmpi slt, %sub3A_2082, %lt3A_2087 : vector<16xi32>
          %and3A_2089 = arith.andi %ge3A_2085, %lt3A_2088 : vector<16xi1>
          %jit3A_2090 = arith.constant 0 : i32
          %broadcast_in_dim3A_2091 = vector.broadcast %jit3A_2090 : i32 to vector<16xi32>
          %select_n3A_2092 = arith.select %and3A_2089, %sub3A_2082, %broadcast_in_dim3A_2091 : vector<16xi1>, vector<16xi32>
          %gather3A_2093 = tpu.vector_load_idx %arg8[%select_n3A_2092, %add3A_2076] : memref<59x59xf32, #tpu.memory_space<vmem>>[vector<16xi32>, vector<16xi32>], vector<16xf32>,
          %jit3A_2094 = arith.constant 0.000000e+00 : f32
          %broadcast_in_dim3A_2095 = vector.broadcast %jit3A_2094 : f32 to vector<16xf32>
          %select_n3A_2096 = arith.select %and3A_2089, %gather3A_2093, %broadcast_in_dim3A_2095 : vector<16xi1>, vector<16xf32>
          %swap3A_2097 = arith.index_cast %scan3A_1997 : i32 to index
          %swap3A_2098 = arith.constant 43 : index
          %swap3A_2099 = tpu.vector_load %arg14[%swap3A_2097, %swap3A_2098] {strides = array<i32>} : memref<59x59xf32, #tpu.memory_space<vmem>>, vector<16xf32>,
          tpu.vector_store %arg14[%swap3A_2097, %swap3A_2098], %select_n3A_2096 {strides = array<i32>} : memref<59x59xf32, #tpu.memory_space<vmem>>, vector<16xf32>,
        }
        %scan3A_1991 = arith.constant 59 : i32
        %dma_start3A = arith.constant 0 : i32
        %dma_start3A_1992 = tpu.memref_slice %arg3[%select_n3A_1564, %mul3A_1638, %select_n3A_1620, %dma_start3A] : memref<2x3481x59x59xf32, #tpu.memory_space<hbm>> -> memref<1x59x1x59xf32, #tpu.memory_space<hbm>>
        %dma_start3A_1993 = tpu.memref_squeeze %dma_start3A_1992 : memref<1x59x1x59xf32, #tpu.memory_space<hbm>> -> memref<59x59xf32, #tpu.memory_space<hbm>>
        %dma_start3A_1994 = arith.constant 0 : i32
        %dma_start3A_1995 = tpu.memref_slice %arg3[%select_n3A_1564, %mul3A_1638, %select_n3A_1620, %dma_start3A_1994] : memref<2x3481x59x59xf32, #tpu.memory_space<hbm>> -> memref<1x59x1x59xf32, #tpu.memory_space<hbm>>
        %dma_start3A_1996 = tpu.memref_squeeze %dma_start3A_1995 : memref<1x59x1x59xf32, #tpu.memory_space<hbm>> -> memref<59x59xf32, #tpu.memory_space<hbm>>
        tpu.enqueue_dma source(%arg14 : memref<59x59xf32, #tpu.memory_space<vmem>>) target(%dma_start3A_1996 : memref<59x59xf32, #tpu.memory_space<hbm>>) target_semaphore(%arg27 : memref<!tpu.dma_semaphore, #tpu.memory_space<semaphore_mem>>)
      } else {
      }
      %convert_element_type3A_1642 = arith.extui %and3A_1636 : i1 to i32
      %cond3A_1643 = arith.constant 0 : i32
      %cond3A_1644 = arith.cmpi ne, %convert_element_type3A_1642, %cond3A_1643 : i32
      scf.if %cond3A_1644 {
        %dma_start3A = arith.constant 0 : i32
        %dma_start3A_1972 = tpu.memref_slice %arg3[%select_n3A_1564, %mul3A_1638, %select_n3A_1620, %dma_start3A] : memref<2x3481x59x59xf32, #tpu.memory_space<hbm>> -> memref<1x59x1x59xf32, #tpu.memory_space<hbm>>
        %dma_start3A_1973 = tpu.memref_squeeze %dma_start3A_1972 : memref<1x59x1x59xf32, #tpu.memory_space<hbm>> -> memref<59x59xf32, #tpu.memory_space<hbm>>
        %dma_start3A_1974 = arith.constant 0 : i32
        %dma_start3A_1975 = tpu.memref_slice %arg3[%select_n3A_1564, %mul3A_1638, %select_n3A_1620, %dma_start3A_1974] : memref<2x3481x59x59xf32, #tpu.memory_space<hbm>> -> memref<1x59x1x59xf32, #tpu.memory_space<hbm>>
        %dma_start3A_1976 = tpu.memref_squeeze %dma_start3A_1975 : memref<1x59x1x59xf32, #tpu.memory_space<hbm>> -> memref<59x59xf32, #tpu.memory_space<hbm>>
        tpu.enqueue_dma source(%arg16 : memref<59x59xf32, #tpu.memory_space<vmem>>) target(%dma_start3A_1976 : memref<59x59xf32, #tpu.memory_space<hbm>>) target_semaphore(%arg29 : memref<!tpu.dma_semaphore, #tpu.memory_space<semaphore_mem>>)
      } else {
      }
      %add3A_1645 = arith.constant 6 : i32
      %add3A_1646 = arith.addi %add3A_1537, %add3A_1645 : i32
      %mul3A_1647 = arith.constant 32 : i32
      %mul3A_1648 = arith.muli %mul3A_1647, %add3A_1646 : i32
      %add3A_1649 = arith.addi %add3A, %mul3A_1648 : i32
      %jit3A_1650 = arith.constant 3481 : i32
      %div3A_1651 = arith.divsi %add3A_1649, %jit3A_1650 : i32
      %sign3A_1652 = arith.constant 0 : i32
      %sign3A_1653 = arith.cmpi sgt, %add3A_1649, %sign3A_1652 : i32
      %sign3A_1654 = arith.extui %sign3A_1653 : i1 to i32
      %sign3A_1655 = arith.constant 0 : i32
      %sign3A_1656 = arith.cmpi slt, %add3A_1649, %sign3A_1655 : i32
      %sign3A_1657 = arith.extui %sign3A_1656 : i1 to i32
      %sign3A_1658 = arith.subi %sign3A_1654, %sign3A_1657 : i32
      %sign3A_1659 = arith.constant 0 : i32
      %sign3A_1660 = arith.cmpi sgt, %jit3A_1650, %sign3A_1659 : i32
      %sign3A_1661 = arith.extui %sign3A_1660 : i1 to i32
      %sign3A_1662 = arith.constant 0 : i32
      %sign3A_1663 = arith.cmpi slt, %jit3A_1650, %sign3A_1662 : i32
      %sign3A_1664 = arith.extui %sign3A_1663 : i1 to i32
      %sign3A_1665 = arith.subi %sign3A_1661, %sign3A_1664 : i32
      %ne3A_1666 = arith.cmpi ne, %sign3A_1658, %sign3A_1665 : i32
      %rem3A_1667 = arith.remsi %add3A_1649, %jit3A_1650 : i32
      %ne3A_1668 = arith.constant 0 : i32
      %ne3A_1669 = arith.cmpi ne, %rem3A_1667, %ne3A_1668 : i32
      %and3A_1670 = arith.andi %ne3A_1666, %ne3A_1669 : i1
      %sub3A_1671 = arith.constant 1 : i32
      %sub3A_1672 = arith.subi %div3A_1651, %sub3A_1671 : i32
      %select_n3A_1673 = arith.select %and3A_1670, %sub3A_1672, %div3A_1651 : i32
      %jit3A_1674 = arith.constant 3481 : i32
      %eq3A_1675 = arith.constant 0 : i32
      %eq3A_1676 = arith.cmpi eq, %jit3A_1674, %eq3A_1675 : i32
      %jit3A_1677 = arith.constant 1 : i32
      %select_n3A_1678 = arith.select %eq3A_1676, %jit3A_1677, %jit3A_1674 : i32
      %rem3A_1679 = arith.remsi %add3A_1649, %select_n3A_1678 : i32
      %ne3A_1680 = arith.constant 0 : i32
      %ne3A_1681 = arith.cmpi ne, %rem3A_1679, %ne3A_1680 : i32
      %lt3A_1682 = arith.constant 0 : i32
      %lt3A_1683 = arith.cmpi slt, %rem3A_1679, %lt3A_1682 : i32
      %lt3A_1684 = arith.constant 0 : i32
      %lt3A_1685 = arith.cmpi slt, %select_n3A_1678, %lt3A_1684 : i32
      %ne3A_1686 = arith.xori %lt3A_1683, %lt3A_1685 : i1
      %and3A_1687 = arith.andi %ne3A_1686, %ne3A_1681 : i1
      %add3A_1688 = arith.addi %rem3A_1679, %select_n3A_1678 : i32
      %select_n3A_1689 = arith.select %and3A_1687, %add3A_1688, %rem3A_1679 : i32
      %jit3A_1690 = arith.constant 59 : i32
      %div3A_1691 = arith.divsi %select_n3A_1689, %jit3A_1690 : i32
      %sign3A_1692 = arith.constant 0 : i32
      %sign3A_1693 = arith.cmpi sgt, %select_n3A_1689, %sign3A_1692 : i32
      %sign3A_1694 = arith.extui %sign3A_1693 : i1 to i32
      %sign3A_1695 = arith.constant 0 : i32
      %sign3A_1696 = arith.cmpi slt, %select_n3A_1689, %sign3A_1695 : i32
      %sign3A_1697 = arith.extui %sign3A_1696 : i1 to i32
      %sign3A_1698 = arith.subi %sign3A_1694, %sign3A_1697 : i32
      %sign3A_1699 = arith.constant 0 : i32
      %sign3A_1700 = arith.cmpi sgt, %jit3A_1690, %sign3A_1699 : i32
      %sign3A_1701 = arith.extui %sign3A_1700 : i1 to i32
      %sign3A_1702 = arith.constant 0 : i32
      %sign3A_1703 = arith.cmpi slt, %jit3A_1690, %sign3A_1702 : i32
      %sign3A_1704 = arith.extui %sign3A_1703 : i1 to i32
      %sign3A_1705 = arith.subi %sign3A_1701, %sign3A_1704 : i32
      %ne3A_1706 = arith.cmpi ne, %sign3A_1698, %sign3A_1705 : i32
      %rem3A_1707 = arith.remsi %select_n3A_1689, %jit3A_1690 : i32
      %ne3A_1708 = arith.constant 0 : i32
      %ne3A_1709 = arith.cmpi ne, %rem3A_1707, %ne3A_1708 : i32
      %and3A_1710 = arith.andi %ne3A_1706, %ne3A_1709 : i1
      %sub3A_1711 = arith.constant 1 : i32
      %sub3A_1712 = arith.subi %div3A_1691, %sub3A_1711 : i32
      %select_n3A_1713 = arith.select %and3A_1710, %sub3A_1712, %div3A_1691 : i32
      %jit3A_1714 = arith.constant 59 : i32
      %eq3A_1715 = arith.constant 0 : i32
      %eq3A_1716 = arith.cmpi eq, %jit3A_1714, %eq3A_1715 : i32
      %jit3A_1717 = arith.constant 1 : i32
      %select_n3A_1718 = arith.select %eq3A_1716, %jit3A_1717, %jit3A_1714 : i32
      %rem3A_1719 = arith.remsi %select_n3A_1689, %select_n3A_1718 : i32
      %ne3A_1720 = arith.constant 0 : i32
      %ne3A_1721 = arith.cmpi ne, %rem3A_1719, %ne3A_1720 : i32
      %lt3A_1722 = arith.constant 0 : i32
      %lt3A_1723 = arith.cmpi slt, %rem3A_1719, %lt3A_1722 : i32
      %lt3A_1724 = arith.constant 0 : i32
      %lt3A_1725 = arith.cmpi slt, %select_n3A_1718, %lt3A_1724 : i32
      %ne3A_1726 = arith.xori %lt3A_1723, %lt3A_1725 : i1
      %and3A_1727 = arith.andi %ne3A_1726, %ne3A_1721 : i1
      %add3A_1728 = arith.addi %rem3A_1719, %select_n3A_1718 : i32
      %select_n3A_1729 = arith.select %and3A_1727, %add3A_1728, %rem3A_1719 : i32
      %add3A_1730 = arith.constant 29 : i32
      %add3A_1731 = arith.addi %select_n3A_1713, %add3A_1730 : i32
      %sub3A_1732 = arith.subi %add3A_1731, %select_n3A_1729 : i32
      %lt3A_1733 = arith.constant 6962 : i32
      %lt3A_1734 = arith.cmpi slt, %add3A_1649, %lt3A_1733 : i32
      %ge3A_1735 = arith.constant 0 : i32
      %ge3A_1736 = arith.cmpi sge, %sub3A_1732, %ge3A_1735 : i32
      %and3A_1737 = arith.andi %lt3A_1734, %ge3A_1736 : i1
      %lt3A_1738 = arith.constant 59 : i32
      %lt3A_1739 = arith.cmpi slt, %sub3A_1732, %lt3A_1738 : i32
      %and3A_1740 = arith.andi %and3A_1737, %lt3A_1739 : i1
      %lt3A_1741 = arith.constant 6962 : i32
      %lt3A_1742 = arith.cmpi slt, %add3A_1649, %lt3A_1741 : i32
      %not3A_1743 = arith.constant true
      %not3A_1744 = arith.xori %and3A_1740, %not3A_1743 : i1
      %and3A_1745 = arith.andi %lt3A_1742, %not3A_1744 : i1
      %convert_element_type3A_1746 = arith.extui %and3A_1740 : i1 to i32
      %cond3A_1747 = arith.constant 0 : i32
      %cond3A_1748 = arith.cmpi ne, %convert_element_type3A_1746, %cond3A_1747 : i32
      scf.if %cond3A_1748 {
        %mul3A_1972 = arith.constant 59 : i32
        %mul3A_1973 = arith.muli %mul3A_1972, %sub3A_1732 : i32
        %dma_start3A = arith.constant 0 : i32
        %dma_start3A_1974 = tpu.memref_slice %arg2[%select_n3A_1673, %mul3A_1973, %select_n3A_1729, %dma_start3A] : memref<2x3481x59x59xf32, #tpu.memory_space<hbm>> -> memref<1x59x1x59xf32, #tpu.memory_space<hbm>>
        %dma_start3A_1975 = tpu.memref_squeeze %dma_start3A_1974 : memref<1x59x1x59xf32, #tpu.memory_space<hbm>> -> memref<59x59xf32, #tpu.memory_space<hbm>>
        %dma_start3A_1976 = arith.constant 0 : i32
        %dma_start3A_1977 = tpu.memref_slice %arg2[%select_n3A_1673, %mul3A_1973, %select_n3A_1729, %dma_start3A_1976] : memref<2x3481x59x59xf32, #tpu.memory_space<hbm>> -> memref<1x59x1x59xf32, #tpu.memory_space<hbm>>
        %dma_start3A_1978 = tpu.memref_squeeze %dma_start3A_1977 : memref<1x59x1x59xf32, #tpu.memory_space<hbm>> -> memref<59x59xf32, #tpu.memory_space<hbm>>
        tpu.enqueue_dma source(%dma_start3A_1978 : memref<59x59xf32, #tpu.memory_space<hbm>>) target(%arg8 : memref<59x59xf32, #tpu.memory_space<vmem>>) target_semaphore(%arg21 : memref<!tpu.dma_semaphore, #tpu.memory_space<semaphore_mem>>)
      } else {
      }
      %jit3A_1749 = arith.constant 1 : i32
      %select_n3A_1750 = arith.select %and3A_1631, %jit3A_1749, %scan3A_655 : i32
      %convert_element_type3A_1751 = arith.extui %and3A_1636 : i1 to i32
      %add3A_1752 = arith.addi %add3A_1533, %convert_element_type3A_1751 : i32
      %mul3A_1753 = arith.constant 6 : i32
      %mul3A_1754 = arith.muli %mul3A_1753, %scan3A_650 : i32
      %add3A_1755 = arith.constant 5 : i32
      %add3A_1756 = arith.addi %mul3A_1754, %add3A_1755 : i32
      %mul3A_1757 = arith.constant 32 : i32
      %mul3A_1758 = arith.muli %mul3A_1757, %add3A_1756 : i32
      %add3A_1759 = arith.addi %add3A, %mul3A_1758 : i32
      %jit3A_1760 = arith.constant 3481 : i32
      %div3A_1761 = arith.divsi %add3A_1759, %jit3A_1760 : i32
      %sign3A_1762 = arith.constant 0 : i32
      %sign3A_1763 = arith.cmpi sgt, %add3A_1759, %sign3A_1762 : i32
      %sign3A_1764 = arith.extui %sign3A_1763 : i1 to i32
      %sign3A_1765 = arith.constant 0 : i32
      %sign3A_1766 = arith.cmpi slt, %add3A_1759, %sign3A_1765 : i32
      %sign3A_1767 = arith.extui %sign3A_1766 : i1 to i32
      %sign3A_1768 = arith.subi %sign3A_1764, %sign3A_1767 : i32
      %sign3A_1769 = arith.constant 0 : i32
      %sign3A_1770 = arith.cmpi sgt, %jit3A_1760, %sign3A_1769 : i32
      %sign3A_1771 = arith.extui %sign3A_1770 : i1 to i32
      %sign3A_1772 = arith.constant 0 : i32
      %sign3A_1773 = arith.cmpi slt, %jit3A_1760, %sign3A_1772 : i32
      %sign3A_1774 = arith.extui %sign3A_1773 : i1 to i32
      %sign3A_1775 = arith.subi %sign3A_1771, %sign3A_1774 : i32
      %ne3A_1776 = arith.cmpi ne, %sign3A_1768, %sign3A_1775 : i32
      %rem3A_1777 = arith.remsi %add3A_1759, %jit3A_1760 : i32
      %ne3A_1778 = arith.constant 0 : i32
      %ne3A_1779 = arith.cmpi ne, %rem3A_1777, %ne3A_1778 : i32
      %and3A_1780 = arith.andi %ne3A_1776, %ne3A_1779 : i1
      %sub3A_1781 = arith.constant 1 : i32
      %sub3A_1782 = arith.subi %div3A_1761, %sub3A_1781 : i32
      %select_n3A_1783 = arith.select %and3A_1780, %sub3A_1782, %div3A_1761 : i32
      %jit3A_1784 = arith.constant 3481 : i32
      %eq3A_1785 = arith.constant 0 : i32
      %eq3A_1786 = arith.cmpi eq, %jit3A_1784, %eq3A_1785 : i32
      %jit3A_1787 = arith.constant 1 : i32
      %select_n3A_1788 = arith.select %eq3A_1786, %jit3A_1787, %jit3A_1784 : i32
      %rem3A_1789 = arith.remsi %add3A_1759, %select_n3A_1788 : i32
      %ne3A_1790 = arith.constant 0 : i32
      %ne3A_1791 = arith.cmpi ne, %rem3A_1789, %ne3A_1790 : i32
      %lt3A_1792 = arith.constant 0 : i32
      %lt3A_1793 = arith.cmpi slt, %rem3A_1789, %lt3A_1792 : i32
      %lt3A_1794 = arith.constant 0 : i32
      %lt3A_1795 = arith.cmpi slt, %select_n3A_1788, %lt3A_1794 : i32
      %ne3A_1796 = arith.xori %lt3A_1793, %lt3A_1795 : i1
      %and3A_1797 = arith.andi %ne3A_1796, %ne3A_1791 : i1
      %add3A_1798 = arith.addi %rem3A_1789, %select_n3A_1788 : i32
      %select_n3A_1799 = arith.select %and3A_1797, %add3A_1798, %rem3A_1789 : i32
      %jit3A_1800 = arith.constant 59 : i32
      %div3A_1801 = arith.divsi %select_n3A_1799, %jit3A_1800 : i32
      %sign3A_1802 = arith.constant 0 : i32
      %sign3A_1803 = arith.cmpi sgt, %select_n3A_1799, %sign3A_1802 : i32
      %sign3A_1804 = arith.extui %sign3A_1803 : i1 to i32
      %sign3A_1805 = arith.constant 0 : i32
      %sign3A_1806 = arith.cmpi slt, %select_n3A_1799, %sign3A_1805 : i32
      %sign3A_1807 = arith.extui %sign3A_1806 : i1 to i32
      %sign3A_1808 = arith.subi %sign3A_1804, %sign3A_1807 : i32
      %sign3A_1809 = arith.constant 0 : i32
      %sign3A_1810 = arith.cmpi sgt, %jit3A_1800, %sign3A_1809 : i32
      %sign3A_1811 = arith.extui %sign3A_1810 : i1 to i32
      %sign3A_1812 = arith.constant 0 : i32
      %sign3A_1813 = arith.cmpi slt, %jit3A_1800, %sign3A_1812 : i32
      %sign3A_1814 = arith.extui %sign3A_1813 : i1 to i32
      %sign3A_1815 = arith.subi %sign3A_1811, %sign3A_1814 : i32
      %ne3A_1816 = arith.cmpi ne, %sign3A_1808, %sign3A_1815 : i32
      %rem3A_1817 = arith.remsi %select_n3A_1799, %jit3A_1800 : i32
      %ne3A_1818 = arith.constant 0 : i32
      %ne3A_1819 = arith.cmpi ne, %rem3A_1817, %ne3A_1818 : i32
      %and3A_1820 = arith.andi %ne3A_1816, %ne3A_1819 : i1
      %sub3A_1821 = arith.constant 1 : i32
      %sub3A_1822 = arith.subi %div3A_1801, %sub3A_1821 : i32
      %select_n3A_1823 = arith.select %and3A_1820, %sub3A_1822, %div3A_1801 : i32
      %jit3A_1824 = arith.constant 59 : i32
      %eq3A_1825 = arith.constant 0 : i32
      %eq3A_1826 = arith.cmpi eq, %jit3A_1824, %eq3A_1825 : i32
      %jit3A_1827 = arith.constant 1 : i32
      %select_n3A_1828 = arith.select %eq3A_1826, %jit3A_1827, %jit3A_1824 : i32
      %rem3A_1829 = arith.remsi %select_n3A_1799, %select_n3A_1828 : i32
      %ne3A_1830 = arith.constant 0 : i32
      %ne3A_1831 = arith.cmpi ne, %rem3A_1829, %ne3A_1830 : i32
      %lt3A_1832 = arith.constant 0 : i32
      %lt3A_1833 = arith.cmpi slt, %rem3A_1829, %lt3A_1832 : i32
      %lt3A_1834 = arith.constant 0 : i32
      %lt3A_1835 = arith.cmpi slt, %select_n3A_1828, %lt3A_1834 : i32
      %ne3A_1836 = arith.xori %lt3A_1833, %lt3A_1835 : i1
      %and3A_1837 = arith.andi %ne3A_1836, %ne3A_1831 : i1
      %add3A_1838 = arith.addi %rem3A_1829, %select_n3A_1828 : i32
      %select_n3A_1839 = arith.select %and3A_1837, %add3A_1838, %rem3A_1829 : i32
      %add3A_1840 = arith.constant 29 : i32
      %add3A_1841 = arith.addi %select_n3A_1823, %add3A_1840 : i32
      %sub3A_1842 = arith.subi %add3A_1841, %select_n3A_1839 : i32
      %lt3A_1843 = arith.constant 6962 : i32
      %lt3A_1844 = arith.cmpi slt, %add3A_1759, %lt3A_1843 : i32
      %ge3A_1845 = arith.constant 0 : i32
      %ge3A_1846 = arith.cmpi sge, %sub3A_1842, %ge3A_1845 : i32
      %and3A_1847 = arith.andi %lt3A_1844, %ge3A_1846 : i1
      %lt3A_1848 = arith.constant 59 : i32
      %lt3A_1849 = arith.cmpi slt, %sub3A_1842, %lt3A_1848 : i32
      %and3A_1850 = arith.andi %and3A_1847, %lt3A_1849 : i1
      %lt3A_1851 = arith.constant 6962 : i32
      %lt3A_1852 = arith.cmpi slt, %add3A_1759, %lt3A_1851 : i32
      %not3A_1853 = arith.constant true
      %not3A_1854 = arith.xori %and3A_1850, %not3A_1853 : i1
      %and3A_1855 = arith.andi %lt3A_1852, %not3A_1854 : i1
      %mul3A_1856 = arith.constant 59 : i32
      %mul3A_1857 = arith.muli %mul3A_1856, %select_n3A_1823 : i32
      %convert_element_type3A_1858 = arith.extui %and3A_1850 : i1 to i32
      %cond3A_1859 = arith.constant 0 : i32
      %cond3A_1860 = arith.cmpi ne, %convert_element_type3A_1858, %cond3A_1859 : i32
      scf.if %cond3A_1860 {
        %dma_wait3A = arith.constant 0 : i32
        %dma_wait3A_1972 = arith.constant 0 : i32
        %dma_wait3A_1973 = arith.constant 0 : i32
        %dma_wait3A_1974 = arith.constant 0 : i32
        %dma_wait3A_1975 = tpu.memref_slice %arg2[%dma_wait3A, %dma_wait3A_1973, %dma_wait3A_1972, %dma_wait3A_1974] : memref<2x3481x59x59xf32, #tpu.memory_space<hbm>> -> memref<1x59x1x59xf32, #tpu.memory_space<hbm>>
        %dma_wait3A_1976 = tpu.memref_squeeze %dma_wait3A_1975 : memref<1x59x1x59xf32, #tpu.memory_space<hbm>> -> memref<59x59xf32, #tpu.memory_space<hbm>>
        %dma_wait3A_1977 = arith.constant 0 : i32
        %dma_wait3A_1978 = arith.constant 0 : i32
        %dma_wait3A_1979 = tpu.memref_slice %arg2[%dma_wait3A, %dma_wait3A_1977, %dma_wait3A_1972, %dma_wait3A_1978] : memref<2x3481x59x59xf32, #tpu.memory_space<hbm>> -> memref<1x59x1x59xf32, #tpu.memory_space<hbm>>
        %dma_wait3A_1980 = tpu.memref_squeeze %dma_wait3A_1979 : memref<1x59x1x59xf32, #tpu.memory_space<hbm>> -> memref<59x59xf32, #tpu.memory_space<hbm>>
        tpu.wait_dma2 semaphore(%arg22 : memref<!tpu.dma_semaphore, #tpu.memory_space<semaphore_mem>>) src(%dma_wait3A_1980 : memref<59x59xf32, #tpu.memory_space<hbm>>) dst(%arg9 : memref<59x59xf32, #tpu.memory_space<vmem>>)
        %gt3A_1981 = arith.constant 0 : i32
        %gt3A_1982 = arith.cmpi sgt, %scan3A_656, %gt3A_1981 : i32
        %convert_element_type3A_1983 = arith.extui %gt3A_1982 : i1 to i32
        %cond3A_1984 = arith.constant 0 : i32
        %cond3A_1985 = arith.cmpi ne, %convert_element_type3A_1983, %cond3A_1984 : i32
        scf.if %cond3A_1985 {
          %dma_wait3A_1997 = arith.constant 0 : i32
          %dma_wait3A_1998 = arith.constant 0 : i32
          %dma_wait3A_1999 = arith.constant 0 : i32
          %dma_wait3A_2000 = arith.constant 0 : i32
          %dma_wait3A_2001 = tpu.memref_slice %arg3[%dma_wait3A_1997, %dma_wait3A_1999, %dma_wait3A_1998, %dma_wait3A_2000] : memref<2x3481x59x59xf32, #tpu.memory_space<hbm>> -> memref<1x59x1x59xf32, #tpu.memory_space<hbm>>
          %dma_wait3A_2002 = tpu.memref_squeeze %dma_wait3A_2001 : memref<1x59x1x59xf32, #tpu.memory_space<hbm>> -> memref<59x59xf32, #tpu.memory_space<hbm>>
          %dma_wait3A_2003 = arith.constant 0 : i32
          %dma_wait3A_2004 = arith.constant 0 : i32
          %dma_wait3A_2005 = tpu.memref_slice %arg3[%dma_wait3A_1997, %dma_wait3A_2003, %dma_wait3A_1998, %dma_wait3A_2004] : memref<2x3481x59x59xf32, #tpu.memory_space<hbm>> -> memref<1x59x1x59xf32, #tpu.memory_space<hbm>>
          %dma_wait3A_2006 = tpu.memref_squeeze %dma_wait3A_2005 : memref<1x59x1x59xf32, #tpu.memory_space<hbm>> -> memref<59x59xf32, #tpu.memory_space<hbm>>
          tpu.wait_dma2 semaphore(%arg28 : memref<!tpu.dma_semaphore, #tpu.memory_space<semaphore_mem>>) src(%arg15 : memref<59x59xf32, #tpu.memory_space<vmem>>) dst(%dma_wait3A_2006 : memref<59x59xf32, #tpu.memory_space<hbm>>)
        } else {
        }
        %scan3A_1986 = arith.constant 0 : i32
        %scan3A_1987 = arith.constant 0 : i32
        %scan3A_1988 = arith.constant 59 : i32
        %scan3A_1989 = arith.addi %scan3A_1987, %scan3A_1988 : i32
        %scan3A_1990 = arith.constant 1 : i32
        scf.for %scan3A_1997 = %scan3A_1987 to %scan3A_1989 step %scan3A_1990  : i32 {
          %add3A_1998 = arith.constant 0 : i32
          %add3A_1999 = vector.broadcast %add3A_1998 : i32 to vector<16xi32>
          %add3A_2000 = arith.addi %iota3A, %add3A_1999 : vector<16xi32>
          %add3A_2001 = arith.constant 29 : i32
          %add3A_2002 = arith.addi %scan3A_1997, %add3A_2001 : i32
          %sub3A_2003 = arith.constant 0 : i32
          %sub3A_2004 = arith.subi %add3A_2002, %sub3A_2003 : i32
          %sub3A_2005 = vector.broadcast %sub3A_2004 : i32 to vector<16xi32>
          %sub3A_2006 = arith.subi %sub3A_2005, %iota3A : vector<16xi32>
          %ge3A_2007 = arith.constant 0 : i32
          %ge3A_2008 = vector.broadcast %ge3A_2007 : i32 to vector<16xi32>
          %ge3A_2009 = arith.cmpi sge, %sub3A_2006, %ge3A_2008 : vector<16xi32>
          %lt3A_2010 = arith.constant 59 : i32
          %lt3A_2011 = vector.broadcast %lt3A_2010 : i32 to vector<16xi32>
          %lt3A_2012 = arith.cmpi slt, %sub3A_2006, %lt3A_2011 : vector<16xi32>
          %and3A_2013 = arith.andi %ge3A_2009, %lt3A_2012 : vector<16xi1>
          %jit3A_2014 = arith.constant 0 : i32
          %broadcast_in_dim3A_2015 = vector.broadcast %jit3A_2014 : i32 to vector<16xi32>
          %select_n3A_2016 = arith.select %and3A_2013, %sub3A_2006, %broadcast_in_dim3A_2015 : vector<16xi1>, vector<16xi32>
          %gather3A = tpu.vector_load_idx %arg9[%select_n3A_2016, %add3A_2000] : memref<59x59xf32, #tpu.memory_space<vmem>>[vector<16xi32>, vector<16xi32>], vector<16xf32>,
          %jit3A_2017 = arith.constant 0.000000e+00 : f32
          %broadcast_in_dim3A_2018 = vector.broadcast %jit3A_2017 : f32 to vector<16xf32>
          %select_n3A_2019 = arith.select %and3A_2013, %gather3A, %broadcast_in_dim3A_2018 : vector<16xi1>, vector<16xf32>
          %swap3A = arith.index_cast %scan3A_1997 : i32 to index
          %swap3A_2020 = arith.constant 0 : index
          %swap3A_2021 = tpu.vector_load %arg15[%swap3A, %swap3A_2020] {strides = array<i32>} : memref<59x59xf32, #tpu.memory_space<vmem>>, vector<16xf32>,
          tpu.vector_store %arg15[%swap3A, %swap3A_2020], %select_n3A_2019 {strides = array<i32>} : memref<59x59xf32, #tpu.memory_space<vmem>>, vector<16xf32>,
          %add3A_2022 = arith.constant 16 : i32
          %add3A_2023 = vector.broadcast %add3A_2022 : i32 to vector<16xi32>
          %add3A_2024 = arith.addi %iota3A, %add3A_2023 : vector<16xi32>
          %add3A_2025 = arith.constant 29 : i32
          %add3A_2026 = arith.addi %scan3A_1997, %add3A_2025 : i32
          %sub3A_2027 = arith.constant 16 : i32
          %sub3A_2028 = arith.subi %add3A_2026, %sub3A_2027 : i32
          %sub3A_2029 = vector.broadcast %sub3A_2028 : i32 to vector<16xi32>
          %sub3A_2030 = arith.subi %sub3A_2029, %iota3A : vector<16xi32>
          %ge3A_2031 = arith.constant 0 : i32
          %ge3A_2032 = vector.broadcast %ge3A_2031 : i32 to vector<16xi32>
          %ge3A_2033 = arith.cmpi sge, %sub3A_2030, %ge3A_2032 : vector<16xi32>
          %lt3A_2034 = arith.constant 59 : i32
          %lt3A_2035 = vector.broadcast %lt3A_2034 : i32 to vector<16xi32>
          %lt3A_2036 = arith.cmpi slt, %sub3A_2030, %lt3A_2035 : vector<16xi32>
          %and3A_2037 = arith.andi %ge3A_2033, %lt3A_2036 : vector<16xi1>
          %jit3A_2038 = arith.constant 0 : i32
          %broadcast_in_dim3A_2039 = vector.broadcast %jit3A_2038 : i32 to vector<16xi32>
          %select_n3A_2040 = arith.select %and3A_2037, %sub3A_2030, %broadcast_in_dim3A_2039 : vector<16xi1>, vector<16xi32>
          %gather3A_2041 = tpu.vector_load_idx %arg9[%select_n3A_2040, %add3A_2024] : memref<59x59xf32, #tpu.memory_space<vmem>>[vector<16xi32>, vector<16xi32>], vector<16xf32>,
          %jit3A_2042 = arith.constant 0.000000e+00 : f32
          %broadcast_in_dim3A_2043 = vector.broadcast %jit3A_2042 : f32 to vector<16xf32>
          %select_n3A_2044 = arith.select %and3A_2037, %gather3A_2041, %broadcast_in_dim3A_2043 : vector<16xi1>, vector<16xf32>
          %swap3A_2045 = arith.index_cast %scan3A_1997 : i32 to index
          %swap3A_2046 = arith.constant 16 : index
          %swap3A_2047 = tpu.vector_load %arg15[%swap3A_2045, %swap3A_2046] {strides = array<i32>} : memref<59x59xf32, #tpu.memory_space<vmem>>, vector<16xf32>,
          tpu.vector_store %arg15[%swap3A_2045, %swap3A_2046], %select_n3A_2044 {strides = array<i32>} : memref<59x59xf32, #tpu.memory_space<vmem>>, vector<16xf32>,
          %add3A_2048 = arith.constant 32 : i32
          %add3A_2049 = vector.broadcast %add3A_2048 : i32 to vector<16xi32>
          %add3A_2050 = arith.addi %iota3A, %add3A_2049 : vector<16xi32>
          %add3A_2051 = arith.constant 29 : i32
          %add3A_2052 = arith.addi %scan3A_1997, %add3A_2051 : i32
          %sub3A_2053 = arith.constant 32 : i32
          %sub3A_2054 = arith.subi %add3A_2052, %sub3A_2053 : i32
          %sub3A_2055 = vector.broadcast %sub3A_2054 : i32 to vector<16xi32>
          %sub3A_2056 = arith.subi %sub3A_2055, %iota3A : vector<16xi32>
          %ge3A_2057 = arith.constant 0 : i32
          %ge3A_2058 = vector.broadcast %ge3A_2057 : i32 to vector<16xi32>
          %ge3A_2059 = arith.cmpi sge, %sub3A_2056, %ge3A_2058 : vector<16xi32>
          %lt3A_2060 = arith.constant 59 : i32
          %lt3A_2061 = vector.broadcast %lt3A_2060 : i32 to vector<16xi32>
          %lt3A_2062 = arith.cmpi slt, %sub3A_2056, %lt3A_2061 : vector<16xi32>
          %and3A_2063 = arith.andi %ge3A_2059, %lt3A_2062 : vector<16xi1>
          %jit3A_2064 = arith.constant 0 : i32
          %broadcast_in_dim3A_2065 = vector.broadcast %jit3A_2064 : i32 to vector<16xi32>
          %select_n3A_2066 = arith.select %and3A_2063, %sub3A_2056, %broadcast_in_dim3A_2065 : vector<16xi1>, vector<16xi32>
          %gather3A_2067 = tpu.vector_load_idx %arg9[%select_n3A_2066, %add3A_2050] : memref<59x59xf32, #tpu.memory_space<vmem>>[vector<16xi32>, vector<16xi32>], vector<16xf32>,
          %jit3A_2068 = arith.constant 0.000000e+00 : f32
          %broadcast_in_dim3A_2069 = vector.broadcast %jit3A_2068 : f32 to vector<16xf32>
          %select_n3A_2070 = arith.select %and3A_2063, %gather3A_2067, %broadcast_in_dim3A_2069 : vector<16xi1>, vector<16xf32>
          %swap3A_2071 = arith.index_cast %scan3A_1997 : i32 to index
          %swap3A_2072 = arith.constant 32 : index
          %swap3A_2073 = tpu.vector_load %arg15[%swap3A_2071, %swap3A_2072] {strides = array<i32>} : memref<59x59xf32, #tpu.memory_space<vmem>>, vector<16xf32>,
          tpu.vector_store %arg15[%swap3A_2071, %swap3A_2072], %select_n3A_2070 {strides = array<i32>} : memref<59x59xf32, #tpu.memory_space<vmem>>, vector<16xf32>,
          %add3A_2074 = arith.constant 43 : i32
          %add3A_2075 = vector.broadcast %add3A_2074 : i32 to vector<16xi32>
          %add3A_2076 = arith.addi %iota3A, %add3A_2075 : vector<16xi32>
          %add3A_2077 = arith.constant 29 : i32
          %add3A_2078 = arith.addi %scan3A_1997, %add3A_2077 : i32
          %sub3A_2079 = arith.constant 43 : i32
          %sub3A_2080 = arith.subi %add3A_2078, %sub3A_2079 : i32
          %sub3A_2081 = vector.broadcast %sub3A_2080 : i32 to vector<16xi32>
          %sub3A_2082 = arith.subi %sub3A_2081, %iota3A : vector<16xi32>
          %ge3A_2083 = arith.constant 0 : i32
          %ge3A_2084 = vector.broadcast %ge3A_2083 : i32 to vector<16xi32>
          %ge3A_2085 = arith.cmpi sge, %sub3A_2082, %ge3A_2084 : vector<16xi32>
          %lt3A_2086 = arith.constant 59 : i32
          %lt3A_2087 = vector.broadcast %lt3A_2086 : i32 to vector<16xi32>
          %lt3A_2088 = arith.cmpi slt, %sub3A_2082, %lt3A_2087 : vector<16xi32>
          %and3A_2089 = arith.andi %ge3A_2085, %lt3A_2088 : vector<16xi1>
          %jit3A_2090 = arith.constant 0 : i32
          %broadcast_in_dim3A_2091 = vector.broadcast %jit3A_2090 : i32 to vector<16xi32>
          %select_n3A_2092 = arith.select %and3A_2089, %sub3A_2082, %broadcast_in_dim3A_2091 : vector<16xi1>, vector<16xi32>
          %gather3A_2093 = tpu.vector_load_idx %arg9[%select_n3A_2092, %add3A_2076] : memref<59x59xf32, #tpu.memory_space<vmem>>[vector<16xi32>, vector<16xi32>], vector<16xf32>,
          %jit3A_2094 = arith.constant 0.000000e+00 : f32
          %broadcast_in_dim3A_2095 = vector.broadcast %jit3A_2094 : f32 to vector<16xf32>
          %select_n3A_2096 = arith.select %and3A_2089, %gather3A_2093, %broadcast_in_dim3A_2095 : vector<16xi1>, vector<16xf32>
          %swap3A_2097 = arith.index_cast %scan3A_1997 : i32 to index
          %swap3A_2098 = arith.constant 43 : index
          %swap3A_2099 = tpu.vector_load %arg15[%swap3A_2097, %swap3A_2098] {strides = array<i32>} : memref<59x59xf32, #tpu.memory_space<vmem>>, vector<16xf32>,
          tpu.vector_store %arg15[%swap3A_2097, %swap3A_2098], %select_n3A_2096 {strides = array<i32>} : memref<59x59xf32, #tpu.memory_space<vmem>>, vector<16xf32>,
        }
        %scan3A_1991 = arith.constant 59 : i32
        %dma_start3A = arith.constant 0 : i32
        %dma_start3A_1992 = tpu.memref_slice %arg3[%select_n3A_1783, %mul3A_1857, %select_n3A_1839, %dma_start3A] : memref<2x3481x59x59xf32, #tpu.memory_space<hbm>> -> memref<1x59x1x59xf32, #tpu.memory_space<hbm>>
        %dma_start3A_1993 = tpu.memref_squeeze %dma_start3A_1992 : memref<1x59x1x59xf32, #tpu.memory_space<hbm>> -> memref<59x59xf32, #tpu.memory_space<hbm>>
        %dma_start3A_1994 = arith.constant 0 : i32
        %dma_start3A_1995 = tpu.memref_slice %arg3[%select_n3A_1783, %mul3A_1857, %select_n3A_1839, %dma_start3A_1994] : memref<2x3481x59x59xf32, #tpu.memory_space<hbm>> -> memref<1x59x1x59xf32, #tpu.memory_space<hbm>>
        %dma_start3A_1996 = tpu.memref_squeeze %dma_start3A_1995 : memref<1x59x1x59xf32, #tpu.memory_space<hbm>> -> memref<59x59xf32, #tpu.memory_space<hbm>>
        tpu.enqueue_dma source(%arg15 : memref<59x59xf32, #tpu.memory_space<vmem>>) target(%dma_start3A_1996 : memref<59x59xf32, #tpu.memory_space<hbm>>) target_semaphore(%arg28 : memref<!tpu.dma_semaphore, #tpu.memory_space<semaphore_mem>>)
      } else {
      }
      %convert_element_type3A_1861 = arith.extui %and3A_1855 : i1 to i32
      %cond3A_1862 = arith.constant 0 : i32
      %cond3A_1863 = arith.cmpi ne, %convert_element_type3A_1861, %cond3A_1862 : i32
      scf.if %cond3A_1863 {
        %dma_start3A = arith.constant 0 : i32
        %dma_start3A_1972 = tpu.memref_slice %arg3[%select_n3A_1783, %mul3A_1857, %select_n3A_1839, %dma_start3A] : memref<2x3481x59x59xf32, #tpu.memory_space<hbm>> -> memref<1x59x1x59xf32, #tpu.memory_space<hbm>>
        %dma_start3A_1973 = tpu.memref_squeeze %dma_start3A_1972 : memref<1x59x1x59xf32, #tpu.memory_space<hbm>> -> memref<59x59xf32, #tpu.memory_space<hbm>>
        %dma_start3A_1974 = arith.constant 0 : i32
        %dma_start3A_1975 = tpu.memref_slice %arg3[%select_n3A_1783, %mul3A_1857, %select_n3A_1839, %dma_start3A_1974] : memref<2x3481x59x59xf32, #tpu.memory_space<hbm>> -> memref<1x59x1x59xf32, #tpu.memory_space<hbm>>
        %dma_start3A_1976 = tpu.memref_squeeze %dma_start3A_1975 : memref<1x59x1x59xf32, #tpu.memory_space<hbm>> -> memref<59x59xf32, #tpu.memory_space<hbm>>
        tpu.enqueue_dma source(%arg16 : memref<59x59xf32, #tpu.memory_space<vmem>>) target(%dma_start3A_1976 : memref<59x59xf32, #tpu.memory_space<hbm>>) target_semaphore(%arg29 : memref<!tpu.dma_semaphore, #tpu.memory_space<semaphore_mem>>)
      } else {
      }
      %add3A_1864 = arith.constant 6 : i32
      %add3A_1865 = arith.addi %add3A_1756, %add3A_1864 : i32
      %mul3A_1866 = arith.constant 32 : i32
      %mul3A_1867 = arith.muli %mul3A_1866, %add3A_1865 : i32
      %add3A_1868 = arith.addi %add3A, %mul3A_1867 : i32
      %jit3A_1869 = arith.constant 3481 : i32
      %div3A_1870 = arith.divsi %add3A_1868, %jit3A_1869 : i32
      %sign3A_1871 = arith.constant 0 : i32
      %sign3A_1872 = arith.cmpi sgt, %add3A_1868, %sign3A_1871 : i32
      %sign3A_1873 = arith.extui %sign3A_1872 : i1 to i32
      %sign3A_1874 = arith.constant 0 : i32
      %sign3A_1875 = arith.cmpi slt, %add3A_1868, %sign3A_1874 : i32
      %sign3A_1876 = arith.extui %sign3A_1875 : i1 to i32
      %sign3A_1877 = arith.subi %sign3A_1873, %sign3A_1876 : i32
      %sign3A_1878 = arith.constant 0 : i32
      %sign3A_1879 = arith.cmpi sgt, %jit3A_1869, %sign3A_1878 : i32
      %sign3A_1880 = arith.extui %sign3A_1879 : i1 to i32
      %sign3A_1881 = arith.constant 0 : i32
      %sign3A_1882 = arith.cmpi slt, %jit3A_1869, %sign3A_1881 : i32
      %sign3A_1883 = arith.extui %sign3A_1882 : i1 to i32
      %sign3A_1884 = arith.subi %sign3A_1880, %sign3A_1883 : i32
      %ne3A_1885 = arith.cmpi ne, %sign3A_1877, %sign3A_1884 : i32
      %rem3A_1886 = arith.remsi %add3A_1868, %jit3A_1869 : i32
      %ne3A_1887 = arith.constant 0 : i32
      %ne3A_1888 = arith.cmpi ne, %rem3A_1886, %ne3A_1887 : i32
      %and3A_1889 = arith.andi %ne3A_1885, %ne3A_1888 : i1
      %sub3A_1890 = arith.constant 1 : i32
      %sub3A_1891 = arith.subi %div3A_1870, %sub3A_1890 : i32
      %select_n3A_1892 = arith.select %and3A_1889, %sub3A_1891, %div3A_1870 : i32
      %jit3A_1893 = arith.constant 3481 : i32
      %eq3A_1894 = arith.constant 0 : i32
      %eq3A_1895 = arith.cmpi eq, %jit3A_1893, %eq3A_1894 : i32
      %jit3A_1896 = arith.constant 1 : i32
      %select_n3A_1897 = arith.select %eq3A_1895, %jit3A_1896, %jit3A_1893 : i32
      %rem3A_1898 = arith.remsi %add3A_1868, %select_n3A_1897 : i32
      %ne3A_1899 = arith.constant 0 : i32
      %ne3A_1900 = arith.cmpi ne, %rem3A_1898, %ne3A_1899 : i32
      %lt3A_1901 = arith.constant 0 : i32
      %lt3A_1902 = arith.cmpi slt, %rem3A_1898, %lt3A_1901 : i32
      %lt3A_1903 = arith.constant 0 : i32
      %lt3A_1904 = arith.cmpi slt, %select_n3A_1897, %lt3A_1903 : i32
      %ne3A_1905 = arith.xori %lt3A_1902, %lt3A_1904 : i1
      %and3A_1906 = arith.andi %ne3A_1905, %ne3A_1900 : i1
      %add3A_1907 = arith.addi %rem3A_1898, %select_n3A_1897 : i32
      %select_n3A_1908 = arith.select %and3A_1906, %add3A_1907, %rem3A_1898 : i32
      %jit3A_1909 = arith.constant 59 : i32
      %div3A_1910 = arith.divsi %select_n3A_1908, %jit3A_1909 : i32
      %sign3A_1911 = arith.constant 0 : i32
      %sign3A_1912 = arith.cmpi sgt, %select_n3A_1908, %sign3A_1911 : i32
      %sign3A_1913 = arith.extui %sign3A_1912 : i1 to i32
      %sign3A_1914 = arith.constant 0 : i32
      %sign3A_1915 = arith.cmpi slt, %select_n3A_1908, %sign3A_1914 : i32
      %sign3A_1916 = arith.extui %sign3A_1915 : i1 to i32
      %sign3A_1917 = arith.subi %sign3A_1913, %sign3A_1916 : i32
      %sign3A_1918 = arith.constant 0 : i32
      %sign3A_1919 = arith.cmpi sgt, %jit3A_1909, %sign3A_1918 : i32
      %sign3A_1920 = arith.extui %sign3A_1919 : i1 to i32
      %sign3A_1921 = arith.constant 0 : i32
      %sign3A_1922 = arith.cmpi slt, %jit3A_1909, %sign3A_1921 : i32
      %sign3A_1923 = arith.extui %sign3A_1922 : i1 to i32
      %sign3A_1924 = arith.subi %sign3A_1920, %sign3A_1923 : i32
      %ne3A_1925 = arith.cmpi ne, %sign3A_1917, %sign3A_1924 : i32
      %rem3A_1926 = arith.remsi %select_n3A_1908, %jit3A_1909 : i32
      %ne3A_1927 = arith.constant 0 : i32
      %ne3A_1928 = arith.cmpi ne, %rem3A_1926, %ne3A_1927 : i32
      %and3A_1929 = arith.andi %ne3A_1925, %ne3A_1928 : i1
      %sub3A_1930 = arith.constant 1 : i32
      %sub3A_1931 = arith.subi %div3A_1910, %sub3A_1930 : i32
      %select_n3A_1932 = arith.select %and3A_1929, %sub3A_1931, %div3A_1910 : i32
      %jit3A_1933 = arith.constant 59 : i32
      %eq3A_1934 = arith.constant 0 : i32
      %eq3A_1935 = arith.cmpi eq, %jit3A_1933, %eq3A_1934 : i32
      %jit3A_1936 = arith.constant 1 : i32
      %select_n3A_1937 = arith.select %eq3A_1935, %jit3A_1936, %jit3A_1933 : i32
      %rem3A_1938 = arith.remsi %select_n3A_1908, %select_n3A_1937 : i32
      %ne3A_1939 = arith.constant 0 : i32
      %ne3A_1940 = arith.cmpi ne, %rem3A_1938, %ne3A_1939 : i32
      %lt3A_1941 = arith.constant 0 : i32
      %lt3A_1942 = arith.cmpi slt, %rem3A_1938, %lt3A_1941 : i32
      %lt3A_1943 = arith.constant 0 : i32
      %lt3A_1944 = arith.cmpi slt, %select_n3A_1937, %lt3A_1943 : i32
      %ne3A_1945 = arith.xori %lt3A_1942, %lt3A_1944 : i1
      %and3A_1946 = arith.andi %ne3A_1945, %ne3A_1940 : i1
      %add3A_1947 = arith.addi %rem3A_1938, %select_n3A_1937 : i32
      %select_n3A_1948 = arith.select %and3A_1946, %add3A_1947, %rem3A_1938 : i32
      %add3A_1949 = arith.constant 29 : i32
      %add3A_1950 = arith.addi %select_n3A_1932, %add3A_1949 : i32
      %sub3A_1951 = arith.subi %add3A_1950, %select_n3A_1948 : i32
      %lt3A_1952 = arith.constant 6962 : i32
      %lt3A_1953 = arith.cmpi slt, %add3A_1868, %lt3A_1952 : i32
      %ge3A_1954 = arith.constant 0 : i32
      %ge3A_1955 = arith.cmpi sge, %sub3A_1951, %ge3A_1954 : i32
      %and3A_1956 = arith.andi %lt3A_1953, %ge3A_1955 : i1
      %lt3A_1957 = arith.constant 59 : i32
      %lt3A_1958 = arith.cmpi slt, %sub3A_1951, %lt3A_1957 : i32
      %and3A_1959 = arith.andi %and3A_1956, %lt3A_1958 : i1
      %lt3A_1960 = arith.constant 6962 : i32
      %lt3A_1961 = arith.cmpi slt, %add3A_1868, %lt3A_1960 : i32
      %not3A_1962 = arith.constant true
      %not3A_1963 = arith.xori %and3A_1959, %not3A_1962 : i1
      %and3A_1964 = arith.andi %lt3A_1961, %not3A_1963 : i1
      %convert_element_type3A_1965 = arith.extui %and3A_1959 : i1 to i32
      %cond3A_1966 = arith.constant 0 : i32
      %cond3A_1967 = arith.cmpi ne, %convert_element_type3A_1965, %cond3A_1966 : i32
      scf.if %cond3A_1967 {
        %mul3A_1972 = arith.constant 59 : i32
        %mul3A_1973 = arith.muli %mul3A_1972, %sub3A_1951 : i32
        %dma_start3A = arith.constant 0 : i32
        %dma_start3A_1974 = tpu.memref_slice %arg2[%select_n3A_1892, %mul3A_1973, %select_n3A_1948, %dma_start3A] : memref<2x3481x59x59xf32, #tpu.memory_space<hbm>> -> memref<1x59x1x59xf32, #tpu.memory_space<hbm>>
        %dma_start3A_1975 = tpu.memref_squeeze %dma_start3A_1974 : memref<1x59x1x59xf32, #tpu.memory_space<hbm>> -> memref<59x59xf32, #tpu.memory_space<hbm>>
        %dma_start3A_1976 = arith.constant 0 : i32
        %dma_start3A_1977 = tpu.memref_slice %arg2[%select_n3A_1892, %mul3A_1973, %select_n3A_1948, %dma_start3A_1976] : memref<2x3481x59x59xf32, #tpu.memory_space<hbm>> -> memref<1x59x1x59xf32, #tpu.memory_space<hbm>>
        %dma_start3A_1978 = tpu.memref_squeeze %dma_start3A_1977 : memref<1x59x1x59xf32, #tpu.memory_space<hbm>> -> memref<59x59xf32, #tpu.memory_space<hbm>>
        tpu.enqueue_dma source(%dma_start3A_1978 : memref<59x59xf32, #tpu.memory_space<hbm>>) target(%arg9 : memref<59x59xf32, #tpu.memory_space<vmem>>) target_semaphore(%arg22 : memref<!tpu.dma_semaphore, #tpu.memory_space<semaphore_mem>>)
      } else {
      }
      %jit3A_1968 = arith.constant 1 : i32
      %select_n3A_1969 = arith.select %and3A_1850, %jit3A_1968, %scan3A_656 : i32
      %convert_element_type3A_1970 = arith.extui %and3A_1855 : i1 to i32
      %add3A_1971 = arith.addi %add3A_1752, %convert_element_type3A_1970 : i32
      scf.yield %select_n3A_874, %select_n3A_1093, %select_n3A_1312, %select_n3A_1531, %select_n3A_1750, %select_n3A_1969, %add3A_1971 : i32, i32, i32, i32, i32, i32, i32
    }
    %scan3A_611 = arith.constant 37 : i32
    %gt3A = arith.constant 0 : i32
    %gt3A_612 = arith.cmpi sgt, %scan3A_610#0, %gt3A : i32
    %convert_element_type3A_613 = arith.extui %gt3A_612 : i1 to i32
    %cond3A_614 = arith.constant 0 : i32
    %cond3A_615 = arith.cmpi ne, %convert_element_type3A_613, %cond3A_614 : i32
    scf.if %cond3A_615 {
      %dma_wait3A = arith.constant 0 : i32
      %dma_wait3A_650 = arith.constant 0 : i32
      %dma_wait3A_651 = arith.constant 0 : i32
      %dma_wait3A_652 = arith.constant 0 : i32
      %dma_wait3A_653 = tpu.memref_slice %arg3[%dma_wait3A, %dma_wait3A_651, %dma_wait3A_650, %dma_wait3A_652] : memref<2x3481x59x59xf32, #tpu.memory_space<hbm>> -> memref<1x59x1x59xf32, #tpu.memory_space<hbm>>
      %dma_wait3A_654 = tpu.memref_squeeze %dma_wait3A_653 : memref<1x59x1x59xf32, #tpu.memory_space<hbm>> -> memref<59x59xf32, #tpu.memory_space<hbm>>
      %dma_wait3A_655 = arith.constant 0 : i32
      %dma_wait3A_656 = arith.constant 0 : i32
      %dma_wait3A_657 = tpu.memref_slice %arg3[%dma_wait3A, %dma_wait3A_655, %dma_wait3A_650, %dma_wait3A_656] : memref<2x3481x59x59xf32, #tpu.memory_space<hbm>> -> memref<1x59x1x59xf32, #tpu.memory_space<hbm>>
      %dma_wait3A_658 = tpu.memref_squeeze %dma_wait3A_657 : memref<1x59x1x59xf32, #tpu.memory_space<hbm>> -> memref<59x59xf32, #tpu.memory_space<hbm>>
      tpu.wait_dma2 semaphore(%arg23 : memref<!tpu.dma_semaphore, #tpu.memory_space<semaphore_mem>>) src(%arg10 : memref<59x59xf32, #tpu.memory_space<vmem>>) dst(%dma_wait3A_658 : memref<59x59xf32, #tpu.memory_space<hbm>>)
    } else {
    }
    %gt3A_616 = arith.constant 0 : i32
    %gt3A_617 = arith.cmpi sgt, %scan3A_610#1, %gt3A_616 : i32
    %convert_element_type3A_618 = arith.extui %gt3A_617 : i1 to i32
    %cond3A_619 = arith.constant 0 : i32
    %cond3A_620 = arith.cmpi ne, %convert_element_type3A_618, %cond3A_619 : i32
    scf.if %cond3A_620 {
      %dma_wait3A = arith.constant 0 : i32
      %dma_wait3A_650 = arith.constant 0 : i32
      %dma_wait3A_651 = arith.constant 0 : i32
      %dma_wait3A_652 = arith.constant 0 : i32
      %dma_wait3A_653 = tpu.memref_slice %arg3[%dma_wait3A, %dma_wait3A_651, %dma_wait3A_650, %dma_wait3A_652] : memref<2x3481x59x59xf32, #tpu.memory_space<hbm>> -> memref<1x59x1x59xf32, #tpu.memory_space<hbm>>
      %dma_wait3A_654 = tpu.memref_squeeze %dma_wait3A_653 : memref<1x59x1x59xf32, #tpu.memory_space<hbm>> -> memref<59x59xf32, #tpu.memory_space<hbm>>
      %dma_wait3A_655 = arith.constant 0 : i32
      %dma_wait3A_656 = arith.constant 0 : i32
      %dma_wait3A_657 = tpu.memref_slice %arg3[%dma_wait3A, %dma_wait3A_655, %dma_wait3A_650, %dma_wait3A_656] : memref<2x3481x59x59xf32, #tpu.memory_space<hbm>> -> memref<1x59x1x59xf32, #tpu.memory_space<hbm>>
      %dma_wait3A_658 = tpu.memref_squeeze %dma_wait3A_657 : memref<1x59x1x59xf32, #tpu.memory_space<hbm>> -> memref<59x59xf32, #tpu.memory_space<hbm>>
      tpu.wait_dma2 semaphore(%arg24 : memref<!tpu.dma_semaphore, #tpu.memory_space<semaphore_mem>>) src(%arg11 : memref<59x59xf32, #tpu.memory_space<vmem>>) dst(%dma_wait3A_658 : memref<59x59xf32, #tpu.memory_space<hbm>>)
    } else {
    }
    %gt3A_621 = arith.constant 0 : i32
    %gt3A_622 = arith.cmpi sgt, %scan3A_610#2, %gt3A_621 : i32
    %convert_element_type3A_623 = arith.extui %gt3A_622 : i1 to i32
    %cond3A_624 = arith.constant 0 : i32
    %cond3A_625 = arith.cmpi ne, %convert_element_type3A_623, %cond3A_624 : i32
    scf.if %cond3A_625 {
      %dma_wait3A = arith.constant 0 : i32
      %dma_wait3A_650 = arith.constant 0 : i32
      %dma_wait3A_651 = arith.constant 0 : i32
      %dma_wait3A_652 = arith.constant 0 : i32
      %dma_wait3A_653 = tpu.memref_slice %arg3[%dma_wait3A, %dma_wait3A_651, %dma_wait3A_650, %dma_wait3A_652] : memref<2x3481x59x59xf32, #tpu.memory_space<hbm>> -> memref<1x59x1x59xf32, #tpu.memory_space<hbm>>
      %dma_wait3A_654 = tpu.memref_squeeze %dma_wait3A_653 : memref<1x59x1x59xf32, #tpu.memory_space<hbm>> -> memref<59x59xf32, #tpu.memory_space<hbm>>
      %dma_wait3A_655 = arith.constant 0 : i32
      %dma_wait3A_656 = arith.constant 0 : i32
      %dma_wait3A_657 = tpu.memref_slice %arg3[%dma_wait3A, %dma_wait3A_655, %dma_wait3A_650, %dma_wait3A_656] : memref<2x3481x59x59xf32, #tpu.memory_space<hbm>> -> memref<1x59x1x59xf32, #tpu.memory_space<hbm>>
      %dma_wait3A_658 = tpu.memref_squeeze %dma_wait3A_657 : memref<1x59x1x59xf32, #tpu.memory_space<hbm>> -> memref<59x59xf32, #tpu.memory_space<hbm>>
      tpu.wait_dma2 semaphore(%arg25 : memref<!tpu.dma_semaphore, #tpu.memory_space<semaphore_mem>>) src(%arg12 : memref<59x59xf32, #tpu.memory_space<vmem>>) dst(%dma_wait3A_658 : memref<59x59xf32, #tpu.memory_space<hbm>>)
    } else {
    }
    %gt3A_626 = arith.constant 0 : i32
    %gt3A_627 = arith.cmpi sgt, %scan3A_610#3, %gt3A_626 : i32
    %convert_element_type3A_628 = arith.extui %gt3A_627 : i1 to i32
    %cond3A_629 = arith.constant 0 : i32
    %cond3A_630 = arith.cmpi ne, %convert_element_type3A_628, %cond3A_629 : i32
    scf.if %cond3A_630 {
      %dma_wait3A = arith.constant 0 : i32
      %dma_wait3A_650 = arith.constant 0 : i32
      %dma_wait3A_651 = arith.constant 0 : i32
      %dma_wait3A_652 = arith.constant 0 : i32
      %dma_wait3A_653 = tpu.memref_slice %arg3[%dma_wait3A, %dma_wait3A_651, %dma_wait3A_650, %dma_wait3A_652] : memref<2x3481x59x59xf32, #tpu.memory_space<hbm>> -> memref<1x59x1x59xf32, #tpu.memory_space<hbm>>
      %dma_wait3A_654 = tpu.memref_squeeze %dma_wait3A_653 : memref<1x59x1x59xf32, #tpu.memory_space<hbm>> -> memref<59x59xf32, #tpu.memory_space<hbm>>
      %dma_wait3A_655 = arith.constant 0 : i32
      %dma_wait3A_656 = arith.constant 0 : i32
      %dma_wait3A_657 = tpu.memref_slice %arg3[%dma_wait3A, %dma_wait3A_655, %dma_wait3A_650, %dma_wait3A_656] : memref<2x3481x59x59xf32, #tpu.memory_space<hbm>> -> memref<1x59x1x59xf32, #tpu.memory_space<hbm>>
      %dma_wait3A_658 = tpu.memref_squeeze %dma_wait3A_657 : memref<1x59x1x59xf32, #tpu.memory_space<hbm>> -> memref<59x59xf32, #tpu.memory_space<hbm>>
      tpu.wait_dma2 semaphore(%arg26 : memref<!tpu.dma_semaphore, #tpu.memory_space<semaphore_mem>>) src(%arg13 : memref<59x59xf32, #tpu.memory_space<vmem>>) dst(%dma_wait3A_658 : memref<59x59xf32, #tpu.memory_space<hbm>>)
    } else {
    }
    %gt3A_631 = arith.constant 0 : i32
    %gt3A_632 = arith.cmpi sgt, %scan3A_610#4, %gt3A_631 : i32
    %convert_element_type3A_633 = arith.extui %gt3A_632 : i1 to i32
    %cond3A_634 = arith.constant 0 : i32
    %cond3A_635 = arith.cmpi ne, %convert_element_type3A_633, %cond3A_634 : i32
    scf.if %cond3A_635 {
      %dma_wait3A = arith.constant 0 : i32
      %dma_wait3A_650 = arith.constant 0 : i32
      %dma_wait3A_651 = arith.constant 0 : i32
      %dma_wait3A_652 = arith.constant 0 : i32
      %dma_wait3A_653 = tpu.memref_slice %arg3[%dma_wait3A, %dma_wait3A_651, %dma_wait3A_650, %dma_wait3A_652] : memref<2x3481x59x59xf32, #tpu.memory_space<hbm>> -> memref<1x59x1x59xf32, #tpu.memory_space<hbm>>
      %dma_wait3A_654 = tpu.memref_squeeze %dma_wait3A_653 : memref<1x59x1x59xf32, #tpu.memory_space<hbm>> -> memref<59x59xf32, #tpu.memory_space<hbm>>
      %dma_wait3A_655 = arith.constant 0 : i32
      %dma_wait3A_656 = arith.constant 0 : i32
      %dma_wait3A_657 = tpu.memref_slice %arg3[%dma_wait3A, %dma_wait3A_655, %dma_wait3A_650, %dma_wait3A_656] : memref<2x3481x59x59xf32, #tpu.memory_space<hbm>> -> memref<1x59x1x59xf32, #tpu.memory_space<hbm>>
      %dma_wait3A_658 = tpu.memref_squeeze %dma_wait3A_657 : memref<1x59x1x59xf32, #tpu.memory_space<hbm>> -> memref<59x59xf32, #tpu.memory_space<hbm>>
      tpu.wait_dma2 semaphore(%arg27 : memref<!tpu.dma_semaphore, #tpu.memory_space<semaphore_mem>>) src(%arg14 : memref<59x59xf32, #tpu.memory_space<vmem>>) dst(%dma_wait3A_658 : memref<59x59xf32, #tpu.memory_space<hbm>>)
    } else {
    }
    %gt3A_636 = arith.constant 0 : i32
    %gt3A_637 = arith.cmpi sgt, %scan3A_610#5, %gt3A_636 : i32
    %convert_element_type3A_638 = arith.extui %gt3A_637 : i1 to i32
    %cond3A_639 = arith.constant 0 : i32
    %cond3A_640 = arith.cmpi ne, %convert_element_type3A_638, %cond3A_639 : i32
    scf.if %cond3A_640 {
      %dma_wait3A = arith.constant 0 : i32
      %dma_wait3A_650 = arith.constant 0 : i32
      %dma_wait3A_651 = arith.constant 0 : i32
      %dma_wait3A_652 = arith.constant 0 : i32
      %dma_wait3A_653 = tpu.memref_slice %arg3[%dma_wait3A, %dma_wait3A_651, %dma_wait3A_650, %dma_wait3A_652] : memref<2x3481x59x59xf32, #tpu.memory_space<hbm>> -> memref<1x59x1x59xf32, #tpu.memory_space<hbm>>
      %dma_wait3A_654 = tpu.memref_squeeze %dma_wait3A_653 : memref<1x59x1x59xf32, #tpu.memory_space<hbm>> -> memref<59x59xf32, #tpu.memory_space<hbm>>
      %dma_wait3A_655 = arith.constant 0 : i32
      %dma_wait3A_656 = arith.constant 0 : i32
      %dma_wait3A_657 = tpu.memref_slice %arg3[%dma_wait3A, %dma_wait3A_655, %dma_wait3A_650, %dma_wait3A_656] : memref<2x3481x59x59xf32, #tpu.memory_space<hbm>> -> memref<1x59x1x59xf32, #tpu.memory_space<hbm>>
      %dma_wait3A_658 = tpu.memref_squeeze %dma_wait3A_657 : memref<1x59x1x59xf32, #tpu.memory_space<hbm>> -> memref<59x59xf32, #tpu.memory_space<hbm>>
      tpu.wait_dma2 semaphore(%arg28 : memref<!tpu.dma_semaphore, #tpu.memory_space<semaphore_mem>>) src(%arg15 : memref<59x59xf32, #tpu.memory_space<vmem>>) dst(%dma_wait3A_658 : memref<59x59xf32, #tpu.memory_space<hbm>>)
    } else {
    }
    %while3A = arith.constant 0 : i32
    %while3A_641 = arith.constant 0 : i32
    %while3A_642 = arith.subi %scan3A_610#6, %while3A_641 : i32
    %while3A_643 = arith.addi %while3A_641, %while3A_642 : i32
    %while3A_644 = arith.constant 1 : i32
    %while3A_645 = arith.divsi %while3A_642, %while3A_644 : i32
    %while3A_646 = arith.muli %while3A_645, %while3A_644 : i32
    %while3A_647 = arith.addi %while3A_641, %while3A_646 : i32
    %while3A_648 = arith.constant 1 : i32
    scf.for %while3A_650 = %while3A_641 to %while3A_647 step %while3A_648  : i32 {
      %dma_wait3A = arith.constant 0 : i32
      %dma_wait3A_651 = arith.constant 0 : i32
      %dma_wait3A_652 = arith.constant 0 : i32
      %dma_wait3A_653 = arith.constant 0 : i32
      %dma_wait3A_654 = tpu.memref_slice %arg3[%dma_wait3A, %dma_wait3A_652, %dma_wait3A_651, %dma_wait3A_653] : memref<2x3481x59x59xf32, #tpu.memory_space<hbm>> -> memref<1x59x1x59xf32, #tpu.memory_space<hbm>>
      %dma_wait3A_655 = tpu.memref_squeeze %dma_wait3A_654 : memref<1x59x1x59xf32, #tpu.memory_space<hbm>> -> memref<59x59xf32, #tpu.memory_space<hbm>>
      %dma_wait3A_656 = arith.constant 0 : i32
      %dma_wait3A_657 = arith.constant 0 : i32
      %dma_wait3A_658 = tpu.memref_slice %arg3[%dma_wait3A, %dma_wait3A_656, %dma_wait3A_651, %dma_wait3A_657] : memref<2x3481x59x59xf32, #tpu.memory_space<hbm>> -> memref<1x59x1x59xf32, #tpu.memory_space<hbm>>
      %dma_wait3A_659 = tpu.memref_squeeze %dma_wait3A_658 : memref<1x59x1x59xf32, #tpu.memory_space<hbm>> -> memref<59x59xf32, #tpu.memory_space<hbm>>
      tpu.wait_dma2 semaphore(%arg29 : memref<!tpu.dma_semaphore, #tpu.memory_space<semaphore_mem>>) src(%arg16 : memref<59x59xf32, #tpu.memory_space<vmem>>) dst(%dma_wait3A_659 : memref<59x59xf32, #tpu.memory_space<hbm>>)
    }
    %while3A_649 = arith.constant 1 : i32
    scf.for %while3A_650 = %while3A_647 to %while3A_643 step %while3A_649  : i32 {
      %dma_wait3A = arith.constant 0 : i32
      %dma_wait3A_651 = arith.constant 0 : i32
      %dma_wait3A_652 = arith.constant 0 : i32
      %dma_wait3A_653 = arith.constant 0 : i32
      %dma_wait3A_654 = tpu.memref_slice %arg3[%dma_wait3A, %dma_wait3A_652, %dma_wait3A_651, %dma_wait3A_653] : memref<2x3481x59x59xf32, #tpu.memory_space<hbm>> -> memref<1x59x1x59xf32, #tpu.memory_space<hbm>>
      %dma_wait3A_655 = tpu.memref_squeeze %dma_wait3A_654 : memref<1x59x1x59xf32, #tpu.memory_space<hbm>> -> memref<59x59xf32, #tpu.memory_space<hbm>>
      %dma_wait3A_656 = arith.constant 0 : i32
      %dma_wait3A_657 = arith.constant 0 : i32
      %dma_wait3A_658 = tpu.memref_slice %arg3[%dma_wait3A, %dma_wait3A_656, %dma_wait3A_651, %dma_wait3A_657] : memref<2x3481x59x59xf32, #tpu.memory_space<hbm>> -> memref<1x59x1x59xf32, #tpu.memory_space<hbm>>
      %dma_wait3A_659 = tpu.memref_squeeze %dma_wait3A_658 : memref<1x59x1x59xf32, #tpu.memory_space<hbm>> -> memref<59x59xf32, #tpu.memory_space<hbm>>
      tpu.wait_dma2 semaphore(%arg29 : memref<!tpu.dma_semaphore, #tpu.memory_space<semaphore_mem>>) src(%arg16 : memref<59x59xf32, #tpu.memory_space<vmem>>) dst(%dma_wait3A_659 : memref<59x59xf32, #tpu.memory_space<hbm>>)
    }
    return
  }
}

</mosaic_0001>

<sc_bundles>
// kernel: kernel.3.cloned.1.call-start
scs
__scs_entry_jumppad:
0x0: {  	(pc) =	sbr.rel $0x88, $3  }
0x1: {  	(tag) =	ssettag $0x0;
	lr =	simm.s32 $0x1  }
0x2: {  	[smem:$0x3FA0] =	sst lr;
	_ =	strace $0xD0000000  }
0x3: {  	_ = 	snop  }
0x4: {  	_ = 	snop  }
0x5: {  	_ = 	snop  }
0x6: {  	_ = 	snop  }
0x7: {  	_ = 	snop  }
__scs_overlays_trampoline_lowered:
0x8: {  	[smem:$0x3FAF] =	sst s0  }
0x9: {  	[smem:$0x3FB0] =	sst s1  }
0xa: {  	[smem:$0x3FB1] =	sst s2  }
0xb: {  	[smem:$0x3FB2] =	sst s3  }
0xc: {  	[smem:$0x3FB3] =	sst s4  }
0xd: {  	[smem:$0x3FB4] =	sst s5  }
0xe: {  	[smem:$0x3FB5] =	sst s6  }
0xf: {  	[smem:$0x3FB6] =	sst s7  }
0x10: {  	[smem:$0x3FB7] =	sst s8  }
0x11: {  	[smem:$0x3FB8] =	sst s9;
	s0 =	simm.s32 @!p0 $0x0  }
0x12: {  	s1 =	sld [smem:$0x3F9E];
	s0 =	simm.s32 @p0 $0x1  }
0x13: {  	[smem:$0x3FB9] =	sst s0;
	s0 =	simm.s32 @!p1 $0x0  }
0x14: {  	s2 =	sld [smem:$0x3F9D];
	s0 =	simm.s32 @p1 $0x1  }
0x15: {  	[smem:$0x3FBA] =	sst s0;
	s0 =	simm.s32 @!p2 $0x0  }
0x16: {  	s3 =	sld [smem:$0x3FDB];
	s0 =	simm.s32 @p2 $0x1  }
0x17: {  	s4 =	simm.s32 $0x1BF5;
	[smem:$0x3FBC] =	sst s0  }
0x18: {  	s0 =	sld [smem:$0x3F9F];
	_ =	swait.ge [sflag:s4], $0x0  }
0x19: {  	s7 =	sld [smem:$0x3FA0]  }
0x1a: {  	s8 =	sadd.s32 $0xFFFFE003, lr  }
0x1b: {  	s9 =	sadd.s32 $0xFFFFFEF7, lr;
	s5 =	simm.s32 $0xFFFFFFFF;
	p2 =	slt.u32 s8, $0xFFFFF086  }
0x1c: {  	p1 =	slt.u32 s9, $0xF7A;
	s5 =	simm.s32 @!p2 $0x0  }
0x1d: {  	s5 =	simm.s32 @p1 $0x1;
	p0 =	seq.s32 s7, s2  }
0x1e: {  	s7 =	smul.u32 @!p0 $0xF7A, s2;
	p2 =	seq.s32 @!p0 s5, $0x0  }
0x1f: {  	s9 =	smul.u32 $0xF7A, s1;
	s8 =	simm.s32 @!p0 $0x1BF5;
	p2 =	por !p2, p0  }
0x20: {  	[sflag:s8] =	ssyncset.s32 @!p0 $0xFFFFF086;
	s6 =	sadd.s32 @!p0 s3, s7;
	s7 =	simm.s32 @!p0 $0x108  }
0x21: {  	s3 =	sadd.s32 s3, s9;
	s6 =	sadd.s32 @!p0 $0x88, s6;
	s7 =	simm.s32 @p2 $0x1082  }
0x22: {  	[simem:s7], [sflag:s8] =	dma.local @!p0 [hbm:s6], $0xF7A  }
0x23: {  	s9 =	sor.u32 $0xD0000000, s2;
	s6 =	simm.s32 $0x108;
	_ =	swait.ge @!p0 [sflag:s8], $0x0  }
0x24: {  	s3 =	sadd.s32 $0x88, s3;
	s6 =	simm.s32 @!p1 $0x1082;
	[sflag:s4] =	ssyncset.s32 $0xFFFFF086  }
0x25: {  	[simem:s6], [sflag:s4] =	dma.local [hbm:s3], $0xF7A  }
0x26: {  	[smem:$0x3FA0] =	sst s1;
	(tag) =	ssettag s2;
	_ =	strace s9  }
0x27: {  	s1 =	sld [smem:$0x3FB0]  }
0x28: {  	s2 =	sld [smem:$0x3FB1]  }
0x29: {  	s4 =	sld [smem:$0x3FB3]  }
0x2a: {  	p0 =	seq.s32 s5, $0x0;
	s5 =	sld [smem:$0x3FB4]  }
0x2b: {  	s6 =	sld [smem:$0x3FB5]  }
0x2c: {  	s7 =	sld [smem:$0x3FB6]  }
0x2d: {  	s3 =	simm.s32 $0x108;
	s8 =	sld [smem:$0x3FB7]  }
0x2e: {  	s3 =	simm.s32 @!p0 $0x1082;
	s9 =	sld [smem:$0x3FB8]  }
0x2f: {  	lr =	sadd.s32 s0, s3;
	s0 =	sld [smem:$0x3FAF]  }
0x30: {  	s3 =	sld [smem:$0x3FB2]  }
0x31: {  	[smem:$0x3FBB] =	sst s10  }
0x32: {  	s10 =	sld [smem:$0x3FB9];
	_ =	sdelay $0x3  }
0x33: {  	p0 =	seq.s32 s10, $0x1;
	s10 =	sld [smem:$0x3FBB];
	_ =	sdelay $0x3  }
0x34: {  	[smem:$0x3FBB] =	sst s10  }
0x35: {  	s10 =	sld [smem:$0x3FBA];
	_ =	sdelay $0x3  }
0x36: {  	p1 =	seq.s32 s10, $0x1;
	s10 =	sld [smem:$0x3FBB];
	_ =	sdelay $0x3  }
0x37: {  	[smem:$0x3FBB] =	sst s10  }
0x38: {  	s10 =	sld [smem:$0x3FBC]  }
0x39: {  	_ = 	snop;
	(pc) =	sbr.ind lr, $3  }
0x3a: {  	_ = 	snop  }
0x3b: {  	_ = 	snop  }
0x3c: {  	p2 =	seq.s32 s10, $0x1;
	s10 =	sld [smem:$0x3FBB]  }
0x3d: {  	_ =	shalt  }
0x3e: {  	_ =	shalt  }
0x3f: {  	_ =	shalt  }
0x40: {  	_ =	shalt  }
0x41: {  	_ =	shalt  }
0x42: {  	_ =	shalt  }
0x43: {  	_ =	shalt  }
0x44: {  	_ =	shalt  }
0x45: {  	_ =	shalt  }
0x46: {  	_ =	shalt  }
0x47: {  	_ =	shalt  }
0x48: {  	_ =	shalt  }
0x49: {  	_ =	shalt  }
0x4a: {  	_ =	shalt  }
0x4b: {  	_ =	shalt  }
0x4c: {  	_ =	shalt  }
0x4d: {  	_ =	shalt  }
0x4e: {  	_ =	shalt  }
0x4f: {  	_ =	shalt  }
0x50: {  	_ =	shalt  }
0x51: {  	_ =	shalt  }
0x52: {  	_ =	shalt  }
0x53: {  	_ =	shalt  }
0x54: {  	_ =	shalt  }
0x55: {  	_ =	shalt  }
0x56: {  	_ =	shalt  }
0x57: {  	_ =	shalt  }
0x58: {  	_ =	shalt  }
0x59: {  	_ =	shalt  }
0x5a: {  	_ =	shalt  }
0x5b: {  	_ =	shalt  }
0x5c: {  	_ =	shalt  }
0x5d: {  	_ =	shalt  }
0x5e: {  	_ =	shalt  }
0x5f: {  	_ =	shalt  }
0x60: {  	_ =	shalt  }
0x61: {  	_ =	shalt  }
0x62: {  	_ =	shalt  }
0x63: {  	_ =	shalt  }
0x64: {  	_ =	shalt  }
0x65: {  	_ =	shalt  }
0x66: {  	_ =	shalt  }
0x67: {  	_ =	shalt  }
0x68: {  	_ =	shalt  }
0x69: {  	_ =	shalt  }
0x6a: {  	_ =	shalt  }
0x6b: {  	_ =	shalt  }
0x6c: {  	_ =	shalt  }
0x6d: {  	_ =	shalt  }
0x6e: {  	_ =	shalt  }
0x6f: {  	_ =	shalt  }
0x70: {  	_ =	shalt  }
0x71: {  	_ =	shalt  }
0x72: {  	_ =	shalt  }
0x73: {  	_ =	shalt  }
0x74: {  	_ =	shalt  }
0x75: {  	_ =	shalt  }
0x76: {  	_ =	shalt  }
0x77: {  	_ =	shalt  }
0x78: {  	_ =	shalt  }
0x79: {  	_ =	shalt  }
0x7a: {  	_ =	shalt  }
0x7b: {  	_ =	shalt  }
0x7c: {  	_ =	shalt  }
0x7d: {  	_ =	shalt  }
0x7e: {  	_ =	shalt  }
0x7f: {  	_ =	shalt  }
0x80: {  	_ =	shalt  }
0x81: {  	_ =	shalt  }
0x82: {  	_ =	shalt  }
0x83: {  	_ =	shalt  }
0x84: {  	_ =	shalt  }
0x85: {  	_ =	shalt  }
0x86: {  	_ =	shalt  }
0x87: {  	_ =	shalt  }
.Lfunc_end0:
.L_simem_size_0:
called_computation_lowered:
.L_overlay_start_0:
0x88: {  	s2 =	sld [smem:$0x3FD9]  }
0x89: {  	s3 =	sld [smem:$0x3FFE];
	_ =	sdelay $0x1  }
0x8a: {  	s1 =	srdreg.scid  }
0x8b: {  	s0 =	sand.u32 $0x1, s1  }
0x8c: {  	s16 =	sshll.u32 s0, $0xA;
	s2 =	sadd.s32 s3, s2  }
0x8d: {  	s2 =	sadd.s32 s2, s16  }
0x8e: {  	[smem:$0x3FC7] =	sst s2  }
0x8f: {  	_ = 	snop  }
0x90: {  	(tm) =	ssettm $0x1  }
0x91: {  	s17 =	sld [smem:$0x3FFB];
	_ =	sdelay $0x3  }
0x92: {  	_ =	strace s17  }
0x93: {  	s2 =	sld [smem:$0x3FFC];
	_ =	sdelay $0x3  }
0x94: {  	_ =	strace s2  }
0x95: {  	s2 =	sld [smem:$0x3FFD];
	_ =	sdelay $0x3  }
0x96: {  	_ =	strace s2  }
0x97: {  	_ =	strace $0x8FFFFFFF  }
0x98: {  	s18 =	sld [smem:$0x3FDB];
	_ =	sdelay $0x1  }
0x99: {  	s19 =	simm.s32 $_scs_section_size  }
0x9a: {  	s4 =	simm.s32 $_size__tile_overlayer_lowered;
	s5 =	simm.s32 $_tile_overlayer_lowered  }
0x9b: {  	s22 =	simm.s32 $0x1BFF;
	s21 =	sshll.u32 s5, $0x1;
	s2 =	sadd.s32 s19, s18  }
0x9c: {  	s6 =	simm.s32 $0x0;
	s20 =	sshll.u32 s4, $0x1;
	s4 =	sadd.s32 s21, s2  }
0x9d: {  	[timem:s6], [sflag:s22] =	dma.local [hbm:s4], s20  }
0x9e: {  	_ =	swait.ge [sflag:s22], s20  }
0x9f: {  	s3 =	ssub.s32 $0x0, s20;
	[sflag:s22] =	ssyncset.done $0x0  }
0xa0: {  	[sflag:s22] =	ssyncadd.s32 s3;
	_ =	sdelay $0x1  }
0xa1: {  	s23 =	simm.s32 $0x1B8B  }
0xa2: {  	_ =	swait.ge [sflag:s23], $0x1  }
0xa3: {  	[sflag:s23] =	ssyncset.done $0x0  }
0xa4: {  	s25 =	simm.s32 $0x1B8E;
	s24 =	sld [smem:$0x3FFE];
	[sflag:s23] =	ssyncadd.s32 $0xFFFFFFFF  }
0xa5: {  	s26 =	simm.s32 $execute0_lowered;
	[smem:$0x3FD2] =	sst s25  }
0xa6: {  	s4 =	sshll.u32 s26, $0x1;
	_ =	strace $0x80000046;
	[dreg:$0x1] =	wrdreg $0xFFFFFFFF  }
0xa7: {  	s28 =	simm.s32 $_size_execute0_lowered;
	s2 =	sadd.s32 s2, s4;
	[dreg:$0x0] =	wrdreg $0x0  }
0xa8: {  	s4 =	sshll.u32 s28, $0x1;
	[dreg:$0x2] =	wrdreg s2  }
0xa9: {  	[dreg:$0x3] =	wrdreg s4  }
0xaa: {  	[dreg:$0x4] =	wrdreg $0xC0  }
0xab: {  	_ =	task [dreg:s6], $0x5FFFF  }
0xac: {  	[dreg:$0x1] =	wrdreg $0xFFFFFFFF  }
0xad: {  	[dreg:$0x0] =	wrdreg $0x60  }
0xae: {  	[dreg:$0x2] =	wrdreg s24  }
0xaf: {  	[dreg:$0x3] =	wrdreg $0x9  }
0xb0: {  	_ =	task.clear_ibuf [dreg:s6], $0x4FFFF;
	_ =	strace $0x90000046  }
0xb1: {  	s29 =	simm.s32 $0x9;
	_ =	strace $0x80000048  }
0xb2: {  	_ =	swait.ge [sflag:s29], $0x1  }
0xb3: {  	[sflag:s29] =	ssyncadd.s32 $0xFFFFFFFF  }
0xb4: {  	_ =	strace $0x90000048  }
0xb5: {  	_ =	sfence  }
0xb6: {  	s30 =	sld [smem:$0x0];
	_ =	sdelay $0x2  }
0xb7: {  	s31 =	sshll.u32 s1, $0xD;
	s1 =	sshrl.u32 s1, $0x2  }
0xb8: {  	s3 =	sand.u32 $0x4000, s31;
	s1 =	sadd.s32 s1, s30  }
0xb9: {  	s0 =	sor.u32 s3, s0;
	s1 =	sshll.u32 s1, $0x11  }
0xba: {  	s0 =	sor.u32 s1, s0  }
0xbb: {  	s0 =	sadd.s32 $0x8F2B, s0  }
0xbc: {  	[sflag:s0] =	ssyncadd.remote.s32 $0x1  }
0xbd: {  	_ =	sfence.sel $0xFFFF  }
0xbe: {  	[dreg:$0x0] =	wrdreg $0xFFFFFFFF;
	(pc) =	sbr.abs _section_cstart, $3  }
0xbf: {  	[dreg:$0x1] =	wrdreg $0xFFFFFFFF  }
0xc0: {  	_ =	task.clear_ibuf [dreg:s6], $0x2FFFF;
	_ =	strace $0x9FFFFFFF  }
0xc1: {  	(tm) =	ssettm $0x7FFFFFFF  }
tec
execute0_lowered:
.L_overlay_start_1:
0x0: {  	(tag) =	ssettag $0x1  }
0x1: {  	s0 =	srdreg.scid  }
0x2: {  	s2 =	stileid.u32;
	s1 =	rddreg [dreg:$0x0];
	s10 =	simm.s32 $0x1E  }
0x3: {  	s31 =	simm.s32 $0x4000;
	s29 =	simm.s32 $0xD;
	s3 =	sand.u32 $0x1, s0  }
0x4: {  	s26 =	sshll.u32 s2, $0x1;
	s2 =	simm.s32 $0x0;
	s4 =	sadd.s32 $0x400, s1  }
0x5: {  	s5 =	sadd.s32 $0x6CCC00, s1;
	s21 =	sor.u32 s3, s26;
	[smem:$0x7FF] =	sst s2  }
0x6: {  	s28 =	ssub.s32 $0x2, s3;
	s0 =	ssub.s32 $0x1D, s21;
	_ =	strace $0x80000047  }
0x7: {  	s30 =	sshll.u32 s21, $0x7;
	s7 =	sshrl.u32 s28, $0x1;
	s8 =	sor.u32 $0x20, s21  }
0x8: {  	s23 =	sor.u32 $0x60, s21;
	s14 =	sor.u32 $0x80, s21;
	s15 =	sor.u32 $0xA0, s21  }
0x9: {  	s26 =	sor.u32 $0x40, s21;
	s6 =	smul.u32 $0x76000, s0;
	p0 =	sgt.u32 s8, $0x3A  }
0xa: {  	s9 =	sadd.s32 $0xFFFFFFC5, s8;
	s1 =	ssub.s32 s28, s7;
	[dreg:$0x6] =	wrdreg s26  }
0xb: {  	s11 =	sand.u32 $0xFF, s23;
	s12 =	sand.u32 $0xFF, s14;
	[dreg:$0x3] =	wrdreg s14  }
0xc: {  	s13 =	sand.u32 $0xFF, s15;
	[dreg:$0x4] =	wrdreg s15;
	s11 =	smul.u32 $0x8B, s11  }
0xd: {  	s26 =	sor.u32 $0x140, s21;
	s8 =	smin.u32 s8, s9;
	s12 =	smul.u32 $0x8B, s12  }
0xe: {  	s10 =	simm.s32 @!p0 $0x1D;
	s9 =	ssub.s32 $0x19, s21;
	s19 =	smul.u32 $0x8B, s13  }
0xf: {  	p0 =	sgt.u32 s0, $0x3A;
	[dreg:$0xf] =	wrdreg s26;
	s13 =	simm.s32 $0x8000  }
0x10: {  	s6 =	sor.u32 s30, s6;
	s17 =	smul.u32 $0x76000, s9;
	s0 =	simm.s32 @!p0 $0x0  }
0x11: {  	s6 =	sshrl.u32 s6, $0x3;
	s18 =	sshrl.u32 s11, $0xD;
	s12 =	sshrl.u32 s12, $0xD  }
0x12: {  	s11 =	sshrl.u32 s19, $0xD;
	s0 =	simm.s32 @p0 $0x1;
	s20 =	smul.u32 $0x3B, s18  }
0x13: {  	s6 =	sadd.s32 s4, s6;
	s22 =	smul.u32 $0x3B, s12;
	[smem:$0x7F8] =	sst s0  }
0x14: {  	s3 =	sadd.s32 s17, s30;
	s25 =	smul.u32 $0x3B, s11;
	[dreg:$0x2] =	wrdreg s6  }
0x15: {  	s6 =	ssub.s32 s10, s8;
	s8 =	sshll.u32 s8, $0x7;
	s3 =	sadd.s32 $0x280, s3  }
0x16: {  	s16 =	smul.u32 $0x76000, s6;
	s24 =	ssub.s32 s23, s20;
	s12 =	ssub.s32 s15, s25  }
0x17: {  	s3 =	sshrl.u32 s3, $0x3;
	s20 =	sor.u32 $0xC0, s21;
	s25 =	sor.u32 $0x120, s21  }
0x18: {  	p0 =	sgt.u32 s6, $0x3A;
	s6 =	simm.s32 $0x6000;
	s10 =	sand.u32 $0xFF, s24  }
0x19: {  	s12 =	sand.u32 $0xFF, s12;
	s3 =	sadd.s32 s4, s3;
	[dreg:$0xb] =	wrdreg s20  }
0x1a: {  	s24 =	sor.u32 $0x100, s21;
	[dreg:$0xe] =	wrdreg s25;
	s0 =	simm.s32 @!p0 $0x0  }
0x1b: {  	s7 =	sor.u32 s8, s16;
	s8 =	ssub.s32 s18, s10;
	s11 =	ssub.s32 s11, s12  }
0x1c: {  	[dreg:$0x7] =	wrdreg s3;
	s10 =	sshll.u32 s10, $0x7;
	s12 =	sshll.u32 s12, $0x7  }
0x1d: {  	[dreg:$0xd] =	wrdreg s24;
	s0 =	simm.s32 @p0 $0x1;
	p0 =	sgt.u32 s9, $0x3A  }
0x1e: {  	s24 =	simm.s32 $0x2000;
	s7 =	sshrl.u32 s7, $0x3;
	s8 =	sadd.s32 $0x1D, s8  }
0x1f: {  	s11 =	sadd.s32 $0x1D, s11;
	[smem:$0x7F9] =	sst s0;
	s28 =	smul.u32 $0x76000, s8  }
0x20: {  	s0 =	simm.s32 @!p0 $0x0;
	s7 =	sadd.s32 s4, s7;
	s16 =	smul.u32 $0x76000, s11  }
0x21: {  	s0 =	simm.s32 @p0 $0x1;
	p0 =	sgt.u32 s8, $0x3A;
	[dreg:$0x5] =	wrdreg s7  }
0x22: {  	s7 =	ssub.s32 s14, s22;
	s22 =	sor.u32 $0xE0, s21;
	[smem:$0x7FA] =	sst s0  }
0x23: {  	s0 =	simm.s32 @!p0 $0x0;
	s7 =	sand.u32 $0xFF, s7;
	s3 =	sor.u32 s10, s28  }
0x24: {  	s10 =	sor.u32 s12, s16;
	[dreg:$0xc] =	wrdreg s22;
	s28 =	sor.u32 $0x160, s21  }
0x25: {  	s0 =	simm.s32 @p0 $0x1;
	s14 =	ssub.s32 $0x1F, s7;
	s7 =	sshll.u32 s7, $0x7  }
0x26: {  	s3 =	sshrl.u32 s3, $0x3;
	s18 =	sshrl.u32 s10, $0x3;
	[dreg:$0x10] =	wrdreg s28  }
0x27: {  	[smem:$0x7FB] =	sst s0;
	s30 =	smul.u32 $0x76000, s14;
	s3 =	sadd.s32 s4, s3  }
0x28: {  	s19 =	sadd.s32 s4, s18;
	p0 =	sgt.u32 s14, $0x3A;
	[dreg:$0x8] =	wrdreg s3  }
0x29: {  	[dreg:$0xa] =	wrdreg s19;
	s0 =	simm.s32 @!p0 $0x0;
	s7 =	sor.u32 s7, s30  }
.Ltmp0:
0x2a: {  	s30 =	smax.u32 s1, $0x1;
	s0 =	simm.s32 @p0 $0x1;
	(pc) =	sbr.rel .LBB2_1-.Ltmp0, $4  }
0x2b: {  	p0 =	sgt.u32 s11, $0x3A;
	s17 =	sshrl.u32 s7, $0x3;
	[dreg:$0x11] =	wrdreg s30  }
0x2c: {  	v0 =	vlaneseq.u32;
	[smem:$0x7FC] =	sst s0;
	s0 =	simm.s32 @!p0 $0x0;
	s3 =	sadd.s32 s4, s17  }
0x2d: {  	v1 =	vimm.f32 $0.0e+00;
	v2 =	vmul.u32 $0xFFFFFFFF, v0;
	s22 =	simm.s32 $0xA000;
	s0 =	simm.s32 @p0 $0x1;
	[dreg:$0x9] =	wrdreg s3  }
0x2e: {  	v3 =	vor.u32 $0x10, v0;
	v4 =	vor.u32 $0x20, v0;
	v5 =	vadd.s32 $0x2B, v0;
	s14 =	simm.s32 $0x80;
	s1 =	simm.s32 $0x0;
	[smem:$0x7FD] =	sst s0  }
.LBB2_33:
0x2f: {  	[sflag:s29] =	ssyncadd.s32 $0xFFFFE280  }
.LBB2_34:
0x30: {  	s1 =	sadd.s32 $0x1, s1;
	s0 =	rddreg [dreg:$0x11]  }
0x31: {  	p0 =	sne.s32 s1, s0  }
.Ltmp1:
0x32: {  	_ = 	snop;
	(pc) =	sbr.rel @!p0 .LBB2_35-.Ltmp1, $1  }
0x33: {  	_ =	sdelay $0x3  }
.LBB2_1:
0x34: {  	s0 =	simm.s32 $0x0  }
0x35: {  	[dreg:$0x12] =	wrdreg s1;
	s1 =	simm.s32 $0x200;
	[tilespmem:s0+$0x18010] =	vst v1  }
.LBB2_2:
0x36: {  	p0 =	sne.s32 s1, $0x7400;
	[tilespmem:s0+$0x18020] =	vst v1;
	s3 =	smov.u32 s1;
	s1 =	sadd.s32 $0x200, s1  }
.Ltmp2:
0x37: {  	[tilespmem:s0+$0x1802B] =	vst v1;
	(pc) =	sbr.rel @p0 .LBB2_2-.Ltmp2, $3  }
0x38: {  	[tilespmem:s0+$0x18000] =	vst v1;
	_ =	sdelay $0x1  }
0x39: {  	s0 =	sshra.s32 s3, $0x2  }
0x3a: {  	[tilespmem:s0+$0x18010] =	vst v1  }
0x3b: {  	s16 =	sld [smem:$0x7F8]  }
0x3c: {  	s7 =	rddreg [dreg:$0x2]  }
0x3d: {  	s17 =	sld [smem:$0x7F9]  }
0x3e: {  	s18 =	sld [smem:$0x7FA]  }
0x3f: {  	[tilespmem:s0+$0x18020] =	vst v1;
	s19 =	sld [smem:$0x7FB]  }
0x40: {  	[tilespmem:s0+$0x18000] =	vst v1;
	s20 =	sld [smem:$0x7FC];
	p0 =	seq.s32 s16, $0x1  }
0x41: {  	[tilespmem:s0+$0x1802B] =	vst v1;
	s0 =	simm.s32 @!p0 $0x80;
	s1 =	simm.s32 @!p0 $0x2000;
	s3 =	simm.s32 @!p0 $0x0  }
0x42: {  	[tilespmem:s3], [sflag:$0x1] =	stream.strided.gather @!p0 [hbm4b:s7+s0], $0x1D80, s1, s0, $0x38;
	[tilespmem:$0x1A000] =	vst v63  }
0x43: {  	s25 =	sld [smem:$0x7FD];
	p0 =	seq.s32 s17, $0x1  }
0x44: {  	s3 =	rddreg [dreg:$0x5];
	s0 =	simm.s32 @!p0 $0x80;
	s1 =	simm.s32 @!p0 $0x2000  }
0x45: {  	[tilespmem:s1], [sflag:$0x2] =	stream.strided.gather @!p0 [hbm4b:s3+s0], $0x1D80, s1, s0, $0x38;
	[tilespmem:$0x1A000] =	vst v63  }
0x46: {  	s10 =	simm.s32 $0x0;
	s7 =	rddreg [dreg:$0x7];
	p0 =	seq.s32 s18, $0x1  }
0x47: {  	s0 =	simm.s32 @!p0 $0x80;
	s1 =	simm.s32 @!p0 $0x2000;
	s3 =	simm.s32 @!p0 $0x4000  }
0x48: {  	[tilespmem:s3], [sflag:$0x3] =	stream.strided.gather @!p0 [hbm4b:s7+s0], $0x1D80, s1, s0, $0x38;
	[tilespmem:$0x1A000] =	vst v63  }
0x49: {  	s26 =	simm.s32 $0x0;
	p0 =	seq.s32 s19, $0x1;
	s7 =	rddreg [dreg:$0x8]  }
0x4a: {  	s0 =	simm.s32 @!p0 $0x80;
	s1 =	simm.s32 @!p0 $0x2000;
	s3 =	simm.s32 @!p0 $0x6000  }
0x4b: {  	[tilespmem:s3], [sflag:$0x4] =	stream.strided.gather @!p0 [hbm4b:s7+s0], $0x1D80, s1, s0, $0x38;
	[tilespmem:$0x1A000] =	vst v63  }
0x4c: {  	s28 =	simm.s32 $0x0;
	p0 =	seq.s32 s20, $0x1;
	s7 =	rddreg [dreg:$0x9]  }
0x4d: {  	s0 =	simm.s32 @!p0 $0x80;
	s1 =	simm.s32 @!p0 $0x2000;
	s3 =	simm.s32 @!p0 $0x8000  }
0x4e: {  	[tilespmem:s3], [sflag:$0x5] =	stream.strided.gather @!p0 [hbm4b:s7+s0], $0x1D80, s1, s0, $0x38;
	[tilespmem:$0x1A000] =	vst v63  }
.Ltmp3:
0x4f: {  	s30 =	simm.s32 $0x0;
	[dreg:$0x13] =	wrdreg s26;
	(pc) =	sbr.rel .LBB2_4-.Ltmp3, $4  }
0x50: {  	s26 =	simm.s32 $0x0;
	p0 =	seq.s32 s25, $0x1;
	s7 =	rddreg [dreg:$0xa]  }
0x51: {  	s0 =	simm.s32 @!p0 $0x80;
	s1 =	simm.s32 @!p0 $0x2000;
	s3 =	simm.s32 @!p0 $0xA000  }
0x52: {  	[tilespmem:s3], [sflag:$0x6] =	stream.strided.gather @!p0 [hbm4b:s7+s0], $0x1D80, s1, s0, $0x38;
	[tilespmem:$0x1A000] =	vst v63  }
0x53: {  	s25 =	simm.s32 $0x0;
	s1 =	simm.s32 $0x0;
	s0 =	simm.s32 $0x0  }
.LBB2_29:
0x54: {  	s14 =	rddreg [dreg:$0x10]  }
0x55: {  	s12 =	sadd.s32 s14, s12  }
0x56: {  	s18 =	smulhi.u32 $0x969D3BA5, s12;
	_ =	sdelay $0x1  }
0x57: {  	s18 =	sshrl.u32 s18, $0xB  }
0x58: {  	s18 =	smul.u32 $0xD99, s18  }
0x59: {  	s11 =	smul.u32 @p4 $0x1B32000, s11  }
0x5a: {  	s16 =	smul.u32 @p4 $0x76000, s16;
	s18 =	ssub.s32 s12, s18  }
0x5b: {  	s19 =	smul.u32 $0x457, s18;
	_ =	sdelay $0x1  }
0x5c: {  	s11 =	sadd.s32 @p4 s11, s16;
	s16 =	sshll.u32 @p4 s17, $0x7;
	s19 =	sshrl.u32 s19, $0x10  }
0x5d: {  	s11 =	sor.u32 @p4 s16, s11;
	s20 =	smul.u32 $0x3B, s19  }
0x5e: {  	s17 =	simm.s32 @p4 $0x2000;
	s16 =	simm.s32 @p4 $0x80;
	s11 =	sshrl.u32 @p4 s11, $0x3  }
0x5f: {  	s11 =	sadd.s32 @p4 s5, s11;
	s19 =	sadd.s32 $0x1D, s19;
	s18 =	ssub.s32 s18, s20  }
0x60: {  	s19 =	sand.u32 $0xFFFF, s19;
	s20 =	simm.s32 @p4 $0x18000;
	s18 =	sand.u32 $0xFFFF, s18  }
0x61: {  	[hbm4b:s11+s16] =	stream.strided.scatter @p4 [tilespmem:s20], [sflag:$0xD], $0x1D80, s17, s16, $0x38;
	[tilespmem:$0x1A000] =	vst v63  }
0x62: {  	s8 =	sadd.s32 s8, s10;
	p1 =	sgt.u32 s12, $0x1B31;
	s19 =	ssub.s32 s19, s18  }
0x63: {  	s7 =	sadd.s32 s7, s8;
	p3 =	sgt.u32 @!p1 s19, $0x3A  }
0x64: {  	s7 =	sadd.s32 s9, s7;
	p0 =	por p3, p1  }
0x65: {  	s7 =	sadd.s32 s15, s7;
	p5 =	sgt.u32 @!p0 s12, $0xD98  }
0x66: {  	s3 =	sadd.s32 s3, s7;
	s7 =	rddreg [dreg:$0x13];
	p3 =	por @!p1 !p5, p3  }
0x67: {  	s12 =	simm.s32 @!p0 $0x1B32000;
	s19 =	smul.u32 @!p0 $0x76000, s19;
	p1 =	por !p3, p1  }
0x68: {  	s0 =	sadd.s32 $0x1, s0;
	s16 =	sld [smem:$0x7F7];
	s12 =	simm.s32 @!p1 $0x0  }
0x69: {  	s17 =	sld [smem:$0x7F2];
	s11 =	sadd.s32 @!p0 s12, s19;
	s12 =	sshll.u32 @!p0 s18, $0x7  }
0x6a: {  	s14 =	simm.s32 $0x80;
	s20 =	sld [smem:$0x7F3];
	s10 =	sor.u32 @!p0 s12, s11  }
0x6b: {  	s9 =	simm.s32 @!p0 $0x80;
	s18 =	sld [smem:$0x7F5];
	s8 =	sshrl.u32 @!p0 s10, $0x3  }
0x6c: {  	s11 =	simm.s32 @!p0 $0xA000;
	s10 =	simm.s32 @!p0 $0x2000;
	s8 =	sadd.s32 @!p0 s4, s8  }
0x6d: {  	[tilespmem:s11], [sflag:$0x6] =	stream.strided.gather @!p0 [hbm4b:s8+s9], $0x1D80, s10, s9, $0x38;
	[tilespmem:$0x1A000] =	vst v63  }
0x6e: {  	p1 =	seq.s32 s16, $0x1;
	s19 =	sld [smem:$0x7F4];
	p0 =	sne.s32 s0, $0x25  }
.Ltmp4:
0x6f: {  	s30 =	simm.s32 @!p1 $0x1;
	p1 =	seq.s32 s17, $0x1;
	(pc) =	sbr.rel @!p0 .LBB2_30-.Ltmp4, $4  }
0x70: {  	s7 =	simm.s32 @p2 $0x1;
	s28 =	simm.s32 @p1 $0x1;
	p1 =	seq.s32 s18, $0x1  }
0x71: {  	s26 =	simm.s32 @p1 $0x1;
	p1 =	seq.s32 s19, $0x1;
	s8 =	simm.s32 $0x1  }
0x72: {  	s1 =	simm.s32 @p1 $0x1;
	s8 =	simm.s32 @!p4 $0x0;
	p1 =	seq.s32 s20, $0x1  }
0x73: {  	[dreg:$0x13] =	wrdreg s7;
	s25 =	simm.s32 @p1 $0x1;
	s10 =	sadd.s32 s8, s3  }
.LBB2_4:
0x74: {  	s12 =	smul.u32 $0xC0, s0;
	_ =	sdelay $0x1  }
0x75: {  	s3 =	sor.u32 s21, s12  }
0x76: {  	s7 =	smulhi.u32 $0x969D3BA5, s3;
	_ =	sdelay $0x1  }
0x77: {  	s7 =	sshrl.u32 s7, $0xB  }
0x78: {  	s8 =	smul.u32 $0xD99, s7;
	_ =	sdelay $0x1  }
0x79: {  	s8 =	ssub.s32 s3, s8  }
0x7a: {  	s9 =	smul.u32 $0x457, s8;
	_ =	sdelay $0x1  }
0x7b: {  	s9 =	sshrl.u32 s9, $0x10  }
0x7c: {  	s11 =	smul.u32 $0x3B, s9;
	_ =	sdelay $0x1  }
0x7d: {  	s8 =	ssub.s32 s8, s11  }
0x7e: {  	s8 =	sand.u32 $0xFFFF, s8  }
0x7f: {  	s19 =	ssub.s32 s9, s8  }
0x80: {  	s15 =	smul.u32 $0x1B32000, s7;
	s20 =	sadd.s32 $0x1D, s19  }
0x81: {  	s9 =	smul.u32 $0x76000, s9;
	p0 =	sgt.u32 s20, $0x3A  }
.Ltmp5:
0x82: {  	_ = 	snop;
	(pc) =	sbr.rel @!p0 .LBB2_5-.Ltmp5, $4  }
0x83: {  	_ = 	snop  }
0x84: {  	s7 =	sshll.u32 s8, $0x7;
	s8 =	sadd.s32 s15, s9;
	s9 =	simm.s32 @!p0 $0x0  }
0x85: {  	s9 =	simm.s32 @p0 $0x1  }
0x86: {  	[smem:$0x7F7] =	sst s9  }
.Ltmp6:
0x87: {  	(pc) =	sbr.rel .LBB2_9-.Ltmp6, $4  }
0x88: {  	s7 =	sor.u32 s7, s8  }
0x89: {  	s7 =	sshrl.u32 s7, $0x3  }
0x8a: {  	s20 =	simm.s32 $0x18000;
	s7 =	sadd.s32 s5, s7  }
0x8b: {  	[hbm4b:s7+s14] =	stream.strided.scatter [tilespmem:s20], [sflag:$0xD], $0x1D80, s24, s14, $0x38;
	[tilespmem:$0x1A000] =	vst v63  }
.LBB2_5:
0x8c: {  	s9 =	simm.s32 $0x1D  }
0x8d: {  	v6 =	vadd.s32 s9, v2  }
0x8e: {  	s18 =	simm.s32 $0x1;
	v7 =	vshll.u32 v6, $0x7  }
0x8f: {  	_ =	swait.ge [sflag:s18], $0x1D80;
	vm0 =	vlt.u32 v6, $0x3B;
	v6 =	vor.u32 v0, v7  }
0x90: {  	p0 =	seq.s32 s30, $0x0;
	[sflag:s18] =	ssyncset.done $0x0;
	v6 =	vsel vm0, v6, v0  }
0x91: {  	s9 =	simm.s32 @!p0 $0x7;
	[sflag:s18] =	ssyncadd.s32 $0xFFFFE280  }
0x92: {  	_ =	swait.ge @!p0 [sflag:s9], $0x1D80  }
0x93: {  	s11 =	simm.s32 $0xD;
	[sflag:s9] =	ssyncset.done @!p0 $0x0  }
0x94: {  	v7 =	vadd.s32 s11, v2;
	[sflag:s9] =	ssyncadd.s32 @!p0 $0xFFFFE280  }
0x95: {  	v8 =	vshll.u32 v7, $0x7;
	v6 =	vld.idx.msk [tilespmem:v6+s2+$0x0], $0xffff  }
0x96: {  	vm1 =	vlt.u32 v7, $0x3B;
	v7 =	vor.u32 v3, v8  }
0x97: {  	v7 =	vsel vm1, v7, v3;
	_ =	sdelay $0x2  }
0x98: {  	s19 =	simm.s32 $0xFFFFFFFD;
	s9 =	simm.s32 $0xC020;
	v6 =	vnsel vm0, $0x0, v6  }
0x99: {  	[tilespmem:s9+$0xFFFFFFE0] =	vst v6;
	v6 =	vadd.s32 s19, v2  }
0x9a: {  	v7 =	vld.idx.msk [tilespmem:v7+s2+$0x0], $0xffff;
	v8 =	vshll.u32 v6, $0x7  }
0x9b: {  	vm2 =	vlt.u32 v6, $0x3B;
	v6 =	vor.u32 v4, v8  }
0x9c: {  	v6 =	vsel vm2, v6, v4;
	_ =	sdelay $0x2  }
0x9d: {  	v7 =	vnsel vm1, $0x0, v7  }
0x9e: {  	[tilespmem:s9+$0xFFFFFFF0] =	vst v7  }
0x9f: {  	v6 =	vld.idx.msk [tilespmem:v6+s2+$0x0], $0xffff  }
0xa0: {  	s20 =	simm.s32 $0xFFFFFFF2  }
0xa1: {  	v7 =	vadd.s32 s20, v2  }
0xa2: {  	v8 =	vshll.u32 v7, $0x7  }
0xa3: {  	vm0 =	vlt.u32 v7, $0x3B;
	v7 =	vor.u32 v5, v8  }
0xa4: {  	v8 =	vnsel vm2, $0x0, v6;
	v6 =	vsel vm0, v7, v5;
	_ =	sdelay $0x3  }
0xa5: {  	s16 =	simm.s32 $0x1E;
	s15 =	simm.s32 $0xFFFFFFF4;
	s11 =	simm.s32 $0xFFFFFFF3;
	[tilespmem:s9+$0x0] =	vst v8  }
.LBB2_6:
0xa6: {  	p0 =	sne.s32 s15, $0x2C;
	v7 =	vadd.s32 s16, v2;
	v6 =	vld.idx.msk [tilespmem:v6+s2+$0x0], $0xffff  }
0xa7: {  	v8 =	vshll.u32 v7, $0x7  }
0xa8: {  	vm1 =	vlt.u32 v7, $0x3B;
	v7 =	vor.u32 v0, v8  }
0xa9: {  	v7 =	vsel vm1, v7, v0;
	_ =	sdelay $0x2  }
0xaa: {  	v6 =	vnsel vm0, $0x0, v6  }
0xab: {  	s16 =	sadd.s32 $0x1B, s11;
	[tilespmem:s9+$0xB] =	vst v6  }
0xac: {  	v6 =	vld.idx.msk [tilespmem:v7+s2+$0x0], $0xffff;
	v7 =	vadd.s32 s16, v2  }
0xad: {  	v8 =	vshll.u32 v7, $0x7  }
0xae: {  	vm0 =	vlt.u32 v7, $0x3B;
	v7 =	vor.u32 v3, v8  }
0xaf: {  	v7 =	vsel vm0, v7, v3;
	_ =	sdelay $0x2  }
0xb0: {  	s9 =	sadd.s32 $0x80, s9;
	v6 =	vnsel vm1, $0x0, v6  }
0xb1: {  	s16 =	sadd.s32 $0xB, s11;
	[tilespmem:s9+$0xFFFFFFE0] =	vst v6  }
0xb2: {  	v6 =	vld.idx.msk [tilespmem:v7+s2+$0x0], $0xffff;
	v7 =	vadd.s32 s16, v2  }
0xb3: {  	v8 =	vshll.u32 v7, $0x7  }
0xb4: {  	vm1 =	vlt.u32 v7, $0x3B;
	v7 =	vor.u32 v4, v8  }
0xb5: {  	v7 =	vsel vm1, v7, v4;
	_ =	sdelay $0x2  }
0xb6: {  	v6 =	vnsel vm0, $0x0, v6  }
0xb7: {  	[tilespmem:s9+$0xFFFFFFF0] =	vst v6  }
0xb8: {  	v6 =	vadd.s32 s11, v2;
	s11 =	smov.u32 s15;
	v7 =	vld.idx.msk [tilespmem:v7+s2+$0x0], $0xffff  }
0xb9: {  	v8 =	vshll.u32 v6, $0x7  }
0xba: {  	vm0 =	vlt.u32 v6, $0x3B;
	v6 =	vor.u32 v5, v8  }
.Ltmp7:
0xbb: {  	v6 =	vsel vm0, v6, v5;
	(pc) =	sbr.rel @p0 .LBB2_6-.Ltmp7, $3  }
0xbc: {  	_ =	sdelay $0x1  }
0xbd: {  	v7 =	vnsel vm1, $0x0, v7  }
0xbe: {  	s15 =	sadd.s32 $0x1, s15;
	s16 =	sadd.s32 $0x2B, s11;
	[tilespmem:s9+$0x0] =	vst v7  }
0xbf: {  	_ =	sdelay $0x2  }
0xc0: {  	v7 =	vadd.s32 s16, v2  }
0xc1: {  	v6 =	vld.idx.msk [tilespmem:v6+s2+$0x0], $0xffff;
	v8 =	vshll.u32 v7, $0x7  }
0xc2: {  	vm1 =	vlt.u32 v7, $0x3B;
	v7 =	vor.u32 v0, v8  }
0xc3: {  	v7 =	vsel vm1, v7, v0;
	_ =	sdelay $0x2  }
0xc4: {  	s15 =	sadd.s32 $0x1B, s11;
	v6 =	vnsel vm0, $0x0, v6  }
0xc5: {  	[tilespmem:s9+$0xB] =	vst v6;
	v6 =	vadd.s32 s15, v2  }
0xc6: {  	v61 =	vshll.u32 v6, $0x7;
	v7 =	vld.idx.msk [tilespmem:v7+s2+$0x0], $0xffff  }
0xc7: {  	vm13 =	vlt.u32 v6, $0x3B;
	v6 =	vor.u32 v3, v61  }
0xc8: {  	v6 =	vsel vm13, v6, v3;
	_ =	sdelay $0x2  }
0xc9: {  	s18 =	sadd.s32 $0x80, s9;
	s19 =	sadd.s32 $0xB, s11;
	v7 =	vnsel vm1, $0x0, v7  }
0xca: {  	[tilespmem:s18+$0xFFFFFFE0] =	vst v7;
	v7 =	vadd.s32 s19, v2  }
0xcb: {  	v6 =	vld.idx.msk [tilespmem:v6+s2+$0x0], $0xffff;
	v62 =	vshll.u32 v7, $0x7  }
0xcc: {  	vm14 =	vlt.u32 v7, $0x3B;
	v7 =	vor.u32 v4, v62  }
0xcd: {  	v7 =	vsel vm14, v7, v4;
	_ =	sdelay $0x2  }
0xce: {  	v6 =	vnsel vm13, $0x0, v6  }
0xcf: {  	[tilespmem:s18+$0xFFFFFFF0] =	vst v6;
	v6 =	vadd.s32 s11, v2  }
0xd0: {  	v7 =	vld.idx.msk [tilespmem:v7+s2+$0x0], $0xffff;
	v63 =	vshll.u32 v6, $0x7  }
0xd1: {  	vm15 =	vlt.u32 v6, $0x3B;
	v6 =	vor.u32 v5, v63  }
0xd2: {  	v6 =	vsel vm15, v6, v5;
	_ =	sdelay $0x2  }
0xd3: {  	v7 =	vnsel vm14, $0x0, v7  }
0xd4: {  	[tilespmem:s18+$0x0] =	vst v7  }
0xd5: {  	v6 =	vld.idx.msk [tilespmem:v6+s2+$0x0], $0xffff;
	_ =	sdelay $0x3  }
0xd6: {  	s7 =	sor.u32 s7, s8  }
0xd7: {  	s7 =	sshrl.u32 s7, $0x3;
	v6 =	vnsel vm15, $0x0, v6  }
0xd8: {  	s20 =	simm.s32 $0xC000;
	s7 =	sadd.s32 s5, s7;
	[tilespmem:s18+$0xB] =	vst v6  }
0xd9: {  	[hbm4b:s7+s14] =	stream.strided.scatter [tilespmem:s20], [sflag:$0x7], $0x1D80, s24, s14, $0x38;
	[tilespmem:$0x1A000] =	vst v63  }
.LBB2_9:
0xda: {  	s7 =	rddreg [dreg:$0xb]  }
0xdb: {  	s7 =	sadd.s32 s7, s12  }
0xdc: {  	s8 =	smulhi.u32 $0x969D3BA5, s7;
	_ =	sdelay $0x1  }
0xdd: {  	s8 =	sshrl.u32 s8, $0xB  }
0xde: {  	s8 =	smul.u32 $0xD99, s8;
	_ =	sdelay $0x1  }
0xdf: {  	s8 =	ssub.s32 s7, s8  }
0xe0: {  	s9 =	smul.u32 $0x457, s8;
	_ =	sdelay $0x1  }
0xe1: {  	s9 =	sshrl.u32 s9, $0x10  }
0xe2: {  	s11 =	smul.u32 $0x3B, s9;
	_ =	sdelay $0x1  }
0xe3: {  	s9 =	sadd.s32 $0x1D, s9;
	s8 =	ssub.s32 s8, s11  }
0xe4: {  	s9 =	sand.u32 $0xFFFF, s9;
	s8 =	sand.u32 $0xFFFF, s8  }
0xe5: {  	p1 =	sgt.u32 s7, $0x1B31;
	s11 =	sor.u32 $0x20, s3;
	s9 =	ssub.s32 s9, s8  }
0xe6: {  	s3 =	smulhi.u32 $0x969D3BA5, s11;
	p2 =	sgt.u32 @!p1 s9, $0x3A  }
0xe7: {  	p0 =	por p2, p1  }
0xe8: {  	s3 =	sshrl.u32 s3, $0xB;
	p3 =	sgt.u32 @!p0 s7, $0xD98  }
0xe9: {  	s15 =	smul.u32 $0xD99, s3;
	p2 =	por @!p1 !p3, p2  }
0xea: {  	s7 =	smul.u32 @!p0 $0x76000, s9;
	s9 =	simm.s32 @!p0 $0x1B32000;
	p1 =	por !p2, p1  }
0xeb: {  	s9 =	simm.s32 @!p1 $0x0  }
0xec: {  	s8 =	sshll.u32 @!p0 s8, $0x7;
	s20 =	ssub.s32 s11, s15;
	s7 =	sadd.s32 @!p0 s9, s7  }
0xed: {  	s18 =	smul.u32 $0x457, s20;
	s7 =	sor.u32 @!p0 s8, s7  }
0xee: {  	s7 =	sshrl.u32 @!p0 s7, $0x3  }
0xef: {  	s16 =	simm.s32 @!p0 $0x80;
	s15 =	sadd.s32 @!p0 s4, s7;
	s7 =	sshrl.u32 s18, $0x10  }
0xf0: {  	s17 =	simm.s32 @!p0 $0x0;
	s8 =	simm.s32 @!p0 $0x2000;
	s18 =	smul.u32 $0x3B, s7  }
0xf1: {  	[tilespmem:s17], [sflag:$0x1] =	stream.strided.gather @!p0 [hbm4b:s15+s16], $0x1D80, s8, s16, $0x38;
	[tilespmem:$0x1A000] =	vst v63  }
0xf2: {  	s19 =	ssub.s32 s20, s18  }
0xf3: {  	s8 =	sand.u32 $0xFFFF, s19  }
0xf4: {  	s20 =	ssub.s32 s7, s8  }
0xf5: {  	s9 =	sadd.s32 $0x1D, s20  }
0xf6: {  	p0 =	slt.u32 s11, $0x1B32;
	p6 =	slt.u32 s9, $0x3B  }
0xf7: {  	p1 =	por !p0, !p6  }
0xf8: {  	p2 =	por !p1, !p1  }
.Ltmp8:
0xf9: {  	_ = 	snop;
	(pc) =	sbr.rel @!p2 .LBB2_13-.Ltmp8, $1  }
0xfa: {  	_ =	sdelay $0x3  }
0xfb: {  	s9 =	simm.s32 $0x1D  }
0xfc: {  	v6 =	vadd.s32 s9, v2  }
0xfd: {  	s18 =	simm.s32 $0x2;
	v7 =	vshll.u32 v6, $0x7  }
0xfe: {  	_ =	swait.ge [sflag:s18], $0x1D80;
	vm0 =	vlt.u32 v6, $0x3B;
	v6 =	vor.u32 v0, v7  }
0xff: {  	p1 =	seq.s32 s28, $0x0;
	[sflag:s18] =	ssyncset.done $0x0;
	v6 =	vsel vm0, v6, v0  }
0x100: {  	s9 =	simm.s32 @!p1 $0x8;
	[sflag:s18] =	ssyncadd.s32 $0xFFFFE280  }
0x101: {  	_ =	swait.ge @!p1 [sflag:s9], $0x1D80  }
0x102: {  	s11 =	simm.s32 $0xD;
	[sflag:s9] =	ssyncset.done @!p1 $0x0  }
0x103: {  	v7 =	vadd.s32 s11, v2;
	[sflag:s9] =	ssyncadd.s32 @!p1 $0xFFFFE280  }
0x104: {  	v8 =	vshll.u32 v7, $0x7;
	v6 =	vld.idx.msk [tilespmem:v6+s24+$0x0], $0xffff  }
0x105: {  	vm1 =	vlt.u32 v7, $0x3B;
	v7 =	vor.u32 v3, v8  }
0x106: {  	v7 =	vsel vm1, v7, v3;
	_ =	sdelay $0x2  }
0x107: {  	s19 =	simm.s32 $0xFFFFFFFD;
	s9 =	simm.s32 $0xE020;
	v6 =	vnsel vm0, $0x0, v6  }
0x108: {  	[tilespmem:s9+$0xFFFFFFE0] =	vst v6;
	v6 =	vadd.s32 s19, v2  }
0x109: {  	v7 =	vld.idx.msk [tilespmem:v7+s24+$0x0], $0xffff;
	v8 =	vshll.u32 v6, $0x7  }
0x10a: {  	vm2 =	vlt.u32 v6, $0x3B;
	v6 =	vor.u32 v4, v8  }
0x10b: {  	v6 =	vsel vm2, v6, v4;
	_ =	sdelay $0x2  }
0x10c: {  	v7 =	vnsel vm1, $0x0, v7  }
0x10d: {  	[tilespmem:s9+$0xFFFFFFF0] =	vst v7  }
0x10e: {  	v6 =	vld.idx.msk [tilespmem:v6+s24+$0x0], $0xffff  }
0x10f: {  	s20 =	simm.s32 $0xFFFFFFF2  }
0x110: {  	v7 =	vadd.s32 s20, v2  }
0x111: {  	v8 =	vshll.u32 v7, $0x7  }
0x112: {  	vm0 =	vlt.u32 v7, $0x3B;
	v7 =	vor.u32 v5, v8  }
0x113: {  	v8 =	vnsel vm2, $0x0, v6;
	v6 =	vsel vm0, v7, v5;
	_ =	sdelay $0x3  }
0x114: {  	s16 =	simm.s32 $0x1E;
	s15 =	simm.s32 $0xFFFFFFF4;
	s11 =	simm.s32 $0xFFFFFFF3;
	[tilespmem:s9+$0x0] =	vst v8  }
.LBB2_11:
0x115: {  	p1 =	sne.s32 s15, $0x2C;
	v7 =	vadd.s32 s16, v2;
	v6 =	vld.idx.msk [tilespmem:v6+s24+$0x0], $0xffff  }
0x116: {  	v8 =	vshll.u32 v7, $0x7  }
0x117: {  	vm1 =	vlt.u32 v7, $0x3B;
	v7 =	vor.u32 v0, v8  }
0x118: {  	v7 =	vsel vm1, v7, v0;
	_ =	sdelay $0x2  }
0x119: {  	v6 =	vnsel vm0, $0x0, v6  }
0x11a: {  	s16 =	sadd.s32 $0x1B, s11;
	[tilespmem:s9+$0xB] =	vst v6  }
0x11b: {  	v6 =	vld.idx.msk [tilespmem:v7+s24+$0x0], $0xffff;
	v7 =	vadd.s32 s16, v2  }
0x11c: {  	v8 =	vshll.u32 v7, $0x7  }
0x11d: {  	vm0 =	vlt.u32 v7, $0x3B;
	v7 =	vor.u32 v3, v8  }
0x11e: {  	v7 =	vsel vm0, v7, v3;
	_ =	sdelay $0x2  }
0x11f: {  	s9 =	sadd.s32 $0x80, s9;
	v6 =	vnsel vm1, $0x0, v6  }
0x120: {  	s16 =	sadd.s32 $0xB, s11;
	[tilespmem:s9+$0xFFFFFFE0] =	vst v6  }
0x121: {  	v6 =	vld.idx.msk [tilespmem:v7+s24+$0x0], $0xffff;
	v7 =	vadd.s32 s16, v2  }
0x122: {  	v8 =	vshll.u32 v7, $0x7  }
0x123: {  	vm1 =	vlt.u32 v7, $0x3B;
	v7 =	vor.u32 v4, v8  }
0x124: {  	v7 =	vsel vm1, v7, v4;
	_ =	sdelay $0x2  }
0x125: {  	v6 =	vnsel vm0, $0x0, v6  }
0x126: {  	[tilespmem:s9+$0xFFFFFFF0] =	vst v6  }
0x127: {  	v6 =	vadd.s32 s11, v2;
	s11 =	smov.u32 s15;
	v7 =	vld.idx.msk [tilespmem:v7+s24+$0x0], $0xffff  }
0x128: {  	v8 =	vshll.u32 v6, $0x7  }
0x129: {  	vm0 =	vlt.u32 v6, $0x3B;
	v6 =	vor.u32 v5, v8  }
.Ltmp9:
0x12a: {  	v6 =	vsel vm0, v6, v5;
	(pc) =	sbr.rel @p1 .LBB2_11-.Ltmp9, $3  }
0x12b: {  	_ =	sdelay $0x1  }
0x12c: {  	v7 =	vnsel vm1, $0x0, v7  }
0x12d: {  	s15 =	sadd.s32 $0x1, s15;
	s16 =	sadd.s32 $0x2B, s11;
	[tilespmem:s9+$0x0] =	vst v7  }
0x12e: {  	_ =	sdelay $0x2  }
0x12f: {  	v7 =	vadd.s32 s16, v2  }
0x130: {  	v6 =	vld.idx.msk [tilespmem:v6+s24+$0x0], $0xffff;
	v8 =	vshll.u32 v7, $0x7  }
0x131: {  	vm1 =	vlt.u32 v7, $0x3B;
	v7 =	vor.u32 v0, v8  }
0x132: {  	v7 =	vsel vm1, v7, v0;
	_ =	sdelay $0x2  }
0x133: {  	s15 =	sadd.s32 $0x1B, s11;
	v6 =	vnsel vm0, $0x0, v6  }
0x134: {  	[tilespmem:s9+$0xB] =	vst v6;
	v6 =	vadd.s32 s15, v2  }
0x135: {  	v61 =	vshll.u32 v6, $0x7;
	v7 =	vld.idx.msk [tilespmem:v7+s24+$0x0], $0xffff  }
0x136: {  	vm13 =	vlt.u32 v6, $0x3B;
	v6 =	vor.u32 v3, v61  }
0x137: {  	v6 =	vsel vm13, v6, v3;
	_ =	sdelay $0x2  }
0x138: {  	s19 =	sadd.s32 $0x80, s9;
	s20 =	sadd.s32 $0xB, s11;
	v7 =	vnsel vm1, $0x0, v7  }
0x139: {  	[tilespmem:s19+$0xFFFFFFE0] =	vst v7;
	v7 =	vadd.s32 s20, v2  }
0x13a: {  	v6 =	vld.idx.msk [tilespmem:v6+s24+$0x0], $0xffff;
	v62 =	vshll.u32 v7, $0x7  }
0x13b: {  	vm14 =	vlt.u32 v7, $0x3B;
	v7 =	vor.u32 v4, v62  }
0x13c: {  	v7 =	vsel vm14, v7, v4;
	_ =	sdelay $0x2  }
0x13d: {  	v6 =	vnsel vm13, $0x0, v6  }
0x13e: {  	[tilespmem:s19+$0xFFFFFFF0] =	vst v6;
	v6 =	vadd.s32 s11, v2  }
0x13f: {  	v7 =	vld.idx.msk [tilespmem:v7+s24+$0x0], $0xffff;
	v63 =	vshll.u32 v6, $0x7  }
0x140: {  	vm15 =	vlt.u32 v6, $0x3B;
	v6 =	vor.u32 v5, v63  }
0x141: {  	v6 =	vsel vm15, v6, v5;
	_ =	sdelay $0x2  }
0x142: {  	v7 =	vnsel vm14, $0x0, v7  }
0x143: {  	[tilespmem:s19+$0x0] =	vst v7  }
0x144: {  	s16 =	smul.u32 $0x1B32000, s3;
	v6 =	vld.idx.msk [tilespmem:v6+s24+$0x0], $0xffff  }
0x145: {  	s17 =	smul.u32 $0x76000, s7;
	_ =	sdelay $0x1  }
0x146: {  	s18 =	sshll.u32 s8, $0x7;
	s11 =	sadd.s32 s16, s17  }
0x147: {  	s11 =	sor.u32 s18, s11  }
0x148: {  	s11 =	sshrl.u32 s11, $0x3;
	v6 =	vnsel vm15, $0x0, v6  }
0x149: {  	s20 =	simm.s32 $0xE000;
	[tilespmem:s19+$0xB] =	vst v6;
	s19 =	sadd.s32 s5, s11  }
0x14a: {  	[hbm4b:s19+s14] =	stream.strided.scatter [tilespmem:s20], [sflag:$0x8], $0x1D80, s24, s14, $0x38;
	[tilespmem:$0x1A000] =	vst v63  }
.LBB2_13:
0x14b: {  	s9 =	rddreg [dreg:$0xc]  }
0x14c: {  	p1 =	por !p2, !p2;
	s9 =	sadd.s32 s9, s12  }
0x14d: {  	p1 =	por @!p0 p2, p2;
	s11 =	smulhi.u32 $0x969D3BA5, s9  }
0x14e: {  	s3 =	smul.u32 @p1 $0x1B32000, s3  }
0x14f: {  	s7 =	smul.u32 @p1 $0x76000, s7;
	s11 =	sshrl.u32 s11, $0xB  }
0x150: {  	s11 =	smul.u32 $0xD99, s11;
	_ =	sdelay $0x1  }
0x151: {  	s3 =	sadd.s32 @p1 s3, s7;
	s7 =	sshll.u32 @p1 s8, $0x7;
	s20 =	ssub.s32 s9, s11  }
0x152: {  	s3 =	sor.u32 @p1 s7, s3;
	s15 =	smul.u32 $0x457, s20  }
0x153: {  	s16 =	simm.s32 @p1 $0x18000;
	s3 =	sshrl.u32 @p1 s3, $0x3  }
0x154: {  	s18 =	simm.s32 @!p1 $0x0;
	s3 =	sadd.s32 @p1 s5, s3;
	s7 =	sshrl.u32 s15, $0x10  }
0x155: {  	s11 =	simm.s32 @p1 $0x80;
	s15 =	simm.s32 @p1 $0x2000;
	s17 =	smul.u32 $0x3B, s7  }
0x156: {  	[hbm4b:s3+s11] =	stream.strided.scatter @p1 [tilespmem:s16], [sflag:$0xD], $0x1D80, s15, s11, $0x38;
	[tilespmem:$0x1A000] =	vst v63  }
0x157: {  	s18 =	simm.s32 @p1 $0x1;
	s7 =	sadd.s32 $0x1D, s7;
	s16 =	ssub.s32 s20, s17  }
0x158: {  	[smem:$0x7F6] =	sst s18;
	s17 =	sand.u32 $0xFFFF, s7;
	s8 =	sand.u32 $0xFFFF, s16  }
0x159: {  	s18 =	rddreg [dreg:$0x6];
	p1 =	sgt.u32 s9, $0x1B31;
	s3 =	ssub.s32 s17, s8  }
0x15a: {  	s11 =	sadd.s32 s18, s12;
	p3 =	sgt.u32 @!p1 s3, $0x3A  }
0x15b: {  	s7 =	smulhi.u32 $0x969D3BA5, s11;
	p0 =	por p3, p1  }
0x15c: {  	p4 =	sgt.u32 @!p0 s9, $0xD98  }
0x15d: {  	s9 =	smul.u32 @!p0 $0x76000, s3;
	s3 =	sshrl.u32 s7, $0xB;
	p3 =	por @!p1 !p4, p3  }
0x15e: {  	s7 =	simm.s32 @!p0 $0x1B32000;
	s19 =	smul.u32 $0xD99, s3;
	p1 =	por !p3, p1  }
0x15f: {  	s7 =	simm.s32 @!p1 $0x0  }
0x160: {  	s8 =	sshll.u32 @!p0 s8, $0x7;
	s20 =	ssub.s32 s11, s19;
	s7 =	sadd.s32 @!p0 s7, s9  }
0x161: {  	s17 =	smul.u32 $0x457, s20;
	s7 =	sor.u32 @!p0 s8, s7  }
0x162: {  	s7 =	sshrl.u32 @!p0 s7, $0x3  }
0x163: {  	s15 =	sadd.s32 @!p0 s4, s7;
	s7 =	sshrl.u32 s17, $0x10  }
0x164: {  	s16 =	simm.s32 @!p0 $0x2000;
	s8 =	simm.s32 @!p0 $0x80;
	s18 =	smul.u32 $0x3B, s7  }
0x165: {  	[tilespmem:s16], [sflag:$0x2] =	stream.strided.gather @!p0 [hbm4b:s15+s8], $0x1D80, s16, s8, $0x38;
	[tilespmem:$0x1A000] =	vst v63  }
0x166: {  	s19 =	ssub.s32 s20, s18  }
0x167: {  	s8 =	sand.u32 $0xFFFF, s19  }
0x168: {  	s20 =	ssub.s32 s7, s8  }
0x169: {  	s9 =	sadd.s32 $0x1D, s20  }
0x16a: {  	p1 =	slt.u32 s11, $0x1B32;
	p6 =	slt.u32 s9, $0x3B  }
0x16b: {  	p0 =	por !p1, !p6  }
0x16c: {  	p5 =	por !p0, !p0  }
.Ltmp10:
0x16d: {  	_ = 	snop;
	(pc) =	sbr.rel @!p5 .LBB2_17-.Ltmp10, $1  }
0x16e: {  	_ =	sdelay $0x3  }
0x16f: {  	s9 =	simm.s32 $0x1D  }
0x170: {  	v6 =	vadd.s32 s9, v2  }
0x171: {  	s18 =	simm.s32 $0x3;
	v7 =	vshll.u32 v6, $0x7  }
0x172: {  	_ =	swait.ge [sflag:s18], $0x1D80;
	vm0 =	vlt.u32 v6, $0x3B;
	v6 =	vor.u32 v0, v7  }
0x173: {  	p0 =	seq.s32 s26, $0x0;
	[sflag:s18] =	ssyncset.done $0x0;
	v6 =	vsel vm0, v6, v0  }
0x174: {  	s9 =	simm.s32 @!p0 $0x9;
	[sflag:s18] =	ssyncadd.s32 $0xFFFFE280  }
0x175: {  	_ =	swait.ge @!p0 [sflag:s9], $0x1D80  }
0x176: {  	s11 =	simm.s32 $0xD;
	[sflag:s9] =	ssyncset.done @!p0 $0x0  }
0x177: {  	v7 =	vadd.s32 s11, v2;
	[sflag:s9] =	ssyncadd.s32 @!p0 $0xFFFFE280  }
0x178: {  	v8 =	vshll.u32 v7, $0x7;
	v6 =	vld.idx.msk [tilespmem:v6+s31+$0x0], $0xffff  }
0x179: {  	vm1 =	vlt.u32 v7, $0x3B;
	v7 =	vor.u32 v3, v8  }
0x17a: {  	v7 =	vsel vm1, v7, v3;
	_ =	sdelay $0x2  }
0x17b: {  	s19 =	simm.s32 $0xFFFFFFFD;
	s9 =	simm.s32 $0x10020;
	v6 =	vnsel vm0, $0x0, v6  }
0x17c: {  	[tilespmem:s9+$0xFFFFFFE0] =	vst v6;
	v6 =	vadd.s32 s19, v2  }
0x17d: {  	v7 =	vld.idx.msk [tilespmem:v7+s31+$0x0], $0xffff;
	v8 =	vshll.u32 v6, $0x7  }
0x17e: {  	vm2 =	vlt.u32 v6, $0x3B;
	v6 =	vor.u32 v4, v8  }
0x17f: {  	v6 =	vsel vm2, v6, v4;
	_ =	sdelay $0x2  }
0x180: {  	v7 =	vnsel vm1, $0x0, v7  }
0x181: {  	[tilespmem:s9+$0xFFFFFFF0] =	vst v7  }
0x182: {  	v6 =	vld.idx.msk [tilespmem:v6+s31+$0x0], $0xffff  }
0x183: {  	s20 =	simm.s32 $0xFFFFFFF2  }
0x184: {  	v7 =	vadd.s32 s20, v2  }
0x185: {  	v8 =	vshll.u32 v7, $0x7  }
0x186: {  	vm0 =	vlt.u32 v7, $0x3B;
	v7 =	vor.u32 v5, v8  }
0x187: {  	v8 =	vnsel vm2, $0x0, v6;
	v6 =	vsel vm0, v7, v5;
	_ =	sdelay $0x3  }
0x188: {  	s16 =	simm.s32 $0x1E;
	s15 =	simm.s32 $0xFFFFFFF4;
	s11 =	simm.s32 $0xFFFFFFF3;
	[tilespmem:s9+$0x0] =	vst v8  }
.LBB2_15:
0x189: {  	p3 =	sne.s32 s15, $0x2C;
	v7 =	vadd.s32 s16, v2;
	v6 =	vld.idx.msk [tilespmem:v6+s31+$0x0], $0xffff  }
0x18a: {  	v8 =	vshll.u32 v7, $0x7  }
0x18b: {  	vm1 =	vlt.u32 v7, $0x3B;
	v7 =	vor.u32 v0, v8  }
0x18c: {  	v7 =	vsel vm1, v7, v0;
	_ =	sdelay $0x2  }
0x18d: {  	v6 =	vnsel vm0, $0x0, v6  }
0x18e: {  	s16 =	sadd.s32 $0x1B, s11;
	[tilespmem:s9+$0xB] =	vst v6  }
0x18f: {  	v6 =	vld.idx.msk [tilespmem:v7+s31+$0x0], $0xffff;
	v7 =	vadd.s32 s16, v2  }
0x190: {  	v8 =	vshll.u32 v7, $0x7  }
0x191: {  	vm0 =	vlt.u32 v7, $0x3B;
	v7 =	vor.u32 v3, v8  }
0x192: {  	v7 =	vsel vm0, v7, v3;
	_ =	sdelay $0x2  }
0x193: {  	s9 =	sadd.s32 $0x80, s9;
	v6 =	vnsel vm1, $0x0, v6  }
0x194: {  	s16 =	sadd.s32 $0xB, s11;
	[tilespmem:s9+$0xFFFFFFE0] =	vst v6  }
0x195: {  	v6 =	vld.idx.msk [tilespmem:v7+s31+$0x0], $0xffff;
	v7 =	vadd.s32 s16, v2  }
0x196: {  	v8 =	vshll.u32 v7, $0x7  }
0x197: {  	vm1 =	vlt.u32 v7, $0x3B;
	v7 =	vor.u32 v4, v8  }
0x198: {  	v7 =	vsel vm1, v7, v4;
	_ =	sdelay $0x2  }
0x199: {  	v6 =	vnsel vm0, $0x0, v6  }
0x19a: {  	[tilespmem:s9+$0xFFFFFFF0] =	vst v6  }
0x19b: {  	v6 =	vadd.s32 s11, v2;
	s11 =	smov.u32 s15;
	v7 =	vld.idx.msk [tilespmem:v7+s31+$0x0], $0xffff  }
0x19c: {  	v8 =	vshll.u32 v6, $0x7  }
0x19d: {  	vm0 =	vlt.u32 v6, $0x3B;
	v6 =	vor.u32 v5, v8  }
.Ltmp11:
0x19e: {  	v6 =	vsel vm0, v6, v5;
	(pc) =	sbr.rel @p3 .LBB2_15-.Ltmp11, $3  }
0x19f: {  	_ =	sdelay $0x1  }
0x1a0: {  	v7 =	vnsel vm1, $0x0, v7  }
0x1a1: {  	s15 =	sadd.s32 $0x1, s15;
	s16 =	sadd.s32 $0x2B, s11;
	[tilespmem:s9+$0x0] =	vst v7  }
0x1a2: {  	_ =	sdelay $0x2  }
0x1a3: {  	v7 =	vadd.s32 s16, v2  }
0x1a4: {  	v6 =	vld.idx.msk [tilespmem:v6+s31+$0x0], $0xffff;
	v8 =	vshll.u32 v7, $0x7  }
0x1a5: {  	vm1 =	vlt.u32 v7, $0x3B;
	v7 =	vor.u32 v0, v8  }
0x1a6: {  	v7 =	vsel vm1, v7, v0;
	_ =	sdelay $0x2  }
0x1a7: {  	s15 =	sadd.s32 $0x1B, s11;
	v6 =	vnsel vm0, $0x0, v6  }
0x1a8: {  	[tilespmem:s9+$0xB] =	vst v6;
	v6 =	vadd.s32 s15, v2  }
0x1a9: {  	v61 =	vshll.u32 v6, $0x7;
	v7 =	vld.idx.msk [tilespmem:v7+s31+$0x0], $0xffff  }
0x1aa: {  	vm13 =	vlt.u32 v6, $0x3B;
	v6 =	vor.u32 v3, v61  }
0x1ab: {  	v6 =	vsel vm13, v6, v3;
	_ =	sdelay $0x2  }
0x1ac: {  	s19 =	sadd.s32 $0x80, s9;
	s20 =	sadd.s32 $0xB, s11;
	v7 =	vnsel vm1, $0x0, v7  }
0x1ad: {  	[tilespmem:s19+$0xFFFFFFE0] =	vst v7;
	v7 =	vadd.s32 s20, v2  }
0x1ae: {  	v6 =	vld.idx.msk [tilespmem:v6+s31+$0x0], $0xffff;
	v62 =	vshll.u32 v7, $0x7  }
0x1af: {  	vm14 =	vlt.u32 v7, $0x3B;
	v7 =	vor.u32 v4, v62  }
0x1b0: {  	v7 =	vsel vm14, v7, v4;
	_ =	sdelay $0x2  }
0x1b1: {  	v6 =	vnsel vm13, $0x0, v6  }
0x1b2: {  	[tilespmem:s19+$0xFFFFFFF0] =	vst v6;
	v6 =	vadd.s32 s11, v2  }
0x1b3: {  	v7 =	vld.idx.msk [tilespmem:v7+s31+$0x0], $0xffff;
	v63 =	vshll.u32 v6, $0x7  }
0x1b4: {  	vm15 =	vlt.u32 v6, $0x3B;
	v6 =	vor.u32 v5, v63  }
0x1b5: {  	v6 =	vsel vm15, v6, v5;
	_ =	sdelay $0x2  }
0x1b6: {  	v7 =	vnsel vm14, $0x0, v7  }
0x1b7: {  	[tilespmem:s19+$0x0] =	vst v7  }
0x1b8: {  	s16 =	smul.u32 $0x1B32000, s3;
	v6 =	vld.idx.msk [tilespmem:v6+s31+$0x0], $0xffff  }
0x1b9: {  	s17 =	smul.u32 $0x76000, s7;
	_ =	sdelay $0x1  }
0x1ba: {  	s18 =	sshll.u32 s8, $0x7;
	s11 =	sadd.s32 s16, s17  }
0x1bb: {  	s11 =	sor.u32 s18, s11  }
0x1bc: {  	s11 =	sshrl.u32 s11, $0x3;
	v6 =	vnsel vm15, $0x0, v6  }
0x1bd: {  	s20 =	simm.s32 $0x10000;
	[tilespmem:s19+$0xB] =	vst v6;
	s19 =	sadd.s32 s5, s11  }
0x1be: {  	[hbm4b:s19+s14] =	stream.strided.scatter [tilespmem:s20], [sflag:$0x9], $0x1D80, s24, s14, $0x38;
	[tilespmem:$0x1A000] =	vst v63  }
.LBB2_17:
0x1bf: {  	s9 =	rddreg [dreg:$0xd]  }
0x1c0: {  	p4 =	por !p5, !p5;
	s9 =	sadd.s32 s9, s12  }
0x1c1: {  	s11 =	simm.s32 @!p5 $0x0;
	p4 =	por @!p1 p5, p5;
	s19 =	smulhi.u32 $0x969D3BA5, s9  }
0x1c2: {  	s11 =	simm.s32 @p5 $0x1;
	s3 =	smul.u32 @p4 $0x1B32000, s3  }
0x1c3: {  	[smem:$0x7F5] =	sst s11;
	s7 =	smul.u32 @p4 $0x76000, s7;
	s11 =	sshrl.u32 s19, $0xB  }
0x1c4: {  	s11 =	smul.u32 $0xD99, s11;
	_ =	sdelay $0x1  }
0x1c5: {  	s3 =	sadd.s32 @p4 s3, s7;
	s7 =	sshll.u32 @p4 s8, $0x7;
	s20 =	ssub.s32 s9, s11  }
0x1c6: {  	s3 =	sor.u32 @p4 s7, s3;
	s15 =	smul.u32 $0x457, s20  }
0x1c7: {  	s3 =	sshrl.u32 @p4 s3, $0x3  }
0x1c8: {  	s16 =	simm.s32 @p4 $0x18000;
	s3 =	sadd.s32 @p4 s5, s3;
	s7 =	sshrl.u32 s15, $0x10  }
0x1c9: {  	s11 =	simm.s32 @p4 $0x80;
	s15 =	simm.s32 @p4 $0x2000;
	s17 =	smul.u32 $0x3B, s7  }
0x1ca: {  	[hbm4b:s3+s11] =	stream.strided.scatter @p4 [tilespmem:s16], [sflag:$0xD], $0x1D80, s15, s11, $0x38;
	[tilespmem:$0x1A000] =	vst v63  }
0x1cb: {  	s7 =	sadd.s32 $0x1D, s7;
	s16 =	ssub.s32 s20, s17  }
0x1cc: {  	s17 =	sand.u32 $0xFFFF, s7;
	s8 =	sand.u32 $0xFFFF, s16  }
0x1cd: {  	p1 =	sgt.u32 s9, $0x1B31;
	s3 =	ssub.s32 s17, s8  }
0x1ce: {  	s11 =	sadd.s32 s23, s12;
	p3 =	sgt.u32 @!p1 s3, $0x3A  }
0x1cf: {  	s18 =	smulhi.u32 $0x969D3BA5, s11;
	p0 =	por p3, p1  }
0x1d0: {  	p5 =	sgt.u32 @!p0 s9, $0xD98  }
0x1d1: {  	s9 =	smul.u32 @!p0 $0x76000, s3;
	s3 =	sshrl.u32 s18, $0xB;
	p3 =	por @!p1 !p5, p3  }
0x1d2: {  	s7 =	simm.s32 @!p0 $0x1B32000;
	s19 =	smul.u32 $0xD99, s3;
	p1 =	por !p3, p1  }
0x1d3: {  	s7 =	simm.s32 @!p1 $0x0  }
0x1d4: {  	s8 =	sshll.u32 @!p0 s8, $0x7;
	s20 =	ssub.s32 s11, s19;
	s7 =	sadd.s32 @!p0 s7, s9  }
0x1d5: {  	s18 =	smul.u32 $0x457, s20;
	s7 =	sor.u32 @!p0 s8, s7  }
0x1d6: {  	s7 =	sshrl.u32 @!p0 s7, $0x3  }
0x1d7: {  	s16 =	simm.s32 @!p0 $0x80;
	s15 =	sadd.s32 @!p0 s4, s7;
	s7 =	sshrl.u32 s18, $0x10  }
0x1d8: {  	s17 =	simm.s32 @!p0 $0x4000;
	s8 =	simm.s32 @!p0 $0x2000;
	s18 =	smul.u32 $0x3B, s7  }
0x1d9: {  	[tilespmem:s17], [sflag:$0x3] =	stream.strided.gather @!p0 [hbm4b:s15+s16], $0x1D80, s8, s16, $0x38;
	[tilespmem:$0x1A000] =	vst v63  }
0x1da: {  	s19 =	ssub.s32 s20, s18  }
0x1db: {  	s8 =	sand.u32 $0xFFFF, s19  }
0x1dc: {  	s20 =	ssub.s32 s7, s8  }
0x1dd: {  	s9 =	sadd.s32 $0x1D, s20  }
0x1de: {  	p1 =	slt.u32 s11, $0x1B32;
	p6 =	slt.u32 s9, $0x3B  }
0x1df: {  	p0 =	por !p1, !p6  }
0x1e0: {  	p3 =	por !p0, !p0  }
.Ltmp12:
0x1e1: {  	_ = 	snop;
	(pc) =	sbr.rel @!p3 .LBB2_21-.Ltmp12, $1  }
0x1e2: {  	_ =	sdelay $0x3  }
0x1e3: {  	s9 =	simm.s32 $0x1D  }
0x1e4: {  	v6 =	vadd.s32 s9, v2  }
0x1e5: {  	s18 =	simm.s32 $0x4;
	v7 =	vshll.u32 v6, $0x7  }
0x1e6: {  	_ =	swait.ge [sflag:s18], $0x1D80;
	vm0 =	vlt.u32 v6, $0x3B;
	v6 =	vor.u32 v0, v7  }
0x1e7: {  	p0 =	seq.s32 s1, $0x0;
	[sflag:s18] =	ssyncset.done $0x0;
	v6 =	vsel vm0, v6, v0  }
0x1e8: {  	s9 =	simm.s32 @!p0 $0xA;
	[sflag:s18] =	ssyncadd.s32 $0xFFFFE280  }
0x1e9: {  	_ =	swait.ge @!p0 [sflag:s9], $0x1D80  }
0x1ea: {  	s11 =	simm.s32 $0xD;
	[sflag:s9] =	ssyncset.done @!p0 $0x0  }
0x1eb: {  	v7 =	vadd.s32 s11, v2;
	[sflag:s9] =	ssyncadd.s32 @!p0 $0xFFFFE280  }
0x1ec: {  	v8 =	vshll.u32 v7, $0x7;
	v6 =	vld.idx.msk [tilespmem:v6+s6+$0x0], $0xffff  }
0x1ed: {  	vm1 =	vlt.u32 v7, $0x3B;
	v7 =	vor.u32 v3, v8  }
0x1ee: {  	v7 =	vsel vm1, v7, v3;
	_ =	sdelay $0x2  }
0x1ef: {  	s19 =	simm.s32 $0xFFFFFFFD;
	s9 =	simm.s32 $0x12020;
	v6 =	vnsel vm0, $0x0, v6  }
0x1f0: {  	[tilespmem:s9+$0xFFFFFFE0] =	vst v6;
	v6 =	vadd.s32 s19, v2  }
0x1f1: {  	v7 =	vld.idx.msk [tilespmem:v7+s6+$0x0], $0xffff;
	v8 =	vshll.u32 v6, $0x7  }
0x1f2: {  	vm2 =	vlt.u32 v6, $0x3B;
	v6 =	vor.u32 v4, v8  }
0x1f3: {  	v6 =	vsel vm2, v6, v4;
	_ =	sdelay $0x2  }
0x1f4: {  	v7 =	vnsel vm1, $0x0, v7  }
0x1f5: {  	[tilespmem:s9+$0xFFFFFFF0] =	vst v7  }
0x1f6: {  	v6 =	vld.idx.msk [tilespmem:v6+s6+$0x0], $0xffff  }
0x1f7: {  	s20 =	simm.s32 $0xFFFFFFF2  }
0x1f8: {  	v7 =	vadd.s32 s20, v2  }
0x1f9: {  	v8 =	vshll.u32 v7, $0x7  }
0x1fa: {  	vm0 =	vlt.u32 v7, $0x3B;
	v7 =	vor.u32 v5, v8  }
0x1fb: {  	v8 =	vnsel vm2, $0x0, v6;
	v6 =	vsel vm0, v7, v5;
	_ =	sdelay $0x3  }
0x1fc: {  	s16 =	simm.s32 $0x1E;
	s15 =	simm.s32 $0xFFFFFFF4;
	s11 =	simm.s32 $0xFFFFFFF3;
	[tilespmem:s9+$0x0] =	vst v8  }
.LBB2_19:
0x1fd: {  	p5 =	sne.s32 s15, $0x2C;
	v7 =	vadd.s32 s16, v2;
	v6 =	vld.idx.msk [tilespmem:v6+s6+$0x0], $0xffff  }
0x1fe: {  	v8 =	vshll.u32 v7, $0x7  }
0x1ff: {  	vm1 =	vlt.u32 v7, $0x3B;
	v7 =	vor.u32 v0, v8  }
0x200: {  	v7 =	vsel vm1, v7, v0;
	_ =	sdelay $0x2  }
0x201: {  	v6 =	vnsel vm0, $0x0, v6  }
0x202: {  	s16 =	sadd.s32 $0x1B, s11;
	[tilespmem:s9+$0xB] =	vst v6  }
0x203: {  	v6 =	vld.idx.msk [tilespmem:v7+s6+$0x0], $0xffff;
	v7 =	vadd.s32 s16, v2  }
0x204: {  	v8 =	vshll.u32 v7, $0x7  }
0x205: {  	vm0 =	vlt.u32 v7, $0x3B;
	v7 =	vor.u32 v3, v8  }
0x206: {  	v7 =	vsel vm0, v7, v3;
	_ =	sdelay $0x2  }
0x207: {  	s9 =	sadd.s32 $0x80, s9;
	v6 =	vnsel vm1, $0x0, v6  }
0x208: {  	s16 =	sadd.s32 $0xB, s11;
	[tilespmem:s9+$0xFFFFFFE0] =	vst v6  }
0x209: {  	v6 =	vld.idx.msk [tilespmem:v7+s6+$0x0], $0xffff;
	v7 =	vadd.s32 s16, v2  }
0x20a: {  	v8 =	vshll.u32 v7, $0x7  }
0x20b: {  	vm1 =	vlt.u32 v7, $0x3B;
	v7 =	vor.u32 v4, v8  }
0x20c: {  	v7 =	vsel vm1, v7, v4;
	_ =	sdelay $0x2  }
0x20d: {  	v6 =	vnsel vm0, $0x0, v6  }
0x20e: {  	[tilespmem:s9+$0xFFFFFFF0] =	vst v6  }
0x20f: {  	v6 =	vadd.s32 s11, v2;
	s11 =	smov.u32 s15;
	v7 =	vld.idx.msk [tilespmem:v7+s6+$0x0], $0xffff  }
0x210: {  	v8 =	vshll.u32 v6, $0x7  }
0x211: {  	vm0 =	vlt.u32 v6, $0x3B;
	v6 =	vor.u32 v5, v8  }
.Ltmp13:
0x212: {  	v6 =	vsel vm0, v6, v5;
	(pc) =	sbr.rel @p5 .LBB2_19-.Ltmp13, $3  }
0x213: {  	_ =	sdelay $0x1  }
0x214: {  	v7 =	vnsel vm1, $0x0, v7  }
0x215: {  	s15 =	sadd.s32 $0x1, s15;
	s16 =	sadd.s32 $0x2B, s11;
	[tilespmem:s9+$0x0] =	vst v7  }
0x216: {  	_ =	sdelay $0x2  }
0x217: {  	v7 =	vadd.s32 s16, v2  }
0x218: {  	v6 =	vld.idx.msk [tilespmem:v6+s6+$0x0], $0xffff;
	v8 =	vshll.u32 v7, $0x7  }
0x219: {  	vm1 =	vlt.u32 v7, $0x3B;
	v7 =	vor.u32 v0, v8  }
0x21a: {  	v7 =	vsel vm1, v7, v0;
	_ =	sdelay $0x2  }
0x21b: {  	s15 =	sadd.s32 $0x1B, s11;
	v6 =	vnsel vm0, $0x0, v6  }
0x21c: {  	[tilespmem:s9+$0xB] =	vst v6;
	v6 =	vadd.s32 s15, v2  }
0x21d: {  	v61 =	vshll.u32 v6, $0x7;
	v7 =	vld.idx.msk [tilespmem:v7+s6+$0x0], $0xffff  }
0x21e: {  	vm13 =	vlt.u32 v6, $0x3B;
	v6 =	vor.u32 v3, v61  }
0x21f: {  	v6 =	vsel vm13, v6, v3;
	_ =	sdelay $0x2  }
0x220: {  	s19 =	sadd.s32 $0x80, s9;
	s20 =	sadd.s32 $0xB, s11;
	v7 =	vnsel vm1, $0x0, v7  }
0x221: {  	[tilespmem:s19+$0xFFFFFFE0] =	vst v7;
	v7 =	vadd.s32 s20, v2  }
0x222: {  	v6 =	vld.idx.msk [tilespmem:v6+s6+$0x0], $0xffff;
	v62 =	vshll.u32 v7, $0x7  }
0x223: {  	vm14 =	vlt.u32 v7, $0x3B;
	v7 =	vor.u32 v4, v62  }
0x224: {  	v7 =	vsel vm14, v7, v4;
	_ =	sdelay $0x2  }
0x225: {  	v6 =	vnsel vm13, $0x0, v6  }
0x226: {  	[tilespmem:s19+$0xFFFFFFF0] =	vst v6;
	v6 =	vadd.s32 s11, v2  }
0x227: {  	v7 =	vld.idx.msk [tilespmem:v7+s6+$0x0], $0xffff;
	v63 =	vshll.u32 v6, $0x7  }
0x228: {  	vm15 =	vlt.u32 v6, $0x3B;
	v6 =	vor.u32 v5, v63  }
0x229: {  	v6 =	vsel vm15, v6, v5;
	_ =	sdelay $0x2  }
0x22a: {  	v7 =	vnsel vm14, $0x0, v7  }
0x22b: {  	[tilespmem:s19+$0x0] =	vst v7  }
0x22c: {  	s16 =	smul.u32 $0x1B32000, s3;
	v6 =	vld.idx.msk [tilespmem:v6+s6+$0x0], $0xffff  }
0x22d: {  	s17 =	smul.u32 $0x76000, s7;
	_ =	sdelay $0x1  }
0x22e: {  	s18 =	sshll.u32 s8, $0x7;
	s11 =	sadd.s32 s16, s17  }
0x22f: {  	s11 =	sor.u32 s18, s11  }
0x230: {  	s11 =	sshrl.u32 s11, $0x3;
	v6 =	vnsel vm15, $0x0, v6  }
0x231: {  	s20 =	simm.s32 $0x12000;
	[tilespmem:s19+$0xB] =	vst v6;
	s19 =	sadd.s32 s5, s11  }
0x232: {  	[hbm4b:s19+s14] =	stream.strided.scatter [tilespmem:s20], [sflag:$0xA], $0x1D80, s24, s14, $0x38;
	[tilespmem:$0x1A000] =	vst v63  }
.LBB2_21:
0x233: {  	s9 =	rddreg [dreg:$0xe]  }
0x234: {  	p6 =	por !p3, !p3;
	s9 =	sadd.s32 s9, s12  }
0x235: {  	s11 =	simm.s32 @!p3 $0x0;
	p6 =	por @!p1 p3, p3;
	s19 =	smulhi.u32 $0x969D3BA5, s9  }
0x236: {  	s11 =	simm.s32 @p3 $0x1;
	s3 =	smul.u32 @p6 $0x1B32000, s3  }
0x237: {  	[smem:$0x7F4] =	sst s11;
	s7 =	smul.u32 @p6 $0x76000, s7;
	s11 =	sshrl.u32 s19, $0xB  }
0x238: {  	s11 =	smul.u32 $0xD99, s11;
	_ =	sdelay $0x1  }
0x239: {  	s3 =	sadd.s32 @p6 s3, s7;
	s7 =	sshll.u32 @p6 s8, $0x7;
	s20 =	ssub.s32 s9, s11  }
0x23a: {  	s3 =	sor.u32 @p6 s7, s3;
	s15 =	smul.u32 $0x457, s20  }
0x23b: {  	s3 =	sshrl.u32 @p6 s3, $0x3  }
0x23c: {  	s16 =	simm.s32 @p6 $0x18000;
	s3 =	sadd.s32 @p6 s5, s3;
	s7 =	sshrl.u32 s15, $0x10  }
0x23d: {  	s11 =	simm.s32 @p6 $0x80;
	s15 =	simm.s32 @p6 $0x2000;
	s17 =	smul.u32 $0x3B, s7  }
0x23e: {  	[hbm4b:s3+s11] =	stream.strided.scatter @p6 [tilespmem:s16], [sflag:$0xD], $0x1D80, s15, s11, $0x38;
	[tilespmem:$0x1A000] =	vst v63  }
0x23f: {  	s7 =	sadd.s32 $0x1D, s7;
	s16 =	ssub.s32 s20, s17  }
0x240: {  	s17 =	sand.u32 $0xFFFF, s7;
	s8 =	sand.u32 $0xFFFF, s16  }
0x241: {  	s18 =	rddreg [dreg:$0x3];
	p1 =	sgt.u32 s9, $0x1B31;
	s3 =	ssub.s32 s17, s8  }
0x242: {  	s11 =	sadd.s32 s18, s12;
	p5 =	sgt.u32 @!p1 s3, $0x3A  }
0x243: {  	s7 =	smulhi.u32 $0x969D3BA5, s11;
	p0 =	por p5, p1  }
0x244: {  	p3 =	sgt.u32 @!p0 s9, $0xD98  }
0x245: {  	s9 =	smul.u32 @!p0 $0x76000, s3;
	s3 =	sshrl.u32 s7, $0xB;
	p3 =	por @!p1 !p3, p5  }
0x246: {  	s7 =	simm.s32 @!p0 $0x1B32000;
	s19 =	smul.u32 $0xD99, s3;
	p1 =	por !p3, p1  }
0x247: {  	s7 =	simm.s32 @!p1 $0x0  }
0x248: {  	s8 =	sshll.u32 @!p0 s8, $0x7;
	s20 =	ssub.s32 s11, s19;
	s7 =	sadd.s32 @!p0 s7, s9  }
0x249: {  	s18 =	smul.u32 $0x457, s20;
	s7 =	sor.u32 @!p0 s8, s7  }
0x24a: {  	s7 =	sshrl.u32 @!p0 s7, $0x3  }
0x24b: {  	s16 =	simm.s32 @!p0 $0x80;
	s15 =	sadd.s32 @!p0 s4, s7;
	s7 =	sshrl.u32 s18, $0x10  }
0x24c: {  	s17 =	simm.s32 @!p0 $0x6000;
	s8 =	simm.s32 @!p0 $0x2000;
	s18 =	smul.u32 $0x3B, s7  }
0x24d: {  	[tilespmem:s17], [sflag:$0x4] =	stream.strided.gather @!p0 [hbm4b:s15+s16], $0x1D80, s8, s16, $0x38;
	[tilespmem:$0x1A000] =	vst v63  }
0x24e: {  	s19 =	ssub.s32 s20, s18  }
0x24f: {  	s8 =	sand.u32 $0xFFFF, s19  }
0x250: {  	s20 =	ssub.s32 s7, s8  }
0x251: {  	s9 =	sadd.s32 $0x1D, s20  }
0x252: {  	p1 =	slt.u32 s11, $0x1B32;
	p5 =	slt.u32 s9, $0x3B  }
0x253: {  	p0 =	por !p1, !p5  }
0x254: {  	p3 =	por !p0, !p0  }
.Ltmp14:
0x255: {  	_ = 	snop;
	(pc) =	sbr.rel @!p3 .LBB2_25-.Ltmp14, $1  }
0x256: {  	_ =	sdelay $0x3  }
0x257: {  	s9 =	simm.s32 $0x1D  }
0x258: {  	v6 =	vadd.s32 s9, v2  }
0x259: {  	s18 =	simm.s32 $0x5;
	v7 =	vshll.u32 v6, $0x7  }
0x25a: {  	_ =	swait.ge [sflag:s18], $0x1D80;
	vm0 =	vlt.u32 v6, $0x3B;
	v6 =	vor.u32 v0, v7  }
0x25b: {  	p0 =	seq.s32 s25, $0x0;
	[sflag:s18] =	ssyncset.done $0x0;
	v6 =	vsel vm0, v6, v0  }
0x25c: {  	s9 =	simm.s32 @!p0 $0xB;
	[sflag:s18] =	ssyncadd.s32 $0xFFFFE280  }
0x25d: {  	_ =	swait.ge @!p0 [sflag:s9], $0x1D80  }
0x25e: {  	s11 =	simm.s32 $0xD;
	[sflag:s9] =	ssyncset.done @!p0 $0x0  }
0x25f: {  	v7 =	vadd.s32 s11, v2;
	[sflag:s9] =	ssyncadd.s32 @!p0 $0xFFFFE280  }
0x260: {  	v8 =	vshll.u32 v7, $0x7;
	v6 =	vld.idx.msk [tilespmem:v6+s13+$0x0], $0xffff  }
0x261: {  	vm1 =	vlt.u32 v7, $0x3B;
	v7 =	vor.u32 v3, v8  }
0x262: {  	v7 =	vsel vm1, v7, v3;
	_ =	sdelay $0x2  }
0x263: {  	s19 =	simm.s32 $0xFFFFFFFD;
	s9 =	simm.s32 $0x14020;
	v6 =	vnsel vm0, $0x0, v6  }
0x264: {  	[tilespmem:s9+$0xFFFFFFE0] =	vst v6;
	v6 =	vadd.s32 s19, v2  }
0x265: {  	v7 =	vld.idx.msk [tilespmem:v7+s13+$0x0], $0xffff;
	v8 =	vshll.u32 v6, $0x7  }
0x266: {  	vm2 =	vlt.u32 v6, $0x3B;
	v6 =	vor.u32 v4, v8  }
0x267: {  	v6 =	vsel vm2, v6, v4;
	_ =	sdelay $0x2  }
0x268: {  	v7 =	vnsel vm1, $0x0, v7  }
0x269: {  	[tilespmem:s9+$0xFFFFFFF0] =	vst v7  }
0x26a: {  	v6 =	vld.idx.msk [tilespmem:v6+s13+$0x0], $0xffff  }
0x26b: {  	s20 =	simm.s32 $0xFFFFFFF2  }
0x26c: {  	v7 =	vadd.s32 s20, v2  }
0x26d: {  	v8 =	vshll.u32 v7, $0x7  }
0x26e: {  	vm0 =	vlt.u32 v7, $0x3B;
	v7 =	vor.u32 v5, v8  }
0x26f: {  	v8 =	vnsel vm2, $0x0, v6;
	v6 =	vsel vm0, v7, v5;
	_ =	sdelay $0x3  }
0x270: {  	s16 =	simm.s32 $0x1E;
	s15 =	simm.s32 $0xFFFFFFF4;
	s11 =	simm.s32 $0xFFFFFFF3;
	[tilespmem:s9+$0x0] =	vst v8  }
.LBB2_23:
0x271: {  	p0 =	sne.s32 s15, $0x2C;
	v7 =	vadd.s32 s16, v2;
	v6 =	vld.idx.msk [tilespmem:v6+s13+$0x0], $0xffff  }
0x272: {  	v8 =	vshll.u32 v7, $0x7  }
0x273: {  	vm1 =	vlt.u32 v7, $0x3B;
	v7 =	vor.u32 v0, v8  }
0x274: {  	v7 =	vsel vm1, v7, v0;
	_ =	sdelay $0x2  }
0x275: {  	v6 =	vnsel vm0, $0x0, v6  }
0x276: {  	s16 =	sadd.s32 $0x1B, s11;
	[tilespmem:s9+$0xB] =	vst v6  }
0x277: {  	v6 =	vld.idx.msk [tilespmem:v7+s13+$0x0], $0xffff;
	v7 =	vadd.s32 s16, v2  }
0x278: {  	v8 =	vshll.u32 v7, $0x7  }
0x279: {  	vm0 =	vlt.u32 v7, $0x3B;
	v7 =	vor.u32 v3, v8  }
0x27a: {  	v7 =	vsel vm0, v7, v3;
	_ =	sdelay $0x2  }
0x27b: {  	s9 =	sadd.s32 $0x80, s9;
	v6 =	vnsel vm1, $0x0, v6  }
0x27c: {  	s16 =	sadd.s32 $0xB, s11;
	[tilespmem:s9+$0xFFFFFFE0] =	vst v6  }
0x27d: {  	v6 =	vld.idx.msk [tilespmem:v7+s13+$0x0], $0xffff;
	v7 =	vadd.s32 s16, v2  }
0x27e: {  	v8 =	vshll.u32 v7, $0x7  }
0x27f: {  	vm1 =	vlt.u32 v7, $0x3B;
	v7 =	vor.u32 v4, v8  }
0x280: {  	v7 =	vsel vm1, v7, v4;
	_ =	sdelay $0x2  }
0x281: {  	v6 =	vnsel vm0, $0x0, v6  }
0x282: {  	[tilespmem:s9+$0xFFFFFFF0] =	vst v6  }
0x283: {  	v6 =	vadd.s32 s11, v2;
	s11 =	smov.u32 s15;
	v7 =	vld.idx.msk [tilespmem:v7+s13+$0x0], $0xffff  }
0x284: {  	v8 =	vshll.u32 v6, $0x7  }
0x285: {  	vm0 =	vlt.u32 v6, $0x3B;
	v6 =	vor.u32 v5, v8  }
.Ltmp15:
0x286: {  	v6 =	vsel vm0, v6, v5;
	(pc) =	sbr.rel @p0 .LBB2_23-.Ltmp15, $3  }
0x287: {  	_ =	sdelay $0x1  }
0x288: {  	v7 =	vnsel vm1, $0x0, v7  }
0x289: {  	s15 =	sadd.s32 $0x1, s15;
	s16 =	sadd.s32 $0x2B, s11;
	[tilespmem:s9+$0x0] =	vst v7  }
0x28a: {  	_ =	sdelay $0x2  }
0x28b: {  	v7 =	vadd.s32 s16, v2  }
0x28c: {  	v6 =	vld.idx.msk [tilespmem:v6+s13+$0x0], $0xffff;
	v8 =	vshll.u32 v7, $0x7  }
0x28d: {  	vm1 =	vlt.u32 v7, $0x3B;
	v7 =	vor.u32 v0, v8  }
0x28e: {  	v7 =	vsel vm1, v7, v0;
	_ =	sdelay $0x2  }
0x28f: {  	s15 =	sadd.s32 $0x1B, s11;
	v6 =	vnsel vm0, $0x0, v6  }
0x290: {  	[tilespmem:s9+$0xB] =	vst v6;
	v6 =	vadd.s32 s15, v2  }
0x291: {  	v61 =	vshll.u32 v6, $0x7;
	v7 =	vld.idx.msk [tilespmem:v7+s13+$0x0], $0xffff  }
0x292: {  	vm13 =	vlt.u32 v6, $0x3B;
	v6 =	vor.u32 v3, v61  }
0x293: {  	v6 =	vsel vm13, v6, v3;
	_ =	sdelay $0x2  }
0x294: {  	s19 =	sadd.s32 $0x80, s9;
	s20 =	sadd.s32 $0xB, s11;
	v7 =	vnsel vm1, $0x0, v7  }
0x295: {  	[tilespmem:s19+$0xFFFFFFE0] =	vst v7;
	v7 =	vadd.s32 s20, v2  }
0x296: {  	v6 =	vld.idx.msk [tilespmem:v6+s13+$0x0], $0xffff;
	v62 =	vshll.u32 v7, $0x7  }
0x297: {  	vm14 =	vlt.u32 v7, $0x3B;
	v7 =	vor.u32 v4, v62  }
0x298: {  	v7 =	vsel vm14, v7, v4;
	_ =	sdelay $0x2  }
0x299: {  	v6 =	vnsel vm13, $0x0, v6  }
0x29a: {  	[tilespmem:s19+$0xFFFFFFF0] =	vst v6;
	v6 =	vadd.s32 s11, v2  }
0x29b: {  	v7 =	vld.idx.msk [tilespmem:v7+s13+$0x0], $0xffff;
	v63 =	vshll.u32 v6, $0x7  }
0x29c: {  	vm15 =	vlt.u32 v6, $0x3B;
	v6 =	vor.u32 v5, v63  }
0x29d: {  	v6 =	vsel vm15, v6, v5;
	_ =	sdelay $0x2  }
0x29e: {  	v7 =	vnsel vm14, $0x0, v7  }
0x29f: {  	[tilespmem:s19+$0x0] =	vst v7  }
0x2a0: {  	s16 =	smul.u32 $0x1B32000, s3;
	v6 =	vld.idx.msk [tilespmem:v6+s13+$0x0], $0xffff  }
0x2a1: {  	s17 =	smul.u32 $0x76000, s7;
	_ =	sdelay $0x1  }
0x2a2: {  	s18 =	sshll.u32 s8, $0x7;
	s11 =	sadd.s32 s16, s17  }
0x2a3: {  	s11 =	sor.u32 s18, s11  }
0x2a4: {  	s11 =	sshrl.u32 s11, $0x3;
	v6 =	vnsel vm15, $0x0, v6  }
0x2a5: {  	s20 =	simm.s32 $0x14000;
	[tilespmem:s19+$0xB] =	vst v6;
	s19 =	sadd.s32 s5, s11  }
0x2a6: {  	[hbm4b:s19+s14] =	stream.strided.scatter [tilespmem:s20], [sflag:$0xB], $0x1D80, s24, s14, $0x38;
	[tilespmem:$0x1A000] =	vst v63  }
.LBB2_25:
0x2a7: {  	s9 =	simm.s32 @!p2 $0x0  }
0x2a8: {  	s14 =	rddreg [dreg:$0xf];
	s9 =	simm.s32 @p2 $0x1  }
0x2a9: {  	[smem:$0x7F2] =	sst s9;
	s9 =	sadd.s32 s14, s12  }
0x2aa: {  	s11 =	smulhi.u32 $0x969D3BA5, s9;
	_ =	sdelay $0x1  }
0x2ab: {  	s11 =	sshrl.u32 s11, $0xB  }
0x2ac: {  	s11 =	smul.u32 $0xD99, s11;
	_ =	sdelay $0x1  }
0x2ad: {  	s11 =	ssub.s32 s9, s11  }
0x2ae: {  	s15 =	smul.u32 $0x457, s11;
	_ =	sdelay $0x1  }
0x2af: {  	s15 =	sshrl.u32 s15, $0x10  }
0x2b0: {  	p0 =	por !p3, !p3;
	s16 =	smul.u32 $0x3B, s15  }
0x2b1: {  	p0 =	por @!p1 p3, p3;
	s14 =	simm.s32 @!p3 $0x0  }
0x2b2: {  	s3 =	smul.u32 @p0 $0x1B32000, s3;
	s15 =	sadd.s32 $0x1D, s15;
	s11 =	ssub.s32 s11, s16  }
0x2b3: {  	s7 =	smul.u32 @p0 $0x76000, s7;
	s15 =	sand.u32 $0xFFFF, s15;
	s16 =	sand.u32 $0xFFFF, s11  }
0x2b4: {  	s14 =	simm.s32 @p3 $0x1;
	p3 =	sgt.u32 s9, $0x1B31;
	s11 =	ssub.s32 s15, s16  }
0x2b5: {  	s17 =	rddreg [dreg:$0x4];
	p5 =	sgt.u32 @!p3 s11, $0x3A  }
0x2b6: {  	s3 =	sadd.s32 @p0 s3, s7;
	s7 =	sshll.u32 @p0 s8, $0x7;
	p1 =	por p5, p3  }
0x2b7: {  	s3 =	sor.u32 @p0 s7, s3;
	p2 =	sgt.u32 @!p1 s9, $0xD98;
	s9 =	sadd.s32 s17, s12  }
0x2b8: {  	s8 =	simm.s32 @p0 $0x2000;
	s3 =	sshrl.u32 @p0 s3, $0x3;
	s18 =	smulhi.u32 $0x969D3BA5, s9  }
0x2b9: {  	s3 =	sadd.s32 @p0 s5, s3;
	s15 =	simm.s32 @p0 $0x80;
	s7 =	simm.s32 @!p1 $0x1B32000  }
0x2ba: {  	s17 =	smul.u32 @!p1 $0x76000, s11;
	p2 =	por @!p3 !p2, p5;
	s11 =	sshrl.u32 s18, $0xB  }
0x2bb: {  	p2 =	por !p2, p3;
	s18 =	simm.s32 @p0 $0x18000;
	s19 =	smul.u32 $0xD99, s11  }
0x2bc: {  	[hbm4b:s3+s15] =	stream.strided.scatter @p0 [tilespmem:s18], [sflag:$0xD], $0x1D80, s8, s15, $0x38;
	[tilespmem:$0x1A000] =	vst v63  }
0x2bd: {  	s7 =	simm.s32 @!p2 $0x0;
	s19 =	ssub.s32 s9, s19  }
0x2be: {  	s3 =	sadd.s32 @!p1 s7, s17;
	s7 =	sshll.u32 @!p1 s16, $0x7;
	s20 =	smul.u32 $0x457, s19  }
0x2bf: {  	[smem:$0x7F3] =	sst s14;
	s15 =	simm.s32 @!p1 $0x80;
	s3 =	sor.u32 @!p1 s7, s3  }
0x2c0: {  	s17 =	simm.s32 @!p1 $0x8000;
	s3 =	sshrl.u32 @!p1 s3, $0x3;
	s16 =	sshrl.u32 s20, $0x10  }
0x2c1: {  	s7 =	simm.s32 @!p1 $0x2000;
	s3 =	sadd.s32 @!p1 s4, s3;
	s14 =	smul.u32 $0x3B, s16  }
0x2c2: {  	[tilespmem:s17], [sflag:$0x5] =	stream.strided.gather @!p1 [hbm4b:s3+s15], $0x1D80, s7, s15, $0x38;
	[tilespmem:$0x1A000] =	vst v63  }
0x2c3: {  	s18 =	ssub.s32 s19, s14;
	s19 =	sld [smem:$0x7F6]  }
0x2c4: {  	s17 =	sand.u32 $0xFFFF, s18  }
0x2c5: {  	s3 =	ssub.s32 s16, s17  }
0x2c6: {  	s7 =	simm.s32 $0x1;
	s3 =	sadd.s32 $0x1D, s3;
	p1 =	seq.s32 s19, $0x1  }
0x2c7: {  	s7 =	simm.s32 @!p1 $0x0;
	p1 =	slt.u32 s9, $0x1B32;
	p5 =	slt.u32 s3, $0x3B  }
0x2c8: {  	p2 =	por !p1, !p5  }
0x2c9: {  	s20 =	sld [smem:$0x7F7];
	p2 =	por !p2, !p2  }
.Ltmp16:
0x2ca: {  	_ = 	snop;
	(pc) =	sbr.rel @!p2 .LBB2_29-.Ltmp16, $4  }
0x2cb: {  	s8 =	simm.s32 $0x1;
	s15 =	simm.s32 $0x1  }
0x2cc: {  	s15 =	simm.s32 @!p6 $0x0;
	p3 =	seq.s32 s20, $0x1;
	s9 =	simm.s32 $0x1  }
0x2cd: {  	s3 =	simm.s32 $0x1;
	s9 =	simm.s32 @!p4 $0x0;
	p4 =	por !p2, !p2  }
0x2ce: {  	s8 =	simm.s32 @!p3 $0x0;
	s3 =	simm.s32 @!p0 $0x0;
	p4 =	por @!p1 p2, p2  }
0x2cf: {  	s18 =	simm.s32 $0x1D  }
0x2d0: {  	s20 =	simm.s32 $0x6;
	v6 =	vadd.s32 s18, v2  }
0x2d1: {  	_ =	swait.ge [sflag:s20], $0x1D80;
	v7 =	vshll.u32 v6, $0x7  }
0x2d2: {  	vm0 =	vlt.u32 v6, $0x3B;
	s19 =	rddreg [dreg:$0x13];
	v6 =	vor.u32 v0, v7  }
0x2d3: {  	[sflag:s20] =	ssyncset.done $0x0;
	p0 =	seq.s32 s19, $0x0;
	v6 =	vsel vm0, v6, v0  }
0x2d4: {  	[sflag:s20] =	ssyncadd.s32 $0xFFFFE280;
	s18 =	simm.s32 @!p0 $0xC  }
0x2d5: {  	s14 =	smov.u32 s4;
	s4 =	smov.u32 s23;
	_ =	swait.ge @!p0 [sflag:s18], $0x1D80  }
0x2d6: {  	s23 =	smov.u32 s21;
	s21 =	simm.s32 $0xD;
	[sflag:s18] =	ssyncset.done @!p0 $0x0  }
0x2d7: {  	v7 =	vadd.s32 s21, v2;
	[sflag:s18] =	ssyncadd.s32 @!p0 $0xFFFFE280  }
0x2d8: {  	v8 =	vshll.u32 v7, $0x7;
	v6 =	vld.idx.msk [tilespmem:v6+s22+$0x0], $0xffff  }
0x2d9: {  	vm1 =	vlt.u32 v7, $0x3B;
	v7 =	vor.u32 v3, v8  }
0x2da: {  	v7 =	vsel vm1, v7, v3;
	_ =	sdelay $0x2  }
0x2db: {  	s20 =	simm.s32 $0xFFFFFFFD;
	s18 =	simm.s32 $0x16020;
	v6 =	vnsel vm0, $0x0, v6  }
0x2dc: {  	[tilespmem:s18+$0xFFFFFFE0] =	vst v6;
	v6 =	vadd.s32 s20, v2  }
0x2dd: {  	v7 =	vld.idx.msk [tilespmem:v7+s22+$0x0], $0xffff;
	v8 =	vshll.u32 v6, $0x7  }
0x2de: {  	vm2 =	vlt.u32 v6, $0x3B;
	v6 =	vor.u32 v4, v8  }
0x2df: {  	v6 =	vsel vm2, v6, v4;
	_ =	sdelay $0x2  }
0x2e0: {  	v7 =	vnsel vm1, $0x0, v7  }
0x2e1: {  	[tilespmem:s18+$0xFFFFFFF0] =	vst v7  }
0x2e2: {  	v6 =	vld.idx.msk [tilespmem:v6+s22+$0x0], $0xffff  }
0x2e3: {  	s21 =	simm.s32 $0xFFFFFFF2  }
0x2e4: {  	v7 =	vadd.s32 s21, v2  }
0x2e5: {  	v8 =	vshll.u32 v7, $0x7  }
0x2e6: {  	vm0 =	vlt.u32 v7, $0x3B;
	v7 =	vor.u32 v5, v8  }
0x2e7: {  	v8 =	vnsel vm2, $0x0, v6;
	v6 =	vsel vm0, v7, v5;
	_ =	sdelay $0x3  }
0x2e8: {  	s19 =	simm.s32 $0xFFFFFFF3;
	s20 =	simm.s32 $0xFFFFFFF4;
	s21 =	simm.s32 $0x1E;
	[tilespmem:s18+$0x0] =	vst v8  }
.LBB2_27:
0x2e9: {  	p0 =	sne.s32 s20, $0x2C;
	v7 =	vadd.s32 s21, v2;
	v6 =	vld.idx.msk [tilespmem:v6+s22+$0x0], $0xffff  }
0x2ea: {  	v8 =	vshll.u32 v7, $0x7  }
0x2eb: {  	vm1 =	vlt.u32 v7, $0x3B;
	v7 =	vor.u32 v0, v8  }
0x2ec: {  	v7 =	vsel vm1, v7, v0;
	_ =	sdelay $0x2  }
0x2ed: {  	v6 =	vnsel vm0, $0x0, v6  }
0x2ee: {  	s21 =	sadd.s32 $0x1B, s19;
	[tilespmem:s18+$0xB] =	vst v6  }
0x2ef: {  	v6 =	vld.idx.msk [tilespmem:v7+s22+$0x0], $0xffff;
	v7 =	vadd.s32 s21, v2  }
0x2f0: {  	v8 =	vshll.u32 v7, $0x7  }
0x2f1: {  	vm0 =	vlt.u32 v7, $0x3B;
	v7 =	vor.u32 v3, v8  }
0x2f2: {  	v7 =	vsel vm0, v7, v3;
	_ =	sdelay $0x2  }
0x2f3: {  	s18 =	sadd.s32 $0x80, s18;
	v6 =	vnsel vm1, $0x0, v6  }
0x2f4: {  	s21 =	sadd.s32 $0xB, s19;
	[tilespmem:s18+$0xFFFFFFE0] =	vst v6  }
0x2f5: {  	v6 =	vld.idx.msk [tilespmem:v7+s22+$0x0], $0xffff;
	v7 =	vadd.s32 s21, v2  }
0x2f6: {  	v8 =	vshll.u32 v7, $0x7  }
0x2f7: {  	vm1 =	vlt.u32 v7, $0x3B;
	v7 =	vor.u32 v4, v8  }
0x2f8: {  	v7 =	vsel vm1, v7, v4;
	_ =	sdelay $0x2  }
0x2f9: {  	v6 =	vnsel vm0, $0x0, v6  }
0x2fa: {  	[tilespmem:s18+$0xFFFFFFF0] =	vst v6  }
0x2fb: {  	v6 =	vadd.s32 s19, v2;
	s19 =	smov.u32 s20;
	v7 =	vld.idx.msk [tilespmem:v7+s22+$0x0], $0xffff  }
0x2fc: {  	v8 =	vshll.u32 v6, $0x7  }
0x2fd: {  	vm0 =	vlt.u32 v6, $0x3B;
	v6 =	vor.u32 v5, v8  }
.Ltmp17:
0x2fe: {  	v6 =	vsel vm0, v6, v5;
	(pc) =	sbr.rel @p0 .LBB2_27-.Ltmp17, $3  }
0x2ff: {  	_ =	sdelay $0x1  }
0x300: {  	v7 =	vnsel vm1, $0x0, v7  }
0x301: {  	s20 =	sadd.s32 $0x1, s20;
	s21 =	sadd.s32 $0x2B, s19;
	[tilespmem:s18+$0x0] =	vst v7  }
0x302: {  	_ =	sdelay $0x2  }
0x303: {  	v7 =	vadd.s32 s21, v2  }
0x304: {  	v6 =	vld.idx.msk [tilespmem:v6+s22+$0x0], $0xffff;
	v8 =	vshll.u32 v7, $0x7  }
0x305: {  	vm1 =	vlt.u32 v7, $0x3B;
	v7 =	vor.u32 v0, v8  }
0x306: {  	v7 =	vsel vm1, v7, v0;
	_ =	sdelay $0x2  }
0x307: {  	s20 =	sadd.s32 $0x1B, s19;
	v6 =	vnsel vm0, $0x0, v6  }
0x308: {  	[tilespmem:s18+$0xB] =	vst v6;
	v6 =	vadd.s32 s20, v2  }
0x309: {  	v61 =	vshll.u32 v6, $0x7;
	v7 =	vld.idx.msk [tilespmem:v7+s22+$0x0], $0xffff  }
0x30a: {  	vm13 =	vlt.u32 v6, $0x3B;
	v6 =	vor.u32 v3, v61  }
0x30b: {  	v6 =	vsel vm13, v6, v3;
	_ =	sdelay $0x2  }
0x30c: {  	s21 =	sadd.s32 $0xB, s19;
	s18 =	sadd.s32 $0x80, s18;
	v7 =	vnsel vm1, $0x0, v7  }
0x30d: {  	[tilespmem:s18+$0xFFFFFFE0] =	vst v7;
	v7 =	vadd.s32 s21, v2  }
0x30e: {  	v6 =	vld.idx.msk [tilespmem:v6+s22+$0x0], $0xffff;
	v62 =	vshll.u32 v7, $0x7  }
0x30f: {  	vm14 =	vlt.u32 v7, $0x3B;
	v7 =	vor.u32 v4, v62  }
0x310: {  	v7 =	vsel vm14, v7, v4;
	_ =	sdelay $0x2  }
0x311: {  	v6 =	vnsel vm13, $0x0, v6  }
0x312: {  	[tilespmem:s18+$0xFFFFFFF0] =	vst v6;
	v6 =	vadd.s32 s19, v2  }
0x313: {  	v7 =	vld.idx.msk [tilespmem:v7+s22+$0x0], $0xffff;
	v63 =	vshll.u32 v6, $0x7  }
0x314: {  	vm15 =	vlt.u32 v6, $0x3B;
	v6 =	vor.u32 v5, v63  }
0x315: {  	v6 =	vsel vm15, v6, v5;
	_ =	sdelay $0x2  }
0x316: {  	v7 =	vnsel vm14, $0x0, v7  }
0x317: {  	[tilespmem:s18+$0x0] =	vst v7  }
0x318: {  	s20 =	smul.u32 $0x1B32000, s11;
	v6 =	vld.idx.msk [tilespmem:v6+s22+$0x0], $0xffff  }
0x319: {  	s21 =	smul.u32 $0x76000, s16;
	_ =	sdelay $0x1  }
0x31a: {  	s19 =	sadd.s32 s20, s21;
	s21 =	sshll.u32 s17, $0x7  }
.Ltmp18:
0x31b: {  	s19 =	sor.u32 s21, s19;
	(pc) =	sbr.rel .LBB2_29-.Ltmp18, $4  }
0x31c: {  	s19 =	sshrl.u32 s19, $0x3;
	v6 =	vnsel vm15, $0x0, v6  }
0x31d: {  	s20 =	simm.s32 $0x80;
	s21 =	simm.s32 $0x16000;
	s19 =	sadd.s32 s5, s19;
	[tilespmem:s18+$0xB] =	vst v6  }
0x31e: {  	[hbm4b:s19+s20] =	stream.strided.scatter [tilespmem:s21], [sflag:$0xC], $0x1D80, s24, s20, $0x38;
	[tilespmem:$0x1A000] =	vst v63  }
0x31f: {  	s21 =	smov.u32 s23;
	s23 =	smov.u32 s4;
	s4 =	smov.u32 s14  }
.LBB2_30:
0x320: {  	p0 =	seq.s32 s30, $0x0  }
0x321: {  	s0 =	simm.s32 @!p0 $0x7  }
0x322: {  	_ =	swait.ge @!p0 [sflag:s0], $0x1D80  }
0x323: {  	p1 =	seq.s32 s28, $0x0;
	[sflag:s0] =	ssyncset.done @!p0 $0x0  }
0x324: {  	[sflag:s0] =	ssyncadd.s32 @!p0 $0xFFFFE280;
	s0 =	simm.s32 @!p1 $0x8  }
0x325: {  	_ =	swait.ge @!p1 [sflag:s0], $0x1D80  }
0x326: {  	p0 =	seq.s32 s26, $0x0;
	[sflag:s0] =	ssyncset.done @!p1 $0x0  }
0x327: {  	[sflag:s0] =	ssyncadd.s32 @!p1 $0xFFFFE280;
	s0 =	simm.s32 @!p0 $0x9  }
0x328: {  	_ =	swait.ge @!p0 [sflag:s0], $0x1D80  }
0x329: {  	p1 =	seq.s32 s1, $0x0;
	[sflag:s0] =	ssyncset.done @!p0 $0x0  }
0x32a: {  	[sflag:s0] =	ssyncadd.s32 @!p0 $0xFFFFE280;
	s0 =	simm.s32 @!p1 $0xA  }
0x32b: {  	_ =	swait.ge @!p1 [sflag:s0], $0x1D80  }
0x32c: {  	p0 =	seq.s32 s25, $0x0;
	[sflag:s0] =	ssyncset.done @!p1 $0x0  }
0x32d: {  	[sflag:s0] =	ssyncadd.s32 @!p1 $0xFFFFE280;
	s0 =	simm.s32 @!p0 $0xB  }
0x32e: {  	_ =	swait.ge @!p0 [sflag:s0], $0x1D80  }
0x32f: {  	[sflag:s0] =	ssyncset.done @!p0 $0x0  }
0x330: {  	s30 =	rddreg [dreg:$0x13];
	[sflag:s0] =	ssyncadd.s32 @!p0 $0xFFFFE280;
	p0 =	slt.s32 s10, $0x1  }
.Ltmp19:
0x331: {  	p1 =	seq.s32 s30, $0x0;
	(pc) =	sbr.rel @p0 .LBB2_34-.Ltmp19, $4  }
0x332: {  	s0 =	simm.s32 @!p1 $0xC  }
0x333: {  	_ =	swait.ge @!p1 [sflag:s0], $0x1D80  }
0x334: {  	[sflag:s0] =	ssyncset.done @!p1 $0x0  }
0x335: {  	s1 =	rddreg [dreg:$0x12];
	[sflag:s0] =	ssyncadd.s32 @!p1 $0xFFFFE280;
	s0 =	simm.s32 $0x0  }
0x336: {  	s0 =	sadd.s32 $0x1, s0  }
0x337: {  	p0 =	slt.s32 s0, s10  }
.Ltmp20:
0x338: {  	_ = 	snop;
	(pc) =	sbr.rel @!p0 .LBB2_33-.Ltmp20, $3  }
0x339: {  	_ =	sdelay $0x1  }
0x33a: {  	_ =	swait.ge [sflag:s29], $0x1D80  }
0x33b: {  	[sflag:s29] =	ssyncset.done $0x0  }
.LBB2_32:
0x33c: {  	s0 =	sadd.s32 $0x1, s0  }
0x33d: {  	[sflag:s29] =	ssyncadd.s32 $0xFFFFE280;
	p0 =	slt.s32 s0, s10  }
.Ltmp21:
0x33e: {  	(pc) =	sbr.rel @p0 .LBB2_32-.Ltmp21, $3  }
0x33f: {  	_ =	sdelay $0x1  }
0x340: {  	_ =	swait.ge [sflag:s29], $0x1D80  }
0x341: {  	[sflag:s29] =	ssyncset.done $0x0  }
.Ltmp22:
0x342: {  	_ = 	snop;
	(pc) =	sbr.rel .LBB2_33-.Ltmp22, $1  }
0x343: {  	_ =	sdelay $0x3  }
.LBB2_35:
0x344: {  	_ =	sfence.sel $0x180000  }
0x345: {  	[bflag:$0x0] =	sbarrier.arrive $0xFFFF  }
0x346: {  	_ =	strace $0x90000047  }
0x347: {  	s0 =	stileid.u32;
	[bflag:$0x2] =	sbarrier.arrive $0xFFFF  }
0x348: {  	p0 =	sne.s32 s0, $0x0;
	s0 =	rddreg [dreg:$0x1]  }
0x349: {  	s0 =	sadd.s32 @!p0 $0x100000, s0  }
0x34a: {  	[sflag:s0] =	ssyncadd.tile.s32 @!p0 $0x1;
	_ =	shalt  }
.Lfunc_end2:
_tile_overlayer_lowered:
.L_overlay_start_2:
0x34b: {  	(tag) =	ssettag $0x2  }
0x34c: {  	s0 =	rddreg [dreg:$0x0];
	s2 =	stileid.u32  }
0x34d: {  	s1 =	rddreg [dreg:$0x1];
	p0 =	sne.s32 s2, $0x0  }
0x34e: {  	s3 =	rddreg [dreg:$0x2];
	[bflag:$0x3] =	sbarrier.arrive $0xFFFF;
	s2 =	simm.s32 @!p0 $0x1C0E  }
0x34f: {  	[timem:s3], [sflag:s2] =	dma.local @!p0 [hbm:s0], s1  }
0x350: {  	s0 =	simm.s32 @!p0 $0xE  }
0x351: {  	_ =	swait.ge @!p0 [sflag:s0], s1  }
0x352: {  	s1 =	ssub.s32 @!p0 $0x0, s1;
	[sflag:s0] =	ssyncset.done @!p0 $0x0  }
0x353: {  	[sflag:s0] =	ssyncadd.s32 @!p0 s1  }
0x354: {  	[bflag:$0x3] =	sbarrier.arrive $0xFFFF  }
0x355: {  	_ =	shalt  }

</sc_bundles>
